<compile_context>
chip_gen: v7x
topology: tpu7x:2x2x1
jax: 0.10.2.dev20260603
libtpu: 0.0.44.dev20260713+nightly
codegen_flags: <defaults>
</compile_context>

<pallas_src>
import functools

import jax
import jax.numpy as jnp
from jax import lax
from jax.experimental import pallas as pl
from jax.experimental.pallas import tpu as pltpu
from jax.experimental.pallas import tpu_sc as plsc

N = 50000
E = 800000
NUM_SPECIES = 4
NUM_BASIS = 8
MUL = 16
NLAYER = 3
HIDDEN = 64
NUM_GRAPHS = 64
R_MAX = 5.0
NORM = 0.25

_B = 128
_NCHUNK = E // _B
_NW = 32
_HALF = N // 2
_HALF_PAD = 25088
_RPT = _HALF_PAD // 16
_ZROWS = 224

_EB = 256
_NB = 2000



@functools.cache
def _make_gather(D):
    mesh = plsc.VectorSubcoreMesh(core_axis_name="c", subcore_axis_name="s")
    cpw = -(-_NCHUNK // _NW)

    @functools.partial(
        pl.kernel, mesh=mesh,
        compiler_params=pltpu.CompilerParams(use_tc_tiling_on_sc=False),
        out_type=jax.ShapeDtypeStruct((E, D), jnp.float32),
        scratch_types=[
            pltpu.VMEM((_B,), jnp.int32),
            pltpu.VMEM((_B, D), jnp.float32),
            pltpu.SemaphoreType.DMA,
        ],
    )
    def gather(table_hbm, idx_hbm, out_hbm, idx_v, rows_v, sem):
        c = lax.axis_index("c")
        s = lax.axis_index("s")
        w = s * 2 + c
        start = w * cpw
        nthis = jnp.clip(_NCHUNK - start, 0, cpw)

        def body(g, carry):
            base = (start + g) * _B
            pltpu.sync_copy(idx_hbm.at[pl.ds(base, _B)], idx_v)
            pltpu.async_copy(table_hbm.at[idx_v], rows_v, sem).wait()
            pltpu.sync_copy(rows_v, out_hbm.at[pl.ds(base, _B)])
            return carry

        lax.fori_loop(0, nthis, body, 0)

    return gather


@functools.cache
def _make_scatter(D):
    mesh = plsc.VectorSubcoreMesh(core_axis_name="c", subcore_axis_name="s")
    cps = -(-_NCHUNK // 16)

    @functools.partial(
        pl.kernel, mesh=mesh,
        compiler_params=pltpu.CompilerParams(use_tc_tiling_on_sc=False),
        out_type=jax.ShapeDtypeStruct((N, D), jnp.float32),
        scratch_types=[
            pltpu.VMEM((_B,), jnp.int32),
            pltpu.VMEM((_B,), jnp.int32),
            pltpu.VMEM((_B, D), jnp.float32),
            pltpu.VMEM((_ZROWS, D), jnp.float32),
            pltpu.VMEM_SHARED((_HALF_PAD, D), jnp.float32),
            pltpu.SemaphoreType.DMA,
        ],
    )
    def scatter(msgs_hbm, dst_hbm, zeros_hbm, out_hbm,
                didx_v, lidx_v, rows_v, z_v, acc_sh, sem):
        c = lax.axis_index("c")
        s = lax.axis_index("s")
        lo = c * _HALF
        pltpu.sync_copy(zeros_hbm, z_v)
        for z in range(_RPT // _ZROWS):
            pltpu.sync_copy(
                z_v, acc_sh.at[pl.ds(s * _RPT + z * _ZROWS, _ZROWS)])
        plsc.subcore_barrier()

        start = s * cps
        nthis = jnp.clip(_NCHUNK - start, 0, cps)

        def body(g, carry):
            base = (start + g) * _B
            pltpu.sync_copy(dst_hbm.at[pl.ds(base, _B)], didx_v)
            pltpu.sync_copy(msgs_hbm.at[pl.ds(base, _B)], rows_v)
            for k in range(_B // 16):
                d16 = didx_v[pl.ds(k * 16, 16)]
                loc = d16 - lo
                ok = (loc >= 0) & (loc < _HALF)
                lidx_v[pl.ds(k * 16, 16)] = jnp.where(ok, loc, _HALF)
            pltpu.sync_copy(rows_v, acc_sh.at[lidx_v], add=True)
            return carry

        lax.fori_loop(0, nthis, body, 0)
        plsc.subcore_barrier()

        rstart = s * _RPT
        tail = _HALF - 15 * _RPT

        @pl.when(s < 15)
        def _():
            pltpu.sync_copy(acc_sh.at[pl.ds(rstart, _RPT)],
                            out_hbm.at[pl.ds(lo + rstart, _RPT)])

        @pl.when(s == 15)
        def _():
            pltpu.sync_copy(acc_sh.at[pl.ds(rstart, tail)],
                            out_hbm.at[pl.ds(lo + rstart, tail)])

    return scatter



def _dot(a, b):
    return jnp.dot(a, b, preferred_element_type=jnp.float32)


def _sigmoid(x):
    return 1.0 / (1.0 + jnp.exp(-x))


def _tc_geom(ps, pd):
    def body(ps_ref, pd_ref, o_ref):
        a = ps_ref[...]
        b = pd_ref[...]
        vec = b[:, 0:3] - a[:, 0:3]
        r = jnp.sqrt(jnp.sum(vec * vec, axis=1, keepdims=True)) + 1e-9
        y = vec / r
        x = r * (1.0 / R_MAX)
        x2 = x * x
        x3 = x2 * x
        x6 = x3 * x3
        env = 1.0 - 28.0 * x6 + 48.0 * x6 * x - 21.0 * x6 * x2
        env = jnp.where(x < 1.0, env, 0.0)
        nvec = lax.broadcasted_iota(
            jnp.int32, (1, NUM_BASIS), 1).astype(jnp.float32) + 1.0
        arg = nvec * ((jnp.pi / R_MAX) * r)
        basis = (jnp.sqrt(2.0 / R_MAX) * env / r) * jnp.sin(arg)
        o_ref[...] = jnp.concatenate(
            [basis, y, jnp.zeros((_EB, 5), jnp.float32)], axis=1)

    return pl.pallas_call(
        body, grid=(E // _EB,),
        in_specs=[pl.BlockSpec((_EB, 8), lambda i: (i, 0)),
                  pl.BlockSpec((_EB, 8), lambda i: (i, 0))],
        out_specs=pl.BlockSpec((_EB, 16), lambda i: (i, 0)),
        out_shape=jax.ShapeDtypeStruct((E, 16), jnp.float32),
    )(ps, pd)


def _tc_edge(geom, G, W1l, W2l):
    def body(geom_ref, g_ref, w1_ref, w2_ref, m_ref):
        ge = geom_ref[...]
        basis = ge[:, 0:8]
        yx = ge[:, 8:9]
        yy = ge[:, 9:10]
        yz = ge[:, 10:11]
        h = _dot(basis, w1_ref[...])
        h = h * _sigmoid(h)
        w = _dot(h, w2_ref[...])
        w0 = w[:, 0:16]
        w1 = w[:, 16:32]
        w2 = w[:, 32:48]
        w3 = w[:, 48:64]
        w4 = w[:, 64:80]
        sj = g_ref[:, 0:16]
        vx = g_ref[:, 16:32]
        vy = g_ref[:, 32:48]
        vz = g_ref[:, 48:64]
        dvy = vx * yx + vy * yy + vz * yz
        m_s = w0 * sj + w3 * dvy
        t = w1 * sj
        cx = vy * yz - vz * yy
        cy = vz * yx - vx * yz
        cz = vx * yy - vy * yx
        mx = t * yx + w2 * vx + w4 * cx
        my = t * yy + w2 * vy + w4 * cy
        mz = t * yz + w2 * vz + w4 * cz
        m_ref[...] = jnp.concatenate([m_s, mx, my, mz], axis=1)

    return pl.pallas_call(
        body, grid=(E // _EB,),
        in_specs=[pl.BlockSpec((_EB, 16), lambda i: (i, 0)),
                  pl.BlockSpec((_EB, 64), lambda i: (i, 0)),
                  pl.BlockSpec((NUM_BASIS, HIDDEN), lambda i: (0, 0)),
                  pl.BlockSpec((HIDDEN, 80), lambda i: (0, 0))],
        out_specs=pl.BlockSpec((_EB, 64), lambda i: (i, 0)),
        out_shape=jax.ShapeDtypeStruct((E, 64), jnp.float32),
    )(geom, G, W1l, W2l)


def _tc_edge_s(geom, G, W1l, W2s):
    def body(geom_ref, g_ref, w1_ref, w2_ref, m_ref):
        ge = geom_ref[...]
        basis = ge[:, 0:8]
        yx = ge[:, 8:9]
        yy = ge[:, 9:10]
        yz = ge[:, 10:11]
        h = _dot(basis, w1_ref[...])
        h = h * _sigmoid(h)
        w = _dot(h, w2_ref[...])
        sj = g_ref[:, 0:16]
        vx = g_ref[:, 16:32]
        vy = g_ref[:, 32:48]
        vz = g_ref[:, 48:64]
        dvy = vx * yx + vy * yy + vz * yz
        m_ref[...] = w[:, 0:16] * sj + w[:, 16:32] * dvy

    return pl.pallas_call(
        body, grid=(E // _EB,),
        in_specs=[pl.BlockSpec((_EB, 16), lambda i: (i, 0)),
                  pl.BlockSpec((_EB, 64), lambda i: (i, 0)),
                  pl.BlockSpec((NUM_BASIS, HIDDEN), lambda i: (0, 0)),
                  pl.BlockSpec((HIDDEN, 32), lambda i: (0, 0))],
        out_specs=pl.BlockSpec((_EB, 16), lambda i: (i, 0)),
        out_shape=jax.ShapeDtypeStruct((E, 16), jnp.float32),
    )(geom, G, W1l, W2s)


def _tc_init(sp1, W_chem, Ws10):
    def body(sp_ref, wc_ref, w_ref, f_ref, f1_ref):
        sp = sp_ref[...]
        oh = (sp == lax.broadcasted_iota(
            jnp.int32, (_NB, NUM_SPECIES), 1).astype(jnp.float32)
              ).astype(jnp.float32)
        s0 = _dot(oh, wc_ref[...])
        z = jnp.zeros((_NB, 48), jnp.float32)
        f_ref[...] = jnp.concatenate([s0, z], axis=1)
        f1_ref[...] = jnp.concatenate([_dot(s0, w_ref[...]), z], axis=1)

    return pl.pallas_call(
        body, grid=(N // _NB,),
        in_specs=[pl.BlockSpec((_NB, 1), lambda i: (i, 0)),
                  pl.BlockSpec((NUM_SPECIES, MUL), lambda i: (0, 0)),
                  pl.BlockSpec((MUL, MUL), lambda i: (0, 0))],
        out_specs=[pl.BlockSpec((_NB, 64), lambda i: (i, 0)),
                   pl.BlockSpec((_NB, 64), lambda i: (i, 0))],
        out_shape=[jax.ShapeDtypeStruct((N, 64), jnp.float32),
                   jax.ShapeDtypeStruct((N, 64), jnp.float32)],
    )(sp1, W_chem, Ws10)


def _tc_post(A, Fin, sp1, Ws2l, Wv2l, Wscsl, Wscvl, Wgl, Ws1n, Wv1n):
    def body(a_ref, fin_ref, sp_ref, ws2_ref, wv2_ref, wss_ref, wsv_ref,
             wg_ref, ws1_ref, wv1_ref, fout_ref, f1_ref):
        a = a_ref[...]
        fin = fin_ref[...]
        sp = sp_ref[...]
        oh = (sp == lax.broadcasted_iota(
            jnp.int32, (_NB, NUM_SPECIES), 1).astype(jnp.float32)
              ).astype(jnp.float32)
        s_in = fin[:, 0:16]
        vix = fin[:, 16:32]
        viy = fin[:, 32:48]
        viz = fin[:, 48:64]
        s2 = _dot(a[:, 0:16] * NORM, ws2_ref[...])
        wv2 = wv2_ref[...]
        v2x = _dot(a[:, 16:32] * NORM, wv2)
        v2y = _dot(a[:, 32:48] * NORM, wv2)
        v2z = _dot(a[:, 48:64] * NORM, wv2)
        for spc in range(NUM_SPECIES):
            m = oh[:, spc:spc + 1]
            s2 = s2 + m * _dot(s_in, wss_ref[spc])
            wv = wsv_ref[spc]
            v2x = v2x + m * _dot(vix, wv)
            v2y = v2y + m * _dot(viy, wv)
            v2z = v2z + m * _dot(viz, wv)
        g = _sigmoid(_dot(s2, wg_ref[...]))
        s_new = s2 * _sigmoid(s2) + s_in
        vnx = v2x * g + vix
        vny = v2y * g + viy
        vnz = v2z * g + viz
        fout_ref[...] = jnp.concatenate([s_new, vnx, vny, vnz], axis=1)
        ws1 = ws1_ref[...]
        wv1 = wv1_ref[...]
        f1_ref[...] = jnp.concatenate(
            [_dot(s_new, ws1), _dot(vnx, wv1),
             _dot(vny, wv1), _dot(vnz, wv1)], axis=1)

    return pl.pallas_call(
        body, grid=(N // _NB,),
        in_specs=[pl.BlockSpec((_NB, 64), lambda i: (i, 0)),
                  pl.BlockSpec((_NB, 64), lambda i: (i, 0)),
                  pl.BlockSpec((_NB, 1), lambda i: (i, 0)),
                  pl.BlockSpec((MUL, MUL), lambda i: (0, 0)),
                  pl.BlockSpec((MUL, MUL), lambda i: (0, 0)),
                  pl.BlockSpec((NUM_SPECIES, MUL, MUL), lambda i: (0, 0, 0)),
                  pl.BlockSpec((NUM_SPECIES, MUL, MUL), lambda i: (0, 0, 0)),
                  pl.BlockSpec((MUL, MUL), lambda i: (0, 0)),
                  pl.BlockSpec((MUL, MUL), lambda i: (0, 0)),
                  pl.BlockSpec((MUL, MUL), lambda i: (0, 0))],
        out_specs=[pl.BlockSpec((_NB, 64), lambda i: (i, 0)),
                   pl.BlockSpec((_NB, 64), lambda i: (i, 0))],
        out_shape=[jax.ShapeDtypeStruct((N, 64), jnp.float32),
                   jax.ShapeDtypeStruct((N, 64), jnp.float32)],
    )(A, Fin, sp1, Ws2l, Wv2l, Wscsl, Wscvl, Wgl, Ws1n, Wv1n)


def _tc_head(A, Fin, sp1, bid1, Ws2l, Wscsl, W_oh, W_out):
    def body(a_ref, fin_ref, sp_ref, bid_ref, ws2_ref, wss_ref,
             woh_ref, wout_ref, o_ref):
        i = pl.program_id(0)
        s_in = fin_ref[:, 0:16]
        sp = sp_ref[...]
        oh = (sp == lax.broadcasted_iota(
            jnp.int32, (_NB, NUM_SPECIES), 1).astype(jnp.float32)
              ).astype(jnp.float32)
        s2 = _dot(a_ref[...] * NORM, ws2_ref[...])
        for spc in range(NUM_SPECIES):
            s2 = s2 + oh[:, spc:spc + 1] * _dot(s_in, wss_ref[spc])
        s_new = s2 * _sigmoid(s2) + s_in
        e = _dot(_dot(s_new, woh_ref[...]), wout_ref[...])
        ohb = (bid_ref[...] == lax.broadcasted_iota(
            jnp.int32, (_NB, NUM_GRAPHS), 1).astype(jnp.float32)
               ).astype(jnp.float32)
        contrib = jnp.sum(ohb * e, axis=0, keepdims=True)

        @pl.when(i == 0)
        def _():
            o_ref[...] = jnp.zeros_like(o_ref)

        o_ref[...] += contrib

    out = pl.pallas_call(
        body, grid=(N // _NB,),
        in_specs=[pl.BlockSpec((_NB, 16), lambda i: (i, 0)),
                  pl.BlockSpec((_NB, 64), lambda i: (i, 0)),
                  pl.BlockSpec((_NB, 1), lambda i: (i, 0)),
                  pl.BlockSpec((_NB, 1), lambda i: (i, 0)),
                  pl.BlockSpec((MUL, MUL), lambda i: (0, 0)),
                  pl.BlockSpec((NUM_SPECIES, MUL, MUL), lambda i: (0, 0, 0)),
                  pl.BlockSpec((MUL, MUL), lambda i: (0, 0)),
                  pl.BlockSpec((MUL, 1), lambda i: (0, 0))],
        out_specs=pl.BlockSpec((1, NUM_GRAPHS), lambda i: (0, 0)),
        out_shape=jax.ShapeDtypeStruct((1, NUM_GRAPHS), jnp.float32),
    )(A, Fin, sp1, bid1, Ws2l, Wscsl, W_oh, W_out)
    return out



def kernel(pos, W_chem, W_rad1, W_rad2, Ws1, Wv1, Ws2, Wv2,
           Wsc_s, Wsc_v, Wg, W_oh, W_out, edge_index, species, batch_ids):
    f32 = jnp.float32
    ei = jnp.asarray(edge_index, jnp.int32)
    srci = ei[0]
    dsti = ei[1]
    sp1 = jnp.asarray(species, f32).reshape(N, 1)
    bid1 = jnp.asarray(batch_ids, f32).reshape(N, 1)
    pos8 = jnp.concatenate([pos, jnp.zeros((N, 5), f32)], axis=1)
    z64 = jnp.zeros((_ZROWS, 64), f32)
    z16 = jnp.zeros((_ZROWS, 16), f32)

    gather8 = _make_gather(8)
    gather64 = _make_gather(64)
    scatter64 = _make_scatter(64)
    scatter16 = _make_scatter(16)

    ps = gather8(pos8, srci)
    pd = gather8(pos8, dsti)
    geom = _tc_geom(ps, pd)

    F, F1 = _tc_init(sp1, W_chem, Ws1[0])
    for l in range(NLAYER):
        G = gather64(F1, srci)
        if l < NLAYER - 1:
            M = _tc_edge(geom, G, W_rad1[l], W_rad2[l])
            A = scatter64(M, dsti, z64)
            F, F1 = _tc_post(A, F, sp1, Ws2[l], Wv2[l], Wsc_s[l],
                             Wsc_v[l], Wg[l], Ws1[l + 1], Wv1[l + 1])
        else:
            W2s = jnp.concatenate(
                [W_rad2[l][:, 0:16], W_rad2[l][:, 48:64]], axis=1)
            M = _tc_edge_s(geom, G, W_rad1[l], W2s)
            A = scatter16(M, dsti, z16)
            out = _tc_head(A, F, sp1, bid1, Ws2[l], Wsc_s[l], W_oh, W_out)
    return out.reshape(NUM_GRAPHS, 1)

# --- scband reference (transcript-rebuilt; emitter-appended) ---
"""Pipeline reference for scband-nequ-ip-44684839748266 (READ-ONLY COPY).

The authoritative reference and input builder live on the scoring server;
editing this copy changes nothing except your own understanding.
"""

import jax, jax.numpy as jnp
import numpy as np

N = 50000
E = 800000
NUM_SPECIES = 4
NUM_BASIS = 8
MUL = 16
L = 3
HIDDEN = 64
NUM_GRAPHS = 64
R_MAX = 5.0


def setup_inputs(seed: int = 0) -> dict:
    key = jax.random.key(seed)
    ks = jax.random.split(key, 20)
    pos = jax.random.normal(ks[0], (N, 3), dtype=jnp.float32) * 3.0
    edge_index = jax.random.randint(ks[1], (2, E), 0, N, dtype=jnp.int64)
    species = jax.random.randint(ks[2], (N,), 0, NUM_SPECIES, dtype=jnp.int64)
    batch_ids = jnp.sort(jax.random.randint(ks[3], (N,), 0, NUM_GRAPHS, dtype=jnp.int64))
    s = 0.3
    W_chem = jax.random.normal(ks[4], (NUM_SPECIES, MUL), dtype=jnp.float32) * s
    W_rad1 = jax.random.normal(ks[5], (L, NUM_BASIS, HIDDEN), dtype=jnp.float32) * (s / np.sqrt(NUM_BASIS))
    W_rad2 = jax.random.normal(ks[6], (L, HIDDEN, 5 * MUL), dtype=jnp.float32) * (s / np.sqrt(HIDDEN))
    Ws1 = jax.random.normal(ks[7], (L, MUL, MUL), dtype=jnp.float32) * (s / np.sqrt(MUL))
    Wv1 = jax.random.normal(ks[8], (L, MUL, MUL), dtype=jnp.float32) * (s / np.sqrt(MUL))
    Ws2 = jax.random.normal(ks[9], (L, MUL, MUL), dtype=jnp.float32) * (s / np.sqrt(MUL))
    Wv2 = jax.random.normal(ks[10], (L, MUL, MUL), dtype=jnp.float32) * (s / np.sqrt(MUL))
    Wsc_s = jax.random.normal(ks[11], (L, NUM_SPECIES, MUL, MUL), dtype=jnp.float32) * (s / np.sqrt(MUL))
    Wsc_v = jax.random.normal(ks[12], (L, NUM_SPECIES, MUL, MUL), dtype=jnp.float32) * (s / np.sqrt(MUL))
    Wg = jax.random.normal(ks[13], (L, MUL, MUL), dtype=jnp.float32) * (s / np.sqrt(MUL))
    W_oh = jax.random.normal(ks[14], (MUL, MUL), dtype=jnp.float32) * (s / np.sqrt(MUL))
    W_out = jax.random.normal(ks[15], (MUL, 1), dtype=jnp.float32) * (s / np.sqrt(MUL))
    return {"pos": pos, "W_chem": W_chem, "W_rad1": W_rad1, "W_rad2": W_rad2,
            "Ws1": Ws1, "Wv1": Wv1, "Ws2": Ws2, "Wv2": Wv2,
            "Wsc_s": Wsc_s, "Wsc_v": Wsc_v, "Wg": Wg, "W_oh": W_oh, "W_out": W_out,
            "edge_index": edge_index, "species": species, "batch_ids": batch_ids}


def reference(pos, W_chem, W_rad1, W_rad2, Ws1, Wv1, Ws2, Wv2, Wsc_s, Wsc_v, Wg, W_oh, W_out, edge_index, species, batch_ids):
    src = edge_index[0]
    dst = edge_index[1]
    # ---- radial basis embedding (Bessel basis + polynomial cutoff, p=6) ----
    vec = pos[dst] - pos[src]
    r = jnp.linalg.norm(vec, axis=-1) + 1e-9
    Y1 = vec / r[:, None]                      # l=1 spherical harmonic (unit vector)
    n = jnp.arange(1, NUM_BASIS + 1, dtype=jnp.float32)
    basis = jnp.sqrt(2.0 / R_MAX) * jnp.sin(n[None, :] * jnp.pi * r[:, None] / R_MAX) / r[:, None]
    x = r / R_MAX
    p = 6.0
    env = (1.0 - (p + 1.0) * (p + 2.0) / 2.0 * x ** p + p * (p + 2.0) * x ** (p + 1.0) - p * (p + 1.0) / 2.0 * x ** (p + 2.0))
    env = env * (x < 1.0).astype(jnp.float32)
    basis = basis * env[:, None]
    # ---- chemical embedding ----
    s = W_chem[species]                        # [N, MUL] scalar (0e) features
    v = jnp.zeros((pos.shape[0], MUL, 3), dtype=pos.dtype)  # 1o features start at zero
    # ---- avg_num_neighbors ----
    deg = jax.ops.segment_sum(jnp.ones((E,), dtype=jnp.float32), dst, num_segments=N)
    norm = 1.0 / jnp.sqrt(jnp.mean(deg))
    # ---- interaction blocks ----
    for l in range(L):
        s_in, v_in = s, v
        s1 = s @ Ws1[l]
        v1 = jnp.einsum('nmc,mk->nkc', v, Wv1[l])
        sj = s1[src]
        vj = v1[src]
        w = jax.nn.silu(basis @ W_rad1[l]) @ W_rad2[l]
        w = w.reshape(-1, 5, MUL)              # radial weights for 5 TP paths
        y = jnp.broadcast_to(Y1[:, None, :], vj.shape)
        m_s = w[:, 0] * sj + w[:, 3] * jnp.sum(vj * y, axis=-1)
        m_v = (w[:, 1][..., None] * sj[..., None] * y
               + w[:, 2][..., None] * vj
               + w[:, 4][..., None] * jnp.cross(vj, y))
        s_agg = jax.ops.segment_sum(m_s, dst, num_segments=N) * norm
        v_agg = jax.ops.segment_sum(m_v, dst, num_segments=N) * norm
        s2 = s_agg @ Ws2[l]
        v2 = jnp.einsum('nmc,mk->nkc', v_agg, Wv2[l])
        # self-connection (species-dependent)
        s2 = s2 + jnp.einsum('nm,nmk->nk', s_in, Wsc_s[l][species])
        v2 = v2 + jnp.einsum('nmc,nmk->nkc', v_in, Wsc_v[l][species])
        # gate nonlinearity
        g = jax.nn.sigmoid(s2 @ Wg[l])
        s = jax.nn.silu(s2)
        v = v2 * g[..., None]
        # resnet
        s = s + s_in
        v = v + v_in
    # ---- conv_to_output_hidden + scalar head ----
    h = s @ W_oh
    e_atom = h @ W_out                          # [N, 1] per-atom energy
    total = jax.ops.segment_sum(e_atom, batch_ids, num_segments=NUM_GRAPHS)
    return total                                # [NUM_GRAPHS, 1]

if __name__ == "__main__":
    import jax
    _d = setup_inputs()
    print(jax.jit(kernel)(*tuple(_d.values())))

</pallas_src>

<mosaic_0001>
#map = affine_map<(d0, d1) -> (0, 0)>
#map1 = affine_map<(d0, d1) -> (0)>
module attributes {stable_mosaic.version = 14 : i64} {
  func.func @gather(%arg0: i32, %arg1: i32, %arg2: memref<50000x64xf32, #tpu.memory_space<hbm>>, %arg3: memref<800000xi32, #tpu.memory_space<hbm>>, %arg4: memref<800000x64xf32, #tpu.memory_space<hbm>>, %arg5: memref<128xi32, #tpu.memory_space<vmem>>, %arg6: memref<128x64xf32, #tpu.memory_space<vmem>>, %arg7: memref<!tpu.dma_semaphore, #tpu.memory_space<semaphore_mem>>) attributes {dimension_semantics = [#tpu.dimension_semantics<core_parallel>, #tpu.dimension_semantics<subcore_parallel>], iteration_bounds = array<i64: 2, 16>, scalar_prefetch = 0 : i64, scratch_operands = 3 : i64, tpu.core_type = #tpu.core_type<sc_vector_subcore>, window_params = [{transform_indices = #map}, {transform_indices = #map1}, {transform_indices = #map}]} {
    %mul3A = arith.constant 2 : i32
    %mul3A_0 = arith.muli %arg1, %mul3A : i32
    %add3A = arith.addi %mul3A_0, %arg0 : i32
    %mul3A_1 = arith.constant 196 : i32
    %mul3A_2 = arith.muli %add3A, %mul3A_1 : i32
    %sub3A = arith.constant 6250 : i32
    %sub3A_3 = arith.subi %sub3A, %mul3A_2 : i32
    %jit3A = arith.constant 0 : i32
    %jit3A_4 = arith.constant 196 : i32
    %max3A = arith.maxsi %jit3A, %sub3A_3 : i32
    %min3A = arith.minsi %jit3A_4, %max3A : i32
    %while3A = arith.constant 0 : i32
    %while3A_5 = arith.constant 0 : i32
    %while3A_6 = arith.subi %min3A, %while3A_5 : i32
    %while3A_7 = arith.addi %while3A_5, %while3A_6 : i32
    %while3A_8 = arith.constant 1 : i32
    %while3A_9 = arith.divsi %while3A_6, %while3A_8 : i32
    %while3A_10 = arith.muli %while3A_9, %while3A_8 : i32
    %while3A_11 = arith.addi %while3A_5, %while3A_10 : i32
    %while3A_12 = arith.constant 1 : i32
    scf.for %while3A_14 = %while3A_5 to %while3A_11 step %while3A_12  : i32 {
      %add3A_15 = arith.addi %mul3A_2, %while3A_14 : i32
      %mul3A_16 = arith.constant 128 : i32
      %mul3A_17 = arith.muli %add3A_15, %mul3A_16 : i32
      "tpu.region"() ({
        %run_scoped3A = tpu.sem_alloc : memref<!tpu.dma_semaphore, #tpu.memory_space<semaphore_mem>>
        %dma_start3A_22 = tpu.memref_slice %arg3[%mul3A_17] : memref<800000xi32, #tpu.memory_space<hbm>> -> memref<128xi32, #tpu.memory_space<hbm>>
        %dma_start3A_23 = tpu.memref_slice %arg3[%mul3A_17] : memref<800000xi32, #tpu.memory_space<hbm>> -> memref<128xi32, #tpu.memory_space<hbm>>
        tpu.enqueue_dma source(%dma_start3A_23 : memref<128xi32, #tpu.memory_space<hbm>>) target(%arg5 : memref<128xi32, #tpu.memory_space<vmem>>) target_semaphore(%run_scoped3A : memref<!tpu.dma_semaphore, #tpu.memory_space<semaphore_mem>>)
        %dma_wait3A_24 = tpu.memref_slice %arg3[%mul3A_17] : memref<800000xi32, #tpu.memory_space<hbm>> -> memref<128xi32, #tpu.memory_space<hbm>>
        %dma_wait3A_25 = tpu.memref_slice %arg3[%mul3A_17] : memref<800000xi32, #tpu.memory_space<hbm>> -> memref<128xi32, #tpu.memory_space<hbm>>
        tpu.wait_dma2 semaphore(%run_scoped3A : memref<!tpu.dma_semaphore, #tpu.memory_space<semaphore_mem>>) src(%dma_wait3A_25 : memref<128xi32, #tpu.memory_space<hbm>>) dst(%arg5 : memref<128xi32, #tpu.memory_space<vmem>>)
        tpu.yield
      }) : () -> ()
      %dma_start3A = arith.constant 0 : i32
      %dma_start3A_18 = arith.constant 0 : i32
      %dma_start3A_19 = tpu.memref_slice %arg2[%dma_start3A, %dma_start3A_18] : memref<50000x64xf32, #tpu.memory_space<hbm>> -> memref<50000x64xf32, #tpu.memory_space<hbm>>
      tpu.enqueue_indirect_dma source(%dma_start3A_19 : memref<50000x64xf32, #tpu.memory_space<hbm>>) target(%arg6 : memref<128x64xf32, #tpu.memory_space<vmem>>) offsets(%arg5 : memref<128xi32, #tpu.memory_space<vmem>>) semaphore(%arg7 : memref<!tpu.dma_semaphore, #tpu.memory_space<semaphore_mem>>)
      %dma_wait3A = arith.constant 0 : i32
      %dma_wait3A_20 = arith.constant 0 : i32
      %dma_wait3A_21 = tpu.memref_slice %arg2[%dma_wait3A, %dma_wait3A_20] : memref<50000x64xf32, #tpu.memory_space<hbm>> -> memref<50000x64xf32, #tpu.memory_space<hbm>>
      tpu.wait_indirect_dma semaphore(%arg7 : memref<!tpu.dma_semaphore, #tpu.memory_space<semaphore_mem>>) src(%dma_wait3A_21 : memref<50000x64xf32, #tpu.memory_space<hbm>>) dst(%arg6 : memref<128x64xf32, #tpu.memory_space<vmem>>)
      "tpu.region"() ({
        %run_scoped3A = tpu.sem_alloc : memref<!tpu.dma_semaphore, #tpu.memory_space<semaphore_mem>>
        %dma_start3A_22 = arith.constant 0 : i32
        %dma_start3A_23 = tpu.memref_slice %arg4[%mul3A_17, %dma_start3A_22] : memref<800000x64xf32, #tpu.memory_space<hbm>> -> memref<128x64xf32, #tpu.memory_space<hbm>>
        %dma_start3A_24 = arith.constant 0 : i32
        %dma_start3A_25 = tpu.memref_slice %arg4[%mul3A_17, %dma_start3A_24] : memref<800000x64xf32, #tpu.memory_space<hbm>> -> memref<128x64xf32, #tpu.memory_space<hbm>>
        tpu.enqueue_dma source(%arg6 : memref<128x64xf32, #tpu.memory_space<vmem>>) target(%dma_start3A_25 : memref<128x64xf32, #tpu.memory_space<hbm>>) target_semaphore(%run_scoped3A : memref<!tpu.dma_semaphore, #tpu.memory_space<semaphore_mem>>)
        %dma_wait3A_26 = arith.constant 0 : i32
        %dma_wait3A_27 = tpu.memref_slice %arg4[%mul3A_17, %dma_wait3A_26] : memref<800000x64xf32, #tpu.memory_space<hbm>> -> memref<128x64xf32, #tpu.memory_space<hbm>>
        %dma_wait3A_28 = arith.constant 0 : i32
        %dma_wait3A_29 = tpu.memref_slice %arg4[%mul3A_17, %dma_wait3A_28] : memref<800000x64xf32, #tpu.memory_space<hbm>> -> memref<128x64xf32, #tpu.memory_space<hbm>>
        tpu.wait_dma2 semaphore(%run_scoped3A : memref<!tpu.dma_semaphore, #tpu.memory_space<semaphore_mem>>) src(%arg6 : memref<128x64xf32, #tpu.memory_space<vmem>>) dst(%dma_wait3A_29 : memref<128x64xf32, #tpu.memory_space<hbm>>)
        tpu.yield
      }) : () -> ()
    }
    %while3A_13 = arith.constant 1 : i32
    scf.for %while3A_14 = %while3A_11 to %while3A_7 step %while3A_13  : i32 {
      %add3A_15 = arith.addi %mul3A_2, %while3A_14 : i32
      %mul3A_16 = arith.constant 128 : i32
      %mul3A_17 = arith.muli %add3A_15, %mul3A_16 : i32
      "tpu.region"() ({
        %run_scoped3A = tpu.sem_alloc : memref<!tpu.dma_semaphore, #tpu.memory_space<semaphore_mem>>
        %dma_start3A_22 = tpu.memref_slice %arg3[%mul3A_17] : memref<800000xi32, #tpu.memory_space<hbm>> -> memref<128xi32, #tpu.memory_space<hbm>>
        %dma_start3A_23 = tpu.memref_slice %arg3[%mul3A_17] : memref<800000xi32, #tpu.memory_space<hbm>> -> memref<128xi32, #tpu.memory_space<hbm>>
        tpu.enqueue_dma source(%dma_start3A_23 : memref<128xi32, #tpu.memory_space<hbm>>) target(%arg5 : memref<128xi32, #tpu.memory_space<vmem>>) target_semaphore(%run_scoped3A : memref<!tpu.dma_semaphore, #tpu.memory_space<semaphore_mem>>)
        %dma_wait3A_24 = tpu.memref_slice %arg3[%mul3A_17] : memref<800000xi32, #tpu.memory_space<hbm>> -> memref<128xi32, #tpu.memory_space<hbm>>
        %dma_wait3A_25 = tpu.memref_slice %arg3[%mul3A_17] : memref<800000xi32, #tpu.memory_space<hbm>> -> memref<128xi32, #tpu.memory_space<hbm>>
        tpu.wait_dma2 semaphore(%run_scoped3A : memref<!tpu.dma_semaphore, #tpu.memory_space<semaphore_mem>>) src(%dma_wait3A_25 : memref<128xi32, #tpu.memory_space<hbm>>) dst(%arg5 : memref<128xi32, #tpu.memory_space<vmem>>)
        tpu.yield
      }) : () -> ()
      %dma_start3A = arith.constant 0 : i32
      %dma_start3A_18 = arith.constant 0 : i32
      %dma_start3A_19 = tpu.memref_slice %arg2[%dma_start3A, %dma_start3A_18] : memref<50000x64xf32, #tpu.memory_space<hbm>> -> memref<50000x64xf32, #tpu.memory_space<hbm>>
      tpu.enqueue_indirect_dma source(%dma_start3A_19 : memref<50000x64xf32, #tpu.memory_space<hbm>>) target(%arg6 : memref<128x64xf32, #tpu.memory_space<vmem>>) offsets(%arg5 : memref<128xi32, #tpu.memory_space<vmem>>) semaphore(%arg7 : memref<!tpu.dma_semaphore, #tpu.memory_space<semaphore_mem>>)
      %dma_wait3A = arith.constant 0 : i32
      %dma_wait3A_20 = arith.constant 0 : i32
      %dma_wait3A_21 = tpu.memref_slice %arg2[%dma_wait3A, %dma_wait3A_20] : memref<50000x64xf32, #tpu.memory_space<hbm>> -> memref<50000x64xf32, #tpu.memory_space<hbm>>
      tpu.wait_indirect_dma semaphore(%arg7 : memref<!tpu.dma_semaphore, #tpu.memory_space<semaphore_mem>>) src(%dma_wait3A_21 : memref<50000x64xf32, #tpu.memory_space<hbm>>) dst(%arg6 : memref<128x64xf32, #tpu.memory_space<vmem>>)
      "tpu.region"() ({
        %run_scoped3A = tpu.sem_alloc : memref<!tpu.dma_semaphore, #tpu.memory_space<semaphore_mem>>
        %dma_start3A_22 = arith.constant 0 : i32
        %dma_start3A_23 = tpu.memref_slice %arg4[%mul3A_17, %dma_start3A_22] : memref<800000x64xf32, #tpu.memory_space<hbm>> -> memref<128x64xf32, #tpu.memory_space<hbm>>
        %dma_start3A_24 = arith.constant 0 : i32
        %dma_start3A_25 = tpu.memref_slice %arg4[%mul3A_17, %dma_start3A_24] : memref<800000x64xf32, #tpu.memory_space<hbm>> -> memref<128x64xf32, #tpu.memory_space<hbm>>
        tpu.enqueue_dma source(%arg6 : memref<128x64xf32, #tpu.memory_space<vmem>>) target(%dma_start3A_25 : memref<128x64xf32, #tpu.memory_space<hbm>>) target_semaphore(%run_scoped3A : memref<!tpu.dma_semaphore, #tpu.memory_space<semaphore_mem>>)
        %dma_wait3A_26 = arith.constant 0 : i32
        %dma_wait3A_27 = tpu.memref_slice %arg4[%mul3A_17, %dma_wait3A_26] : memref<800000x64xf32, #tpu.memory_space<hbm>> -> memref<128x64xf32, #tpu.memory_space<hbm>>
        %dma_wait3A_28 = arith.constant 0 : i32
        %dma_wait3A_29 = tpu.memref_slice %arg4[%mul3A_17, %dma_wait3A_28] : memref<800000x64xf32, #tpu.memory_space<hbm>> -> memref<128x64xf32, #tpu.memory_space<hbm>>
        tpu.wait_dma2 semaphore(%run_scoped3A : memref<!tpu.dma_semaphore, #tpu.memory_space<semaphore_mem>>) src(%arg6 : memref<128x64xf32, #tpu.memory_space<vmem>>) dst(%dma_wait3A_29 : memref<128x64xf32, #tpu.memory_space<hbm>>)
        tpu.yield
      }) : () -> ()
    }
    return
  }
}

#map = affine_map<(d0, d1) -> (0, 0)>
#map1 = affine_map<(d0, d1) -> (0)>
module attributes {stable_mosaic.version = 14 : i64} {
  func.func @gather(%arg0: i32, %arg1: i32, %arg2: memref<50000x8xf32, #tpu.memory_space<hbm>>, %arg3: memref<800000xi32, #tpu.memory_space<hbm>>, %arg4: memref<800000x8xf32, #tpu.memory_space<hbm>>, %arg5: memref<128xi32, #tpu.memory_space<vmem>>, %arg6: memref<128x8xf32, #tpu.memory_space<vmem>>, %arg7: memref<!tpu.dma_semaphore, #tpu.memory_space<semaphore_mem>>) attributes {dimension_semantics = [#tpu.dimension_semantics<core_parallel>, #tpu.dimension_semantics<subcore_parallel>], iteration_bounds = array<i64: 2, 16>, scalar_prefetch = 0 : i64, scratch_operands = 3 : i64, tpu.core_type = #tpu.core_type<sc_vector_subcore>, window_params = [{transform_indices = #map}, {transform_indices = #map1}, {transform_indices = #map}]} {
    %mul3A = arith.constant 2 : i32
    %mul3A_0 = arith.muli %arg1, %mul3A : i32
    %add3A = arith.addi %mul3A_0, %arg0 : i32
    %mul3A_1 = arith.constant 196 : i32
    %mul3A_2 = arith.muli %add3A, %mul3A_1 : i32
    %sub3A = arith.constant 6250 : i32
    %sub3A_3 = arith.subi %sub3A, %mul3A_2 : i32
    %jit3A = arith.constant 0 : i32
    %jit3A_4 = arith.constant 196 : i32
    %max3A = arith.maxsi %jit3A, %sub3A_3 : i32
    %min3A = arith.minsi %jit3A_4, %max3A : i32
    %while3A = arith.constant 0 : i32
    %while3A_5 = arith.constant 0 : i32
    %while3A_6 = arith.subi %min3A, %while3A_5 : i32
    %while3A_7 = arith.addi %while3A_5, %while3A_6 : i32
    %while3A_8 = arith.constant 1 : i32
    %while3A_9 = arith.divsi %while3A_6, %while3A_8 : i32
    %while3A_10 = arith.muli %while3A_9, %while3A_8 : i32
    %while3A_11 = arith.addi %while3A_5, %while3A_10 : i32
    %while3A_12 = arith.constant 1 : i32
    scf.for %while3A_14 = %while3A_5 to %while3A_11 step %while3A_12  : i32 {
      %add3A_15 = arith.addi %mul3A_2, %while3A_14 : i32
      %mul3A_16 = arith.constant 128 : i32
      %mul3A_17 = arith.muli %add3A_15, %mul3A_16 : i32
      "tpu.region"() ({
        %run_scoped3A = tpu.sem_alloc : memref<!tpu.dma_semaphore, #tpu.memory_space<semaphore_mem>>
        %dma_start3A_22 = tpu.memref_slice %arg3[%mul3A_17] : memref<800000xi32, #tpu.memory_space<hbm>> -> memref<128xi32, #tpu.memory_space<hbm>>
        %dma_start3A_23 = tpu.memref_slice %arg3[%mul3A_17] : memref<800000xi32, #tpu.memory_space<hbm>> -> memref<128xi32, #tpu.memory_space<hbm>>
        tpu.enqueue_dma source(%dma_start3A_23 : memref<128xi32, #tpu.memory_space<hbm>>) target(%arg5 : memref<128xi32, #tpu.memory_space<vmem>>) target_semaphore(%run_scoped3A : memref<!tpu.dma_semaphore, #tpu.memory_space<semaphore_mem>>)
        %dma_wait3A_24 = tpu.memref_slice %arg3[%mul3A_17] : memref<800000xi32, #tpu.memory_space<hbm>> -> memref<128xi32, #tpu.memory_space<hbm>>
        %dma_wait3A_25 = tpu.memref_slice %arg3[%mul3A_17] : memref<800000xi32, #tpu.memory_space<hbm>> -> memref<128xi32, #tpu.memory_space<hbm>>
        tpu.wait_dma2 semaphore(%run_scoped3A : memref<!tpu.dma_semaphore, #tpu.memory_space<semaphore_mem>>) src(%dma_wait3A_25 : memref<128xi32, #tpu.memory_space<hbm>>) dst(%arg5 : memref<128xi32, #tpu.memory_space<vmem>>)
        tpu.yield
      }) : () -> ()
      %dma_start3A = arith.constant 0 : i32
      %dma_start3A_18 = arith.constant 0 : i32
      %dma_start3A_19 = tpu.memref_slice %arg2[%dma_start3A, %dma_start3A_18] : memref<50000x8xf32, #tpu.memory_space<hbm>> -> memref<50000x8xf32, #tpu.memory_space<hbm>>
      tpu.enqueue_indirect_dma source(%dma_start3A_19 : memref<50000x8xf32, #tpu.memory_space<hbm>>) target(%arg6 : memref<128x8xf32, #tpu.memory_space<vmem>>) offsets(%arg5 : memref<128xi32, #tpu.memory_space<vmem>>) semaphore(%arg7 : memref<!tpu.dma_semaphore, #tpu.memory_space<semaphore_mem>>)
      %dma_wait3A = arith.constant 0 : i32
      %dma_wait3A_20 = arith.constant 0 : i32
      %dma_wait3A_21 = tpu.memref_slice %arg2[%dma_wait3A, %dma_wait3A_20] : memref<50000x8xf32, #tpu.memory_space<hbm>> -> memref<50000x8xf32, #tpu.memory_space<hbm>>
      tpu.wait_indirect_dma semaphore(%arg7 : memref<!tpu.dma_semaphore, #tpu.memory_space<semaphore_mem>>) src(%dma_wait3A_21 : memref<50000x8xf32, #tpu.memory_space<hbm>>) dst(%arg6 : memref<128x8xf32, #tpu.memory_space<vmem>>)
      "tpu.region"() ({
        %run_scoped3A = tpu.sem_alloc : memref<!tpu.dma_semaphore, #tpu.memory_space<semaphore_mem>>
        %dma_start3A_22 = arith.constant 0 : i32
        %dma_start3A_23 = tpu.memref_slice %arg4[%mul3A_17, %dma_start3A_22] : memref<800000x8xf32, #tpu.memory_space<hbm>> -> memref<128x8xf32, #tpu.memory_space<hbm>>
        %dma_start3A_24 = arith.constant 0 : i32
        %dma_start3A_25 = tpu.memref_slice %arg4[%mul3A_17, %dma_start3A_24] : memref<800000x8xf32, #tpu.memory_space<hbm>> -> memref<128x8xf32, #tpu.memory_space<hbm>>
        tpu.enqueue_dma source(%arg6 : memref<128x8xf32, #tpu.memory_space<vmem>>) target(%dma_start3A_25 : memref<128x8xf32, #tpu.memory_space<hbm>>) target_semaphore(%run_scoped3A : memref<!tpu.dma_semaphore, #tpu.memory_space<semaphore_mem>>)
        %dma_wait3A_26 = arith.constant 0 : i32
        %dma_wait3A_27 = tpu.memref_slice %arg4[%mul3A_17, %dma_wait3A_26] : memref<800000x8xf32, #tpu.memory_space<hbm>> -> memref<128x8xf32, #tpu.memory_space<hbm>>
        %dma_wait3A_28 = arith.constant 0 : i32
        %dma_wait3A_29 = tpu.memref_slice %arg4[%mul3A_17, %dma_wait3A_28] : memref<800000x8xf32, #tpu.memory_space<hbm>> -> memref<128x8xf32, #tpu.memory_space<hbm>>
        tpu.wait_dma2 semaphore(%run_scoped3A : memref<!tpu.dma_semaphore, #tpu.memory_space<semaphore_mem>>) src(%arg6 : memref<128x8xf32, #tpu.memory_space<vmem>>) dst(%dma_wait3A_29 : memref<128x8xf32, #tpu.memory_space<hbm>>)
        tpu.yield
      }) : () -> ()
    }
    %while3A_13 = arith.constant 1 : i32
    scf.for %while3A_14 = %while3A_11 to %while3A_7 step %while3A_13  : i32 {
      %add3A_15 = arith.addi %mul3A_2, %while3A_14 : i32
      %mul3A_16 = arith.constant 128 : i32
      %mul3A_17 = arith.muli %add3A_15, %mul3A_16 : i32
      "tpu.region"() ({
        %run_scoped3A = tpu.sem_alloc : memref<!tpu.dma_semaphore, #tpu.memory_space<semaphore_mem>>
        %dma_start3A_22 = tpu.memref_slice %arg3[%mul3A_17] : memref<800000xi32, #tpu.memory_space<hbm>> -> memref<128xi32, #tpu.memory_space<hbm>>
        %dma_start3A_23 = tpu.memref_slice %arg3[%mul3A_17] : memref<800000xi32, #tpu.memory_space<hbm>> -> memref<128xi32, #tpu.memory_space<hbm>>
        tpu.enqueue_dma source(%dma_start3A_23 : memref<128xi32, #tpu.memory_space<hbm>>) target(%arg5 : memref<128xi32, #tpu.memory_space<vmem>>) target_semaphore(%run_scoped3A : memref<!tpu.dma_semaphore, #tpu.memory_space<semaphore_mem>>)
        %dma_wait3A_24 = tpu.memref_slice %arg3[%mul3A_17] : memref<800000xi32, #tpu.memory_space<hbm>> -> memref<128xi32, #tpu.memory_space<hbm>>
        %dma_wait3A_25 = tpu.memref_slice %arg3[%mul3A_17] : memref<800000xi32, #tpu.memory_space<hbm>> -> memref<128xi32, #tpu.memory_space<hbm>>
        tpu.wait_dma2 semaphore(%run_scoped3A : memref<!tpu.dma_semaphore, #tpu.memory_space<semaphore_mem>>) src(%dma_wait3A_25 : memref<128xi32, #tpu.memory_space<hbm>>) dst(%arg5 : memref<128xi32, #tpu.memory_space<vmem>>)
        tpu.yield
      }) : () -> ()
      %dma_start3A = arith.constant 0 : i32
      %dma_start3A_18 = arith.constant 0 : i32
      %dma_start3A_19 = tpu.memref_slice %arg2[%dma_start3A, %dma_start3A_18] : memref<50000x8xf32, #tpu.memory_space<hbm>> -> memref<50000x8xf32, #tpu.memory_space<hbm>>
      tpu.enqueue_indirect_dma source(%dma_start3A_19 : memref<50000x8xf32, #tpu.memory_space<hbm>>) target(%arg6 : memref<128x8xf32, #tpu.memory_space<vmem>>) offsets(%arg5 : memref<128xi32, #tpu.memory_space<vmem>>) semaphore(%arg7 : memref<!tpu.dma_semaphore, #tpu.memory_space<semaphore_mem>>)
      %dma_wait3A = arith.constant 0 : i32
      %dma_wait3A_20 = arith.constant 0 : i32
      %dma_wait3A_21 = tpu.memref_slice %arg2[%dma_wait3A, %dma_wait3A_20] : memref<50000x8xf32, #tpu.memory_space<hbm>> -> memref<50000x8xf32, #tpu.memory_space<hbm>>
      tpu.wait_indirect_dma semaphore(%arg7 : memref<!tpu.dma_semaphore, #tpu.memory_space<semaphore_mem>>) src(%dma_wait3A_21 : memref<50000x8xf32, #tpu.memory_space<hbm>>) dst(%arg6 : memref<128x8xf32, #tpu.memory_space<vmem>>)
      "tpu.region"() ({
        %run_scoped3A = tpu.sem_alloc : memref<!tpu.dma_semaphore, #tpu.memory_space<semaphore_mem>>
        %dma_start3A_22 = arith.constant 0 : i32
        %dma_start3A_23 = tpu.memref_slice %arg4[%mul3A_17, %dma_start3A_22] : memref<800000x8xf32, #tpu.memory_space<hbm>> -> memref<128x8xf32, #tpu.memory_space<hbm>>
        %dma_start3A_24 = arith.constant 0 : i32
        %dma_start3A_25 = tpu.memref_slice %arg4[%mul3A_17, %dma_start3A_24] : memref<800000x8xf32, #tpu.memory_space<hbm>> -> memref<128x8xf32, #tpu.memory_space<hbm>>
        tpu.enqueue_dma source(%arg6 : memref<128x8xf32, #tpu.memory_space<vmem>>) target(%dma_start3A_25 : memref<128x8xf32, #tpu.memory_space<hbm>>) target_semaphore(%run_scoped3A : memref<!tpu.dma_semaphore, #tpu.memory_space<semaphore_mem>>)
        %dma_wait3A_26 = arith.constant 0 : i32
        %dma_wait3A_27 = tpu.memref_slice %arg4[%mul3A_17, %dma_wait3A_26] : memref<800000x8xf32, #tpu.memory_space<hbm>> -> memref<128x8xf32, #tpu.memory_space<hbm>>
        %dma_wait3A_28 = arith.constant 0 : i32
        %dma_wait3A_29 = tpu.memref_slice %arg4[%mul3A_17, %dma_wait3A_28] : memref<800000x8xf32, #tpu.memory_space<hbm>> -> memref<128x8xf32, #tpu.memory_space<hbm>>
        tpu.wait_dma2 semaphore(%run_scoped3A : memref<!tpu.dma_semaphore, #tpu.memory_space<semaphore_mem>>) src(%arg6 : memref<128x8xf32, #tpu.memory_space<vmem>>) dst(%dma_wait3A_29 : memref<128x8xf32, #tpu.memory_space<hbm>>)
        tpu.yield
      }) : () -> ()
    }
    return
  }
}

#map = affine_map<(d0, d1) -> (0, 0)>
#map1 = affine_map<(d0, d1) -> (0)>
module attributes {stable_mosaic.version = 14 : i64} {
  func.func @gather(%arg0: i32, %arg1: i32, %arg2: memref<50000x8xf32, #tpu.memory_space<hbm>>, %arg3: memref<800000xi32, #tpu.memory_space<hbm>>, %arg4: memref<800000x8xf32, #tpu.memory_space<hbm>>, %arg5: memref<128xi32, #tpu.memory_space<vmem>>, %arg6: memref<128x8xf32, #tpu.memory_space<vmem>>, %arg7: memref<!tpu.dma_semaphore, #tpu.memory_space<semaphore_mem>>) attributes {dimension_semantics = [#tpu.dimension_semantics<core_parallel>, #tpu.dimension_semantics<subcore_parallel>], iteration_bounds = array<i64: 2, 16>, scalar_prefetch = 0 : i64, scratch_operands = 3 : i64, tpu.core_type = #tpu.core_type<sc_vector_subcore>, window_params = [{transform_indices = #map}, {transform_indices = #map1}, {transform_indices = #map}]} {
    %mul3A = arith.constant 2 : i32
    %mul3A_0 = arith.muli %arg1, %mul3A : i32
    %add3A = arith.addi %mul3A_0, %arg0 : i32
    %mul3A_1 = arith.constant 196 : i32
    %mul3A_2 = arith.muli %add3A, %mul3A_1 : i32
    %sub3A = arith.constant 6250 : i32
    %sub3A_3 = arith.subi %sub3A, %mul3A_2 : i32
    %jit3A = arith.constant 0 : i32
    %jit3A_4 = arith.constant 196 : i32
    %max3A = arith.maxsi %jit3A, %sub3A_3 : i32
    %min3A = arith.minsi %jit3A_4, %max3A : i32
    %while3A = arith.constant 0 : i32
    %while3A_5 = arith.constant 0 : i32
    %while3A_6 = arith.subi %min3A, %while3A_5 : i32
    %while3A_7 = arith.addi %while3A_5, %while3A_6 : i32
    %while3A_8 = arith.constant 1 : i32
    %while3A_9 = arith.divsi %while3A_6, %while3A_8 : i32
    %while3A_10 = arith.muli %while3A_9, %while3A_8 : i32
    %while3A_11 = arith.addi %while3A_5, %while3A_10 : i32
    %while3A_12 = arith.constant 1 : i32
    scf.for %while3A_14 = %while3A_5 to %while3A_11 step %while3A_12  : i32 {
      %add3A_15 = arith.addi %mul3A_2, %while3A_14 : i32
      %mul3A_16 = arith.constant 128 : i32
      %mul3A_17 = arith.muli %add3A_15, %mul3A_16 : i32
      "tpu.region"() ({
        %run_scoped3A = tpu.sem_alloc : memref<!tpu.dma_semaphore, #tpu.memory_space<semaphore_mem>>
        %dma_start3A_22 = tpu.memref_slice %arg3[%mul3A_17] : memref<800000xi32, #tpu.memory_space<hbm>> -> memref<128xi32, #tpu.memory_space<hbm>>
        %dma_start3A_23 = tpu.memref_slice %arg3[%mul3A_17] : memref<800000xi32, #tpu.memory_space<hbm>> -> memref<128xi32, #tpu.memory_space<hbm>>
        tpu.enqueue_dma source(%dma_start3A_23 : memref<128xi32, #tpu.memory_space<hbm>>) target(%arg5 : memref<128xi32, #tpu.memory_space<vmem>>) target_semaphore(%run_scoped3A : memref<!tpu.dma_semaphore, #tpu.memory_space<semaphore_mem>>)
        %dma_wait3A_24 = tpu.memref_slice %arg3[%mul3A_17] : memref<800000xi32, #tpu.memory_space<hbm>> -> memref<128xi32, #tpu.memory_space<hbm>>
        %dma_wait3A_25 = tpu.memref_slice %arg3[%mul3A_17] : memref<800000xi32, #tpu.memory_space<hbm>> -> memref<128xi32, #tpu.memory_space<hbm>>
        tpu.wait_dma2 semaphore(%run_scoped3A : memref<!tpu.dma_semaphore, #tpu.memory_space<semaphore_mem>>) src(%dma_wait3A_25 : memref<128xi32, #tpu.memory_space<hbm>>) dst(%arg5 : memref<128xi32, #tpu.memory_space<vmem>>)
        tpu.yield
      }) : () -> ()
      %dma_start3A = arith.constant 0 : i32
      %dma_start3A_18 = arith.constant 0 : i32
      %dma_start3A_19 = tpu.memref_slice %arg2[%dma_start3A, %dma_start3A_18] : memref<50000x8xf32, #tpu.memory_space<hbm>> -> memref<50000x8xf32, #tpu.memory_space<hbm>>
      tpu.enqueue_indirect_dma source(%dma_start3A_19 : memref<50000x8xf32, #tpu.memory_space<hbm>>) target(%arg6 : memref<128x8xf32, #tpu.memory_space<vmem>>) offsets(%arg5 : memref<128xi32, #tpu.memory_space<vmem>>) semaphore(%arg7 : memref<!tpu.dma_semaphore, #tpu.memory_space<semaphore_mem>>)
      %dma_wait3A = arith.constant 0 : i32
      %dma_wait3A_20 = arith.constant 0 : i32
      %dma_wait3A_21 = tpu.memref_slice %arg2[%dma_wait3A, %dma_wait3A_20] : memref<50000x8xf32, #tpu.memory_space<hbm>> -> memref<50000x8xf32, #tpu.memory_space<hbm>>
      tpu.wait_indirect_dma semaphore(%arg7 : memref<!tpu.dma_semaphore, #tpu.memory_space<semaphore_mem>>) src(%dma_wait3A_21 : memref<50000x8xf32, #tpu.memory_space<hbm>>) dst(%arg6 : memref<128x8xf32, #tpu.memory_space<vmem>>)
      "tpu.region"() ({
        %run_scoped3A = tpu.sem_alloc : memref<!tpu.dma_semaphore, #tpu.memory_space<semaphore_mem>>
        %dma_start3A_22 = arith.constant 0 : i32
        %dma_start3A_23 = tpu.memref_slice %arg4[%mul3A_17, %dma_start3A_22] : memref<800000x8xf32, #tpu.memory_space<hbm>> -> memref<128x8xf32, #tpu.memory_space<hbm>>
        %dma_start3A_24 = arith.constant 0 : i32
        %dma_start3A_25 = tpu.memref_slice %arg4[%mul3A_17, %dma_start3A_24] : memref<800000x8xf32, #tpu.memory_space<hbm>> -> memref<128x8xf32, #tpu.memory_space<hbm>>
        tpu.enqueue_dma source(%arg6 : memref<128x8xf32, #tpu.memory_space<vmem>>) target(%dma_start3A_25 : memref<128x8xf32, #tpu.memory_space<hbm>>) target_semaphore(%run_scoped3A : memref<!tpu.dma_semaphore, #tpu.memory_space<semaphore_mem>>)
        %dma_wait3A_26 = arith.constant 0 : i32
        %dma_wait3A_27 = tpu.memref_slice %arg4[%mul3A_17, %dma_wait3A_26] : memref<800000x8xf32, #tpu.memory_space<hbm>> -> memref<128x8xf32, #tpu.memory_space<hbm>>
        %dma_wait3A_28 = arith.constant 0 : i32
        %dma_wait3A_29 = tpu.memref_slice %arg4[%mul3A_17, %dma_wait3A_28] : memref<800000x8xf32, #tpu.memory_space<hbm>> -> memref<128x8xf32, #tpu.memory_space<hbm>>
        tpu.wait_dma2 semaphore(%run_scoped3A : memref<!tpu.dma_semaphore, #tpu.memory_space<semaphore_mem>>) src(%arg6 : memref<128x8xf32, #tpu.memory_space<vmem>>) dst(%dma_wait3A_29 : memref<128x8xf32, #tpu.memory_space<hbm>>)
        tpu.yield
      }) : () -> ()
    }
    %while3A_13 = arith.constant 1 : i32
    scf.for %while3A_14 = %while3A_11 to %while3A_7 step %while3A_13  : i32 {
      %add3A_15 = arith.addi %mul3A_2, %while3A_14 : i32
      %mul3A_16 = arith.constant 128 : i32
      %mul3A_17 = arith.muli %add3A_15, %mul3A_16 : i32
      "tpu.region"() ({
        %run_scoped3A = tpu.sem_alloc : memref<!tpu.dma_semaphore, #tpu.memory_space<semaphore_mem>>
        %dma_start3A_22 = tpu.memref_slice %arg3[%mul3A_17] : memref<800000xi32, #tpu.memory_space<hbm>> -> memref<128xi32, #tpu.memory_space<hbm>>
        %dma_start3A_23 = tpu.memref_slice %arg3[%mul3A_17] : memref<800000xi32, #tpu.memory_space<hbm>> -> memref<128xi32, #tpu.memory_space<hbm>>
        tpu.enqueue_dma source(%dma_start3A_23 : memref<128xi32, #tpu.memory_space<hbm>>) target(%arg5 : memref<128xi32, #tpu.memory_space<vmem>>) target_semaphore(%run_scoped3A : memref<!tpu.dma_semaphore, #tpu.memory_space<semaphore_mem>>)
        %dma_wait3A_24 = tpu.memref_slice %arg3[%mul3A_17] : memref<800000xi32, #tpu.memory_space<hbm>> -> memref<128xi32, #tpu.memory_space<hbm>>
        %dma_wait3A_25 = tpu.memref_slice %arg3[%mul3A_17] : memref<800000xi32, #tpu.memory_space<hbm>> -> memref<128xi32, #tpu.memory_space<hbm>>
        tpu.wait_dma2 semaphore(%run_scoped3A : memref<!tpu.dma_semaphore, #tpu.memory_space<semaphore_mem>>) src(%dma_wait3A_25 : memref<128xi32, #tpu.memory_space<hbm>>) dst(%arg5 : memref<128xi32, #tpu.memory_space<vmem>>)
        tpu.yield
      }) : () -> ()
      %dma_start3A = arith.constant 0 : i32
      %dma_start3A_18 = arith.constant 0 : i32
      %dma_start3A_19 = tpu.memref_slice %arg2[%dma_start3A, %dma_start3A_18] : memref<50000x8xf32, #tpu.memory_space<hbm>> -> memref<50000x8xf32, #tpu.memory_space<hbm>>
      tpu.enqueue_indirect_dma source(%dma_start3A_19 : memref<50000x8xf32, #tpu.memory_space<hbm>>) target(%arg6 : memref<128x8xf32, #tpu.memory_space<vmem>>) offsets(%arg5 : memref<128xi32, #tpu.memory_space<vmem>>) semaphore(%arg7 : memref<!tpu.dma_semaphore, #tpu.memory_space<semaphore_mem>>)
      %dma_wait3A = arith.constant 0 : i32
      %dma_wait3A_20 = arith.constant 0 : i32
      %dma_wait3A_21 = tpu.memref_slice %arg2[%dma_wait3A, %dma_wait3A_20] : memref<50000x8xf32, #tpu.memory_space<hbm>> -> memref<50000x8xf32, #tpu.memory_space<hbm>>
      tpu.wait_indirect_dma semaphore(%arg7 : memref<!tpu.dma_semaphore, #tpu.memory_space<semaphore_mem>>) src(%dma_wait3A_21 : memref<50000x8xf32, #tpu.memory_space<hbm>>) dst(%arg6 : memref<128x8xf32, #tpu.memory_space<vmem>>)
      "tpu.region"() ({
        %run_scoped3A = tpu.sem_alloc : memref<!tpu.dma_semaphore, #tpu.memory_space<semaphore_mem>>
        %dma_start3A_22 = arith.constant 0 : i32
        %dma_start3A_23 = tpu.memref_slice %arg4[%mul3A_17, %dma_start3A_22] : memref<800000x8xf32, #tpu.memory_space<hbm>> -> memref<128x8xf32, #tpu.memory_space<hbm>>
        %dma_start3A_24 = arith.constant 0 : i32
        %dma_start3A_25 = tpu.memref_slice %arg4[%mul3A_17, %dma_start3A_24] : memref<800000x8xf32, #tpu.memory_space<hbm>> -> memref<128x8xf32, #tpu.memory_space<hbm>>
        tpu.enqueue_dma source(%arg6 : memref<128x8xf32, #tpu.memory_space<vmem>>) target(%dma_start3A_25 : memref<128x8xf32, #tpu.memory_space<hbm>>) target_semaphore(%run_scoped3A : memref<!tpu.dma_semaphore, #tpu.memory_space<semaphore_mem>>)
        %dma_wait3A_26 = arith.constant 0 : i32
        %dma_wait3A_27 = tpu.memref_slice %arg4[%mul3A_17, %dma_wait3A_26] : memref<800000x8xf32, #tpu.memory_space<hbm>> -> memref<128x8xf32, #tpu.memory_space<hbm>>
        %dma_wait3A_28 = arith.constant 0 : i32
        %dma_wait3A_29 = tpu.memref_slice %arg4[%mul3A_17, %dma_wait3A_28] : memref<800000x8xf32, #tpu.memory_space<hbm>> -> memref<128x8xf32, #tpu.memory_space<hbm>>
        tpu.wait_dma2 semaphore(%run_scoped3A : memref<!tpu.dma_semaphore, #tpu.memory_space<semaphore_mem>>) src(%arg6 : memref<128x8xf32, #tpu.memory_space<vmem>>) dst(%dma_wait3A_29 : memref<128x8xf32, #tpu.memory_space<hbm>>)
        tpu.yield
      }) : () -> ()
    }
    return
  }
}

#map = affine_map<(d0, d1) -> (0, 0)>
#map1 = affine_map<(d0, d1) -> (0)>
module attributes {stable_mosaic.version = 14 : i64} {
  func.func @scatter(%arg0: i32, %arg1: i32, %arg2: memref<800000x64xf32, #tpu.memory_space<hbm>>, %arg3: memref<800000xi32, #tpu.memory_space<hbm>>, %arg4: memref<224x64xf32, #tpu.memory_space<hbm>>, %arg5: memref<50000x64xf32, #tpu.memory_space<hbm>>, %arg6: memref<128xi32, #tpu.memory_space<vmem>>, %arg7: memref<128xi32, #tpu.memory_space<vmem>>, %arg8: memref<128x64xf32, #tpu.memory_space<vmem>>, %arg9: memref<224x64xf32, #tpu.memory_space<vmem>>, %arg10: memref<25088x64xf32, #tpu.memory_space<vmem_shared>>, %arg11: memref<!tpu.dma_semaphore, #tpu.memory_space<semaphore_mem>>) attributes {dimension_semantics = [#tpu.dimension_semantics<core_parallel>, #tpu.dimension_semantics<subcore_parallel>], iteration_bounds = array<i64: 2, 16>, scalar_prefetch = 0 : i64, scratch_operands = 6 : i64, tpu.core_type = #tpu.core_type<sc_vector_subcore>, window_params = [{transform_indices = #map}, {transform_indices = #map1}, {transform_indices = #map}, {transform_indices = #map}]} {
    %mul3A = arith.constant 25000 : i32
    %mul3A_0 = arith.muli %arg0, %mul3A : i32
    "tpu.region"() ({
      %run_scoped3A = tpu.sem_alloc : memref<!tpu.dma_semaphore, #tpu.memory_space<semaphore_mem>>
      tpu.enqueue_dma source(%arg4 : memref<224x64xf32, #tpu.memory_space<hbm>>) target(%arg9 : memref<224x64xf32, #tpu.memory_space<vmem>>) target_semaphore(%run_scoped3A : memref<!tpu.dma_semaphore, #tpu.memory_space<semaphore_mem>>)
      tpu.wait_dma2 semaphore(%run_scoped3A : memref<!tpu.dma_semaphore, #tpu.memory_space<semaphore_mem>>) src(%arg4 : memref<224x64xf32, #tpu.memory_space<hbm>>) dst(%arg9 : memref<224x64xf32, #tpu.memory_space<vmem>>)
      tpu.yield
    }) : () -> ()
    %mul3A_1 = arith.constant 1568 : i32
    %mul3A_2 = arith.muli %arg1, %mul3A_1 : i32
    %add3A = arith.constant 0 : i32
    %add3A_3 = arith.addi %mul3A_2, %add3A : i32
    "tpu.region"() ({
      %run_scoped3A = tpu.sem_alloc : memref<!tpu.dma_semaphore, #tpu.memory_space<semaphore_mem>>
      %dma_start3A = arith.constant 0 : i32
      %dma_start3A_50 = tpu.memref_slice %arg10[%add3A_3, %dma_start3A] : memref<25088x64xf32, #tpu.memory_space<vmem_shared>> -> memref<224x64xf32, #tpu.memory_space<vmem_shared>>
      %dma_start3A_51 = arith.constant 0 : i32
      %dma_start3A_52 = tpu.memref_slice %arg10[%add3A_3, %dma_start3A_51] : memref<25088x64xf32, #tpu.memory_space<vmem_shared>> -> memref<224x64xf32, #tpu.memory_space<vmem_shared>>
      tpu.enqueue_dma source(%arg9 : memref<224x64xf32, #tpu.memory_space<vmem>>) target(%dma_start3A_52 : memref<224x64xf32, #tpu.memory_space<vmem_shared>>) target_semaphore(%run_scoped3A : memref<!tpu.dma_semaphore, #tpu.memory_space<semaphore_mem>>)
      %dma_wait3A = arith.constant 0 : i32
      %dma_wait3A_53 = tpu.memref_slice %arg10[%add3A_3, %dma_wait3A] : memref<25088x64xf32, #tpu.memory_space<vmem_shared>> -> memref<224x64xf32, #tpu.memory_space<vmem_shared>>
      %dma_wait3A_54 = arith.constant 0 : i32
      %dma_wait3A_55 = tpu.memref_slice %arg10[%add3A_3, %dma_wait3A_54] : memref<25088x64xf32, #tpu.memory_space<vmem_shared>> -> memref<224x64xf32, #tpu.memory_space<vmem_shared>>
      tpu.wait_dma2 semaphore(%run_scoped3A : memref<!tpu.dma_semaphore, #tpu.memory_space<semaphore_mem>>) src(%arg9 : memref<224x64xf32, #tpu.memory_space<vmem>>) dst(%dma_wait3A_55 : memref<224x64xf32, #tpu.memory_space<vmem_shared>>)
      tpu.yield
    }) : () -> ()
    %mul3A_4 = arith.constant 1568 : i32
    %mul3A_5 = arith.muli %arg1, %mul3A_4 : i32
    %add3A_6 = arith.constant 224 : i32
    %add3A_7 = arith.addi %mul3A_5, %add3A_6 : i32
    "tpu.region"() ({
      %run_scoped3A = tpu.sem_alloc : memref<!tpu.dma_semaphore, #tpu.memory_space<semaphore_mem>>
      %dma_start3A = arith.constant 0 : i32
      %dma_start3A_50 = tpu.memref_slice %arg10[%add3A_7, %dma_start3A] : memref<25088x64xf32, #tpu.memory_space<vmem_shared>> -> memref<224x64xf32, #tpu.memory_space<vmem_shared>>
      %dma_start3A_51 = arith.constant 0 : i32
      %dma_start3A_52 = tpu.memref_slice %arg10[%add3A_7, %dma_start3A_51] : memref<25088x64xf32, #tpu.memory_space<vmem_shared>> -> memref<224x64xf32, #tpu.memory_space<vmem_shared>>
      tpu.enqueue_dma source(%arg9 : memref<224x64xf32, #tpu.memory_space<vmem>>) target(%dma_start3A_52 : memref<224x64xf32, #tpu.memory_space<vmem_shared>>) target_semaphore(%run_scoped3A : memref<!tpu.dma_semaphore, #tpu.memory_space<semaphore_mem>>)
      %dma_wait3A = arith.constant 0 : i32
      %dma_wait3A_53 = tpu.memref_slice %arg10[%add3A_7, %dma_wait3A] : memref<25088x64xf32, #tpu.memory_space<vmem_shared>> -> memref<224x64xf32, #tpu.memory_space<vmem_shared>>
      %dma_wait3A_54 = arith.constant 0 : i32
      %dma_wait3A_55 = tpu.memref_slice %arg10[%add3A_7, %dma_wait3A_54] : memref<25088x64xf32, #tpu.memory_space<vmem_shared>> -> memref<224x64xf32, #tpu.memory_space<vmem_shared>>
      tpu.wait_dma2 semaphore(%run_scoped3A : memref<!tpu.dma_semaphore, #tpu.memory_space<semaphore_mem>>) src(%arg9 : memref<224x64xf32, #tpu.memory_space<vmem>>) dst(%dma_wait3A_55 : memref<224x64xf32, #tpu.memory_space<vmem_shared>>)
      tpu.yield
    }) : () -> ()
    %mul3A_8 = arith.constant 1568 : i32
    %mul3A_9 = arith.muli %arg1, %mul3A_8 : i32
    %add3A_10 = arith.constant 448 : i32
    %add3A_11 = arith.addi %mul3A_9, %add3A_10 : i32
    "tpu.region"() ({
      %run_scoped3A = tpu.sem_alloc : memref<!tpu.dma_semaphore, #tpu.memory_space<semaphore_mem>>
      %dma_start3A = arith.constant 0 : i32
      %dma_start3A_50 = tpu.memref_slice %arg10[%add3A_11, %dma_start3A] : memref<25088x64xf32, #tpu.memory_space<vmem_shared>> -> memref<224x64xf32, #tpu.memory_space<vmem_shared>>
      %dma_start3A_51 = arith.constant 0 : i32
      %dma_start3A_52 = tpu.memref_slice %arg10[%add3A_11, %dma_start3A_51] : memref<25088x64xf32, #tpu.memory_space<vmem_shared>> -> memref<224x64xf32, #tpu.memory_space<vmem_shared>>
      tpu.enqueue_dma source(%arg9 : memref<224x64xf32, #tpu.memory_space<vmem>>) target(%dma_start3A_52 : memref<224x64xf32, #tpu.memory_space<vmem_shared>>) target_semaphore(%run_scoped3A : memref<!tpu.dma_semaphore, #tpu.memory_space<semaphore_mem>>)
      %dma_wait3A = arith.constant 0 : i32
      %dma_wait3A_53 = tpu.memref_slice %arg10[%add3A_11, %dma_wait3A] : memref<25088x64xf32, #tpu.memory_space<vmem_shared>> -> memref<224x64xf32, #tpu.memory_space<vmem_shared>>
      %dma_wait3A_54 = arith.constant 0 : i32
      %dma_wait3A_55 = tpu.memref_slice %arg10[%add3A_11, %dma_wait3A_54] : memref<25088x64xf32, #tpu.memory_space<vmem_shared>> -> memref<224x64xf32, #tpu.memory_space<vmem_shared>>
      tpu.wait_dma2 semaphore(%run_scoped3A : memref<!tpu.dma_semaphore, #tpu.memory_space<semaphore_mem>>) src(%arg9 : memref<224x64xf32, #tpu.memory_space<vmem>>) dst(%dma_wait3A_55 : memref<224x64xf32, #tpu.memory_space<vmem_shared>>)
      tpu.yield
    }) : () -> ()
    %mul3A_12 = arith.constant 1568 : i32
    %mul3A_13 = arith.muli %arg1, %mul3A_12 : i32
    %add3A_14 = arith.constant 672 : i32
    %add3A_15 = arith.addi %mul3A_13, %add3A_14 : i32
    "tpu.region"() ({
      %run_scoped3A = tpu.sem_alloc : memref<!tpu.dma_semaphore, #tpu.memory_space<semaphore_mem>>
      %dma_start3A = arith.constant 0 : i32
      %dma_start3A_50 = tpu.memref_slice %arg10[%add3A_15, %dma_start3A] : memref<25088x64xf32, #tpu.memory_space<vmem_shared>> -> memref<224x64xf32, #tpu.memory_space<vmem_shared>>
      %dma_start3A_51 = arith.constant 0 : i32
      %dma_start3A_52 = tpu.memref_slice %arg10[%add3A_15, %dma_start3A_51] : memref<25088x64xf32, #tpu.memory_space<vmem_shared>> -> memref<224x64xf32, #tpu.memory_space<vmem_shared>>
      tpu.enqueue_dma source(%arg9 : memref<224x64xf32, #tpu.memory_space<vmem>>) target(%dma_start3A_52 : memref<224x64xf32, #tpu.memory_space<vmem_shared>>) target_semaphore(%run_scoped3A : memref<!tpu.dma_semaphore, #tpu.memory_space<semaphore_mem>>)
      %dma_wait3A = arith.constant 0 : i32
      %dma_wait3A_53 = tpu.memref_slice %arg10[%add3A_15, %dma_wait3A] : memref<25088x64xf32, #tpu.memory_space<vmem_shared>> -> memref<224x64xf32, #tpu.memory_space<vmem_shared>>
      %dma_wait3A_54 = arith.constant 0 : i32
      %dma_wait3A_55 = tpu.memref_slice %arg10[%add3A_15, %dma_wait3A_54] : memref<25088x64xf32, #tpu.memory_space<vmem_shared>> -> memref<224x64xf32, #tpu.memory_space<vmem_shared>>
      tpu.wait_dma2 semaphore(%run_scoped3A : memref<!tpu.dma_semaphore, #tpu.memory_space<semaphore_mem>>) src(%arg9 : memref<224x64xf32, #tpu.memory_space<vmem>>) dst(%dma_wait3A_55 : memref<224x64xf32, #tpu.memory_space<vmem_shared>>)
      tpu.yield
    }) : () -> ()
    %mul3A_16 = arith.constant 1568 : i32
    %mul3A_17 = arith.muli %arg1, %mul3A_16 : i32
    %add3A_18 = arith.constant 896 : i32
    %add3A_19 = arith.addi %mul3A_17, %add3A_18 : i32
    "tpu.region"() ({
      %run_scoped3A = tpu.sem_alloc : memref<!tpu.dma_semaphore, #tpu.memory_space<semaphore_mem>>
      %dma_start3A = arith.constant 0 : i32
      %dma_start3A_50 = tpu.memref_slice %arg10[%add3A_19, %dma_start3A] : memref<25088x64xf32, #tpu.memory_space<vmem_shared>> -> memref<224x64xf32, #tpu.memory_space<vmem_shared>>
      %dma_start3A_51 = arith.constant 0 : i32
      %dma_start3A_52 = tpu.memref_slice %arg10[%add3A_19, %dma_start3A_51] : memref<25088x64xf32, #tpu.memory_space<vmem_shared>> -> memref<224x64xf32, #tpu.memory_space<vmem_shared>>
      tpu.enqueue_dma source(%arg9 : memref<224x64xf32, #tpu.memory_space<vmem>>) target(%dma_start3A_52 : memref<224x64xf32, #tpu.memory_space<vmem_shared>>) target_semaphore(%run_scoped3A : memref<!tpu.dma_semaphore, #tpu.memory_space<semaphore_mem>>)
      %dma_wait3A = arith.constant 0 : i32
      %dma_wait3A_53 = tpu.memref_slice %arg10[%add3A_19, %dma_wait3A] : memref<25088x64xf32, #tpu.memory_space<vmem_shared>> -> memref<224x64xf32, #tpu.memory_space<vmem_shared>>
      %dma_wait3A_54 = arith.constant 0 : i32
      %dma_wait3A_55 = tpu.memref_slice %arg10[%add3A_19, %dma_wait3A_54] : memref<25088x64xf32, #tpu.memory_space<vmem_shared>> -> memref<224x64xf32, #tpu.memory_space<vmem_shared>>
      tpu.wait_dma2 semaphore(%run_scoped3A : memref<!tpu.dma_semaphore, #tpu.memory_space<semaphore_mem>>) src(%arg9 : memref<224x64xf32, #tpu.memory_space<vmem>>) dst(%dma_wait3A_55 : memref<224x64xf32, #tpu.memory_space<vmem_shared>>)
      tpu.yield
    }) : () -> ()
    %mul3A_20 = arith.constant 1568 : i32
    %mul3A_21 = arith.muli %arg1, %mul3A_20 : i32
    %add3A_22 = arith.constant 1120 : i32
    %add3A_23 = arith.addi %mul3A_21, %add3A_22 : i32
    "tpu.region"() ({
      %run_scoped3A = tpu.sem_alloc : memref<!tpu.dma_semaphore, #tpu.memory_space<semaphore_mem>>
      %dma_start3A = arith.constant 0 : i32
      %dma_start3A_50 = tpu.memref_slice %arg10[%add3A_23, %dma_start3A] : memref<25088x64xf32, #tpu.memory_space<vmem_shared>> -> memref<224x64xf32, #tpu.memory_space<vmem_shared>>
      %dma_start3A_51 = arith.constant 0 : i32
      %dma_start3A_52 = tpu.memref_slice %arg10[%add3A_23, %dma_start3A_51] : memref<25088x64xf32, #tpu.memory_space<vmem_shared>> -> memref<224x64xf32, #tpu.memory_space<vmem_shared>>
      tpu.enqueue_dma source(%arg9 : memref<224x64xf32, #tpu.memory_space<vmem>>) target(%dma_start3A_52 : memref<224x64xf32, #tpu.memory_space<vmem_shared>>) target_semaphore(%run_scoped3A : memref<!tpu.dma_semaphore, #tpu.memory_space<semaphore_mem>>)
      %dma_wait3A = arith.constant 0 : i32
      %dma_wait3A_53 = tpu.memref_slice %arg10[%add3A_23, %dma_wait3A] : memref<25088x64xf32, #tpu.memory_space<vmem_shared>> -> memref<224x64xf32, #tpu.memory_space<vmem_shared>>
      %dma_wait3A_54 = arith.constant 0 : i32
      %dma_wait3A_55 = tpu.memref_slice %arg10[%add3A_23, %dma_wait3A_54] : memref<25088x64xf32, #tpu.memory_space<vmem_shared>> -> memref<224x64xf32, #tpu.memory_space<vmem_shared>>
      tpu.wait_dma2 semaphore(%run_scoped3A : memref<!tpu.dma_semaphore, #tpu.memory_space<semaphore_mem>>) src(%arg9 : memref<224x64xf32, #tpu.memory_space<vmem>>) dst(%dma_wait3A_55 : memref<224x64xf32, #tpu.memory_space<vmem_shared>>)
      tpu.yield
    }) : () -> ()
    %mul3A_24 = arith.constant 1568 : i32
    %mul3A_25 = arith.muli %arg1, %mul3A_24 : i32
    %add3A_26 = arith.constant 1344 : i32
    %add3A_27 = arith.addi %mul3A_25, %add3A_26 : i32
    "tpu.region"() ({
      %run_scoped3A = tpu.sem_alloc : memref<!tpu.dma_semaphore, #tpu.memory_space<semaphore_mem>>
      %dma_start3A = arith.constant 0 : i32
      %dma_start3A_50 = tpu.memref_slice %arg10[%add3A_27, %dma_start3A] : memref<25088x64xf32, #tpu.memory_space<vmem_shared>> -> memref<224x64xf32, #tpu.memory_space<vmem_shared>>
      %dma_start3A_51 = arith.constant 0 : i32
      %dma_start3A_52 = tpu.memref_slice %arg10[%add3A_27, %dma_start3A_51] : memref<25088x64xf32, #tpu.memory_space<vmem_shared>> -> memref<224x64xf32, #tpu.memory_space<vmem_shared>>
      tpu.enqueue_dma source(%arg9 : memref<224x64xf32, #tpu.memory_space<vmem>>) target(%dma_start3A_52 : memref<224x64xf32, #tpu.memory_space<vmem_shared>>) target_semaphore(%run_scoped3A : memref<!tpu.dma_semaphore, #tpu.memory_space<semaphore_mem>>)
      %dma_wait3A = arith.constant 0 : i32
      %dma_wait3A_53 = tpu.memref_slice %arg10[%add3A_27, %dma_wait3A] : memref<25088x64xf32, #tpu.memory_space<vmem_shared>> -> memref<224x64xf32, #tpu.memory_space<vmem_shared>>
      %dma_wait3A_54 = arith.constant 0 : i32
      %dma_wait3A_55 = tpu.memref_slice %arg10[%add3A_27, %dma_wait3A_54] : memref<25088x64xf32, #tpu.memory_space<vmem_shared>> -> memref<224x64xf32, #tpu.memory_space<vmem_shared>>
      tpu.wait_dma2 semaphore(%run_scoped3A : memref<!tpu.dma_semaphore, #tpu.memory_space<semaphore_mem>>) src(%arg9 : memref<224x64xf32, #tpu.memory_space<vmem>>) dst(%dma_wait3A_55 : memref<224x64xf32, #tpu.memory_space<vmem_shared>>)
      tpu.yield
    }) : () -> ()
    %barrier3A = arith.constant 0 : index
    tpu.barrier barrier_id(%barrier3A)
    %mul3A_28 = arith.constant 391 : i32
    %mul3A_29 = arith.muli %arg1, %mul3A_28 : i32
    %sub3A = arith.constant 6250 : i32
    %sub3A_30 = arith.subi %sub3A, %mul3A_29 : i32
    %jit3A = arith.constant 0 : i32
    %jit3A_31 = arith.constant 391 : i32
    %max3A = arith.maxsi %jit3A, %sub3A_30 : i32
    %min3A = arith.minsi %jit3A_31, %max3A : i32
    %while3A = arith.constant 0 : i32
    %while3A_32 = arith.constant 0 : i32
    %while3A_33 = arith.subi %min3A, %while3A_32 : i32
    %while3A_34 = arith.addi %while3A_32, %while3A_33 : i32
    %while3A_35 = arith.constant 1 : i32
    %while3A_36 = arith.divsi %while3A_33, %while3A_35 : i32
    %while3A_37 = arith.muli %while3A_36, %while3A_35 : i32
    %while3A_38 = arith.addi %while3A_32, %while3A_37 : i32
    %while3A_39 = arith.constant 1 : i32
    scf.for %while3A_50 = %while3A_32 to %while3A_38 step %while3A_39  : i32 {
      %add3A_51 = arith.addi %mul3A_29, %while3A_50 : i32
      %mul3A_52 = arith.constant 128 : i32
      %mul3A_53 = arith.muli %add3A_51, %mul3A_52 : i32
      "tpu.region"() ({
        %run_scoped3A = tpu.sem_alloc : memref<!tpu.dma_semaphore, #tpu.memory_space<semaphore_mem>>
        %dma_start3A = tpu.memref_slice %arg3[%mul3A_53] : memref<800000xi32, #tpu.memory_space<hbm>> -> memref<128xi32, #tpu.memory_space<hbm>>
        %dma_start3A_200 = tpu.memref_slice %arg3[%mul3A_53] : memref<800000xi32, #tpu.memory_space<hbm>> -> memref<128xi32, #tpu.memory_space<hbm>>
        tpu.enqueue_dma source(%dma_start3A_200 : memref<128xi32, #tpu.memory_space<hbm>>) target(%arg6 : memref<128xi32, #tpu.memory_space<vmem>>) target_semaphore(%run_scoped3A : memref<!tpu.dma_semaphore, #tpu.memory_space<semaphore_mem>>)
        %dma_wait3A = tpu.memref_slice %arg3[%mul3A_53] : memref<800000xi32, #tpu.memory_space<hbm>> -> memref<128xi32, #tpu.memory_space<hbm>>
        %dma_wait3A_201 = tpu.memref_slice %arg3[%mul3A_53] : memref<800000xi32, #tpu.memory_space<hbm>> -> memref<128xi32, #tpu.memory_space<hbm>>
        tpu.wait_dma2 semaphore(%run_scoped3A : memref<!tpu.dma_semaphore, #tpu.memory_space<semaphore_mem>>) src(%dma_wait3A_201 : memref<128xi32, #tpu.memory_space<hbm>>) dst(%arg6 : memref<128xi32, #tpu.memory_space<vmem>>)
        tpu.yield
      }) : () -> ()
      "tpu.region"() ({
        %run_scoped3A = tpu.sem_alloc : memref<!tpu.dma_semaphore, #tpu.memory_space<semaphore_mem>>
        %dma_start3A = arith.constant 0 : i32
        %dma_start3A_200 = tpu.memref_slice %arg2[%mul3A_53, %dma_start3A] : memref<800000x64xf32, #tpu.memory_space<hbm>> -> memref<128x64xf32, #tpu.memory_space<hbm>>
        %dma_start3A_201 = arith.constant 0 : i32
        %dma_start3A_202 = tpu.memref_slice %arg2[%mul3A_53, %dma_start3A_201] : memref<800000x64xf32, #tpu.memory_space<hbm>> -> memref<128x64xf32, #tpu.memory_space<hbm>>
        tpu.enqueue_dma source(%dma_start3A_202 : memref<128x64xf32, #tpu.memory_space<hbm>>) target(%arg8 : memref<128x64xf32, #tpu.memory_space<vmem>>) target_semaphore(%run_scoped3A : memref<!tpu.dma_semaphore, #tpu.memory_space<semaphore_mem>>)
        %dma_wait3A = arith.constant 0 : i32
        %dma_wait3A_203 = tpu.memref_slice %arg2[%mul3A_53, %dma_wait3A] : memref<800000x64xf32, #tpu.memory_space<hbm>> -> memref<128x64xf32, #tpu.memory_space<hbm>>
        %dma_wait3A_204 = arith.constant 0 : i32
        %dma_wait3A_205 = tpu.memref_slice %arg2[%mul3A_53, %dma_wait3A_204] : memref<800000x64xf32, #tpu.memory_space<hbm>> -> memref<128x64xf32, #tpu.memory_space<hbm>>
        tpu.wait_dma2 semaphore(%run_scoped3A : memref<!tpu.dma_semaphore, #tpu.memory_space<semaphore_mem>>) src(%dma_wait3A_205 : memref<128x64xf32, #tpu.memory_space<hbm>>) dst(%arg8 : memref<128x64xf32, #tpu.memory_space<vmem>>)
        tpu.yield
      }) : () -> ()
      %get3A = arith.constant 0 : index
      %get3A_54 = tpu.vector_load %arg6[%get3A] {strides = array<i32>} : memref<128xi32, #tpu.memory_space<vmem>>, vector<16xi32>,
      %get3A_55 = vector.shape_cast %get3A_54 : vector<16xi32> to vector<16xi32>
      %sub3A_56 = vector.broadcast %mul3A_0 : i32 to vector<16xi32>
      %sub3A_57 = arith.subi %get3A_55, %sub3A_56 : vector<16xi32>
      %ge3A = arith.constant 0 : i32
      %ge3A_58 = vector.broadcast %ge3A : i32 to vector<16xi32>
      %ge3A_59 = arith.cmpi sge, %sub3A_57, %ge3A_58 : vector<16xi32>
      %lt3A_60 = arith.constant 25000 : i32
      %lt3A_61 = vector.broadcast %lt3A_60 : i32 to vector<16xi32>
      %lt3A_62 = arith.cmpi slt, %sub3A_57, %lt3A_61 : vector<16xi32>
      %and3A = arith.andi %ge3A_59, %lt3A_62 : vector<16xi1>
      %jit3A_63 = arith.constant 25000 : i32
      %broadcast_in_dim3A = vector.broadcast %jit3A_63 : i32 to vector<16xi32>
      %select_n3A = arith.select %and3A, %sub3A_57, %broadcast_in_dim3A : vector<16xi1>, vector<16xi32>
      %swap3A = arith.constant 0 : index
      %swap3A_64 = tpu.vector_load %arg7[%swap3A] {strides = array<i32>} : memref<128xi32, #tpu.memory_space<vmem>>, vector<16xi32>,
      %swap3A_65 = vector.shape_cast %swap3A_64 : vector<16xi32> to vector<16xi32>
      %swap3A_66 = vector.shape_cast %select_n3A : vector<16xi32> to vector<16xi32>
      tpu.vector_store %arg7[%swap3A], %swap3A_66 {strides = array<i32>} : memref<128xi32, #tpu.memory_space<vmem>>, vector<16xi32>,
      %get3A_67 = arith.constant 16 : index
      %get3A_68 = tpu.vector_load %arg6[%get3A_67] {strides = array<i32>} : memref<128xi32, #tpu.memory_space<vmem>>, vector<16xi32>,
      %get3A_69 = vector.shape_cast %get3A_68 : vector<16xi32> to vector<16xi32>
      %sub3A_70 = vector.broadcast %mul3A_0 : i32 to vector<16xi32>
      %sub3A_71 = arith.subi %get3A_69, %sub3A_70 : vector<16xi32>
      %ge3A_72 = arith.constant 0 : i32
      %ge3A_73 = vector.broadcast %ge3A_72 : i32 to vector<16xi32>
      %ge3A_74 = arith.cmpi sge, %sub3A_71, %ge3A_73 : vector<16xi32>
      %lt3A_75 = arith.constant 25000 : i32
      %lt3A_76 = vector.broadcast %lt3A_75 : i32 to vector<16xi32>
      %lt3A_77 = arith.cmpi slt, %sub3A_71, %lt3A_76 : vector<16xi32>
      %and3A_78 = arith.andi %ge3A_74, %lt3A_77 : vector<16xi1>
      %jit3A_79 = arith.constant 25000 : i32
      %broadcast_in_dim3A_80 = vector.broadcast %jit3A_79 : i32 to vector<16xi32>
      %select_n3A_81 = arith.select %and3A_78, %sub3A_71, %broadcast_in_dim3A_80 : vector<16xi1>, vector<16xi32>
      %swap3A_82 = arith.constant 16 : index
      %swap3A_83 = tpu.vector_load %arg7[%swap3A_82] {strides = array<i32>} : memref<128xi32, #tpu.memory_space<vmem>>, vector<16xi32>,
      %swap3A_84 = vector.shape_cast %swap3A_83 : vector<16xi32> to vector<16xi32>
      %swap3A_85 = vector.shape_cast %select_n3A_81 : vector<16xi32> to vector<16xi32>
      tpu.vector_store %arg7[%swap3A_82], %swap3A_85 {strides = array<i32>} : memref<128xi32, #tpu.memory_space<vmem>>, vector<16xi32>,
      %get3A_86 = arith.constant 32 : index
      %get3A_87 = tpu.vector_load %arg6[%get3A_86] {strides = array<i32>} : memref<128xi32, #tpu.memory_space<vmem>>, vector<16xi32>,
      %get3A_88 = vector.shape_cast %get3A_87 : vector<16xi32> to vector<16xi32>
      %sub3A_89 = vector.broadcast %mul3A_0 : i32 to vector<16xi32>
      %sub3A_90 = arith.subi %get3A_88, %sub3A_89 : vector<16xi32>
      %ge3A_91 = arith.constant 0 : i32
      %ge3A_92 = vector.broadcast %ge3A_91 : i32 to vector<16xi32>
      %ge3A_93 = arith.cmpi sge, %sub3A_90, %ge3A_92 : vector<16xi32>
      %lt3A_94 = arith.constant 25000 : i32
      %lt3A_95 = vector.broadcast %lt3A_94 : i32 to vector<16xi32>
      %lt3A_96 = arith.cmpi slt, %sub3A_90, %lt3A_95 : vector<16xi32>
      %and3A_97 = arith.andi %ge3A_93, %lt3A_96 : vector<16xi1>
      %jit3A_98 = arith.constant 25000 : i32
      %broadcast_in_dim3A_99 = vector.broadcast %jit3A_98 : i32 to vector<16xi32>
      %select_n3A_100 = arith.select %and3A_97, %sub3A_90, %broadcast_in_dim3A_99 : vector<16xi1>, vector<16xi32>
      %swap3A_101 = arith.constant 32 : index
      %swap3A_102 = tpu.vector_load %arg7[%swap3A_101] {strides = array<i32>} : memref<128xi32, #tpu.memory_space<vmem>>, vector<16xi32>,
      %swap3A_103 = vector.shape_cast %swap3A_102 : vector<16xi32> to vector<16xi32>
      %swap3A_104 = vector.shape_cast %select_n3A_100 : vector<16xi32> to vector<16xi32>
      tpu.vector_store %arg7[%swap3A_101], %swap3A_104 {strides = array<i32>} : memref<128xi32, #tpu.memory_space<vmem>>, vector<16xi32>,
      %get3A_105 = arith.constant 48 : index
      %get3A_106 = tpu.vector_load %arg6[%get3A_105] {strides = array<i32>} : memref<128xi32, #tpu.memory_space<vmem>>, vector<16xi32>,
      %get3A_107 = vector.shape_cast %get3A_106 : vector<16xi32> to vector<16xi32>
      %sub3A_108 = vector.broadcast %mul3A_0 : i32 to vector<16xi32>
      %sub3A_109 = arith.subi %get3A_107, %sub3A_108 : vector<16xi32>
      %ge3A_110 = arith.constant 0 : i32
      %ge3A_111 = vector.broadcast %ge3A_110 : i32 to vector<16xi32>
      %ge3A_112 = arith.cmpi sge, %sub3A_109, %ge3A_111 : vector<16xi32>
      %lt3A_113 = arith.constant 25000 : i32
      %lt3A_114 = vector.broadcast %lt3A_113 : i32 to vector<16xi32>
      %lt3A_115 = arith.cmpi slt, %sub3A_109, %lt3A_114 : vector<16xi32>
      %and3A_116 = arith.andi %ge3A_112, %lt3A_115 : vector<16xi1>
      %jit3A_117 = arith.constant 25000 : i32
      %broadcast_in_dim3A_118 = vector.broadcast %jit3A_117 : i32 to vector<16xi32>
      %select_n3A_119 = arith.select %and3A_116, %sub3A_109, %broadcast_in_dim3A_118 : vector<16xi1>, vector<16xi32>
      %swap3A_120 = arith.constant 48 : index
      %swap3A_121 = tpu.vector_load %arg7[%swap3A_120] {strides = array<i32>} : memref<128xi32, #tpu.memory_space<vmem>>, vector<16xi32>,
      %swap3A_122 = vector.shape_cast %swap3A_121 : vector<16xi32> to vector<16xi32>
      %swap3A_123 = vector.shape_cast %select_n3A_119 : vector<16xi32> to vector<16xi32>
      tpu.vector_store %arg7[%swap3A_120], %swap3A_123 {strides = array<i32>} : memref<128xi32, #tpu.memory_space<vmem>>, vector<16xi32>,
      %get3A_124 = arith.constant 64 : index
      %get3A_125 = tpu.vector_load %arg6[%get3A_124] {strides = array<i32>} : memref<128xi32, #tpu.memory_space<vmem>>, vector<16xi32>,
      %get3A_126 = vector.shape_cast %get3A_125 : vector<16xi32> to vector<16xi32>
      %sub3A_127 = vector.broadcast %mul3A_0 : i32 to vector<16xi32>
      %sub3A_128 = arith.subi %get3A_126, %sub3A_127 : vector<16xi32>
      %ge3A_129 = arith.constant 0 : i32
      %ge3A_130 = vector.broadcast %ge3A_129 : i32 to vector<16xi32>
      %ge3A_131 = arith.cmpi sge, %sub3A_128, %ge3A_130 : vector<16xi32>
      %lt3A_132 = arith.constant 25000 : i32
      %lt3A_133 = vector.broadcast %lt3A_132 : i32 to vector<16xi32>
      %lt3A_134 = arith.cmpi slt, %sub3A_128, %lt3A_133 : vector<16xi32>
      %and3A_135 = arith.andi %ge3A_131, %lt3A_134 : vector<16xi1>
      %jit3A_136 = arith.constant 25000 : i32
      %broadcast_in_dim3A_137 = vector.broadcast %jit3A_136 : i32 to vector<16xi32>
      %select_n3A_138 = arith.select %and3A_135, %sub3A_128, %broadcast_in_dim3A_137 : vector<16xi1>, vector<16xi32>
      %swap3A_139 = arith.constant 64 : index
      %swap3A_140 = tpu.vector_load %arg7[%swap3A_139] {strides = array<i32>} : memref<128xi32, #tpu.memory_space<vmem>>, vector<16xi32>,
      %swap3A_141 = vector.shape_cast %swap3A_140 : vector<16xi32> to vector<16xi32>
      %swap3A_142 = vector.shape_cast %select_n3A_138 : vector<16xi32> to vector<16xi32>
      tpu.vector_store %arg7[%swap3A_139], %swap3A_142 {strides = array<i32>} : memref<128xi32, #tpu.memory_space<vmem>>, vector<16xi32>,
      %get3A_143 = arith.constant 80 : index
      %get3A_144 = tpu.vector_load %arg6[%get3A_143] {strides = array<i32>} : memref<128xi32, #tpu.memory_space<vmem>>, vector<16xi32>,
      %get3A_145 = vector.shape_cast %get3A_144 : vector<16xi32> to vector<16xi32>
      %sub3A_146 = vector.broadcast %mul3A_0 : i32 to vector<16xi32>
      %sub3A_147 = arith.subi %get3A_145, %sub3A_146 : vector<16xi32>
      %ge3A_148 = arith.constant 0 : i32
      %ge3A_149 = vector.broadcast %ge3A_148 : i32 to vector<16xi32>
      %ge3A_150 = arith.cmpi sge, %sub3A_147, %ge3A_149 : vector<16xi32>
      %lt3A_151 = arith.constant 25000 : i32
      %lt3A_152 = vector.broadcast %lt3A_151 : i32 to vector<16xi32>
      %lt3A_153 = arith.cmpi slt, %sub3A_147, %lt3A_152 : vector<16xi32>
      %and3A_154 = arith.andi %ge3A_150, %lt3A_153 : vector<16xi1>
      %jit3A_155 = arith.constant 25000 : i32
      %broadcast_in_dim3A_156 = vector.broadcast %jit3A_155 : i32 to vector<16xi32>
      %select_n3A_157 = arith.select %and3A_154, %sub3A_147, %broadcast_in_dim3A_156 : vector<16xi1>, vector<16xi32>
      %swap3A_158 = arith.constant 80 : index
      %swap3A_159 = tpu.vector_load %arg7[%swap3A_158] {strides = array<i32>} : memref<128xi32, #tpu.memory_space<vmem>>, vector<16xi32>,
      %swap3A_160 = vector.shape_cast %swap3A_159 : vector<16xi32> to vector<16xi32>
      %swap3A_161 = vector.shape_cast %select_n3A_157 : vector<16xi32> to vector<16xi32>
      tpu.vector_store %arg7[%swap3A_158], %swap3A_161 {strides = array<i32>} : memref<128xi32, #tpu.memory_space<vmem>>, vector<16xi32>,
      %get3A_162 = arith.constant 96 : index
      %get3A_163 = tpu.vector_load %arg6[%get3A_162] {strides = array<i32>} : memref<128xi32, #tpu.memory_space<vmem>>, vector<16xi32>,
      %get3A_164 = vector.shape_cast %get3A_163 : vector<16xi32> to vector<16xi32>
      %sub3A_165 = vector.broadcast %mul3A_0 : i32 to vector<16xi32>
      %sub3A_166 = arith.subi %get3A_164, %sub3A_165 : vector<16xi32>
      %ge3A_167 = arith.constant 0 : i32
      %ge3A_168 = vector.broadcast %ge3A_167 : i32 to vector<16xi32>
      %ge3A_169 = arith.cmpi sge, %sub3A_166, %ge3A_168 : vector<16xi32>
      %lt3A_170 = arith.constant 25000 : i32
      %lt3A_171 = vector.broadcast %lt3A_170 : i32 to vector<16xi32>
      %lt3A_172 = arith.cmpi slt, %sub3A_166, %lt3A_171 : vector<16xi32>
      %and3A_173 = arith.andi %ge3A_169, %lt3A_172 : vector<16xi1>
      %jit3A_174 = arith.constant 25000 : i32
      %broadcast_in_dim3A_175 = vector.broadcast %jit3A_174 : i32 to vector<16xi32>
      %select_n3A_176 = arith.select %and3A_173, %sub3A_166, %broadcast_in_dim3A_175 : vector<16xi1>, vector<16xi32>
      %swap3A_177 = arith.constant 96 : index
      %swap3A_178 = tpu.vector_load %arg7[%swap3A_177] {strides = array<i32>} : memref<128xi32, #tpu.memory_space<vmem>>, vector<16xi32>,
      %swap3A_179 = vector.shape_cast %swap3A_178 : vector<16xi32> to vector<16xi32>
      %swap3A_180 = vector.shape_cast %select_n3A_176 : vector<16xi32> to vector<16xi32>
      tpu.vector_store %arg7[%swap3A_177], %swap3A_180 {strides = array<i32>} : memref<128xi32, #tpu.memory_space<vmem>>, vector<16xi32>,
      %get3A_181 = arith.constant 112 : index
      %get3A_182 = tpu.vector_load %arg6[%get3A_181] {strides = array<i32>} : memref<128xi32, #tpu.memory_space<vmem>>, vector<16xi32>,
      %get3A_183 = vector.shape_cast %get3A_182 : vector<16xi32> to vector<16xi32>
      %sub3A_184 = vector.broadcast %mul3A_0 : i32 to vector<16xi32>
      %sub3A_185 = arith.subi %get3A_183, %sub3A_184 : vector<16xi32>
      %ge3A_186 = arith.constant 0 : i32
      %ge3A_187 = vector.broadcast %ge3A_186 : i32 to vector<16xi32>
      %ge3A_188 = arith.cmpi sge, %sub3A_185, %ge3A_187 : vector<16xi32>
      %lt3A_189 = arith.constant 25000 : i32
      %lt3A_190 = vector.broadcast %lt3A_189 : i32 to vector<16xi32>
      %lt3A_191 = arith.cmpi slt, %sub3A_185, %lt3A_190 : vector<16xi32>
      %and3A_192 = arith.andi %ge3A_188, %lt3A_191 : vector<16xi1>
      %jit3A_193 = arith.constant 25000 : i32
      %broadcast_in_dim3A_194 = vector.broadcast %jit3A_193 : i32 to vector<16xi32>
      %select_n3A_195 = arith.select %and3A_192, %sub3A_185, %broadcast_in_dim3A_194 : vector<16xi1>, vector<16xi32>
      %swap3A_196 = arith.constant 112 : index
      %swap3A_197 = tpu.vector_load %arg7[%swap3A_196] {strides = array<i32>} : memref<128xi32, #tpu.memory_space<vmem>>, vector<16xi32>,
      %swap3A_198 = vector.shape_cast %swap3A_197 : vector<16xi32> to vector<16xi32>
      %swap3A_199 = vector.shape_cast %select_n3A_195 : vector<16xi32> to vector<16xi32>
      tpu.vector_store %arg7[%swap3A_196], %swap3A_199 {strides = array<i32>} : memref<128xi32, #tpu.memory_space<vmem>>, vector<16xi32>,
      "tpu.region"() ({
        %run_scoped3A = tpu.sem_alloc : memref<!tpu.dma_semaphore, #tpu.memory_space<semaphore_mem>>
        %dma_start3A = arith.constant 0 : i32
        %dma_start3A_200 = arith.constant 0 : i32
        %dma_start3A_201 = tpu.memref_slice %arg10[%dma_start3A, %dma_start3A_200] : memref<25088x64xf32, #tpu.memory_space<vmem_shared>> -> memref<25088x64xf32, #tpu.memory_space<vmem_shared>>
        tpu.enqueue_indirect_dma source(%arg8 : memref<128x64xf32, #tpu.memory_space<vmem>>) target(%dma_start3A_201 : memref<25088x64xf32, #tpu.memory_space<vmem_shared>>) offsets(%arg7 : memref<128xi32, #tpu.memory_space<vmem>>) semaphore(%run_scoped3A : memref<!tpu.dma_semaphore, #tpu.memory_space<semaphore_mem>>) {add = true}
        %dma_wait3A = arith.constant 0 : i32
        %dma_wait3A_202 = arith.constant 0 : i32
        %dma_wait3A_203 = tpu.memref_slice %arg10[%dma_wait3A, %dma_wait3A_202] : memref<25088x64xf32, #tpu.memory_space<vmem_shared>> -> memref<25088x64xf32, #tpu.memory_space<vmem_shared>>
        tpu.wait_indirect_dma semaphore(%run_scoped3A : memref<!tpu.dma_semaphore, #tpu.memory_space<semaphore_mem>>) src(%arg8 : memref<128x64xf32, #tpu.memory_space<vmem>>) dst(%dma_wait3A_203 : memref<25088x64xf32, #tpu.memory_space<vmem_shared>>)
        tpu.yield
      }) : () -> ()
    }
    %while3A_40 = arith.constant 1 : i32
    scf.for %while3A_50 = %while3A_38 to %while3A_34 step %while3A_40  : i32 {
      %add3A_51 = arith.addi %mul3A_29, %while3A_50 : i32
      %mul3A_52 = arith.constant 128 : i32
      %mul3A_53 = arith.muli %add3A_51, %mul3A_52 : i32
      "tpu.region"() ({
        %run_scoped3A = tpu.sem_alloc : memref<!tpu.dma_semaphore, #tpu.memory_space<semaphore_mem>>
        %dma_start3A = tpu.memref_slice %arg3[%mul3A_53] : memref<800000xi32, #tpu.memory_space<hbm>> -> memref<128xi32, #tpu.memory_space<hbm>>
        %dma_start3A_200 = tpu.memref_slice %arg3[%mul3A_53] : memref<800000xi32, #tpu.memory_space<hbm>> -> memref<128xi32, #tpu.memory_space<hbm>>
        tpu.enqueue_dma source(%dma_start3A_200 : memref<128xi32, #tpu.memory_space<hbm>>) target(%arg6 : memref<128xi32, #tpu.memory_space<vmem>>) target_semaphore(%run_scoped3A : memref<!tpu.dma_semaphore, #tpu.memory_space<semaphore_mem>>)
        %dma_wait3A = tpu.memref_slice %arg3[%mul3A_53] : memref<800000xi32, #tpu.memory_space<hbm>> -> memref<128xi32, #tpu.memory_space<hbm>>
        %dma_wait3A_201 = tpu.memref_slice %arg3[%mul3A_53] : memref<800000xi32, #tpu.memory_space<hbm>> -> memref<128xi32, #tpu.memory_space<hbm>>
        tpu.wait_dma2 semaphore(%run_scoped3A : memref<!tpu.dma_semaphore, #tpu.memory_space<semaphore_mem>>) src(%dma_wait3A_201 : memref<128xi32, #tpu.memory_space<hbm>>) dst(%arg6 : memref<128xi32, #tpu.memory_space<vmem>>)
        tpu.yield
      }) : () -> ()
      "tpu.region"() ({
        %run_scoped3A = tpu.sem_alloc : memref<!tpu.dma_semaphore, #tpu.memory_space<semaphore_mem>>
        %dma_start3A = arith.constant 0 : i32
        %dma_start3A_200 = tpu.memref_slice %arg2[%mul3A_53, %dma_start3A] : memref<800000x64xf32, #tpu.memory_space<hbm>> -> memref<128x64xf32, #tpu.memory_space<hbm>>
        %dma_start3A_201 = arith.constant 0 : i32
        %dma_start3A_202 = tpu.memref_slice %arg2[%mul3A_53, %dma_start3A_201] : memref<800000x64xf32, #tpu.memory_space<hbm>> -> memref<128x64xf32, #tpu.memory_space<hbm>>
        tpu.enqueue_dma source(%dma_start3A_202 : memref<128x64xf32, #tpu.memory_space<hbm>>) target(%arg8 : memref<128x64xf32, #tpu.memory_space<vmem>>) target_semaphore(%run_scoped3A : memref<!tpu.dma_semaphore, #tpu.memory_space<semaphore_mem>>)
        %dma_wait3A = arith.constant 0 : i32
        %dma_wait3A_203 = tpu.memref_slice %arg2[%mul3A_53, %dma_wait3A] : memref<800000x64xf32, #tpu.memory_space<hbm>> -> memref<128x64xf32, #tpu.memory_space<hbm>>
        %dma_wait3A_204 = arith.constant 0 : i32
        %dma_wait3A_205 = tpu.memref_slice %arg2[%mul3A_53, %dma_wait3A_204] : memref<800000x64xf32, #tpu.memory_space<hbm>> -> memref<128x64xf32, #tpu.memory_space<hbm>>
        tpu.wait_dma2 semaphore(%run_scoped3A : memref<!tpu.dma_semaphore, #tpu.memory_space<semaphore_mem>>) src(%dma_wait3A_205 : memref<128x64xf32, #tpu.memory_space<hbm>>) dst(%arg8 : memref<128x64xf32, #tpu.memory_space<vmem>>)
        tpu.yield
      }) : () -> ()
      %get3A = arith.constant 0 : index
      %get3A_54 = tpu.vector_load %arg6[%get3A] {strides = array<i32>} : memref<128xi32, #tpu.memory_space<vmem>>, vector<16xi32>,
      %get3A_55 = vector.shape_cast %get3A_54 : vector<16xi32> to vector<16xi32>
      %sub3A_56 = vector.broadcast %mul3A_0 : i32 to vector<16xi32>
      %sub3A_57 = arith.subi %get3A_55, %sub3A_56 : vector<16xi32>
      %ge3A = arith.constant 0 : i32
      %ge3A_58 = vector.broadcast %ge3A : i32 to vector<16xi32>
      %ge3A_59 = arith.cmpi sge, %sub3A_57, %ge3A_58 : vector<16xi32>
      %lt3A_60 = arith.constant 25000 : i32
      %lt3A_61 = vector.broadcast %lt3A_60 : i32 to vector<16xi32>
      %lt3A_62 = arith.cmpi slt, %sub3A_57, %lt3A_61 : vector<16xi32>
      %and3A = arith.andi %ge3A_59, %lt3A_62 : vector<16xi1>
      %jit3A_63 = arith.constant 25000 : i32
      %broadcast_in_dim3A = vector.broadcast %jit3A_63 : i32 to vector<16xi32>
      %select_n3A = arith.select %and3A, %sub3A_57, %broadcast_in_dim3A : vector<16xi1>, vector<16xi32>
      %swap3A = arith.constant 0 : index
      %swap3A_64 = tpu.vector_load %arg7[%swap3A] {strides = array<i32>} : memref<128xi32, #tpu.memory_space<vmem>>, vector<16xi32>,
      %swap3A_65 = vector.shape_cast %swap3A_64 : vector<16xi32> to vector<16xi32>
      %swap3A_66 = vector.shape_cast %select_n3A : vector<16xi32> to vector<16xi32>
      tpu.vector_store %arg7[%swap3A], %swap3A_66 {strides = array<i32>} : memref<128xi32, #tpu.memory_space<vmem>>, vector<16xi32>,
      %get3A_67 = arith.constant 16 : index
      %get3A_68 = tpu.vector_load %arg6[%get3A_67] {strides = array<i32>} : memref<128xi32, #tpu.memory_space<vmem>>, vector<16xi32>,
      %get3A_69 = vector.shape_cast %get3A_68 : vector<16xi32> to vector<16xi32>
      %sub3A_70 = vector.broadcast %mul3A_0 : i32 to vector<16xi32>
      %sub3A_71 = arith.subi %get3A_69, %sub3A_70 : vector<16xi32>
      %ge3A_72 = arith.constant 0 : i32
      %ge3A_73 = vector.broadcast %ge3A_72 : i32 to vector<16xi32>
      %ge3A_74 = arith.cmpi sge, %sub3A_71, %ge3A_73 : vector<16xi32>
      %lt3A_75 = arith.constant 25000 : i32
      %lt3A_76 = vector.broadcast %lt3A_75 : i32 to vector<16xi32>
      %lt3A_77 = arith.cmpi slt, %sub3A_71, %lt3A_76 : vector<16xi32>
      %and3A_78 = arith.andi %ge3A_74, %lt3A_77 : vector<16xi1>
      %jit3A_79 = arith.constant 25000 : i32
      %broadcast_in_dim3A_80 = vector.broadcast %jit3A_79 : i32 to vector<16xi32>
      %select_n3A_81 = arith.select %and3A_78, %sub3A_71, %broadcast_in_dim3A_80 : vector<16xi1>, vector<16xi32>
      %swap3A_82 = arith.constant 16 : index
      %swap3A_83 = tpu.vector_load %arg7[%swap3A_82] {strides = array<i32>} : memref<128xi32, #tpu.memory_space<vmem>>, vector<16xi32>,
      %swap3A_84 = vector.shape_cast %swap3A_83 : vector<16xi32> to vector<16xi32>
      %swap3A_85 = vector.shape_cast %select_n3A_81 : vector<16xi32> to vector<16xi32>
      tpu.vector_store %arg7[%swap3A_82], %swap3A_85 {strides = array<i32>} : memref<128xi32, #tpu.memory_space<vmem>>, vector<16xi32>,
      %get3A_86 = arith.constant 32 : index
      %get3A_87 = tpu.vector_load %arg6[%get3A_86] {strides = array<i32>} : memref<128xi32, #tpu.memory_space<vmem>>, vector<16xi32>,
      %get3A_88 = vector.shape_cast %get3A_87 : vector<16xi32> to vector<16xi32>
      %sub3A_89 = vector.broadcast %mul3A_0 : i32 to vector<16xi32>
      %sub3A_90 = arith.subi %get3A_88, %sub3A_89 : vector<16xi32>
      %ge3A_91 = arith.constant 0 : i32
      %ge3A_92 = vector.broadcast %ge3A_91 : i32 to vector<16xi32>
      %ge3A_93 = arith.cmpi sge, %sub3A_90, %ge3A_92 : vector<16xi32>
      %lt3A_94 = arith.constant 25000 : i32
      %lt3A_95 = vector.broadcast %lt3A_94 : i32 to vector<16xi32>
      %lt3A_96 = arith.cmpi slt, %sub3A_90, %lt3A_95 : vector<16xi32>
      %and3A_97 = arith.andi %ge3A_93, %lt3A_96 : vector<16xi1>
      %jit3A_98 = arith.constant 25000 : i32
      %broadcast_in_dim3A_99 = vector.broadcast %jit3A_98 : i32 to vector<16xi32>
      %select_n3A_100 = arith.select %and3A_97, %sub3A_90, %broadcast_in_dim3A_99 : vector<16xi1>, vector<16xi32>
      %swap3A_101 = arith.constant 32 : index
      %swap3A_102 = tpu.vector_load %arg7[%swap3A_101] {strides = array<i32>} : memref<128xi32, #tpu.memory_space<vmem>>, vector<16xi32>,
      %swap3A_103 = vector.shape_cast %swap3A_102 : vector<16xi32> to vector<16xi32>
      %swap3A_104 = vector.shape_cast %select_n3A_100 : vector<16xi32> to vector<16xi32>
      tpu.vector_store %arg7[%swap3A_101], %swap3A_104 {strides = array<i32>} : memref<128xi32, #tpu.memory_space<vmem>>, vector<16xi32>,
      %get3A_105 = arith.constant 48 : index
      %get3A_106 = tpu.vector_load %arg6[%get3A_105] {strides = array<i32>} : memref<128xi32, #tpu.memory_space<vmem>>, vector<16xi32>,
      %get3A_107 = vector.shape_cast %get3A_106 : vector<16xi32> to vector<16xi32>
      %sub3A_108 = vector.broadcast %mul3A_0 : i32 to vector<16xi32>
      %sub3A_109 = arith.subi %get3A_107, %sub3A_108 : vector<16xi32>
      %ge3A_110 = arith.constant 0 : i32
      %ge3A_111 = vector.broadcast %ge3A_110 : i32 to vector<16xi32>
      %ge3A_112 = arith.cmpi sge, %sub3A_109, %ge3A_111 : vector<16xi32>
      %lt3A_113 = arith.constant 25000 : i32
      %lt3A_114 = vector.broadcast %lt3A_113 : i32 to vector<16xi32>
      %lt3A_115 = arith.cmpi slt, %sub3A_109, %lt3A_114 : vector<16xi32>
      %and3A_116 = arith.andi %ge3A_112, %lt3A_115 : vector<16xi1>
      %jit3A_117 = arith.constant 25000 : i32
      %broadcast_in_dim3A_118 = vector.broadcast %jit3A_117 : i32 to vector<16xi32>
      %select_n3A_119 = arith.select %and3A_116, %sub3A_109, %broadcast_in_dim3A_118 : vector<16xi1>, vector<16xi32>
      %swap3A_120 = arith.constant 48 : index
      %swap3A_121 = tpu.vector_load %arg7[%swap3A_120] {strides = array<i32>} : memref<128xi32, #tpu.memory_space<vmem>>, vector<16xi32>,
      %swap3A_122 = vector.shape_cast %swap3A_121 : vector<16xi32> to vector<16xi32>
      %swap3A_123 = vector.shape_cast %select_n3A_119 : vector<16xi32> to vector<16xi32>
      tpu.vector_store %arg7[%swap3A_120], %swap3A_123 {strides = array<i32>} : memref<128xi32, #tpu.memory_space<vmem>>, vector<16xi32>,
      %get3A_124 = arith.constant 64 : index
      %get3A_125 = tpu.vector_load %arg6[%get3A_124] {strides = array<i32>} : memref<128xi32, #tpu.memory_space<vmem>>, vector<16xi32>,
      %get3A_126 = vector.shape_cast %get3A_125 : vector<16xi32> to vector<16xi32>
      %sub3A_127 = vector.broadcast %mul3A_0 : i32 to vector<16xi32>
      %sub3A_128 = arith.subi %get3A_126, %sub3A_127 : vector<16xi32>
      %ge3A_129 = arith.constant 0 : i32
      %ge3A_130 = vector.broadcast %ge3A_129 : i32 to vector<16xi32>
      %ge3A_131 = arith.cmpi sge, %sub3A_128, %ge3A_130 : vector<16xi32>
      %lt3A_132 = arith.constant 25000 : i32
      %lt3A_133 = vector.broadcast %lt3A_132 : i32 to vector<16xi32>
      %lt3A_134 = arith.cmpi slt, %sub3A_128, %lt3A_133 : vector<16xi32>
      %and3A_135 = arith.andi %ge3A_131, %lt3A_134 : vector<16xi1>
      %jit3A_136 = arith.constant 25000 : i32
      %broadcast_in_dim3A_137 = vector.broadcast %jit3A_136 : i32 to vector<16xi32>
      %select_n3A_138 = arith.select %and3A_135, %sub3A_128, %broadcast_in_dim3A_137 : vector<16xi1>, vector<16xi32>
      %swap3A_139 = arith.constant 64 : index
      %swap3A_140 = tpu.vector_load %arg7[%swap3A_139] {strides = array<i32>} : memref<128xi32, #tpu.memory_space<vmem>>, vector<16xi32>,
      %swap3A_141 = vector.shape_cast %swap3A_140 : vector<16xi32> to vector<16xi32>
      %swap3A_142 = vector.shape_cast %select_n3A_138 : vector<16xi32> to vector<16xi32>
      tpu.vector_store %arg7[%swap3A_139], %swap3A_142 {strides = array<i32>} : memref<128xi32, #tpu.memory_space<vmem>>, vector<16xi32>,
      %get3A_143 = arith.constant 80 : index
      %get3A_144 = tpu.vector_load %arg6[%get3A_143] {strides = array<i32>} : memref<128xi32, #tpu.memory_space<vmem>>, vector<16xi32>,
      %get3A_145 = vector.shape_cast %get3A_144 : vector<16xi32> to vector<16xi32>
      %sub3A_146 = vector.broadcast %mul3A_0 : i32 to vector<16xi32>
      %sub3A_147 = arith.subi %get3A_145, %sub3A_146 : vector<16xi32>
      %ge3A_148 = arith.constant 0 : i32
      %ge3A_149 = vector.broadcast %ge3A_148 : i32 to vector<16xi32>
      %ge3A_150 = arith.cmpi sge, %sub3A_147, %ge3A_149 : vector<16xi32>
      %lt3A_151 = arith.constant 25000 : i32
      %lt3A_152 = vector.broadcast %lt3A_151 : i32 to vector<16xi32>
      %lt3A_153 = arith.cmpi slt, %sub3A_147, %lt3A_152 : vector<16xi32>
      %and3A_154 = arith.andi %ge3A_150, %lt3A_153 : vector<16xi1>
      %jit3A_155 = arith.constant 25000 : i32
      %broadcast_in_dim3A_156 = vector.broadcast %jit3A_155 : i32 to vector<16xi32>
      %select_n3A_157 = arith.select %and3A_154, %sub3A_147, %broadcast_in_dim3A_156 : vector<16xi1>, vector<16xi32>
      %swap3A_158 = arith.constant 80 : index
      %swap3A_159 = tpu.vector_load %arg7[%swap3A_158] {strides = array<i32>} : memref<128xi32, #tpu.memory_space<vmem>>, vector<16xi32>,
      %swap3A_160 = vector.shape_cast %swap3A_159 : vector<16xi32> to vector<16xi32>
      %swap3A_161 = vector.shape_cast %select_n3A_157 : vector<16xi32> to vector<16xi32>
      tpu.vector_store %arg7[%swap3A_158], %swap3A_161 {strides = array<i32>} : memref<128xi32, #tpu.memory_space<vmem>>, vector<16xi32>,
      %get3A_162 = arith.constant 96 : index
      %get3A_163 = tpu.vector_load %arg6[%get3A_162] {strides = array<i32>} : memref<128xi32, #tpu.memory_space<vmem>>, vector<16xi32>,
      %get3A_164 = vector.shape_cast %get3A_163 : vector<16xi32> to vector<16xi32>
      %sub3A_165 = vector.broadcast %mul3A_0 : i32 to vector<16xi32>
      %sub3A_166 = arith.subi %get3A_164, %sub3A_165 : vector<16xi32>
      %ge3A_167 = arith.constant 0 : i32
      %ge3A_168 = vector.broadcast %ge3A_167 : i32 to vector<16xi32>
      %ge3A_169 = arith.cmpi sge, %sub3A_166, %ge3A_168 : vector<16xi32>
      %lt3A_170 = arith.constant 25000 : i32
      %lt3A_171 = vector.broadcast %lt3A_170 : i32 to vector<16xi32>
      %lt3A_172 = arith.cmpi slt, %sub3A_166, %lt3A_171 : vector<16xi32>
      %and3A_173 = arith.andi %ge3A_169, %lt3A_172 : vector<16xi1>
      %jit3A_174 = arith.constant 25000 : i32
      %broadcast_in_dim3A_175 = vector.broadcast %jit3A_174 : i32 to vector<16xi32>
      %select_n3A_176 = arith.select %and3A_173, %sub3A_166, %broadcast_in_dim3A_175 : vector<16xi1>, vector<16xi32>
      %swap3A_177 = arith.constant 96 : index
      %swap3A_178 = tpu.vector_load %arg7[%swap3A_177] {strides = array<i32>} : memref<128xi32, #tpu.memory_space<vmem>>, vector<16xi32>,
      %swap3A_179 = vector.shape_cast %swap3A_178 : vector<16xi32> to vector<16xi32>
      %swap3A_180 = vector.shape_cast %select_n3A_176 : vector<16xi32> to vector<16xi32>
      tpu.vector_store %arg7[%swap3A_177], %swap3A_180 {strides = array<i32>} : memref<128xi32, #tpu.memory_space<vmem>>, vector<16xi32>,
      %get3A_181 = arith.constant 112 : index
      %get3A_182 = tpu.vector_load %arg6[%get3A_181] {strides = array<i32>} : memref<128xi32, #tpu.memory_space<vmem>>, vector<16xi32>,
      %get3A_183 = vector.shape_cast %get3A_182 : vector<16xi32> to vector<16xi32>
      %sub3A_184 = vector.broadcast %mul3A_0 : i32 to vector<16xi32>
      %sub3A_185 = arith.subi %get3A_183, %sub3A_184 : vector<16xi32>
      %ge3A_186 = arith.constant 0 : i32
      %ge3A_187 = vector.broadcast %ge3A_186 : i32 to vector<16xi32>
      %ge3A_188 = arith.cmpi sge, %sub3A_185, %ge3A_187 : vector<16xi32>
      %lt3A_189 = arith.constant 25000 : i32
      %lt3A_190 = vector.broadcast %lt3A_189 : i32 to vector<16xi32>
      %lt3A_191 = arith.cmpi slt, %sub3A_185, %lt3A_190 : vector<16xi32>
      %and3A_192 = arith.andi %ge3A_188, %lt3A_191 : vector<16xi1>
      %jit3A_193 = arith.constant 25000 : i32
      %broadcast_in_dim3A_194 = vector.broadcast %jit3A_193 : i32 to vector<16xi32>
      %select_n3A_195 = arith.select %and3A_192, %sub3A_185, %broadcast_in_dim3A_194 : vector<16xi1>, vector<16xi32>
      %swap3A_196 = arith.constant 112 : index
      %swap3A_197 = tpu.vector_load %arg7[%swap3A_196] {strides = array<i32>} : memref<128xi32, #tpu.memory_space<vmem>>, vector<16xi32>,
      %swap3A_198 = vector.shape_cast %swap3A_197 : vector<16xi32> to vector<16xi32>
      %swap3A_199 = vector.shape_cast %select_n3A_195 : vector<16xi32> to vector<16xi32>
      tpu.vector_store %arg7[%swap3A_196], %swap3A_199 {strides = array<i32>} : memref<128xi32, #tpu.memory_space<vmem>>, vector<16xi32>,
      "tpu.region"() ({
        %run_scoped3A = tpu.sem_alloc : memref<!tpu.dma_semaphore, #tpu.memory_space<semaphore_mem>>
        %dma_start3A = arith.constant 0 : i32
        %dma_start3A_200 = arith.constant 0 : i32
        %dma_start3A_201 = tpu.memref_slice %arg10[%dma_start3A, %dma_start3A_200] : memref<25088x64xf32, #tpu.memory_space<vmem_shared>> -> memref<25088x64xf32, #tpu.memory_space<vmem_shared>>
        tpu.enqueue_indirect_dma source(%arg8 : memref<128x64xf32, #tpu.memory_space<vmem>>) target(%dma_start3A_201 : memref<25088x64xf32, #tpu.memory_space<vmem_shared>>) offsets(%arg7 : memref<128xi32, #tpu.memory_space<vmem>>) semaphore(%run_scoped3A : memref<!tpu.dma_semaphore, #tpu.memory_space<semaphore_mem>>) {add = true}
        %dma_wait3A = arith.constant 0 : i32
        %dma_wait3A_202 = arith.constant 0 : i32
        %dma_wait3A_203 = tpu.memref_slice %arg10[%dma_wait3A, %dma_wait3A_202] : memref<25088x64xf32, #tpu.memory_space<vmem_shared>> -> memref<25088x64xf32, #tpu.memory_space<vmem_shared>>
        tpu.wait_indirect_dma semaphore(%run_scoped3A : memref<!tpu.dma_semaphore, #tpu.memory_space<semaphore_mem>>) src(%arg8 : memref<128x64xf32, #tpu.memory_space<vmem>>) dst(%dma_wait3A_203 : memref<25088x64xf32, #tpu.memory_space<vmem_shared>>)
        tpu.yield
      }) : () -> ()
    }
    %barrier3A_41 = arith.constant 0 : index
    tpu.barrier barrier_id(%barrier3A_41)
    %mul3A_42 = arith.constant 1568 : i32
    %mul3A_43 = arith.muli %arg1, %mul3A_42 : i32
    %lt3A = arith.constant 15 : i32
    %lt3A_44 = arith.cmpi slt, %arg1, %lt3A : i32
    %convert_element_type3A = arith.extui %lt3A_44 : i1 to i32
    %cond3A = arith.constant 0 : i32
    %cond3A_45 = arith.cmpi ne, %convert_element_type3A, %cond3A : i32
    scf.if %cond3A_45 {
      %add3A_50 = arith.addi %mul3A_0, %mul3A_43 : i32
      "tpu.region"() ({
        %run_scoped3A = tpu.sem_alloc : memref<!tpu.dma_semaphore, #tpu.memory_space<semaphore_mem>>
        %dma_start3A = arith.constant 0 : i32
        %dma_start3A_51 = tpu.memref_slice %arg5[%add3A_50, %dma_start3A] : memref<50000x64xf32, #tpu.memory_space<hbm>> -> memref<1568x64xf32, #tpu.memory_space<hbm>>
        %dma_start3A_52 = arith.constant 0 : i32
        %dma_start3A_53 = tpu.memref_slice %arg10[%mul3A_43, %dma_start3A_52] : memref<25088x64xf32, #tpu.memory_space<vmem_shared>> -> memref<1568x64xf32, #tpu.memory_space<vmem_shared>>
        tpu.enqueue_dma source(%dma_start3A_53 : memref<1568x64xf32, #tpu.memory_space<vmem_shared>>) target(%dma_start3A_51 : memref<1568x64xf32, #tpu.memory_space<hbm>>) target_semaphore(%run_scoped3A : memref<!tpu.dma_semaphore, #tpu.memory_space<semaphore_mem>>)
        %dma_wait3A = arith.constant 0 : i32
        %dma_wait3A_54 = tpu.memref_slice %arg5[%add3A_50, %dma_wait3A] : memref<50000x64xf32, #tpu.memory_space<hbm>> -> memref<1568x64xf32, #tpu.memory_space<hbm>>
        %dma_wait3A_55 = arith.constant 0 : i32
        %dma_wait3A_56 = tpu.memref_slice %arg10[%mul3A_43, %dma_wait3A_55] : memref<25088x64xf32, #tpu.memory_space<vmem_shared>> -> memref<1568x64xf32, #tpu.memory_space<vmem_shared>>
        tpu.wait_dma2 semaphore(%run_scoped3A : memref<!tpu.dma_semaphore, #tpu.memory_space<semaphore_mem>>) src(%dma_wait3A_56 : memref<1568x64xf32, #tpu.memory_space<vmem_shared>>) dst(%dma_wait3A_54 : memref<1568x64xf32, #tpu.memory_space<hbm>>)
        tpu.yield
      }) : () -> ()
    } else {
    }
    %eq3A = arith.constant 15 : i32
    %eq3A_46 = arith.cmpi eq, %arg1, %eq3A : i32
    %convert_element_type3A_47 = arith.extui %eq3A_46 : i1 to i32
    %cond3A_48 = arith.constant 0 : i32
    %cond3A_49 = arith.cmpi ne, %convert_element_type3A_47, %cond3A_48 : i32
    scf.if %cond3A_49 {
      %add3A_50 = arith.addi %mul3A_0, %mul3A_43 : i32
      "tpu.region"() ({
        %run_scoped3A = tpu.sem_alloc : memref<!tpu.dma_semaphore, #tpu.memory_space<semaphore_mem>>
        %dma_start3A = arith.constant 0 : i32
        %dma_start3A_51 = tpu.memref_slice %arg5[%add3A_50, %dma_start3A] : memref<50000x64xf32, #tpu.memory_space<hbm>> -> memref<1480x64xf32, #tpu.memory_space<hbm>>
        %dma_start3A_52 = arith.constant 0 : i32
        %dma_start3A_53 = tpu.memref_slice %arg10[%mul3A_43, %dma_start3A_52] : memref<25088x64xf32, #tpu.memory_space<vmem_shared>> -> memref<1480x64xf32, #tpu.memory_space<vmem_shared>>
        tpu.enqueue_dma source(%dma_start3A_53 : memref<1480x64xf32, #tpu.memory_space<vmem_shared>>) target(%dma_start3A_51 : memref<1480x64xf32, #tpu.memory_space<hbm>>) target_semaphore(%run_scoped3A : memref<!tpu.dma_semaphore, #tpu.memory_space<semaphore_mem>>)
        %dma_wait3A = arith.constant 0 : i32
        %dma_wait3A_54 = tpu.memref_slice %arg5[%add3A_50, %dma_wait3A] : memref<50000x64xf32, #tpu.memory_space<hbm>> -> memref<1480x64xf32, #tpu.memory_space<hbm>>
        %dma_wait3A_55 = arith.constant 0 : i32
        %dma_wait3A_56 = tpu.memref_slice %arg10[%mul3A_43, %dma_wait3A_55] : memref<25088x64xf32, #tpu.memory_space<vmem_shared>> -> memref<1480x64xf32, #tpu.memory_space<vmem_shared>>
        tpu.wait_dma2 semaphore(%run_scoped3A : memref<!tpu.dma_semaphore, #tpu.memory_space<semaphore_mem>>) src(%dma_wait3A_56 : memref<1480x64xf32, #tpu.memory_space<vmem_shared>>) dst(%dma_wait3A_54 : memref<1480x64xf32, #tpu.memory_space<hbm>>)
        tpu.yield
      }) : () -> ()
    } else {
    }
    return
  }
}

#map = affine_map<(d0, d1) -> (0, 0)>
#map1 = affine_map<(d0, d1) -> (0)>
module attributes {stable_mosaic.version = 14 : i64} {
  func.func @gather(%arg0: i32, %arg1: i32, %arg2: memref<50000x64xf32, #tpu.memory_space<hbm>>, %arg3: memref<800000xi32, #tpu.memory_space<hbm>>, %arg4: memref<800000x64xf32, #tpu.memory_space<hbm>>, %arg5: memref<128xi32, #tpu.memory_space<vmem>>, %arg6: memref<128x64xf32, #tpu.memory_space<vmem>>, %arg7: memref<!tpu.dma_semaphore, #tpu.memory_space<semaphore_mem>>) attributes {dimension_semantics = [#tpu.dimension_semantics<core_parallel>, #tpu.dimension_semantics<subcore_parallel>], iteration_bounds = array<i64: 2, 16>, scalar_prefetch = 0 : i64, scratch_operands = 3 : i64, tpu.core_type = #tpu.core_type<sc_vector_subcore>, window_params = [{transform_indices = #map}, {transform_indices = #map1}, {transform_indices = #map}]} {
    %mul3A = arith.constant 2 : i32
    %mul3A_0 = arith.muli %arg1, %mul3A : i32
    %add3A = arith.addi %mul3A_0, %arg0 : i32
    %mul3A_1 = arith.constant 196 : i32
    %mul3A_2 = arith.muli %add3A, %mul3A_1 : i32
    %sub3A = arith.constant 6250 : i32
    %sub3A_3 = arith.subi %sub3A, %mul3A_2 : i32
    %jit3A = arith.constant 0 : i32
    %jit3A_4 = arith.constant 196 : i32
    %max3A = arith.maxsi %jit3A, %sub3A_3 : i32
    %min3A = arith.minsi %jit3A_4, %max3A : i32
    %while3A = arith.constant 0 : i32
    %while3A_5 = arith.constant 0 : i32
    %while3A_6 = arith.subi %min3A, %while3A_5 : i32
    %while3A_7 = arith.addi %while3A_5, %while3A_6 : i32
    %while3A_8 = arith.constant 1 : i32
    %while3A_9 = arith.divsi %while3A_6, %while3A_8 : i32
    %while3A_10 = arith.muli %while3A_9, %while3A_8 : i32
    %while3A_11 = arith.addi %while3A_5, %while3A_10 : i32
    %while3A_12 = arith.constant 1 : i32
    scf.for %while3A_14 = %while3A_5 to %while3A_11 step %while3A_12  : i32 {
      %add3A_15 = arith.addi %mul3A_2, %while3A_14 : i32
      %mul3A_16 = arith.constant 128 : i32
      %mul3A_17 = arith.muli %add3A_15, %mul3A_16 : i32
      "tpu.region"() ({
        %run_scoped3A = tpu.sem_alloc : memref<!tpu.dma_semaphore, #tpu.memory_space<semaphore_mem>>
        %dma_start3A_22 = tpu.memref_slice %arg3[%mul3A_17] : memref<800000xi32, #tpu.memory_space<hbm>> -> memref<128xi32, #tpu.memory_space<hbm>>
        %dma_start3A_23 = tpu.memref_slice %arg3[%mul3A_17] : memref<800000xi32, #tpu.memory_space<hbm>> -> memref<128xi32, #tpu.memory_space<hbm>>
        tpu.enqueue_dma source(%dma_start3A_23 : memref<128xi32, #tpu.memory_space<hbm>>) target(%arg5 : memref<128xi32, #tpu.memory_space<vmem>>) target_semaphore(%run_scoped3A : memref<!tpu.dma_semaphore, #tpu.memory_space<semaphore_mem>>)
        %dma_wait3A_24 = tpu.memref_slice %arg3[%mul3A_17] : memref<800000xi32, #tpu.memory_space<hbm>> -> memref<128xi32, #tpu.memory_space<hbm>>
        %dma_wait3A_25 = tpu.memref_slice %arg3[%mul3A_17] : memref<800000xi32, #tpu.memory_space<hbm>> -> memref<128xi32, #tpu.memory_space<hbm>>
        tpu.wait_dma2 semaphore(%run_scoped3A : memref<!tpu.dma_semaphore, #tpu.memory_space<semaphore_mem>>) src(%dma_wait3A_25 : memref<128xi32, #tpu.memory_space<hbm>>) dst(%arg5 : memref<128xi32, #tpu.memory_space<vmem>>)
        tpu.yield
      }) : () -> ()
      %dma_start3A = arith.constant 0 : i32
      %dma_start3A_18 = arith.constant 0 : i32
      %dma_start3A_19 = tpu.memref_slice %arg2[%dma_start3A, %dma_start3A_18] : memref<50000x64xf32, #tpu.memory_space<hbm>> -> memref<50000x64xf32, #tpu.memory_space<hbm>>
      tpu.enqueue_indirect_dma source(%dma_start3A_19 : memref<50000x64xf32, #tpu.memory_space<hbm>>) target(%arg6 : memref<128x64xf32, #tpu.memory_space<vmem>>) offsets(%arg5 : memref<128xi32, #tpu.memory_space<vmem>>) semaphore(%arg7 : memref<!tpu.dma_semaphore, #tpu.memory_space<semaphore_mem>>)
      %dma_wait3A = arith.constant 0 : i32
      %dma_wait3A_20 = arith.constant 0 : i32
      %dma_wait3A_21 = tpu.memref_slice %arg2[%dma_wait3A, %dma_wait3A_20] : memref<50000x64xf32, #tpu.memory_space<hbm>> -> memref<50000x64xf32, #tpu.memory_space<hbm>>
      tpu.wait_indirect_dma semaphore(%arg7 : memref<!tpu.dma_semaphore, #tpu.memory_space<semaphore_mem>>) src(%dma_wait3A_21 : memref<50000x64xf32, #tpu.memory_space<hbm>>) dst(%arg6 : memref<128x64xf32, #tpu.memory_space<vmem>>)
      "tpu.region"() ({
        %run_scoped3A = tpu.sem_alloc : memref<!tpu.dma_semaphore, #tpu.memory_space<semaphore_mem>>
        %dma_start3A_22 = arith.constant 0 : i32
        %dma_start3A_23 = tpu.memref_slice %arg4[%mul3A_17, %dma_start3A_22] : memref<800000x64xf32, #tpu.memory_space<hbm>> -> memref<128x64xf32, #tpu.memory_space<hbm>>
        %dma_start3A_24 = arith.constant 0 : i32
        %dma_start3A_25 = tpu.memref_slice %arg4[%mul3A_17, %dma_start3A_24] : memref<800000x64xf32, #tpu.memory_space<hbm>> -> memref<128x64xf32, #tpu.memory_space<hbm>>
        tpu.enqueue_dma source(%arg6 : memref<128x64xf32, #tpu.memory_space<vmem>>) target(%dma_start3A_25 : memref<128x64xf32, #tpu.memory_space<hbm>>) target_semaphore(%run_scoped3A : memref<!tpu.dma_semaphore, #tpu.memory_space<semaphore_mem>>)
        %dma_wait3A_26 = arith.constant 0 : i32
        %dma_wait3A_27 = tpu.memref_slice %arg4[%mul3A_17, %dma_wait3A_26] : memref<800000x64xf32, #tpu.memory_space<hbm>> -> memref<128x64xf32, #tpu.memory_space<hbm>>
        %dma_wait3A_28 = arith.constant 0 : i32
        %dma_wait3A_29 = tpu.memref_slice %arg4[%mul3A_17, %dma_wait3A_28] : memref<800000x64xf32, #tpu.memory_space<hbm>> -> memref<128x64xf32, #tpu.memory_space<hbm>>
        tpu.wait_dma2 semaphore(%run_scoped3A : memref<!tpu.dma_semaphore, #tpu.memory_space<semaphore_mem>>) src(%arg6 : memref<128x64xf32, #tpu.memory_space<vmem>>) dst(%dma_wait3A_29 : memref<128x64xf32, #tpu.memory_space<hbm>>)
        tpu.yield
      }) : () -> ()
    }
    %while3A_13 = arith.constant 1 : i32
    scf.for %while3A_14 = %while3A_11 to %while3A_7 step %while3A_13  : i32 {
      %add3A_15 = arith.addi %mul3A_2, %while3A_14 : i32
      %mul3A_16 = arith.constant 128 : i32
      %mul3A_17 = arith.muli %add3A_15, %mul3A_16 : i32
      "tpu.region"() ({
        %run_scoped3A = tpu.sem_alloc : memref<!tpu.dma_semaphore, #tpu.memory_space<semaphore_mem>>
        %dma_start3A_22 = tpu.memref_slice %arg3[%mul3A_17] : memref<800000xi32, #tpu.memory_space<hbm>> -> memref<128xi32, #tpu.memory_space<hbm>>
        %dma_start3A_23 = tpu.memref_slice %arg3[%mul3A_17] : memref<800000xi32, #tpu.memory_space<hbm>> -> memref<128xi32, #tpu.memory_space<hbm>>
        tpu.enqueue_dma source(%dma_start3A_23 : memref<128xi32, #tpu.memory_space<hbm>>) target(%arg5 : memref<128xi32, #tpu.memory_space<vmem>>) target_semaphore(%run_scoped3A : memref<!tpu.dma_semaphore, #tpu.memory_space<semaphore_mem>>)
        %dma_wait3A_24 = tpu.memref_slice %arg3[%mul3A_17] : memref<800000xi32, #tpu.memory_space<hbm>> -> memref<128xi32, #tpu.memory_space<hbm>>
        %dma_wait3A_25 = tpu.memref_slice %arg3[%mul3A_17] : memref<800000xi32, #tpu.memory_space<hbm>> -> memref<128xi32, #tpu.memory_space<hbm>>
        tpu.wait_dma2 semaphore(%run_scoped3A : memref<!tpu.dma_semaphore, #tpu.memory_space<semaphore_mem>>) src(%dma_wait3A_25 : memref<128xi32, #tpu.memory_space<hbm>>) dst(%arg5 : memref<128xi32, #tpu.memory_space<vmem>>)
        tpu.yield
      }) : () -> ()
      %dma_start3A = arith.constant 0 : i32
      %dma_start3A_18 = arith.constant 0 : i32
      %dma_start3A_19 = tpu.memref_slice %arg2[%dma_start3A, %dma_start3A_18] : memref<50000x64xf32, #tpu.memory_space<hbm>> -> memref<50000x64xf32, #tpu.memory_space<hbm>>
      tpu.enqueue_indirect_dma source(%dma_start3A_19 : memref<50000x64xf32, #tpu.memory_space<hbm>>) target(%arg6 : memref<128x64xf32, #tpu.memory_space<vmem>>) offsets(%arg5 : memref<128xi32, #tpu.memory_space<vmem>>) semaphore(%arg7 : memref<!tpu.dma_semaphore, #tpu.memory_space<semaphore_mem>>)
      %dma_wait3A = arith.constant 0 : i32
      %dma_wait3A_20 = arith.constant 0 : i32
      %dma_wait3A_21 = tpu.memref_slice %arg2[%dma_wait3A, %dma_wait3A_20] : memref<50000x64xf32, #tpu.memory_space<hbm>> -> memref<50000x64xf32, #tpu.memory_space<hbm>>
      tpu.wait_indirect_dma semaphore(%arg7 : memref<!tpu.dma_semaphore, #tpu.memory_space<semaphore_mem>>) src(%dma_wait3A_21 : memref<50000x64xf32, #tpu.memory_space<hbm>>) dst(%arg6 : memref<128x64xf32, #tpu.memory_space<vmem>>)
      "tpu.region"() ({
        %run_scoped3A = tpu.sem_alloc : memref<!tpu.dma_semaphore, #tpu.memory_space<semaphore_mem>>
        %dma_start3A_22 = arith.constant 0 : i32
        %dma_start3A_23 = tpu.memref_slice %arg4[%mul3A_17, %dma_start3A_22] : memref<800000x64xf32, #tpu.memory_space<hbm>> -> memref<128x64xf32, #tpu.memory_space<hbm>>
        %dma_start3A_24 = arith.constant 0 : i32
        %dma_start3A_25 = tpu.memref_slice %arg4[%mul3A_17, %dma_start3A_24] : memref<800000x64xf32, #tpu.memory_space<hbm>> -> memref<128x64xf32, #tpu.memory_space<hbm>>
        tpu.enqueue_dma source(%arg6 : memref<128x64xf32, #tpu.memory_space<vmem>>) target(%dma_start3A_25 : memref<128x64xf32, #tpu.memory_space<hbm>>) target_semaphore(%run_scoped3A : memref<!tpu.dma_semaphore, #tpu.memory_space<semaphore_mem>>)
        %dma_wait3A_26 = arith.constant 0 : i32
        %dma_wait3A_27 = tpu.memref_slice %arg4[%mul3A_17, %dma_wait3A_26] : memref<800000x64xf32, #tpu.memory_space<hbm>> -> memref<128x64xf32, #tpu.memory_space<hbm>>
        %dma_wait3A_28 = arith.constant 0 : i32
        %dma_wait3A_29 = tpu.memref_slice %arg4[%mul3A_17, %dma_wait3A_28] : memref<800000x64xf32, #tpu.memory_space<hbm>> -> memref<128x64xf32, #tpu.memory_space<hbm>>
        tpu.wait_dma2 semaphore(%run_scoped3A : memref<!tpu.dma_semaphore, #tpu.memory_space<semaphore_mem>>) src(%arg6 : memref<128x64xf32, #tpu.memory_space<vmem>>) dst(%dma_wait3A_29 : memref<128x64xf32, #tpu.memory_space<hbm>>)
        tpu.yield
      }) : () -> ()
    }
    return
  }
}

#map = affine_map<(d0, d1) -> (0, 0)>
#map1 = affine_map<(d0, d1) -> (0)>
module attributes {stable_mosaic.version = 14 : i64} {
  func.func @scatter(%arg0: i32, %arg1: i32, %arg2: memref<800000x64xf32, #tpu.memory_space<hbm>>, %arg3: memref<800000xi32, #tpu.memory_space<hbm>>, %arg4: memref<224x64xf32, #tpu.memory_space<hbm>>, %arg5: memref<50000x64xf32, #tpu.memory_space<hbm>>, %arg6: memref<128xi32, #tpu.memory_space<vmem>>, %arg7: memref<128xi32, #tpu.memory_space<vmem>>, %arg8: memref<128x64xf32, #tpu.memory_space<vmem>>, %arg9: memref<224x64xf32, #tpu.memory_space<vmem>>, %arg10: memref<25088x64xf32, #tpu.memory_space<vmem_shared>>, %arg11: memref<!tpu.dma_semaphore, #tpu.memory_space<semaphore_mem>>) attributes {dimension_semantics = [#tpu.dimension_semantics<core_parallel>, #tpu.dimension_semantics<subcore_parallel>], iteration_bounds = array<i64: 2, 16>, scalar_prefetch = 0 : i64, scratch_operands = 6 : i64, tpu.core_type = #tpu.core_type<sc_vector_subcore>, window_params = [{transform_indices = #map}, {transform_indices = #map1}, {transform_indices = #map}, {transform_indices = #map}]} {
    %mul3A = arith.constant 25000 : i32
    %mul3A_0 = arith.muli %arg0, %mul3A : i32
    "tpu.region"() ({
      %run_scoped3A = tpu.sem_alloc : memref<!tpu.dma_semaphore, #tpu.memory_space<semaphore_mem>>
      tpu.enqueue_dma source(%arg4 : memref<224x64xf32, #tpu.memory_space<hbm>>) target(%arg9 : memref<224x64xf32, #tpu.memory_space<vmem>>) target_semaphore(%run_scoped3A : memref<!tpu.dma_semaphore, #tpu.memory_space<semaphore_mem>>)
      tpu.wait_dma2 semaphore(%run_scoped3A : memref<!tpu.dma_semaphore, #tpu.memory_space<semaphore_mem>>) src(%arg4 : memref<224x64xf32, #tpu.memory_space<hbm>>) dst(%arg9 : memref<224x64xf32, #tpu.memory_space<vmem>>)
      tpu.yield
    }) : () -> ()
    %mul3A_1 = arith.constant 1568 : i32
    %mul3A_2 = arith.muli %arg1, %mul3A_1 : i32
    %add3A = arith.constant 0 : i32
    %add3A_3 = arith.addi %mul3A_2, %add3A : i32
    "tpu.region"() ({
      %run_scoped3A = tpu.sem_alloc : memref<!tpu.dma_semaphore, #tpu.memory_space<semaphore_mem>>
      %dma_start3A = arith.constant 0 : i32
      %dma_start3A_50 = tpu.memref_slice %arg10[%add3A_3, %dma_start3A] : memref<25088x64xf32, #tpu.memory_space<vmem_shared>> -> memref<224x64xf32, #tpu.memory_space<vmem_shared>>
      %dma_start3A_51 = arith.constant 0 : i32
      %dma_start3A_52 = tpu.memref_slice %arg10[%add3A_3, %dma_start3A_51] : memref<25088x64xf32, #tpu.memory_space<vmem_shared>> -> memref<224x64xf32, #tpu.memory_space<vmem_shared>>
      tpu.enqueue_dma source(%arg9 : memref<224x64xf32, #tpu.memory_space<vmem>>) target(%dma_start3A_52 : memref<224x64xf32, #tpu.memory_space<vmem_shared>>) target_semaphore(%run_scoped3A : memref<!tpu.dma_semaphore, #tpu.memory_space<semaphore_mem>>)
      %dma_wait3A = arith.constant 0 : i32
      %dma_wait3A_53 = tpu.memref_slice %arg10[%add3A_3, %dma_wait3A] : memref<25088x64xf32, #tpu.memory_space<vmem_shared>> -> memref<224x64xf32, #tpu.memory_space<vmem_shared>>
      %dma_wait3A_54 = arith.constant 0 : i32
      %dma_wait3A_55 = tpu.memref_slice %arg10[%add3A_3, %dma_wait3A_54] : memref<25088x64xf32, #tpu.memory_space<vmem_shared>> -> memref<224x64xf32, #tpu.memory_space<vmem_shared>>
      tpu.wait_dma2 semaphore(%run_scoped3A : memref<!tpu.dma_semaphore, #tpu.memory_space<semaphore_mem>>) src(%arg9 : memref<224x64xf32, #tpu.memory_space<vmem>>) dst(%dma_wait3A_55 : memref<224x64xf32, #tpu.memory_space<vmem_shared>>)
      tpu.yield
    }) : () -> ()
    %mul3A_4 = arith.constant 1568 : i32
    %mul3A_5 = arith.muli %arg1, %mul3A_4 : i32
    %add3A_6 = arith.constant 224 : i32
    %add3A_7 = arith.addi %mul3A_5, %add3A_6 : i32
    "tpu.region"() ({
      %run_scoped3A = tpu.sem_alloc : memref<!tpu.dma_semaphore, #tpu.memory_space<semaphore_mem>>
      %dma_start3A = arith.constant 0 : i32
      %dma_start3A_50 = tpu.memref_slice %arg10[%add3A_7, %dma_start3A] : memref<25088x64xf32, #tpu.memory_space<vmem_shared>> -> memref<224x64xf32, #tpu.memory_space<vmem_shared>>
      %dma_start3A_51 = arith.constant 0 : i32
      %dma_start3A_52 = tpu.memref_slice %arg10[%add3A_7, %dma_start3A_51] : memref<25088x64xf32, #tpu.memory_space<vmem_shared>> -> memref<224x64xf32, #tpu.memory_space<vmem_shared>>
      tpu.enqueue_dma source(%arg9 : memref<224x64xf32, #tpu.memory_space<vmem>>) target(%dma_start3A_52 : memref<224x64xf32, #tpu.memory_space<vmem_shared>>) target_semaphore(%run_scoped3A : memref<!tpu.dma_semaphore, #tpu.memory_space<semaphore_mem>>)
      %dma_wait3A = arith.constant 0 : i32
      %dma_wait3A_53 = tpu.memref_slice %arg10[%add3A_7, %dma_wait3A] : memref<25088x64xf32, #tpu.memory_space<vmem_shared>> -> memref<224x64xf32, #tpu.memory_space<vmem_shared>>
      %dma_wait3A_54 = arith.constant 0 : i32
      %dma_wait3A_55 = tpu.memref_slice %arg10[%add3A_7, %dma_wait3A_54] : memref<25088x64xf32, #tpu.memory_space<vmem_shared>> -> memref<224x64xf32, #tpu.memory_space<vmem_shared>>
      tpu.wait_dma2 semaphore(%run_scoped3A : memref<!tpu.dma_semaphore, #tpu.memory_space<semaphore_mem>>) src(%arg9 : memref<224x64xf32, #tpu.memory_space<vmem>>) dst(%dma_wait3A_55 : memref<224x64xf32, #tpu.memory_space<vmem_shared>>)
      tpu.yield
    }) : () -> ()
    %mul3A_8 = arith.constant 1568 : i32
    %mul3A_9 = arith.muli %arg1, %mul3A_8 : i32
    %add3A_10 = arith.constant 448 : i32
    %add3A_11 = arith.addi %mul3A_9, %add3A_10 : i32
    "tpu.region"() ({
      %run_scoped3A = tpu.sem_alloc : memref<!tpu.dma_semaphore, #tpu.memory_space<semaphore_mem>>
      %dma_start3A = arith.constant 0 : i32
      %dma_start3A_50 = tpu.memref_slice %arg10[%add3A_11, %dma_start3A] : memref<25088x64xf32, #tpu.memory_space<vmem_shared>> -> memref<224x64xf32, #tpu.memory_space<vmem_shared>>
      %dma_start3A_51 = arith.constant 0 : i32
      %dma_start3A_52 = tpu.memref_slice %arg10[%add3A_11, %dma_start3A_51] : memref<25088x64xf32, #tpu.memory_space<vmem_shared>> -> memref<224x64xf32, #tpu.memory_space<vmem_shared>>
      tpu.enqueue_dma source(%arg9 : memref<224x64xf32, #tpu.memory_space<vmem>>) target(%dma_start3A_52 : memref<224x64xf32, #tpu.memory_space<vmem_shared>>) target_semaphore(%run_scoped3A : memref<!tpu.dma_semaphore, #tpu.memory_space<semaphore_mem>>)
      %dma_wait3A = arith.constant 0 : i32
      %dma_wait3A_53 = tpu.memref_slice %arg10[%add3A_11, %dma_wait3A] : memref<25088x64xf32, #tpu.memory_space<vmem_shared>> -> memref<224x64xf32, #tpu.memory_space<vmem_shared>>
      %dma_wait3A_54 = arith.constant 0 : i32
      %dma_wait3A_55 = tpu.memref_slice %arg10[%add3A_11, %dma_wait3A_54] : memref<25088x64xf32, #tpu.memory_space<vmem_shared>> -> memref<224x64xf32, #tpu.memory_space<vmem_shared>>
      tpu.wait_dma2 semaphore(%run_scoped3A : memref<!tpu.dma_semaphore, #tpu.memory_space<semaphore_mem>>) src(%arg9 : memref<224x64xf32, #tpu.memory_space<vmem>>) dst(%dma_wait3A_55 : memref<224x64xf32, #tpu.memory_space<vmem_shared>>)
      tpu.yield
    }) : () -> ()
    %mul3A_12 = arith.constant 1568 : i32
    %mul3A_13 = arith.muli %arg1, %mul3A_12 : i32
    %add3A_14 = arith.constant 672 : i32
    %add3A_15 = arith.addi %mul3A_13, %add3A_14 : i32
    "tpu.region"() ({
      %run_scoped3A = tpu.sem_alloc : memref<!tpu.dma_semaphore, #tpu.memory_space<semaphore_mem>>
      %dma_start3A = arith.constant 0 : i32
      %dma_start3A_50 = tpu.memref_slice %arg10[%add3A_15, %dma_start3A] : memref<25088x64xf32, #tpu.memory_space<vmem_shared>> -> memref<224x64xf32, #tpu.memory_space<vmem_shared>>
      %dma_start3A_51 = arith.constant 0 : i32
      %dma_start3A_52 = tpu.memref_slice %arg10[%add3A_15, %dma_start3A_51] : memref<25088x64xf32, #tpu.memory_space<vmem_shared>> -> memref<224x64xf32, #tpu.memory_space<vmem_shared>>
      tpu.enqueue_dma source(%arg9 : memref<224x64xf32, #tpu.memory_space<vmem>>) target(%dma_start3A_52 : memref<224x64xf32, #tpu.memory_space<vmem_shared>>) target_semaphore(%run_scoped3A : memref<!tpu.dma_semaphore, #tpu.memory_space<semaphore_mem>>)
      %dma_wait3A = arith.constant 0 : i32
      %dma_wait3A_53 = tpu.memref_slice %arg10[%add3A_15, %dma_wait3A] : memref<25088x64xf32, #tpu.memory_space<vmem_shared>> -> memref<224x64xf32, #tpu.memory_space<vmem_shared>>
      %dma_wait3A_54 = arith.constant 0 : i32
      %dma_wait3A_55 = tpu.memref_slice %arg10[%add3A_15, %dma_wait3A_54] : memref<25088x64xf32, #tpu.memory_space<vmem_shared>> -> memref<224x64xf32, #tpu.memory_space<vmem_shared>>
      tpu.wait_dma2 semaphore(%run_scoped3A : memref<!tpu.dma_semaphore, #tpu.memory_space<semaphore_mem>>) src(%arg9 : memref<224x64xf32, #tpu.memory_space<vmem>>) dst(%dma_wait3A_55 : memref<224x64xf32, #tpu.memory_space<vmem_shared>>)
      tpu.yield
    }) : () -> ()
    %mul3A_16 = arith.constant 1568 : i32
    %mul3A_17 = arith.muli %arg1, %mul3A_16 : i32
    %add3A_18 = arith.constant 896 : i32
    %add3A_19 = arith.addi %mul3A_17, %add3A_18 : i32
    "tpu.region"() ({
      %run_scoped3A = tpu.sem_alloc : memref<!tpu.dma_semaphore, #tpu.memory_space<semaphore_mem>>
      %dma_start3A = arith.constant 0 : i32
      %dma_start3A_50 = tpu.memref_slice %arg10[%add3A_19, %dma_start3A] : memref<25088x64xf32, #tpu.memory_space<vmem_shared>> -> memref<224x64xf32, #tpu.memory_space<vmem_shared>>
      %dma_start3A_51 = arith.constant 0 : i32
      %dma_start3A_52 = tpu.memref_slice %arg10[%add3A_19, %dma_start3A_51] : memref<25088x64xf32, #tpu.memory_space<vmem_shared>> -> memref<224x64xf32, #tpu.memory_space<vmem_shared>>
      tpu.enqueue_dma source(%arg9 : memref<224x64xf32, #tpu.memory_space<vmem>>) target(%dma_start3A_52 : memref<224x64xf32, #tpu.memory_space<vmem_shared>>) target_semaphore(%run_scoped3A : memref<!tpu.dma_semaphore, #tpu.memory_space<semaphore_mem>>)
      %dma_wait3A = arith.constant 0 : i32
      %dma_wait3A_53 = tpu.memref_slice %arg10[%add3A_19, %dma_wait3A] : memref<25088x64xf32, #tpu.memory_space<vmem_shared>> -> memref<224x64xf32, #tpu.memory_space<vmem_shared>>
      %dma_wait3A_54 = arith.constant 0 : i32
      %dma_wait3A_55 = tpu.memref_slice %arg10[%add3A_19, %dma_wait3A_54] : memref<25088x64xf32, #tpu.memory_space<vmem_shared>> -> memref<224x64xf32, #tpu.memory_space<vmem_shared>>
      tpu.wait_dma2 semaphore(%run_scoped3A : memref<!tpu.dma_semaphore, #tpu.memory_space<semaphore_mem>>) src(%arg9 : memref<224x64xf32, #tpu.memory_space<vmem>>) dst(%dma_wait3A_55 : memref<224x64xf32, #tpu.memory_space<vmem_shared>>)
      tpu.yield
    }) : () -> ()
    %mul3A_20 = arith.constant 1568 : i32
    %mul3A_21 = arith.muli %arg1, %mul3A_20 : i32
    %add3A_22 = arith.constant 1120 : i32
    %add3A_23 = arith.addi %mul3A_21, %add3A_22 : i32
    "tpu.region"() ({
      %run_scoped3A = tpu.sem_alloc : memref<!tpu.dma_semaphore, #tpu.memory_space<semaphore_mem>>
      %dma_start3A = arith.constant 0 : i32
      %dma_start3A_50 = tpu.memref_slice %arg10[%add3A_23, %dma_start3A] : memref<25088x64xf32, #tpu.memory_space<vmem_shared>> -> memref<224x64xf32, #tpu.memory_space<vmem_shared>>
      %dma_start3A_51 = arith.constant 0 : i32
      %dma_start3A_52 = tpu.memref_slice %arg10[%add3A_23, %dma_start3A_51] : memref<25088x64xf32, #tpu.memory_space<vmem_shared>> -> memref<224x64xf32, #tpu.memory_space<vmem_shared>>
      tpu.enqueue_dma source(%arg9 : memref<224x64xf32, #tpu.memory_space<vmem>>) target(%dma_start3A_52 : memref<224x64xf32, #tpu.memory_space<vmem_shared>>) target_semaphore(%run_scoped3A : memref<!tpu.dma_semaphore, #tpu.memory_space<semaphore_mem>>)
      %dma_wait3A = arith.constant 0 : i32
      %dma_wait3A_53 = tpu.memref_slice %arg10[%add3A_23, %dma_wait3A] : memref<25088x64xf32, #tpu.memory_space<vmem_shared>> -> memref<224x64xf32, #tpu.memory_space<vmem_shared>>
      %dma_wait3A_54 = arith.constant 0 : i32
      %dma_wait3A_55 = tpu.memref_slice %arg10[%add3A_23, %dma_wait3A_54] : memref<25088x64xf32, #tpu.memory_space<vmem_shared>> -> memref<224x64xf32, #tpu.memory_space<vmem_shared>>
      tpu.wait_dma2 semaphore(%run_scoped3A : memref<!tpu.dma_semaphore, #tpu.memory_space<semaphore_mem>>) src(%arg9 : memref<224x64xf32, #tpu.memory_space<vmem>>) dst(%dma_wait3A_55 : memref<224x64xf32, #tpu.memory_space<vmem_shared>>)
      tpu.yield
    }) : () -> ()
    %mul3A_24 = arith.constant 1568 : i32
    %mul3A_25 = arith.muli %arg1, %mul3A_24 : i32
    %add3A_26 = arith.constant 1344 : i32
    %add3A_27 = arith.addi %mul3A_25, %add3A_26 : i32
    "tpu.region"() ({
      %run_scoped3A = tpu.sem_alloc : memref<!tpu.dma_semaphore, #tpu.memory_space<semaphore_mem>>
      %dma_start3A = arith.constant 0 : i32
      %dma_start3A_50 = tpu.memref_slice %arg10[%add3A_27, %dma_start3A] : memref<25088x64xf32, #tpu.memory_space<vmem_shared>> -> memref<224x64xf32, #tpu.memory_space<vmem_shared>>
      %dma_start3A_51 = arith.constant 0 : i32
      %dma_start3A_52 = tpu.memref_slice %arg10[%add3A_27, %dma_start3A_51] : memref<25088x64xf32, #tpu.memory_space<vmem_shared>> -> memref<224x64xf32, #tpu.memory_space<vmem_shared>>
      tpu.enqueue_dma source(%arg9 : memref<224x64xf32, #tpu.memory_space<vmem>>) target(%dma_start3A_52 : memref<224x64xf32, #tpu.memory_space<vmem_shared>>) target_semaphore(%run_scoped3A : memref<!tpu.dma_semaphore, #tpu.memory_space<semaphore_mem>>)
      %dma_wait3A = arith.constant 0 : i32
      %dma_wait3A_53 = tpu.memref_slice %arg10[%add3A_27, %dma_wait3A] : memref<25088x64xf32, #tpu.memory_space<vmem_shared>> -> memref<224x64xf32, #tpu.memory_space<vmem_shared>>
      %dma_wait3A_54 = arith.constant 0 : i32
      %dma_wait3A_55 = tpu.memref_slice %arg10[%add3A_27, %dma_wait3A_54] : memref<25088x64xf32, #tpu.memory_space<vmem_shared>> -> memref<224x64xf32, #tpu.memory_space<vmem_shared>>
      tpu.wait_dma2 semaphore(%run_scoped3A : memref<!tpu.dma_semaphore, #tpu.memory_space<semaphore_mem>>) src(%arg9 : memref<224x64xf32, #tpu.memory_space<vmem>>) dst(%dma_wait3A_55 : memref<224x64xf32, #tpu.memory_space<vmem_shared>>)
      tpu.yield
    }) : () -> ()
    %barrier3A = arith.constant 0 : index
    tpu.barrier barrier_id(%barrier3A)
    %mul3A_28 = arith.constant 391 : i32
    %mul3A_29 = arith.muli %arg1, %mul3A_28 : i32
    %sub3A = arith.constant 6250 : i32
    %sub3A_30 = arith.subi %sub3A, %mul3A_29 : i32
    %jit3A = arith.constant 0 : i32
    %jit3A_31 = arith.constant 391 : i32
    %max3A = arith.maxsi %jit3A, %sub3A_30 : i32
    %min3A = arith.minsi %jit3A_31, %max3A : i32
    %while3A = arith.constant 0 : i32
    %while3A_32 = arith.constant 0 : i32
    %while3A_33 = arith.subi %min3A, %while3A_32 : i32
    %while3A_34 = arith.addi %while3A_32, %while3A_33 : i32
    %while3A_35 = arith.constant 1 : i32
    %while3A_36 = arith.divsi %while3A_33, %while3A_35 : i32
    %while3A_37 = arith.muli %while3A_36, %while3A_35 : i32
    %while3A_38 = arith.addi %while3A_32, %while3A_37 : i32
    %while3A_39 = arith.constant 1 : i32
    scf.for %while3A_50 = %while3A_32 to %while3A_38 step %while3A_39  : i32 {
      %add3A_51 = arith.addi %mul3A_29, %while3A_50 : i32
      %mul3A_52 = arith.constant 128 : i32
      %mul3A_53 = arith.muli %add3A_51, %mul3A_52 : i32
      "tpu.region"() ({
        %run_scoped3A = tpu.sem_alloc : memref<!tpu.dma_semaphore, #tpu.memory_space<semaphore_mem>>
        %dma_start3A = tpu.memref_slice %arg3[%mul3A_53] : memref<800000xi32, #tpu.memory_space<hbm>> -> memref<128xi32, #tpu.memory_space<hbm>>
        %dma_start3A_200 = tpu.memref_slice %arg3[%mul3A_53] : memref<800000xi32, #tpu.memory_space<hbm>> -> memref<128xi32, #tpu.memory_space<hbm>>
        tpu.enqueue_dma source(%dma_start3A_200 : memref<128xi32, #tpu.memory_space<hbm>>) target(%arg6 : memref<128xi32, #tpu.memory_space<vmem>>) target_semaphore(%run_scoped3A : memref<!tpu.dma_semaphore, #tpu.memory_space<semaphore_mem>>)
        %dma_wait3A = tpu.memref_slice %arg3[%mul3A_53] : memref<800000xi32, #tpu.memory_space<hbm>> -> memref<128xi32, #tpu.memory_space<hbm>>
        %dma_wait3A_201 = tpu.memref_slice %arg3[%mul3A_53] : memref<800000xi32, #tpu.memory_space<hbm>> -> memref<128xi32, #tpu.memory_space<hbm>>
        tpu.wait_dma2 semaphore(%run_scoped3A : memref<!tpu.dma_semaphore, #tpu.memory_space<semaphore_mem>>) src(%dma_wait3A_201 : memref<128xi32, #tpu.memory_space<hbm>>) dst(%arg6 : memref<128xi32, #tpu.memory_space<vmem>>)
        tpu.yield
      }) : () -> ()
      "tpu.region"() ({
        %run_scoped3A = tpu.sem_alloc : memref<!tpu.dma_semaphore, #tpu.memory_space<semaphore_mem>>
        %dma_start3A = arith.constant 0 : i32
        %dma_start3A_200 = tpu.memref_slice %arg2[%mul3A_53, %dma_start3A] : memref<800000x64xf32, #tpu.memory_space<hbm>> -> memref<128x64xf32, #tpu.memory_space<hbm>>
        %dma_start3A_201 = arith.constant 0 : i32
        %dma_start3A_202 = tpu.memref_slice %arg2[%mul3A_53, %dma_start3A_201] : memref<800000x64xf32, #tpu.memory_space<hbm>> -> memref<128x64xf32, #tpu.memory_space<hbm>>
        tpu.enqueue_dma source(%dma_start3A_202 : memref<128x64xf32, #tpu.memory_space<hbm>>) target(%arg8 : memref<128x64xf32, #tpu.memory_space<vmem>>) target_semaphore(%run_scoped3A : memref<!tpu.dma_semaphore, #tpu.memory_space<semaphore_mem>>)
        %dma_wait3A = arith.constant 0 : i32
        %dma_wait3A_203 = tpu.memref_slice %arg2[%mul3A_53, %dma_wait3A] : memref<800000x64xf32, #tpu.memory_space<hbm>> -> memref<128x64xf32, #tpu.memory_space<hbm>>
        %dma_wait3A_204 = arith.constant 0 : i32
        %dma_wait3A_205 = tpu.memref_slice %arg2[%mul3A_53, %dma_wait3A_204] : memref<800000x64xf32, #tpu.memory_space<hbm>> -> memref<128x64xf32, #tpu.memory_space<hbm>>
        tpu.wait_dma2 semaphore(%run_scoped3A : memref<!tpu.dma_semaphore, #tpu.memory_space<semaphore_mem>>) src(%dma_wait3A_205 : memref<128x64xf32, #tpu.memory_space<hbm>>) dst(%arg8 : memref<128x64xf32, #tpu.memory_space<vmem>>)
        tpu.yield
      }) : () -> ()
      %get3A = arith.constant 0 : index
      %get3A_54 = tpu.vector_load %arg6[%get3A] {strides = array<i32>} : memref<128xi32, #tpu.memory_space<vmem>>, vector<16xi32>,
      %get3A_55 = vector.shape_cast %get3A_54 : vector<16xi32> to vector<16xi32>
      %sub3A_56 = vector.broadcast %mul3A_0 : i32 to vector<16xi32>
      %sub3A_57 = arith.subi %get3A_55, %sub3A_56 : vector<16xi32>
      %ge3A = arith.constant 0 : i32
      %ge3A_58 = vector.broadcast %ge3A : i32 to vector<16xi32>
      %ge3A_59 = arith.cmpi sge, %sub3A_57, %ge3A_58 : vector<16xi32>
      %lt3A_60 = arith.constant 25000 : i32
      %lt3A_61 = vector.broadcast %lt3A_60 : i32 to vector<16xi32>
      %lt3A_62 = arith.cmpi slt, %sub3A_57, %lt3A_61 : vector<16xi32>
      %and3A = arith.andi %ge3A_59, %lt3A_62 : vector<16xi1>
      %jit3A_63 = arith.constant 25000 : i32
      %broadcast_in_dim3A = vector.broadcast %jit3A_63 : i32 to vector<16xi32>
      %select_n3A = arith.select %and3A, %sub3A_57, %broadcast_in_dim3A : vector<16xi1>, vector<16xi32>
      %swap3A = arith.constant 0 : index
      %swap3A_64 = tpu.vector_load %arg7[%swap3A] {strides = array<i32>} : memref<128xi32, #tpu.memory_space<vmem>>, vector<16xi32>,
      %swap3A_65 = vector.shape_cast %swap3A_64 : vector<16xi32> to vector<16xi32>
      %swap3A_66 = vector.shape_cast %select_n3A : vector<16xi32> to vector<16xi32>
      tpu.vector_store %arg7[%swap3A], %swap3A_66 {strides = array<i32>} : memref<128xi32, #tpu.memory_space<vmem>>, vector<16xi32>,
      %get3A_67 = arith.constant 16 : index
      %get3A_68 = tpu.vector_load %arg6[%get3A_67] {strides = array<i32>} : memref<128xi32, #tpu.memory_space<vmem>>, vector<16xi32>,
      %get3A_69 = vector.shape_cast %get3A_68 : vector<16xi32> to vector<16xi32>
      %sub3A_70 = vector.broadcast %mul3A_0 : i32 to vector<16xi32>
      %sub3A_71 = arith.subi %get3A_69, %sub3A_70 : vector<16xi32>
      %ge3A_72 = arith.constant 0 : i32
      %ge3A_73 = vector.broadcast %ge3A_72 : i32 to vector<16xi32>
      %ge3A_74 = arith.cmpi sge, %sub3A_71, %ge3A_73 : vector<16xi32>
      %lt3A_75 = arith.constant 25000 : i32
      %lt3A_76 = vector.broadcast %lt3A_75 : i32 to vector<16xi32>
      %lt3A_77 = arith.cmpi slt, %sub3A_71, %lt3A_76 : vector<16xi32>
      %and3A_78 = arith.andi %ge3A_74, %lt3A_77 : vector<16xi1>
      %jit3A_79 = arith.constant 25000 : i32
      %broadcast_in_dim3A_80 = vector.broadcast %jit3A_79 : i32 to vector<16xi32>
      %select_n3A_81 = arith.select %and3A_78, %sub3A_71, %broadcast_in_dim3A_80 : vector<16xi1>, vector<16xi32>
      %swap3A_82 = arith.constant 16 : index
      %swap3A_83 = tpu.vector_load %arg7[%swap3A_82] {strides = array<i32>} : memref<128xi32, #tpu.memory_space<vmem>>, vector<16xi32>,
      %swap3A_84 = vector.shape_cast %swap3A_83 : vector<16xi32> to vector<16xi32>
      %swap3A_85 = vector.shape_cast %select_n3A_81 : vector<16xi32> to vector<16xi32>
      tpu.vector_store %arg7[%swap3A_82], %swap3A_85 {strides = array<i32>} : memref<128xi32, #tpu.memory_space<vmem>>, vector<16xi32>,
      %get3A_86 = arith.constant 32 : index
      %get3A_87 = tpu.vector_load %arg6[%get3A_86] {strides = array<i32>} : memref<128xi32, #tpu.memory_space<vmem>>, vector<16xi32>,
      %get3A_88 = vector.shape_cast %get3A_87 : vector<16xi32> to vector<16xi32>
      %sub3A_89 = vector.broadcast %mul3A_0 : i32 to vector<16xi32>
      %sub3A_90 = arith.subi %get3A_88, %sub3A_89 : vector<16xi32>
      %ge3A_91 = arith.constant 0 : i32
      %ge3A_92 = vector.broadcast %ge3A_91 : i32 to vector<16xi32>
      %ge3A_93 = arith.cmpi sge, %sub3A_90, %ge3A_92 : vector<16xi32>
      %lt3A_94 = arith.constant 25000 : i32
      %lt3A_95 = vector.broadcast %lt3A_94 : i32 to vector<16xi32>
      %lt3A_96 = arith.cmpi slt, %sub3A_90, %lt3A_95 : vector<16xi32>
      %and3A_97 = arith.andi %ge3A_93, %lt3A_96 : vector<16xi1>
      %jit3A_98 = arith.constant 25000 : i32
      %broadcast_in_dim3A_99 = vector.broadcast %jit3A_98 : i32 to vector<16xi32>
      %select_n3A_100 = arith.select %and3A_97, %sub3A_90, %broadcast_in_dim3A_99 : vector<16xi1>, vector<16xi32>
      %swap3A_101 = arith.constant 32 : index
      %swap3A_102 = tpu.vector_load %arg7[%swap3A_101] {strides = array<i32>} : memref<128xi32, #tpu.memory_space<vmem>>, vector<16xi32>,
      %swap3A_103 = vector.shape_cast %swap3A_102 : vector<16xi32> to vector<16xi32>
      %swap3A_104 = vector.shape_cast %select_n3A_100 : vector<16xi32> to vector<16xi32>
      tpu.vector_store %arg7[%swap3A_101], %swap3A_104 {strides = array<i32>} : memref<128xi32, #tpu.memory_space<vmem>>, vector<16xi32>,
      %get3A_105 = arith.constant 48 : index
      %get3A_106 = tpu.vector_load %arg6[%get3A_105] {strides = array<i32>} : memref<128xi32, #tpu.memory_space<vmem>>, vector<16xi32>,
      %get3A_107 = vector.shape_cast %get3A_106 : vector<16xi32> to vector<16xi32>
      %sub3A_108 = vector.broadcast %mul3A_0 : i32 to vector<16xi32>
      %sub3A_109 = arith.subi %get3A_107, %sub3A_108 : vector<16xi32>
      %ge3A_110 = arith.constant 0 : i32
      %ge3A_111 = vector.broadcast %ge3A_110 : i32 to vector<16xi32>
      %ge3A_112 = arith.cmpi sge, %sub3A_109, %ge3A_111 : vector<16xi32>
      %lt3A_113 = arith.constant 25000 : i32
      %lt3A_114 = vector.broadcast %lt3A_113 : i32 to vector<16xi32>
      %lt3A_115 = arith.cmpi slt, %sub3A_109, %lt3A_114 : vector<16xi32>
      %and3A_116 = arith.andi %ge3A_112, %lt3A_115 : vector<16xi1>
      %jit3A_117 = arith.constant 25000 : i32
      %broadcast_in_dim3A_118 = vector.broadcast %jit3A_117 : i32 to vector<16xi32>
      %select_n3A_119 = arith.select %and3A_116, %sub3A_109, %broadcast_in_dim3A_118 : vector<16xi1>, vector<16xi32>
      %swap3A_120 = arith.constant 48 : index
      %swap3A_121 = tpu.vector_load %arg7[%swap3A_120] {strides = array<i32>} : memref<128xi32, #tpu.memory_space<vmem>>, vector<16xi32>,
      %swap3A_122 = vector.shape_cast %swap3A_121 : vector<16xi32> to vector<16xi32>
      %swap3A_123 = vector.shape_cast %select_n3A_119 : vector<16xi32> to vector<16xi32>
      tpu.vector_store %arg7[%swap3A_120], %swap3A_123 {strides = array<i32>} : memref<128xi32, #tpu.memory_space<vmem>>, vector<16xi32>,
      %get3A_124 = arith.constant 64 : index
      %get3A_125 = tpu.vector_load %arg6[%get3A_124] {strides = array<i32>} : memref<128xi32, #tpu.memory_space<vmem>>, vector<16xi32>,
      %get3A_126 = vector.shape_cast %get3A_125 : vector<16xi32> to vector<16xi32>
      %sub3A_127 = vector.broadcast %mul3A_0 : i32 to vector<16xi32>
      %sub3A_128 = arith.subi %get3A_126, %sub3A_127 : vector<16xi32>
      %ge3A_129 = arith.constant 0 : i32
      %ge3A_130 = vector.broadcast %ge3A_129 : i32 to vector<16xi32>
      %ge3A_131 = arith.cmpi sge, %sub3A_128, %ge3A_130 : vector<16xi32>
      %lt3A_132 = arith.constant 25000 : i32
      %lt3A_133 = vector.broadcast %lt3A_132 : i32 to vector<16xi32>
      %lt3A_134 = arith.cmpi slt, %sub3A_128, %lt3A_133 : vector<16xi32>
      %and3A_135 = arith.andi %ge3A_131, %lt3A_134 : vector<16xi1>
      %jit3A_136 = arith.constant 25000 : i32
      %broadcast_in_dim3A_137 = vector.broadcast %jit3A_136 : i32 to vector<16xi32>
      %select_n3A_138 = arith.select %and3A_135, %sub3A_128, %broadcast_in_dim3A_137 : vector<16xi1>, vector<16xi32>
      %swap3A_139 = arith.constant 64 : index
      %swap3A_140 = tpu.vector_load %arg7[%swap3A_139] {strides = array<i32>} : memref<128xi32, #tpu.memory_space<vmem>>, vector<16xi32>,
      %swap3A_141 = vector.shape_cast %swap3A_140 : vector<16xi32> to vector<16xi32>
      %swap3A_142 = vector.shape_cast %select_n3A_138 : vector<16xi32> to vector<16xi32>
      tpu.vector_store %arg7[%swap3A_139], %swap3A_142 {strides = array<i32>} : memref<128xi32, #tpu.memory_space<vmem>>, vector<16xi32>,
      %get3A_143 = arith.constant 80 : index
      %get3A_144 = tpu.vector_load %arg6[%get3A_143] {strides = array<i32>} : memref<128xi32, #tpu.memory_space<vmem>>, vector<16xi32>,
      %get3A_145 = vector.shape_cast %get3A_144 : vector<16xi32> to vector<16xi32>
      %sub3A_146 = vector.broadcast %mul3A_0 : i32 to vector<16xi32>
      %sub3A_147 = arith.subi %get3A_145, %sub3A_146 : vector<16xi32>
      %ge3A_148 = arith.constant 0 : i32
      %ge3A_149 = vector.broadcast %ge3A_148 : i32 to vector<16xi32>
      %ge3A_150 = arith.cmpi sge, %sub3A_147, %ge3A_149 : vector<16xi32>
      %lt3A_151 = arith.constant 25000 : i32
      %lt3A_152 = vector.broadcast %lt3A_151 : i32 to vector<16xi32>
      %lt3A_153 = arith.cmpi slt, %sub3A_147, %lt3A_152 : vector<16xi32>
      %and3A_154 = arith.andi %ge3A_150, %lt3A_153 : vector<16xi1>
      %jit3A_155 = arith.constant 25000 : i32
      %broadcast_in_dim3A_156 = vector.broadcast %jit3A_155 : i32 to vector<16xi32>
      %select_n3A_157 = arith.select %and3A_154, %sub3A_147, %broadcast_in_dim3A_156 : vector<16xi1>, vector<16xi32>
      %swap3A_158 = arith.constant 80 : index
      %swap3A_159 = tpu.vector_load %arg7[%swap3A_158] {strides = array<i32>} : memref<128xi32, #tpu.memory_space<vmem>>, vector<16xi32>,
      %swap3A_160 = vector.shape_cast %swap3A_159 : vector<16xi32> to vector<16xi32>
      %swap3A_161 = vector.shape_cast %select_n3A_157 : vector<16xi32> to vector<16xi32>
      tpu.vector_store %arg7[%swap3A_158], %swap3A_161 {strides = array<i32>} : memref<128xi32, #tpu.memory_space<vmem>>, vector<16xi32>,
      %get3A_162 = arith.constant 96 : index
      %get3A_163 = tpu.vector_load %arg6[%get3A_162] {strides = array<i32>} : memref<128xi32, #tpu.memory_space<vmem>>, vector<16xi32>,
      %get3A_164 = vector.shape_cast %get3A_163 : vector<16xi32> to vector<16xi32>
      %sub3A_165 = vector.broadcast %mul3A_0 : i32 to vector<16xi32>
      %sub3A_166 = arith.subi %get3A_164, %sub3A_165 : vector<16xi32>
      %ge3A_167 = arith.constant 0 : i32
      %ge3A_168 = vector.broadcast %ge3A_167 : i32 to vector<16xi32>
      %ge3A_169 = arith.cmpi sge, %sub3A_166, %ge3A_168 : vector<16xi32>
      %lt3A_170 = arith.constant 25000 : i32
      %lt3A_171 = vector.broadcast %lt3A_170 : i32 to vector<16xi32>
      %lt3A_172 = arith.cmpi slt, %sub3A_166, %lt3A_171 : vector<16xi32>
      %and3A_173 = arith.andi %ge3A_169, %lt3A_172 : vector<16xi1>
      %jit3A_174 = arith.constant 25000 : i32
      %broadcast_in_dim3A_175 = vector.broadcast %jit3A_174 : i32 to vector<16xi32>
      %select_n3A_176 = arith.select %and3A_173, %sub3A_166, %broadcast_in_dim3A_175 : vector<16xi1>, vector<16xi32>
      %swap3A_177 = arith.constant 96 : index
      %swap3A_178 = tpu.vector_load %arg7[%swap3A_177] {strides = array<i32>} : memref<128xi32, #tpu.memory_space<vmem>>, vector<16xi32>,
      %swap3A_179 = vector.shape_cast %swap3A_178 : vector<16xi32> to vector<16xi32>
      %swap3A_180 = vector.shape_cast %select_n3A_176 : vector<16xi32> to vector<16xi32>
      tpu.vector_store %arg7[%swap3A_177], %swap3A_180 {strides = array<i32>} : memref<128xi32, #tpu.memory_space<vmem>>, vector<16xi32>,
      %get3A_181 = arith.constant 112 : index
      %get3A_182 = tpu.vector_load %arg6[%get3A_181] {strides = array<i32>} : memref<128xi32, #tpu.memory_space<vmem>>, vector<16xi32>,
      %get3A_183 = vector.shape_cast %get3A_182 : vector<16xi32> to vector<16xi32>
      %sub3A_184 = vector.broadcast %mul3A_0 : i32 to vector<16xi32>
      %sub3A_185 = arith.subi %get3A_183, %sub3A_184 : vector<16xi32>
      %ge3A_186 = arith.constant 0 : i32
      %ge3A_187 = vector.broadcast %ge3A_186 : i32 to vector<16xi32>
      %ge3A_188 = arith.cmpi sge, %sub3A_185, %ge3A_187 : vector<16xi32>
      %lt3A_189 = arith.constant 25000 : i32
      %lt3A_190 = vector.broadcast %lt3A_189 : i32 to vector<16xi32>
      %lt3A_191 = arith.cmpi slt, %sub3A_185, %lt3A_190 : vector<16xi32>
      %and3A_192 = arith.andi %ge3A_188, %lt3A_191 : vector<16xi1>
      %jit3A_193 = arith.constant 25000 : i32
      %broadcast_in_dim3A_194 = vector.broadcast %jit3A_193 : i32 to vector<16xi32>
      %select_n3A_195 = arith.select %and3A_192, %sub3A_185, %broadcast_in_dim3A_194 : vector<16xi1>, vector<16xi32>
      %swap3A_196 = arith.constant 112 : index
      %swap3A_197 = tpu.vector_load %arg7[%swap3A_196] {strides = array<i32>} : memref<128xi32, #tpu.memory_space<vmem>>, vector<16xi32>,
      %swap3A_198 = vector.shape_cast %swap3A_197 : vector<16xi32> to vector<16xi32>
      %swap3A_199 = vector.shape_cast %select_n3A_195 : vector<16xi32> to vector<16xi32>
      tpu.vector_store %arg7[%swap3A_196], %swap3A_199 {strides = array<i32>} : memref<128xi32, #tpu.memory_space<vmem>>, vector<16xi32>,
      "tpu.region"() ({
        %run_scoped3A = tpu.sem_alloc : memref<!tpu.dma_semaphore, #tpu.memory_space<semaphore_mem>>
        %dma_start3A = arith.constant 0 : i32
        %dma_start3A_200 = arith.constant 0 : i32
        %dma_start3A_201 = tpu.memref_slice %arg10[%dma_start3A, %dma_start3A_200] : memref<25088x64xf32, #tpu.memory_space<vmem_shared>> -> memref<25088x64xf32, #tpu.memory_space<vmem_shared>>
        tpu.enqueue_indirect_dma source(%arg8 : memref<128x64xf32, #tpu.memory_space<vmem>>) target(%dma_start3A_201 : memref<25088x64xf32, #tpu.memory_space<vmem_shared>>) offsets(%arg7 : memref<128xi32, #tpu.memory_space<vmem>>) semaphore(%run_scoped3A : memref<!tpu.dma_semaphore, #tpu.memory_space<semaphore_mem>>) {add = true}
        %dma_wait3A = arith.constant 0 : i32
        %dma_wait3A_202 = arith.constant 0 : i32
        %dma_wait3A_203 = tpu.memref_slice %arg10[%dma_wait3A, %dma_wait3A_202] : memref<25088x64xf32, #tpu.memory_space<vmem_shared>> -> memref<25088x64xf32, #tpu.memory_space<vmem_shared>>
        tpu.wait_indirect_dma semaphore(%run_scoped3A : memref<!tpu.dma_semaphore, #tpu.memory_space<semaphore_mem>>) src(%arg8 : memref<128x64xf32, #tpu.memory_space<vmem>>) dst(%dma_wait3A_203 : memref<25088x64xf32, #tpu.memory_space<vmem_shared>>)
        tpu.yield
      }) : () -> ()
    }
    %while3A_40 = arith.constant 1 : i32
    scf.for %while3A_50 = %while3A_38 to %while3A_34 step %while3A_40  : i32 {
      %add3A_51 = arith.addi %mul3A_29, %while3A_50 : i32
      %mul3A_52 = arith.constant 128 : i32
      %mul3A_53 = arith.muli %add3A_51, %mul3A_52 : i32
      "tpu.region"() ({
        %run_scoped3A = tpu.sem_alloc : memref<!tpu.dma_semaphore, #tpu.memory_space<semaphore_mem>>
        %dma_start3A = tpu.memref_slice %arg3[%mul3A_53] : memref<800000xi32, #tpu.memory_space<hbm>> -> memref<128xi32, #tpu.memory_space<hbm>>
        %dma_start3A_200 = tpu.memref_slice %arg3[%mul3A_53] : memref<800000xi32, #tpu.memory_space<hbm>> -> memref<128xi32, #tpu.memory_space<hbm>>
        tpu.enqueue_dma source(%dma_start3A_200 : memref<128xi32, #tpu.memory_space<hbm>>) target(%arg6 : memref<128xi32, #tpu.memory_space<vmem>>) target_semaphore(%run_scoped3A : memref<!tpu.dma_semaphore, #tpu.memory_space<semaphore_mem>>)
        %dma_wait3A = tpu.memref_slice %arg3[%mul3A_53] : memref<800000xi32, #tpu.memory_space<hbm>> -> memref<128xi32, #tpu.memory_space<hbm>>
        %dma_wait3A_201 = tpu.memref_slice %arg3[%mul3A_53] : memref<800000xi32, #tpu.memory_space<hbm>> -> memref<128xi32, #tpu.memory_space<hbm>>
        tpu.wait_dma2 semaphore(%run_scoped3A : memref<!tpu.dma_semaphore, #tpu.memory_space<semaphore_mem>>) src(%dma_wait3A_201 : memref<128xi32, #tpu.memory_space<hbm>>) dst(%arg6 : memref<128xi32, #tpu.memory_space<vmem>>)
        tpu.yield
      }) : () -> ()
      "tpu.region"() ({
        %run_scoped3A = tpu.sem_alloc : memref<!tpu.dma_semaphore, #tpu.memory_space<semaphore_mem>>
        %dma_start3A = arith.constant 0 : i32
        %dma_start3A_200 = tpu.memref_slice %arg2[%mul3A_53, %dma_start3A] : memref<800000x64xf32, #tpu.memory_space<hbm>> -> memref<128x64xf32, #tpu.memory_space<hbm>>
        %dma_start3A_201 = arith.constant 0 : i32
        %dma_start3A_202 = tpu.memref_slice %arg2[%mul3A_53, %dma_start3A_201] : memref<800000x64xf32, #tpu.memory_space<hbm>> -> memref<128x64xf32, #tpu.memory_space<hbm>>
        tpu.enqueue_dma source(%dma_start3A_202 : memref<128x64xf32, #tpu.memory_space<hbm>>) target(%arg8 : memref<128x64xf32, #tpu.memory_space<vmem>>) target_semaphore(%run_scoped3A : memref<!tpu.dma_semaphore, #tpu.memory_space<semaphore_mem>>)
        %dma_wait3A = arith.constant 0 : i32
        %dma_wait3A_203 = tpu.memref_slice %arg2[%mul3A_53, %dma_wait3A] : memref<800000x64xf32, #tpu.memory_space<hbm>> -> memref<128x64xf32, #tpu.memory_space<hbm>>
        %dma_wait3A_204 = arith.constant 0 : i32
        %dma_wait3A_205 = tpu.memref_slice %arg2[%mul3A_53, %dma_wait3A_204] : memref<800000x64xf32, #tpu.memory_space<hbm>> -> memref<128x64xf32, #tpu.memory_space<hbm>>
        tpu.wait_dma2 semaphore(%run_scoped3A : memref<!tpu.dma_semaphore, #tpu.memory_space<semaphore_mem>>) src(%dma_wait3A_205 : memref<128x64xf32, #tpu.memory_space<hbm>>) dst(%arg8 : memref<128x64xf32, #tpu.memory_space<vmem>>)
        tpu.yield
      }) : () -> ()
      %get3A = arith.constant 0 : index
      %get3A_54 = tpu.vector_load %arg6[%get3A] {strides = array<i32>} : memref<128xi32, #tpu.memory_space<vmem>>, vector<16xi32>,
      %get3A_55 = vector.shape_cast %get3A_54 : vector<16xi32> to vector<16xi32>
      %sub3A_56 = vector.broadcast %mul3A_0 : i32 to vector<16xi32>
      %sub3A_57 = arith.subi %get3A_55, %sub3A_56 : vector<16xi32>
      %ge3A = arith.constant 0 : i32
      %ge3A_58 = vector.broadcast %ge3A : i32 to vector<16xi32>
      %ge3A_59 = arith.cmpi sge, %sub3A_57, %ge3A_58 : vector<16xi32>
      %lt3A_60 = arith.constant 25000 : i32
      %lt3A_61 = vector.broadcast %lt3A_60 : i32 to vector<16xi32>
      %lt3A_62 = arith.cmpi slt, %sub3A_57, %lt3A_61 : vector<16xi32>
      %and3A = arith.andi %ge3A_59, %lt3A_62 : vector<16xi1>
      %jit3A_63 = arith.constant 25000 : i32
      %broadcast_in_dim3A = vector.broadcast %jit3A_63 : i32 to vector<16xi32>
      %select_n3A = arith.select %and3A, %sub3A_57, %broadcast_in_dim3A : vector<16xi1>, vector<16xi32>
      %swap3A = arith.constant 0 : index
      %swap3A_64 = tpu.vector_load %arg7[%swap3A] {strides = array<i32>} : memref<128xi32, #tpu.memory_space<vmem>>, vector<16xi32>,
      %swap3A_65 = vector.shape_cast %swap3A_64 : vector<16xi32> to vector<16xi32>
      %swap3A_66 = vector.shape_cast %select_n3A : vector<16xi32> to vector<16xi32>
      tpu.vector_store %arg7[%swap3A], %swap3A_66 {strides = array<i32>} : memref<128xi32, #tpu.memory_space<vmem>>, vector<16xi32>,
      %get3A_67 = arith.constant 16 : index
      %get3A_68 = tpu.vector_load %arg6[%get3A_67] {strides = array<i32>} : memref<128xi32, #tpu.memory_space<vmem>>, vector<16xi32>,
      %get3A_69 = vector.shape_cast %get3A_68 : vector<16xi32> to vector<16xi32>
      %sub3A_70 = vector.broadcast %mul3A_0 : i32 to vector<16xi32>
      %sub3A_71 = arith.subi %get3A_69, %sub3A_70 : vector<16xi32>
      %ge3A_72 = arith.constant 0 : i32
      %ge3A_73 = vector.broadcast %ge3A_72 : i32 to vector<16xi32>
      %ge3A_74 = arith.cmpi sge, %sub3A_71, %ge3A_73 : vector<16xi32>
      %lt3A_75 = arith.constant 25000 : i32
      %lt3A_76 = vector.broadcast %lt3A_75 : i32 to vector<16xi32>
      %lt3A_77 = arith.cmpi slt, %sub3A_71, %lt3A_76 : vector<16xi32>
      %and3A_78 = arith.andi %ge3A_74, %lt3A_77 : vector<16xi1>
      %jit3A_79 = arith.constant 25000 : i32
      %broadcast_in_dim3A_80 = vector.broadcast %jit3A_79 : i32 to vector<16xi32>
      %select_n3A_81 = arith.select %and3A_78, %sub3A_71, %broadcast_in_dim3A_80 : vector<16xi1>, vector<16xi32>
      %swap3A_82 = arith.constant 16 : index
      %swap3A_83 = tpu.vector_load %arg7[%swap3A_82] {strides = array<i32>} : memref<128xi32, #tpu.memory_space<vmem>>, vector<16xi32>,
      %swap3A_84 = vector.shape_cast %swap3A_83 : vector<16xi32> to vector<16xi32>
      %swap3A_85 = vector.shape_cast %select_n3A_81 : vector<16xi32> to vector<16xi32>
      tpu.vector_store %arg7[%swap3A_82], %swap3A_85 {strides = array<i32>} : memref<128xi32, #tpu.memory_space<vmem>>, vector<16xi32>,
      %get3A_86 = arith.constant 32 : index
      %get3A_87 = tpu.vector_load %arg6[%get3A_86] {strides = array<i32>} : memref<128xi32, #tpu.memory_space<vmem>>, vector<16xi32>,
      %get3A_88 = vector.shape_cast %get3A_87 : vector<16xi32> to vector<16xi32>
      %sub3A_89 = vector.broadcast %mul3A_0 : i32 to vector<16xi32>
      %sub3A_90 = arith.subi %get3A_88, %sub3A_89 : vector<16xi32>
      %ge3A_91 = arith.constant 0 : i32
      %ge3A_92 = vector.broadcast %ge3A_91 : i32 to vector<16xi32>
      %ge3A_93 = arith.cmpi sge, %sub3A_90, %ge3A_92 : vector<16xi32>
      %lt3A_94 = arith.constant 25000 : i32
      %lt3A_95 = vector.broadcast %lt3A_94 : i32 to vector<16xi32>
      %lt3A_96 = arith.cmpi slt, %sub3A_90, %lt3A_95 : vector<16xi32>
      %and3A_97 = arith.andi %ge3A_93, %lt3A_96 : vector<16xi1>
      %jit3A_98 = arith.constant 25000 : i32
      %broadcast_in_dim3A_99 = vector.broadcast %jit3A_98 : i32 to vector<16xi32>
      %select_n3A_100 = arith.select %and3A_97, %sub3A_90, %broadcast_in_dim3A_99 : vector<16xi1>, vector<16xi32>
      %swap3A_101 = arith.constant 32 : index
      %swap3A_102 = tpu.vector_load %arg7[%swap3A_101] {strides = array<i32>} : memref<128xi32, #tpu.memory_space<vmem>>, vector<16xi32>,
      %swap3A_103 = vector.shape_cast %swap3A_102 : vector<16xi32> to vector<16xi32>
      %swap3A_104 = vector.shape_cast %select_n3A_100 : vector<16xi32> to vector<16xi32>
      tpu.vector_store %arg7[%swap3A_101], %swap3A_104 {strides = array<i32>} : memref<128xi32, #tpu.memory_space<vmem>>, vector<16xi32>,
      %get3A_105 = arith.constant 48 : index
      %get3A_106 = tpu.vector_load %arg6[%get3A_105] {strides = array<i32>} : memref<128xi32, #tpu.memory_space<vmem>>, vector<16xi32>,
      %get3A_107 = vector.shape_cast %get3A_106 : vector<16xi32> to vector<16xi32>
      %sub3A_108 = vector.broadcast %mul3A_0 : i32 to vector<16xi32>
      %sub3A_109 = arith.subi %get3A_107, %sub3A_108 : vector<16xi32>
      %ge3A_110 = arith.constant 0 : i32
      %ge3A_111 = vector.broadcast %ge3A_110 : i32 to vector<16xi32>
      %ge3A_112 = arith.cmpi sge, %sub3A_109, %ge3A_111 : vector<16xi32>
      %lt3A_113 = arith.constant 25000 : i32
      %lt3A_114 = vector.broadcast %lt3A_113 : i32 to vector<16xi32>
      %lt3A_115 = arith.cmpi slt, %sub3A_109, %lt3A_114 : vector<16xi32>
      %and3A_116 = arith.andi %ge3A_112, %lt3A_115 : vector<16xi1>
      %jit3A_117 = arith.constant 25000 : i32
      %broadcast_in_dim3A_118 = vector.broadcast %jit3A_117 : i32 to vector<16xi32>
      %select_n3A_119 = arith.select %and3A_116, %sub3A_109, %broadcast_in_dim3A_118 : vector<16xi1>, vector<16xi32>
      %swap3A_120 = arith.constant 48 : index
      %swap3A_121 = tpu.vector_load %arg7[%swap3A_120] {strides = array<i32>} : memref<128xi32, #tpu.memory_space<vmem>>, vector<16xi32>,
      %swap3A_122 = vector.shape_cast %swap3A_121 : vector<16xi32> to vector<16xi32>
      %swap3A_123 = vector.shape_cast %select_n3A_119 : vector<16xi32> to vector<16xi32>
      tpu.vector_store %arg7[%swap3A_120], %swap3A_123 {strides = array<i32>} : memref<128xi32, #tpu.memory_space<vmem>>, vector<16xi32>,
      %get3A_124 = arith.constant 64 : index
      %get3A_125 = tpu.vector_load %arg6[%get3A_124] {strides = array<i32>} : memref<128xi32, #tpu.memory_space<vmem>>, vector<16xi32>,
      %get3A_126 = vector.shape_cast %get3A_125 : vector<16xi32> to vector<16xi32>
      %sub3A_127 = vector.broadcast %mul3A_0 : i32 to vector<16xi32>
      %sub3A_128 = arith.subi %get3A_126, %sub3A_127 : vector<16xi32>
      %ge3A_129 = arith.constant 0 : i32
      %ge3A_130 = vector.broadcast %ge3A_129 : i32 to vector<16xi32>
      %ge3A_131 = arith.cmpi sge, %sub3A_128, %ge3A_130 : vector<16xi32>
      %lt3A_132 = arith.constant 25000 : i32
      %lt3A_133 = vector.broadcast %lt3A_132 : i32 to vector<16xi32>
      %lt3A_134 = arith.cmpi slt, %sub3A_128, %lt3A_133 : vector<16xi32>
      %and3A_135 = arith.andi %ge3A_131, %lt3A_134 : vector<16xi1>
      %jit3A_136 = arith.constant 25000 : i32
      %broadcast_in_dim3A_137 = vector.broadcast %jit3A_136 : i32 to vector<16xi32>
      %select_n3A_138 = arith.select %and3A_135, %sub3A_128, %broadcast_in_dim3A_137 : vector<16xi1>, vector<16xi32>
      %swap3A_139 = arith.constant 64 : index
      %swap3A_140 = tpu.vector_load %arg7[%swap3A_139] {strides = array<i32>} : memref<128xi32, #tpu.memory_space<vmem>>, vector<16xi32>,
      %swap3A_141 = vector.shape_cast %swap3A_140 : vector<16xi32> to vector<16xi32>
      %swap3A_142 = vector.shape_cast %select_n3A_138 : vector<16xi32> to vector<16xi32>
      tpu.vector_store %arg7[%swap3A_139], %swap3A_142 {strides = array<i32>} : memref<128xi32, #tpu.memory_space<vmem>>, vector<16xi32>,
      %get3A_143 = arith.constant 80 : index
      %get3A_144 = tpu.vector_load %arg6[%get3A_143] {strides = array<i32>} : memref<128xi32, #tpu.memory_space<vmem>>, vector<16xi32>,
      %get3A_145 = vector.shape_cast %get3A_144 : vector<16xi32> to vector<16xi32>
      %sub3A_146 = vector.broadcast %mul3A_0 : i32 to vector<16xi32>
      %sub3A_147 = arith.subi %get3A_145, %sub3A_146 : vector<16xi32>
      %ge3A_148 = arith.constant 0 : i32
      %ge3A_149 = vector.broadcast %ge3A_148 : i32 to vector<16xi32>
      %ge3A_150 = arith.cmpi sge, %sub3A_147, %ge3A_149 : vector<16xi32>
      %lt3A_151 = arith.constant 25000 : i32
      %lt3A_152 = vector.broadcast %lt3A_151 : i32 to vector<16xi32>
      %lt3A_153 = arith.cmpi slt, %sub3A_147, %lt3A_152 : vector<16xi32>
      %and3A_154 = arith.andi %ge3A_150, %lt3A_153 : vector<16xi1>
      %jit3A_155 = arith.constant 25000 : i32
      %broadcast_in_dim3A_156 = vector.broadcast %jit3A_155 : i32 to vector<16xi32>
      %select_n3A_157 = arith.select %and3A_154, %sub3A_147, %broadcast_in_dim3A_156 : vector<16xi1>, vector<16xi32>
      %swap3A_158 = arith.constant 80 : index
      %swap3A_159 = tpu.vector_load %arg7[%swap3A_158] {strides = array<i32>} : memref<128xi32, #tpu.memory_space<vmem>>, vector<16xi32>,
      %swap3A_160 = vector.shape_cast %swap3A_159 : vector<16xi32> to vector<16xi32>
      %swap3A_161 = vector.shape_cast %select_n3A_157 : vector<16xi32> to vector<16xi32>
      tpu.vector_store %arg7[%swap3A_158], %swap3A_161 {strides = array<i32>} : memref<128xi32, #tpu.memory_space<vmem>>, vector<16xi32>,
      %get3A_162 = arith.constant 96 : index
      %get3A_163 = tpu.vector_load %arg6[%get3A_162] {strides = array<i32>} : memref<128xi32, #tpu.memory_space<vmem>>, vector<16xi32>,
      %get3A_164 = vector.shape_cast %get3A_163 : vector<16xi32> to vector<16xi32>
      %sub3A_165 = vector.broadcast %mul3A_0 : i32 to vector<16xi32>
      %sub3A_166 = arith.subi %get3A_164, %sub3A_165 : vector<16xi32>
      %ge3A_167 = arith.constant 0 : i32
      %ge3A_168 = vector.broadcast %ge3A_167 : i32 to vector<16xi32>
      %ge3A_169 = arith.cmpi sge, %sub3A_166, %ge3A_168 : vector<16xi32>
      %lt3A_170 = arith.constant 25000 : i32
      %lt3A_171 = vector.broadcast %lt3A_170 : i32 to vector<16xi32>
      %lt3A_172 = arith.cmpi slt, %sub3A_166, %lt3A_171 : vector<16xi32>
      %and3A_173 = arith.andi %ge3A_169, %lt3A_172 : vector<16xi1>
      %jit3A_174 = arith.constant 25000 : i32
      %broadcast_in_dim3A_175 = vector.broadcast %jit3A_174 : i32 to vector<16xi32>
      %select_n3A_176 = arith.select %and3A_173, %sub3A_166, %broadcast_in_dim3A_175 : vector<16xi1>, vector<16xi32>
      %swap3A_177 = arith.constant 96 : index
      %swap3A_178 = tpu.vector_load %arg7[%swap3A_177] {strides = array<i32>} : memref<128xi32, #tpu.memory_space<vmem>>, vector<16xi32>,
      %swap3A_179 = vector.shape_cast %swap3A_178 : vector<16xi32> to vector<16xi32>
      %swap3A_180 = vector.shape_cast %select_n3A_176 : vector<16xi32> to vector<16xi32>
      tpu.vector_store %arg7[%swap3A_177], %swap3A_180 {strides = array<i32>} : memref<128xi32, #tpu.memory_space<vmem>>, vector<16xi32>,
      %get3A_181 = arith.constant 112 : index
      %get3A_182 = tpu.vector_load %arg6[%get3A_181] {strides = array<i32>} : memref<128xi32, #tpu.memory_space<vmem>>, vector<16xi32>,
      %get3A_183 = vector.shape_cast %get3A_182 : vector<16xi32> to vector<16xi32>
      %sub3A_184 = vector.broadcast %mul3A_0 : i32 to vector<16xi32>
      %sub3A_185 = arith.subi %get3A_183, %sub3A_184 : vector<16xi32>
      %ge3A_186 = arith.constant 0 : i32
      %ge3A_187 = vector.broadcast %ge3A_186 : i32 to vector<16xi32>
      %ge3A_188 = arith.cmpi sge, %sub3A_185, %ge3A_187 : vector<16xi32>
      %lt3A_189 = arith.constant 25000 : i32
      %lt3A_190 = vector.broadcast %lt3A_189 : i32 to vector<16xi32>
      %lt3A_191 = arith.cmpi slt, %sub3A_185, %lt3A_190 : vector<16xi32>
      %and3A_192 = arith.andi %ge3A_188, %lt3A_191 : vector<16xi1>
      %jit3A_193 = arith.constant 25000 : i32
      %broadcast_in_dim3A_194 = vector.broadcast %jit3A_193 : i32 to vector<16xi32>
      %select_n3A_195 = arith.select %and3A_192, %sub3A_185, %broadcast_in_dim3A_194 : vector<16xi1>, vector<16xi32>
      %swap3A_196 = arith.constant 112 : index
      %swap3A_197 = tpu.vector_load %arg7[%swap3A_196] {strides = array<i32>} : memref<128xi32, #tpu.memory_space<vmem>>, vector<16xi32>,
      %swap3A_198 = vector.shape_cast %swap3A_197 : vector<16xi32> to vector<16xi32>
      %swap3A_199 = vector.shape_cast %select_n3A_195 : vector<16xi32> to vector<16xi32>
      tpu.vector_store %arg7[%swap3A_196], %swap3A_199 {strides = array<i32>} : memref<128xi32, #tpu.memory_space<vmem>>, vector<16xi32>,
      "tpu.region"() ({
        %run_scoped3A = tpu.sem_alloc : memref<!tpu.dma_semaphore, #tpu.memory_space<semaphore_mem>>
        %dma_start3A = arith.constant 0 : i32
        %dma_start3A_200 = arith.constant 0 : i32
        %dma_start3A_201 = tpu.memref_slice %arg10[%dma_start3A, %dma_start3A_200] : memref<25088x64xf32, #tpu.memory_space<vmem_shared>> -> memref<25088x64xf32, #tpu.memory_space<vmem_shared>>
        tpu.enqueue_indirect_dma source(%arg8 : memref<128x64xf32, #tpu.memory_space<vmem>>) target(%dma_start3A_201 : memref<25088x64xf32, #tpu.memory_space<vmem_shared>>) offsets(%arg7 : memref<128xi32, #tpu.memory_space<vmem>>) semaphore(%run_scoped3A : memref<!tpu.dma_semaphore, #tpu.memory_space<semaphore_mem>>) {add = true}
        %dma_wait3A = arith.constant 0 : i32
        %dma_wait3A_202 = arith.constant 0 : i32
        %dma_wait3A_203 = tpu.memref_slice %arg10[%dma_wait3A, %dma_wait3A_202] : memref<25088x64xf32, #tpu.memory_space<vmem_shared>> -> memref<25088x64xf32, #tpu.memory_space<vmem_shared>>
        tpu.wait_indirect_dma semaphore(%run_scoped3A : memref<!tpu.dma_semaphore, #tpu.memory_space<semaphore_mem>>) src(%arg8 : memref<128x64xf32, #tpu.memory_space<vmem>>) dst(%dma_wait3A_203 : memref<25088x64xf32, #tpu.memory_space<vmem_shared>>)
        tpu.yield
      }) : () -> ()
    }
    %barrier3A_41 = arith.constant 0 : index
    tpu.barrier barrier_id(%barrier3A_41)
    %mul3A_42 = arith.constant 1568 : i32
    %mul3A_43 = arith.muli %arg1, %mul3A_42 : i32
    %lt3A = arith.constant 15 : i32
    %lt3A_44 = arith.cmpi slt, %arg1, %lt3A : i32
    %convert_element_type3A = arith.extui %lt3A_44 : i1 to i32
    %cond3A = arith.constant 0 : i32
    %cond3A_45 = arith.cmpi ne, %convert_element_type3A, %cond3A : i32
    scf.if %cond3A_45 {
      %add3A_50 = arith.addi %mul3A_0, %mul3A_43 : i32
      "tpu.region"() ({
        %run_scoped3A = tpu.sem_alloc : memref<!tpu.dma_semaphore, #tpu.memory_space<semaphore_mem>>
        %dma_start3A = arith.constant 0 : i32
        %dma_start3A_51 = tpu.memref_slice %arg5[%add3A_50, %dma_start3A] : memref<50000x64xf32, #tpu.memory_space<hbm>> -> memref<1568x64xf32, #tpu.memory_space<hbm>>
        %dma_start3A_52 = arith.constant 0 : i32
        %dma_start3A_53 = tpu.memref_slice %arg10[%mul3A_43, %dma_start3A_52] : memref<25088x64xf32, #tpu.memory_space<vmem_shared>> -> memref<1568x64xf32, #tpu.memory_space<vmem_shared>>
        tpu.enqueue_dma source(%dma_start3A_53 : memref<1568x64xf32, #tpu.memory_space<vmem_shared>>) target(%dma_start3A_51 : memref<1568x64xf32, #tpu.memory_space<hbm>>) target_semaphore(%run_scoped3A : memref<!tpu.dma_semaphore, #tpu.memory_space<semaphore_mem>>)
        %dma_wait3A = arith.constant 0 : i32
        %dma_wait3A_54 = tpu.memref_slice %arg5[%add3A_50, %dma_wait3A] : memref<50000x64xf32, #tpu.memory_space<hbm>> -> memref<1568x64xf32, #tpu.memory_space<hbm>>
        %dma_wait3A_55 = arith.constant 0 : i32
        %dma_wait3A_56 = tpu.memref_slice %arg10[%mul3A_43, %dma_wait3A_55] : memref<25088x64xf32, #tpu.memory_space<vmem_shared>> -> memref<1568x64xf32, #tpu.memory_space<vmem_shared>>
        tpu.wait_dma2 semaphore(%run_scoped3A : memref<!tpu.dma_semaphore, #tpu.memory_space<semaphore_mem>>) src(%dma_wait3A_56 : memref<1568x64xf32, #tpu.memory_space<vmem_shared>>) dst(%dma_wait3A_54 : memref<1568x64xf32, #tpu.memory_space<hbm>>)
        tpu.yield
      }) : () -> ()
    } else {
    }
    %eq3A = arith.constant 15 : i32
    %eq3A_46 = arith.cmpi eq, %arg1, %eq3A : i32
    %convert_element_type3A_47 = arith.extui %eq3A_46 : i1 to i32
    %cond3A_48 = arith.constant 0 : i32
    %cond3A_49 = arith.cmpi ne, %convert_element_type3A_47, %cond3A_48 : i32
    scf.if %cond3A_49 {
      %add3A_50 = arith.addi %mul3A_0, %mul3A_43 : i32
      "tpu.region"() ({
        %run_scoped3A = tpu.sem_alloc : memref<!tpu.dma_semaphore, #tpu.memory_space<semaphore_mem>>
        %dma_start3A = arith.constant 0 : i32
        %dma_start3A_51 = tpu.memref_slice %arg5[%add3A_50, %dma_start3A] : memref<50000x64xf32, #tpu.memory_space<hbm>> -> memref<1480x64xf32, #tpu.memory_space<hbm>>
        %dma_start3A_52 = arith.constant 0 : i32
        %dma_start3A_53 = tpu.memref_slice %arg10[%mul3A_43, %dma_start3A_52] : memref<25088x64xf32, #tpu.memory_space<vmem_shared>> -> memref<1480x64xf32, #tpu.memory_space<vmem_shared>>
        tpu.enqueue_dma source(%dma_start3A_53 : memref<1480x64xf32, #tpu.memory_space<vmem_shared>>) target(%dma_start3A_51 : memref<1480x64xf32, #tpu.memory_space<hbm>>) target_semaphore(%run_scoped3A : memref<!tpu.dma_semaphore, #tpu.memory_space<semaphore_mem>>)
        %dma_wait3A = arith.constant 0 : i32
        %dma_wait3A_54 = tpu.memref_slice %arg5[%add3A_50, %dma_wait3A] : memref<50000x64xf32, #tpu.memory_space<hbm>> -> memref<1480x64xf32, #tpu.memory_space<hbm>>
        %dma_wait3A_55 = arith.constant 0 : i32
        %dma_wait3A_56 = tpu.memref_slice %arg10[%mul3A_43, %dma_wait3A_55] : memref<25088x64xf32, #tpu.memory_space<vmem_shared>> -> memref<1480x64xf32, #tpu.memory_space<vmem_shared>>
        tpu.wait_dma2 semaphore(%run_scoped3A : memref<!tpu.dma_semaphore, #tpu.memory_space<semaphore_mem>>) src(%dma_wait3A_56 : memref<1480x64xf32, #tpu.memory_space<vmem_shared>>) dst(%dma_wait3A_54 : memref<1480x64xf32, #tpu.memory_space<hbm>>)
        tpu.yield
      }) : () -> ()
    } else {
    }
    return
  }
}

#map = affine_map<(d0, d1) -> (0, 0)>
#map1 = affine_map<(d0, d1) -> (0)>
module attributes {stable_mosaic.version = 14 : i64} {
  func.func @gather(%arg0: i32, %arg1: i32, %arg2: memref<50000x64xf32, #tpu.memory_space<hbm>>, %arg3: memref<800000xi32, #tpu.memory_space<hbm>>, %arg4: memref<800000x64xf32, #tpu.memory_space<hbm>>, %arg5: memref<128xi32, #tpu.memory_space<vmem>>, %arg6: memref<128x64xf32, #tpu.memory_space<vmem>>, %arg7: memref<!tpu.dma_semaphore, #tpu.memory_space<semaphore_mem>>) attributes {dimension_semantics = [#tpu.dimension_semantics<core_parallel>, #tpu.dimension_semantics<subcore_parallel>], iteration_bounds = array<i64: 2, 16>, scalar_prefetch = 0 : i64, scratch_operands = 3 : i64, tpu.core_type = #tpu.core_type<sc_vector_subcore>, window_params = [{transform_indices = #map}, {transform_indices = #map1}, {transform_indices = #map}]} {
    %mul3A = arith.constant 2 : i32
    %mul3A_0 = arith.muli %arg1, %mul3A : i32
    %add3A = arith.addi %mul3A_0, %arg0 : i32
    %mul3A_1 = arith.constant 196 : i32
    %mul3A_2 = arith.muli %add3A, %mul3A_1 : i32
    %sub3A = arith.constant 6250 : i32
    %sub3A_3 = arith.subi %sub3A, %mul3A_2 : i32
    %jit3A = arith.constant 0 : i32
    %jit3A_4 = arith.constant 196 : i32
    %max3A = arith.maxsi %jit3A, %sub3A_3 : i32
    %min3A = arith.minsi %jit3A_4, %max3A : i32
    %while3A = arith.constant 0 : i32
    %while3A_5 = arith.constant 0 : i32
    %while3A_6 = arith.subi %min3A, %while3A_5 : i32
    %while3A_7 = arith.addi %while3A_5, %while3A_6 : i32
    %while3A_8 = arith.constant 1 : i32
    %while3A_9 = arith.divsi %while3A_6, %while3A_8 : i32
    %while3A_10 = arith.muli %while3A_9, %while3A_8 : i32
    %while3A_11 = arith.addi %while3A_5, %while3A_10 : i32
    %while3A_12 = arith.constant 1 : i32
    scf.for %while3A_14 = %while3A_5 to %while3A_11 step %while3A_12  : i32 {
      %add3A_15 = arith.addi %mul3A_2, %while3A_14 : i32
      %mul3A_16 = arith.constant 128 : i32
      %mul3A_17 = arith.muli %add3A_15, %mul3A_16 : i32
      "tpu.region"() ({
        %run_scoped3A = tpu.sem_alloc : memref<!tpu.dma_semaphore, #tpu.memory_space<semaphore_mem>>
        %dma_start3A_22 = tpu.memref_slice %arg3[%mul3A_17] : memref<800000xi32, #tpu.memory_space<hbm>> -> memref<128xi32, #tpu.memory_space<hbm>>
        %dma_start3A_23 = tpu.memref_slice %arg3[%mul3A_17] : memref<800000xi32, #tpu.memory_space<hbm>> -> memref<128xi32, #tpu.memory_space<hbm>>
        tpu.enqueue_dma source(%dma_start3A_23 : memref<128xi32, #tpu.memory_space<hbm>>) target(%arg5 : memref<128xi32, #tpu.memory_space<vmem>>) target_semaphore(%run_scoped3A : memref<!tpu.dma_semaphore, #tpu.memory_space<semaphore_mem>>)
        %dma_wait3A_24 = tpu.memref_slice %arg3[%mul3A_17] : memref<800000xi32, #tpu.memory_space<hbm>> -> memref<128xi32, #tpu.memory_space<hbm>>
        %dma_wait3A_25 = tpu.memref_slice %arg3[%mul3A_17] : memref<800000xi32, #tpu.memory_space<hbm>> -> memref<128xi32, #tpu.memory_space<hbm>>
        tpu.wait_dma2 semaphore(%run_scoped3A : memref<!tpu.dma_semaphore, #tpu.memory_space<semaphore_mem>>) src(%dma_wait3A_25 : memref<128xi32, #tpu.memory_space<hbm>>) dst(%arg5 : memref<128xi32, #tpu.memory_space<vmem>>)
        tpu.yield
      }) : () -> ()
      %dma_start3A = arith.constant 0 : i32
      %dma_start3A_18 = arith.constant 0 : i32
      %dma_start3A_19 = tpu.memref_slice %arg2[%dma_start3A, %dma_start3A_18] : memref<50000x64xf32, #tpu.memory_space<hbm>> -> memref<50000x64xf32, #tpu.memory_space<hbm>>
      tpu.enqueue_indirect_dma source(%dma_start3A_19 : memref<50000x64xf32, #tpu.memory_space<hbm>>) target(%arg6 : memref<128x64xf32, #tpu.memory_space<vmem>>) offsets(%arg5 : memref<128xi32, #tpu.memory_space<vmem>>) semaphore(%arg7 : memref<!tpu.dma_semaphore, #tpu.memory_space<semaphore_mem>>)
      %dma_wait3A = arith.constant 0 : i32
      %dma_wait3A_20 = arith.constant 0 : i32
      %dma_wait3A_21 = tpu.memref_slice %arg2[%dma_wait3A, %dma_wait3A_20] : memref<50000x64xf32, #tpu.memory_space<hbm>> -> memref<50000x64xf32, #tpu.memory_space<hbm>>
      tpu.wait_indirect_dma semaphore(%arg7 : memref<!tpu.dma_semaphore, #tpu.memory_space<semaphore_mem>>) src(%dma_wait3A_21 : memref<50000x64xf32, #tpu.memory_space<hbm>>) dst(%arg6 : memref<128x64xf32, #tpu.memory_space<vmem>>)
      "tpu.region"() ({
        %run_scoped3A = tpu.sem_alloc : memref<!tpu.dma_semaphore, #tpu.memory_space<semaphore_mem>>
        %dma_start3A_22 = arith.constant 0 : i32
        %dma_start3A_23 = tpu.memref_slice %arg4[%mul3A_17, %dma_start3A_22] : memref<800000x64xf32, #tpu.memory_space<hbm>> -> memref<128x64xf32, #tpu.memory_space<hbm>>
        %dma_start3A_24 = arith.constant 0 : i32
        %dma_start3A_25 = tpu.memref_slice %arg4[%mul3A_17, %dma_start3A_24] : memref<800000x64xf32, #tpu.memory_space<hbm>> -> memref<128x64xf32, #tpu.memory_space<hbm>>
        tpu.enqueue_dma source(%arg6 : memref<128x64xf32, #tpu.memory_space<vmem>>) target(%dma_start3A_25 : memref<128x64xf32, #tpu.memory_space<hbm>>) target_semaphore(%run_scoped3A : memref<!tpu.dma_semaphore, #tpu.memory_space<semaphore_mem>>)
        %dma_wait3A_26 = arith.constant 0 : i32
        %dma_wait3A_27 = tpu.memref_slice %arg4[%mul3A_17, %dma_wait3A_26] : memref<800000x64xf32, #tpu.memory_space<hbm>> -> memref<128x64xf32, #tpu.memory_space<hbm>>
        %dma_wait3A_28 = arith.constant 0 : i32
        %dma_wait3A_29 = tpu.memref_slice %arg4[%mul3A_17, %dma_wait3A_28] : memref<800000x64xf32, #tpu.memory_space<hbm>> -> memref<128x64xf32, #tpu.memory_space<hbm>>
        tpu.wait_dma2 semaphore(%run_scoped3A : memref<!tpu.dma_semaphore, #tpu.memory_space<semaphore_mem>>) src(%arg6 : memref<128x64xf32, #tpu.memory_space<vmem>>) dst(%dma_wait3A_29 : memref<128x64xf32, #tpu.memory_space<hbm>>)
        tpu.yield
      }) : () -> ()
    }
    %while3A_13 = arith.constant 1 : i32
    scf.for %while3A_14 = %while3A_11 to %while3A_7 step %while3A_13  : i32 {
      %add3A_15 = arith.addi %mul3A_2, %while3A_14 : i32
      %mul3A_16 = arith.constant 128 : i32
      %mul3A_17 = arith.muli %add3A_15, %mul3A_16 : i32
      "tpu.region"() ({
        %run_scoped3A = tpu.sem_alloc : memref<!tpu.dma_semaphore, #tpu.memory_space<semaphore_mem>>
        %dma_start3A_22 = tpu.memref_slice %arg3[%mul3A_17] : memref<800000xi32, #tpu.memory_space<hbm>> -> memref<128xi32, #tpu.memory_space<hbm>>
        %dma_start3A_23 = tpu.memref_slice %arg3[%mul3A_17] : memref<800000xi32, #tpu.memory_space<hbm>> -> memref<128xi32, #tpu.memory_space<hbm>>
        tpu.enqueue_dma source(%dma_start3A_23 : memref<128xi32, #tpu.memory_space<hbm>>) target(%arg5 : memref<128xi32, #tpu.memory_space<vmem>>) target_semaphore(%run_scoped3A : memref<!tpu.dma_semaphore, #tpu.memory_space<semaphore_mem>>)
        %dma_wait3A_24 = tpu.memref_slice %arg3[%mul3A_17] : memref<800000xi32, #tpu.memory_space<hbm>> -> memref<128xi32, #tpu.memory_space<hbm>>
        %dma_wait3A_25 = tpu.memref_slice %arg3[%mul3A_17] : memref<800000xi32, #tpu.memory_space<hbm>> -> memref<128xi32, #tpu.memory_space<hbm>>
        tpu.wait_dma2 semaphore(%run_scoped3A : memref<!tpu.dma_semaphore, #tpu.memory_space<semaphore_mem>>) src(%dma_wait3A_25 : memref<128xi32, #tpu.memory_space<hbm>>) dst(%arg5 : memref<128xi32, #tpu.memory_space<vmem>>)
        tpu.yield
      }) : () -> ()
      %dma_start3A = arith.constant 0 : i32
      %dma_start3A_18 = arith.constant 0 : i32
      %dma_start3A_19 = tpu.memref_slice %arg2[%dma_start3A, %dma_start3A_18] : memref<50000x64xf32, #tpu.memory_space<hbm>> -> memref<50000x64xf32, #tpu.memory_space<hbm>>
      tpu.enqueue_indirect_dma source(%dma_start3A_19 : memref<50000x64xf32, #tpu.memory_space<hbm>>) target(%arg6 : memref<128x64xf32, #tpu.memory_space<vmem>>) offsets(%arg5 : memref<128xi32, #tpu.memory_space<vmem>>) semaphore(%arg7 : memref<!tpu.dma_semaphore, #tpu.memory_space<semaphore_mem>>)
      %dma_wait3A = arith.constant 0 : i32
      %dma_wait3A_20 = arith.constant 0 : i32
      %dma_wait3A_21 = tpu.memref_slice %arg2[%dma_wait3A, %dma_wait3A_20] : memref<50000x64xf32, #tpu.memory_space<hbm>> -> memref<50000x64xf32, #tpu.memory_space<hbm>>
      tpu.wait_indirect_dma semaphore(%arg7 : memref<!tpu.dma_semaphore, #tpu.memory_space<semaphore_mem>>) src(%dma_wait3A_21 : memref<50000x64xf32, #tpu.memory_space<hbm>>) dst(%arg6 : memref<128x64xf32, #tpu.memory_space<vmem>>)
      "tpu.region"() ({
        %run_scoped3A = tpu.sem_alloc : memref<!tpu.dma_semaphore, #tpu.memory_space<semaphore_mem>>
        %dma_start3A_22 = arith.constant 0 : i32
        %dma_start3A_23 = tpu.memref_slice %arg4[%mul3A_17, %dma_start3A_22] : memref<800000x64xf32, #tpu.memory_space<hbm>> -> memref<128x64xf32, #tpu.memory_space<hbm>>
        %dma_start3A_24 = arith.constant 0 : i32
        %dma_start3A_25 = tpu.memref_slice %arg4[%mul3A_17, %dma_start3A_24] : memref<800000x64xf32, #tpu.memory_space<hbm>> -> memref<128x64xf32, #tpu.memory_space<hbm>>
        tpu.enqueue_dma source(%arg6 : memref<128x64xf32, #tpu.memory_space<vmem>>) target(%dma_start3A_25 : memref<128x64xf32, #tpu.memory_space<hbm>>) target_semaphore(%run_scoped3A : memref<!tpu.dma_semaphore, #tpu.memory_space<semaphore_mem>>)
        %dma_wait3A_26 = arith.constant 0 : i32
        %dma_wait3A_27 = tpu.memref_slice %arg4[%mul3A_17, %dma_wait3A_26] : memref<800000x64xf32, #tpu.memory_space<hbm>> -> memref<128x64xf32, #tpu.memory_space<hbm>>
        %dma_wait3A_28 = arith.constant 0 : i32
        %dma_wait3A_29 = tpu.memref_slice %arg4[%mul3A_17, %dma_wait3A_28] : memref<800000x64xf32, #tpu.memory_space<hbm>> -> memref<128x64xf32, #tpu.memory_space<hbm>>
        tpu.wait_dma2 semaphore(%run_scoped3A : memref<!tpu.dma_semaphore, #tpu.memory_space<semaphore_mem>>) src(%arg6 : memref<128x64xf32, #tpu.memory_space<vmem>>) dst(%dma_wait3A_29 : memref<128x64xf32, #tpu.memory_space<hbm>>)
        tpu.yield
      }) : () -> ()
    }
    return
  }
}

#map = affine_map<(d0, d1) -> (0, 0)>
#map1 = affine_map<(d0, d1) -> (0)>
module attributes {stable_mosaic.version = 14 : i64} {
  func.func @scatter(%arg0: i32, %arg1: i32, %arg2: memref<800000x16xf32, #tpu.memory_space<hbm>>, %arg3: memref<800000xi32, #tpu.memory_space<hbm>>, %arg4: memref<224x16xf32, #tpu.memory_space<hbm>>, %arg5: memref<50000x16xf32, #tpu.memory_space<hbm>>, %arg6: memref<128xi32, #tpu.memory_space<vmem>>, %arg7: memref<128xi32, #tpu.memory_space<vmem>>, %arg8: memref<128x16xf32, #tpu.memory_space<vmem>>, %arg9: memref<224x16xf32, #tpu.memory_space<vmem>>, %arg10: memref<25088x16xf32, #tpu.memory_space<vmem_shared>>, %arg11: memref<!tpu.dma_semaphore, #tpu.memory_space<semaphore_mem>>) attributes {dimension_semantics = [#tpu.dimension_semantics<core_parallel>, #tpu.dimension_semantics<subcore_parallel>], iteration_bounds = array<i64: 2, 16>, scalar_prefetch = 0 : i64, scratch_operands = 6 : i64, tpu.core_type = #tpu.core_type<sc_vector_subcore>, window_params = [{transform_indices = #map}, {transform_indices = #map1}, {transform_indices = #map}, {transform_indices = #map}]} {
    %mul3A = arith.constant 25000 : i32
    %mul3A_0 = arith.muli %arg0, %mul3A : i32
    "tpu.region"() ({
      %run_scoped3A = tpu.sem_alloc : memref<!tpu.dma_semaphore, #tpu.memory_space<semaphore_mem>>
      tpu.enqueue_dma source(%arg4 : memref<224x16xf32, #tpu.memory_space<hbm>>) target(%arg9 : memref<224x16xf32, #tpu.memory_space<vmem>>) target_semaphore(%run_scoped3A : memref<!tpu.dma_semaphore, #tpu.memory_space<semaphore_mem>>)
      tpu.wait_dma2 semaphore(%run_scoped3A : memref<!tpu.dma_semaphore, #tpu.memory_space<semaphore_mem>>) src(%arg4 : memref<224x16xf32, #tpu.memory_space<hbm>>) dst(%arg9 : memref<224x16xf32, #tpu.memory_space<vmem>>)
      tpu.yield
    }) : () -> ()
    %mul3A_1 = arith.constant 1568 : i32
    %mul3A_2 = arith.muli %arg1, %mul3A_1 : i32
    %add3A = arith.constant 0 : i32
    %add3A_3 = arith.addi %mul3A_2, %add3A : i32
    "tpu.region"() ({
      %run_scoped3A = tpu.sem_alloc : memref<!tpu.dma_semaphore, #tpu.memory_space<semaphore_mem>>
      %dma_start3A = arith.constant 0 : i32
      %dma_start3A_50 = tpu.memref_slice %arg10[%add3A_3, %dma_start3A] : memref<25088x16xf32, #tpu.memory_space<vmem_shared>> -> memref<224x16xf32, #tpu.memory_space<vmem_shared>>
      %dma_start3A_51 = arith.constant 0 : i32
      %dma_start3A_52 = tpu.memref_slice %arg10[%add3A_3, %dma_start3A_51] : memref<25088x16xf32, #tpu.memory_space<vmem_shared>> -> memref<224x16xf32, #tpu.memory_space<vmem_shared>>
      tpu.enqueue_dma source(%arg9 : memref<224x16xf32, #tpu.memory_space<vmem>>) target(%dma_start3A_52 : memref<224x16xf32, #tpu.memory_space<vmem_shared>>) target_semaphore(%run_scoped3A : memref<!tpu.dma_semaphore, #tpu.memory_space<semaphore_mem>>)
      %dma_wait3A = arith.constant 0 : i32
      %dma_wait3A_53 = tpu.memref_slice %arg10[%add3A_3, %dma_wait3A] : memref<25088x16xf32, #tpu.memory_space<vmem_shared>> -> memref<224x16xf32, #tpu.memory_space<vmem_shared>>
      %dma_wait3A_54 = arith.constant 0 : i32
      %dma_wait3A_55 = tpu.memref_slice %arg10[%add3A_3, %dma_wait3A_54] : memref<25088x16xf32, #tpu.memory_space<vmem_shared>> -> memref<224x16xf32, #tpu.memory_space<vmem_shared>>
      tpu.wait_dma2 semaphore(%run_scoped3A : memref<!tpu.dma_semaphore, #tpu.memory_space<semaphore_mem>>) src(%arg9 : memref<224x16xf32, #tpu.memory_space<vmem>>) dst(%dma_wait3A_55 : memref<224x16xf32, #tpu.memory_space<vmem_shared>>)
      tpu.yield
    }) : () -> ()
    %mul3A_4 = arith.constant 1568 : i32
    %mul3A_5 = arith.muli %arg1, %mul3A_4 : i32
    %add3A_6 = arith.constant 224 : i32
    %add3A_7 = arith.addi %mul3A_5, %add3A_6 : i32
    "tpu.region"() ({
      %run_scoped3A = tpu.sem_alloc : memref<!tpu.dma_semaphore, #tpu.memory_space<semaphore_mem>>
      %dma_start3A = arith.constant 0 : i32
      %dma_start3A_50 = tpu.memref_slice %arg10[%add3A_7, %dma_start3A] : memref<25088x16xf32, #tpu.memory_space<vmem_shared>> -> memref<224x16xf32, #tpu.memory_space<vmem_shared>>
      %dma_start3A_51 = arith.constant 0 : i32
      %dma_start3A_52 = tpu.memref_slice %arg10[%add3A_7, %dma_start3A_51] : memref<25088x16xf32, #tpu.memory_space<vmem_shared>> -> memref<224x16xf32, #tpu.memory_space<vmem_shared>>
      tpu.enqueue_dma source(%arg9 : memref<224x16xf32, #tpu.memory_space<vmem>>) target(%dma_start3A_52 : memref<224x16xf32, #tpu.memory_space<vmem_shared>>) target_semaphore(%run_scoped3A : memref<!tpu.dma_semaphore, #tpu.memory_space<semaphore_mem>>)
      %dma_wait3A = arith.constant 0 : i32
      %dma_wait3A_53 = tpu.memref_slice %arg10[%add3A_7, %dma_wait3A] : memref<25088x16xf32, #tpu.memory_space<vmem_shared>> -> memref<224x16xf32, #tpu.memory_space<vmem_shared>>
      %dma_wait3A_54 = arith.constant 0 : i32
      %dma_wait3A_55 = tpu.memref_slice %arg10[%add3A_7, %dma_wait3A_54] : memref<25088x16xf32, #tpu.memory_space<vmem_shared>> -> memref<224x16xf32, #tpu.memory_space<vmem_shared>>
      tpu.wait_dma2 semaphore(%run_scoped3A : memref<!tpu.dma_semaphore, #tpu.memory_space<semaphore_mem>>) src(%arg9 : memref<224x16xf32, #tpu.memory_space<vmem>>) dst(%dma_wait3A_55 : memref<224x16xf32, #tpu.memory_space<vmem_shared>>)
      tpu.yield
    }) : () -> ()
    %mul3A_8 = arith.constant 1568 : i32
    %mul3A_9 = arith.muli %arg1, %mul3A_8 : i32
    %add3A_10 = arith.constant 448 : i32
    %add3A_11 = arith.addi %mul3A_9, %add3A_10 : i32
    "tpu.region"() ({
      %run_scoped3A = tpu.sem_alloc : memref<!tpu.dma_semaphore, #tpu.memory_space<semaphore_mem>>
      %dma_start3A = arith.constant 0 : i32
      %dma_start3A_50 = tpu.memref_slice %arg10[%add3A_11, %dma_start3A] : memref<25088x16xf32, #tpu.memory_space<vmem_shared>> -> memref<224x16xf32, #tpu.memory_space<vmem_shared>>
      %dma_start3A_51 = arith.constant 0 : i32
      %dma_start3A_52 = tpu.memref_slice %arg10[%add3A_11, %dma_start3A_51] : memref<25088x16xf32, #tpu.memory_space<vmem_shared>> -> memref<224x16xf32, #tpu.memory_space<vmem_shared>>
      tpu.enqueue_dma source(%arg9 : memref<224x16xf32, #tpu.memory_space<vmem>>) target(%dma_start3A_52 : memref<224x16xf32, #tpu.memory_space<vmem_shared>>) target_semaphore(%run_scoped3A : memref<!tpu.dma_semaphore, #tpu.memory_space<semaphore_mem>>)
      %dma_wait3A = arith.constant 0 : i32
      %dma_wait3A_53 = tpu.memref_slice %arg10[%add3A_11, %dma_wait3A] : memref<25088x16xf32, #tpu.memory_space<vmem_shared>> -> memref<224x16xf32, #tpu.memory_space<vmem_shared>>
      %dma_wait3A_54 = arith.constant 0 : i32
      %dma_wait3A_55 = tpu.memref_slice %arg10[%add3A_11, %dma_wait3A_54] : memref<25088x16xf32, #tpu.memory_space<vmem_shared>> -> memref<224x16xf32, #tpu.memory_space<vmem_shared>>
      tpu.wait_dma2 semaphore(%run_scoped3A : memref<!tpu.dma_semaphore, #tpu.memory_space<semaphore_mem>>) src(%arg9 : memref<224x16xf32, #tpu.memory_space<vmem>>) dst(%dma_wait3A_55 : memref<224x16xf32, #tpu.memory_space<vmem_shared>>)
      tpu.yield
    }) : () -> ()
    %mul3A_12 = arith.constant 1568 : i32
    %mul3A_13 = arith.muli %arg1, %mul3A_12 : i32
    %add3A_14 = arith.constant 672 : i32
    %add3A_15 = arith.addi %mul3A_13, %add3A_14 : i32
    "tpu.region"() ({
      %run_scoped3A = tpu.sem_alloc : memref<!tpu.dma_semaphore, #tpu.memory_space<semaphore_mem>>
      %dma_start3A = arith.constant 0 : i32
      %dma_start3A_50 = tpu.memref_slice %arg10[%add3A_15, %dma_start3A] : memref<25088x16xf32, #tpu.memory_space<vmem_shared>> -> memref<224x16xf32, #tpu.memory_space<vmem_shared>>
      %dma_start3A_51 = arith.constant 0 : i32
      %dma_start3A_52 = tpu.memref_slice %arg10[%add3A_15, %dma_start3A_51] : memref<25088x16xf32, #tpu.memory_space<vmem_shared>> -> memref<224x16xf32, #tpu.memory_space<vmem_shared>>
      tpu.enqueue_dma source(%arg9 : memref<224x16xf32, #tpu.memory_space<vmem>>) target(%dma_start3A_52 : memref<224x16xf32, #tpu.memory_space<vmem_shared>>) target_semaphore(%run_scoped3A : memref<!tpu.dma_semaphore, #tpu.memory_space<semaphore_mem>>)
      %dma_wait3A = arith.constant 0 : i32
      %dma_wait3A_53 = tpu.memref_slice %arg10[%add3A_15, %dma_wait3A] : memref<25088x16xf32, #tpu.memory_space<vmem_shared>> -> memref<224x16xf32, #tpu.memory_space<vmem_shared>>
      %dma_wait3A_54 = arith.constant 0 : i32
      %dma_wait3A_55 = tpu.memref_slice %arg10[%add3A_15, %dma_wait3A_54] : memref<25088x16xf32, #tpu.memory_space<vmem_shared>> -> memref<224x16xf32, #tpu.memory_space<vmem_shared>>
      tpu.wait_dma2 semaphore(%run_scoped3A : memref<!tpu.dma_semaphore, #tpu.memory_space<semaphore_mem>>) src(%arg9 : memref<224x16xf32, #tpu.memory_space<vmem>>) dst(%dma_wait3A_55 : memref<224x16xf32, #tpu.memory_space<vmem_shared>>)
      tpu.yield
    }) : () -> ()
    %mul3A_16 = arith.constant 1568 : i32
    %mul3A_17 = arith.muli %arg1, %mul3A_16 : i32
    %add3A_18 = arith.constant 896 : i32
    %add3A_19 = arith.addi %mul3A_17, %add3A_18 : i32
    "tpu.region"() ({
      %run_scoped3A = tpu.sem_alloc : memref<!tpu.dma_semaphore, #tpu.memory_space<semaphore_mem>>
      %dma_start3A = arith.constant 0 : i32
      %dma_start3A_50 = tpu.memref_slice %arg10[%add3A_19, %dma_start3A] : memref<25088x16xf32, #tpu.memory_space<vmem_shared>> -> memref<224x16xf32, #tpu.memory_space<vmem_shared>>
      %dma_start3A_51 = arith.constant 0 : i32
      %dma_start3A_52 = tpu.memref_slice %arg10[%add3A_19, %dma_start3A_51] : memref<25088x16xf32, #tpu.memory_space<vmem_shared>> -> memref<224x16xf32, #tpu.memory_space<vmem_shared>>
      tpu.enqueue_dma source(%arg9 : memref<224x16xf32, #tpu.memory_space<vmem>>) target(%dma_start3A_52 : memref<224x16xf32, #tpu.memory_space<vmem_shared>>) target_semaphore(%run_scoped3A : memref<!tpu.dma_semaphore, #tpu.memory_space<semaphore_mem>>)
      %dma_wait3A = arith.constant 0 : i32
      %dma_wait3A_53 = tpu.memref_slice %arg10[%add3A_19, %dma_wait3A] : memref<25088x16xf32, #tpu.memory_space<vmem_shared>> -> memref<224x16xf32, #tpu.memory_space<vmem_shared>>
      %dma_wait3A_54 = arith.constant 0 : i32
      %dma_wait3A_55 = tpu.memref_slice %arg10[%add3A_19, %dma_wait3A_54] : memref<25088x16xf32, #tpu.memory_space<vmem_shared>> -> memref<224x16xf32, #tpu.memory_space<vmem_shared>>
      tpu.wait_dma2 semaphore(%run_scoped3A : memref<!tpu.dma_semaphore, #tpu.memory_space<semaphore_mem>>) src(%arg9 : memref<224x16xf32, #tpu.memory_space<vmem>>) dst(%dma_wait3A_55 : memref<224x16xf32, #tpu.memory_space<vmem_shared>>)
      tpu.yield
    }) : () -> ()
    %mul3A_20 = arith.constant 1568 : i32
    %mul3A_21 = arith.muli %arg1, %mul3A_20 : i32
    %add3A_22 = arith.constant 1120 : i32
    %add3A_23 = arith.addi %mul3A_21, %add3A_22 : i32
    "tpu.region"() ({
      %run_scoped3A = tpu.sem_alloc : memref<!tpu.dma_semaphore, #tpu.memory_space<semaphore_mem>>
      %dma_start3A = arith.constant 0 : i32
      %dma_start3A_50 = tpu.memref_slice %arg10[%add3A_23, %dma_start3A] : memref<25088x16xf32, #tpu.memory_space<vmem_shared>> -> memref<224x16xf32, #tpu.memory_space<vmem_shared>>
      %dma_start3A_51 = arith.constant 0 : i32
      %dma_start3A_52 = tpu.memref_slice %arg10[%add3A_23, %dma_start3A_51] : memref<25088x16xf32, #tpu.memory_space<vmem_shared>> -> memref<224x16xf32, #tpu.memory_space<vmem_shared>>
      tpu.enqueue_dma source(%arg9 : memref<224x16xf32, #tpu.memory_space<vmem>>) target(%dma_start3A_52 : memref<224x16xf32, #tpu.memory_space<vmem_shared>>) target_semaphore(%run_scoped3A : memref<!tpu.dma_semaphore, #tpu.memory_space<semaphore_mem>>)
      %dma_wait3A = arith.constant 0 : i32
      %dma_wait3A_53 = tpu.memref_slice %arg10[%add3A_23, %dma_wait3A] : memref<25088x16xf32, #tpu.memory_space<vmem_shared>> -> memref<224x16xf32, #tpu.memory_space<vmem_shared>>
      %dma_wait3A_54 = arith.constant 0 : i32
      %dma_wait3A_55 = tpu.memref_slice %arg10[%add3A_23, %dma_wait3A_54] : memref<25088x16xf32, #tpu.memory_space<vmem_shared>> -> memref<224x16xf32, #tpu.memory_space<vmem_shared>>
      tpu.wait_dma2 semaphore(%run_scoped3A : memref<!tpu.dma_semaphore, #tpu.memory_space<semaphore_mem>>) src(%arg9 : memref<224x16xf32, #tpu.memory_space<vmem>>) dst(%dma_wait3A_55 : memref<224x16xf32, #tpu.memory_space<vmem_shared>>)
      tpu.yield
    }) : () -> ()
    %mul3A_24 = arith.constant 1568 : i32
    %mul3A_25 = arith.muli %arg1, %mul3A_24 : i32
    %add3A_26 = arith.constant 1344 : i32
    %add3A_27 = arith.addi %mul3A_25, %add3A_26 : i32
    "tpu.region"() ({
      %run_scoped3A = tpu.sem_alloc : memref<!tpu.dma_semaphore, #tpu.memory_space<semaphore_mem>>
      %dma_start3A = arith.constant 0 : i32
      %dma_start3A_50 = tpu.memref_slice %arg10[%add3A_27, %dma_start3A] : memref<25088x16xf32, #tpu.memory_space<vmem_shared>> -> memref<224x16xf32, #tpu.memory_space<vmem_shared>>
      %dma_start3A_51 = arith.constant 0 : i32
      %dma_start3A_52 = tpu.memref_slice %arg10[%add3A_27, %dma_start3A_51] : memref<25088x16xf32, #tpu.memory_space<vmem_shared>> -> memref<224x16xf32, #tpu.memory_space<vmem_shared>>
      tpu.enqueue_dma source(%arg9 : memref<224x16xf32, #tpu.memory_space<vmem>>) target(%dma_start3A_52 : memref<224x16xf32, #tpu.memory_space<vmem_shared>>) target_semaphore(%run_scoped3A : memref<!tpu.dma_semaphore, #tpu.memory_space<semaphore_mem>>)
      %dma_wait3A = arith.constant 0 : i32
      %dma_wait3A_53 = tpu.memref_slice %arg10[%add3A_27, %dma_wait3A] : memref<25088x16xf32, #tpu.memory_space<vmem_shared>> -> memref<224x16xf32, #tpu.memory_space<vmem_shared>>
      %dma_wait3A_54 = arith.constant 0 : i32
      %dma_wait3A_55 = tpu.memref_slice %arg10[%add3A_27, %dma_wait3A_54] : memref<25088x16xf32, #tpu.memory_space<vmem_shared>> -> memref<224x16xf32, #tpu.memory_space<vmem_shared>>
      tpu.wait_dma2 semaphore(%run_scoped3A : memref<!tpu.dma_semaphore, #tpu.memory_space<semaphore_mem>>) src(%arg9 : memref<224x16xf32, #tpu.memory_space<vmem>>) dst(%dma_wait3A_55 : memref<224x16xf32, #tpu.memory_space<vmem_shared>>)
      tpu.yield
    }) : () -> ()
    %barrier3A = arith.constant 0 : index
    tpu.barrier barrier_id(%barrier3A)
    %mul3A_28 = arith.constant 391 : i32
    %mul3A_29 = arith.muli %arg1, %mul3A_28 : i32
    %sub3A = arith.constant 6250 : i32
    %sub3A_30 = arith.subi %sub3A, %mul3A_29 : i32
    %jit3A = arith.constant 0 : i32
    %jit3A_31 = arith.constant 391 : i32
    %max3A = arith.maxsi %jit3A, %sub3A_30 : i32
    %min3A = arith.minsi %jit3A_31, %max3A : i32
    %while3A = arith.constant 0 : i32
    %while3A_32 = arith.constant 0 : i32
    %while3A_33 = arith.subi %min3A, %while3A_32 : i32
    %while3A_34 = arith.addi %while3A_32, %while3A_33 : i32
    %while3A_35 = arith.constant 1 : i32
    %while3A_36 = arith.divsi %while3A_33, %while3A_35 : i32
    %while3A_37 = arith.muli %while3A_36, %while3A_35 : i32
    %while3A_38 = arith.addi %while3A_32, %while3A_37 : i32
    %while3A_39 = arith.constant 1 : i32
    scf.for %while3A_50 = %while3A_32 to %while3A_38 step %while3A_39  : i32 {
      %add3A_51 = arith.addi %mul3A_29, %while3A_50 : i32
      %mul3A_52 = arith.constant 128 : i32
      %mul3A_53 = arith.muli %add3A_51, %mul3A_52 : i32
      "tpu.region"() ({
        %run_scoped3A = tpu.sem_alloc : memref<!tpu.dma_semaphore, #tpu.memory_space<semaphore_mem>>
        %dma_start3A = tpu.memref_slice %arg3[%mul3A_53] : memref<800000xi32, #tpu.memory_space<hbm>> -> memref<128xi32, #tpu.memory_space<hbm>>
        %dma_start3A_200 = tpu.memref_slice %arg3[%mul3A_53] : memref<800000xi32, #tpu.memory_space<hbm>> -> memref<128xi32, #tpu.memory_space<hbm>>
        tpu.enqueue_dma source(%dma_start3A_200 : memref<128xi32, #tpu.memory_space<hbm>>) target(%arg6 : memref<128xi32, #tpu.memory_space<vmem>>) target_semaphore(%run_scoped3A : memref<!tpu.dma_semaphore, #tpu.memory_space<semaphore_mem>>)
        %dma_wait3A = tpu.memref_slice %arg3[%mul3A_53] : memref<800000xi32, #tpu.memory_space<hbm>> -> memref<128xi32, #tpu.memory_space<hbm>>
        %dma_wait3A_201 = tpu.memref_slice %arg3[%mul3A_53] : memref<800000xi32, #tpu.memory_space<hbm>> -> memref<128xi32, #tpu.memory_space<hbm>>
        tpu.wait_dma2 semaphore(%run_scoped3A : memref<!tpu.dma_semaphore, #tpu.memory_space<semaphore_mem>>) src(%dma_wait3A_201 : memref<128xi32, #tpu.memory_space<hbm>>) dst(%arg6 : memref<128xi32, #tpu.memory_space<vmem>>)
        tpu.yield
      }) : () -> ()
      "tpu.region"() ({
        %run_scoped3A = tpu.sem_alloc : memref<!tpu.dma_semaphore, #tpu.memory_space<semaphore_mem>>
        %dma_start3A = arith.constant 0 : i32
        %dma_start3A_200 = tpu.memref_slice %arg2[%mul3A_53, %dma_start3A] : memref<800000x16xf32, #tpu.memory_space<hbm>> -> memref<128x16xf32, #tpu.memory_space<hbm>>
        %dma_start3A_201 = arith.constant 0 : i32
        %dma_start3A_202 = tpu.memref_slice %arg2[%mul3A_53, %dma_start3A_201] : memref<800000x16xf32, #tpu.memory_space<hbm>> -> memref<128x16xf32, #tpu.memory_space<hbm>>
        tpu.enqueue_dma source(%dma_start3A_202 : memref<128x16xf32, #tpu.memory_space<hbm>>) target(%arg8 : memref<128x16xf32, #tpu.memory_space<vmem>>) target_semaphore(%run_scoped3A : memref<!tpu.dma_semaphore, #tpu.memory_space<semaphore_mem>>)
        %dma_wait3A = arith.constant 0 : i32
        %dma_wait3A_203 = tpu.memref_slice %arg2[%mul3A_53, %dma_wait3A] : memref<800000x16xf32, #tpu.memory_space<hbm>> -> memref<128x16xf32, #tpu.memory_space<hbm>>
        %dma_wait3A_204 = arith.constant 0 : i32
        %dma_wait3A_205 = tpu.memref_slice %arg2[%mul3A_53, %dma_wait3A_204] : memref<800000x16xf32, #tpu.memory_space<hbm>> -> memref<128x16xf32, #tpu.memory_space<hbm>>
        tpu.wait_dma2 semaphore(%run_scoped3A : memref<!tpu.dma_semaphore, #tpu.memory_space<semaphore_mem>>) src(%dma_wait3A_205 : memref<128x16xf32, #tpu.memory_space<hbm>>) dst(%arg8 : memref<128x16xf32, #tpu.memory_space<vmem>>)
        tpu.yield
      }) : () -> ()
      %get3A = arith.constant 0 : index
      %get3A_54 = tpu.vector_load %arg6[%get3A] {strides = array<i32>} : memref<128xi32, #tpu.memory_space<vmem>>, vector<16xi32>,
      %get3A_55 = vector.shape_cast %get3A_54 : vector<16xi32> to vector<16xi32>
      %sub3A_56 = vector.broadcast %mul3A_0 : i32 to vector<16xi32>
      %sub3A_57 = arith.subi %get3A_55, %sub3A_56 : vector<16xi32>
      %ge3A = arith.constant 0 : i32
      %ge3A_58 = vector.broadcast %ge3A : i32 to vector<16xi32>
      %ge3A_59 = arith.cmpi sge, %sub3A_57, %ge3A_58 : vector<16xi32>
      %lt3A_60 = arith.constant 25000 : i32
      %lt3A_61 = vector.broadcast %lt3A_60 : i32 to vector<16xi32>
      %lt3A_62 = arith.cmpi slt, %sub3A_57, %lt3A_61 : vector<16xi32>
      %and3A = arith.andi %ge3A_59, %lt3A_62 : vector<16xi1>
      %jit3A_63 = arith.constant 25000 : i32
      %broadcast_in_dim3A = vector.broadcast %jit3A_63 : i32 to vector<16xi32>
      %select_n3A = arith.select %and3A, %sub3A_57, %broadcast_in_dim3A : vector<16xi1>, vector<16xi32>
      %swap3A = arith.constant 0 : index
      %swap3A_64 = tpu.vector_load %arg7[%swap3A] {strides = array<i32>} : memref<128xi32, #tpu.memory_space<vmem>>, vector<16xi32>,
      %swap3A_65 = vector.shape_cast %swap3A_64 : vector<16xi32> to vector<16xi32>
      %swap3A_66 = vector.shape_cast %select_n3A : vector<16xi32> to vector<16xi32>
      tpu.vector_store %arg7[%swap3A], %swap3A_66 {strides = array<i32>} : memref<128xi32, #tpu.memory_space<vmem>>, vector<16xi32>,
      %get3A_67 = arith.constant 16 : index
      %get3A_68 = tpu.vector_load %arg6[%get3A_67] {strides = array<i32>} : memref<128xi32, #tpu.memory_space<vmem>>, vector<16xi32>,
      %get3A_69 = vector.shape_cast %get3A_68 : vector<16xi32> to vector<16xi32>
      %sub3A_70 = vector.broadcast %mul3A_0 : i32 to vector<16xi32>
      %sub3A_71 = arith.subi %get3A_69, %sub3A_70 : vector<16xi32>
      %ge3A_72 = arith.constant 0 : i32
      %ge3A_73 = vector.broadcast %ge3A_72 : i32 to vector<16xi32>
      %ge3A_74 = arith.cmpi sge, %sub3A_71, %ge3A_73 : vector<16xi32>
      %lt3A_75 = arith.constant 25000 : i32
      %lt3A_76 = vector.broadcast %lt3A_75 : i32 to vector<16xi32>
      %lt3A_77 = arith.cmpi slt, %sub3A_71, %lt3A_76 : vector<16xi32>
      %and3A_78 = arith.andi %ge3A_74, %lt3A_77 : vector<16xi1>
      %jit3A_79 = arith.constant 25000 : i32
      %broadcast_in_dim3A_80 = vector.broadcast %jit3A_79 : i32 to vector<16xi32>
      %select_n3A_81 = arith.select %and3A_78, %sub3A_71, %broadcast_in_dim3A_80 : vector<16xi1>, vector<16xi32>
      %swap3A_82 = arith.constant 16 : index
      %swap3A_83 = tpu.vector_load %arg7[%swap3A_82] {strides = array<i32>} : memref<128xi32, #tpu.memory_space<vmem>>, vector<16xi32>,
      %swap3A_84 = vector.shape_cast %swap3A_83 : vector<16xi32> to vector<16xi32>
      %swap3A_85 = vector.shape_cast %select_n3A_81 : vector<16xi32> to vector<16xi32>
      tpu.vector_store %arg7[%swap3A_82], %swap3A_85 {strides = array<i32>} : memref<128xi32, #tpu.memory_space<vmem>>, vector<16xi32>,
      %get3A_86 = arith.constant 32 : index
      %get3A_87 = tpu.vector_load %arg6[%get3A_86] {strides = array<i32>} : memref<128xi32, #tpu.memory_space<vmem>>, vector<16xi32>,
      %get3A_88 = vector.shape_cast %get3A_87 : vector<16xi32> to vector<16xi32>
      %sub3A_89 = vector.broadcast %mul3A_0 : i32 to vector<16xi32>
      %sub3A_90 = arith.subi %get3A_88, %sub3A_89 : vector<16xi32>
      %ge3A_91 = arith.constant 0 : i32
      %ge3A_92 = vector.broadcast %ge3A_91 : i32 to vector<16xi32>
      %ge3A_93 = arith.cmpi sge, %sub3A_90, %ge3A_92 : vector<16xi32>
      %lt3A_94 = arith.constant 25000 : i32
      %lt3A_95 = vector.broadcast %lt3A_94 : i32 to vector<16xi32>
      %lt3A_96 = arith.cmpi slt, %sub3A_90, %lt3A_95 : vector<16xi32>
      %and3A_97 = arith.andi %ge3A_93, %lt3A_96 : vector<16xi1>
      %jit3A_98 = arith.constant 25000 : i32
      %broadcast_in_dim3A_99 = vector.broadcast %jit3A_98 : i32 to vector<16xi32>
      %select_n3A_100 = arith.select %and3A_97, %sub3A_90, %broadcast_in_dim3A_99 : vector<16xi1>, vector<16xi32>
      %swap3A_101 = arith.constant 32 : index
      %swap3A_102 = tpu.vector_load %arg7[%swap3A_101] {strides = array<i32>} : memref<128xi32, #tpu.memory_space<vmem>>, vector<16xi32>,
      %swap3A_103 = vector.shape_cast %swap3A_102 : vector<16xi32> to vector<16xi32>
      %swap3A_104 = vector.shape_cast %select_n3A_100 : vector<16xi32> to vector<16xi32>
      tpu.vector_store %arg7[%swap3A_101], %swap3A_104 {strides = array<i32>} : memref<128xi32, #tpu.memory_space<vmem>>, vector<16xi32>,
      %get3A_105 = arith.constant 48 : index
      %get3A_106 = tpu.vector_load %arg6[%get3A_105] {strides = array<i32>} : memref<128xi32, #tpu.memory_space<vmem>>, vector<16xi32>,
      %get3A_107 = vector.shape_cast %get3A_106 : vector<16xi32> to vector<16xi32>
      %sub3A_108 = vector.broadcast %mul3A_0 : i32 to vector<16xi32>
      %sub3A_109 = arith.subi %get3A_107, %sub3A_108 : vector<16xi32>
      %ge3A_110 = arith.constant 0 : i32
      %ge3A_111 = vector.broadcast %ge3A_110 : i32 to vector<16xi32>
      %ge3A_112 = arith.cmpi sge, %sub3A_109, %ge3A_111 : vector<16xi32>
      %lt3A_113 = arith.constant 25000 : i32
      %lt3A_114 = vector.broadcast %lt3A_113 : i32 to vector<16xi32>
      %lt3A_115 = arith.cmpi slt, %sub3A_109, %lt3A_114 : vector<16xi32>
      %and3A_116 = arith.andi %ge3A_112, %lt3A_115 : vector<16xi1>
      %jit3A_117 = arith.constant 25000 : i32
      %broadcast_in_dim3A_118 = vector.broadcast %jit3A_117 : i32 to vector<16xi32>
      %select_n3A_119 = arith.select %and3A_116, %sub3A_109, %broadcast_in_dim3A_118 : vector<16xi1>, vector<16xi32>
      %swap3A_120 = arith.constant 48 : index
      %swap3A_121 = tpu.vector_load %arg7[%swap3A_120] {strides = array<i32>} : memref<128xi32, #tpu.memory_space<vmem>>, vector<16xi32>,
      %swap3A_122 = vector.shape_cast %swap3A_121 : vector<16xi32> to vector<16xi32>
      %swap3A_123 = vector.shape_cast %select_n3A_119 : vector<16xi32> to vector<16xi32>
      tpu.vector_store %arg7[%swap3A_120], %swap3A_123 {strides = array<i32>} : memref<128xi32, #tpu.memory_space<vmem>>, vector<16xi32>,
      %get3A_124 = arith.constant 64 : index
      %get3A_125 = tpu.vector_load %arg6[%get3A_124] {strides = array<i32>} : memref<128xi32, #tpu.memory_space<vmem>>, vector<16xi32>,
      %get3A_126 = vector.shape_cast %get3A_125 : vector<16xi32> to vector<16xi32>
      %sub3A_127 = vector.broadcast %mul3A_0 : i32 to vector<16xi32>
      %sub3A_128 = arith.subi %get3A_126, %sub3A_127 : vector<16xi32>
      %ge3A_129 = arith.constant 0 : i32
      %ge3A_130 = vector.broadcast %ge3A_129 : i32 to vector<16xi32>
      %ge3A_131 = arith.cmpi sge, %sub3A_128, %ge3A_130 : vector<16xi32>
      %lt3A_132 = arith.constant 25000 : i32
      %lt3A_133 = vector.broadcast %lt3A_132 : i32 to vector<16xi32>
      %lt3A_134 = arith.cmpi slt, %sub3A_128, %lt3A_133 : vector<16xi32>
      %and3A_135 = arith.andi %ge3A_131, %lt3A_134 : vector<16xi1>
      %jit3A_136 = arith.constant 25000 : i32
      %broadcast_in_dim3A_137 = vector.broadcast %jit3A_136 : i32 to vector<16xi32>
      %select_n3A_138 = arith.select %and3A_135, %sub3A_128, %broadcast_in_dim3A_137 : vector<16xi1>, vector<16xi32>
      %swap3A_139 = arith.constant 64 : index
      %swap3A_140 = tpu.vector_load %arg7[%swap3A_139] {strides = array<i32>} : memref<128xi32, #tpu.memory_space<vmem>>, vector<16xi32>,
      %swap3A_141 = vector.shape_cast %swap3A_140 : vector<16xi32> to vector<16xi32>
      %swap3A_142 = vector.shape_cast %select_n3A_138 : vector<16xi32> to vector<16xi32>
      tpu.vector_store %arg7[%swap3A_139], %swap3A_142 {strides = array<i32>} : memref<128xi32, #tpu.memory_space<vmem>>, vector<16xi32>,
      %get3A_143 = arith.constant 80 : index
      %get3A_144 = tpu.vector_load %arg6[%get3A_143] {strides = array<i32>} : memref<128xi32, #tpu.memory_space<vmem>>, vector<16xi32>,
      %get3A_145 = vector.shape_cast %get3A_144 : vector<16xi32> to vector<16xi32>
      %sub3A_146 = vector.broadcast %mul3A_0 : i32 to vector<16xi32>
      %sub3A_147 = arith.subi %get3A_145, %sub3A_146 : vector<16xi32>
      %ge3A_148 = arith.constant 0 : i32
      %ge3A_149 = vector.broadcast %ge3A_148 : i32 to vector<16xi32>
      %ge3A_150 = arith.cmpi sge, %sub3A_147, %ge3A_149 : vector<16xi32>
      %lt3A_151 = arith.constant 25000 : i32
      %lt3A_152 = vector.broadcast %lt3A_151 : i32 to vector<16xi32>
      %lt3A_153 = arith.cmpi slt, %sub3A_147, %lt3A_152 : vector<16xi32>
      %and3A_154 = arith.andi %ge3A_150, %lt3A_153 : vector<16xi1>
      %jit3A_155 = arith.constant 25000 : i32
      %broadcast_in_dim3A_156 = vector.broadcast %jit3A_155 : i32 to vector<16xi32>
      %select_n3A_157 = arith.select %and3A_154, %sub3A_147, %broadcast_in_dim3A_156 : vector<16xi1>, vector<16xi32>
      %swap3A_158 = arith.constant 80 : index
      %swap3A_159 = tpu.vector_load %arg7[%swap3A_158] {strides = array<i32>} : memref<128xi32, #tpu.memory_space<vmem>>, vector<16xi32>,
      %swap3A_160 = vector.shape_cast %swap3A_159 : vector<16xi32> to vector<16xi32>
      %swap3A_161 = vector.shape_cast %select_n3A_157 : vector<16xi32> to vector<16xi32>
      tpu.vector_store %arg7[%swap3A_158], %swap3A_161 {strides = array<i32>} : memref<128xi32, #tpu.memory_space<vmem>>, vector<16xi32>,
      %get3A_162 = arith.constant 96 : index
      %get3A_163 = tpu.vector_load %arg6[%get3A_162] {strides = array<i32>} : memref<128xi32, #tpu.memory_space<vmem>>, vector<16xi32>,
      %get3A_164 = vector.shape_cast %get3A_163 : vector<16xi32> to vector<16xi32>
      %sub3A_165 = vector.broadcast %mul3A_0 : i32 to vector<16xi32>
      %sub3A_166 = arith.subi %get3A_164, %sub3A_165 : vector<16xi32>
      %ge3A_167 = arith.constant 0 : i32
      %ge3A_168 = vector.broadcast %ge3A_167 : i32 to vector<16xi32>
      %ge3A_169 = arith.cmpi sge, %sub3A_166, %ge3A_168 : vector<16xi32>
      %lt3A_170 = arith.constant 25000 : i32
      %lt3A_171 = vector.broadcast %lt3A_170 : i32 to vector<16xi32>
      %lt3A_172 = arith.cmpi slt, %sub3A_166, %lt3A_171 : vector<16xi32>
      %and3A_173 = arith.andi %ge3A_169, %lt3A_172 : vector<16xi1>
      %jit3A_174 = arith.constant 25000 : i32
      %broadcast_in_dim3A_175 = vector.broadcast %jit3A_174 : i32 to vector<16xi32>
      %select_n3A_176 = arith.select %and3A_173, %sub3A_166, %broadcast_in_dim3A_175 : vector<16xi1>, vector<16xi32>
      %swap3A_177 = arith.constant 96 : index
      %swap3A_178 = tpu.vector_load %arg7[%swap3A_177] {strides = array<i32>} : memref<128xi32, #tpu.memory_space<vmem>>, vector<16xi32>,
      %swap3A_179 = vector.shape_cast %swap3A_178 : vector<16xi32> to vector<16xi32>
      %swap3A_180 = vector.shape_cast %select_n3A_176 : vector<16xi32> to vector<16xi32>
      tpu.vector_store %arg7[%swap3A_177], %swap3A_180 {strides = array<i32>} : memref<128xi32, #tpu.memory_space<vmem>>, vector<16xi32>,
      %get3A_181 = arith.constant 112 : index
      %get3A_182 = tpu.vector_load %arg6[%get3A_181] {strides = array<i32>} : memref<128xi32, #tpu.memory_space<vmem>>, vector<16xi32>,
      %get3A_183 = vector.shape_cast %get3A_182 : vector<16xi32> to vector<16xi32>
      %sub3A_184 = vector.broadcast %mul3A_0 : i32 to vector<16xi32>
      %sub3A_185 = arith.subi %get3A_183, %sub3A_184 : vector<16xi32>
      %ge3A_186 = arith.constant 0 : i32
      %ge3A_187 = vector.broadcast %ge3A_186 : i32 to vector<16xi32>
      %ge3A_188 = arith.cmpi sge, %sub3A_185, %ge3A_187 : vector<16xi32>
      %lt3A_189 = arith.constant 25000 : i32
      %lt3A_190 = vector.broadcast %lt3A_189 : i32 to vector<16xi32>
      %lt3A_191 = arith.cmpi slt, %sub3A_185, %lt3A_190 : vector<16xi32>
      %and3A_192 = arith.andi %ge3A_188, %lt3A_191 : vector<16xi1>
      %jit3A_193 = arith.constant 25000 : i32
      %broadcast_in_dim3A_194 = vector.broadcast %jit3A_193 : i32 to vector<16xi32>
      %select_n3A_195 = arith.select %and3A_192, %sub3A_185, %broadcast_in_dim3A_194 : vector<16xi1>, vector<16xi32>
      %swap3A_196 = arith.constant 112 : index
      %swap3A_197 = tpu.vector_load %arg7[%swap3A_196] {strides = array<i32>} : memref<128xi32, #tpu.memory_space<vmem>>, vector<16xi32>,
      %swap3A_198 = vector.shape_cast %swap3A_197 : vector<16xi32> to vector<16xi32>
      %swap3A_199 = vector.shape_cast %select_n3A_195 : vector<16xi32> to vector<16xi32>
      tpu.vector_store %arg7[%swap3A_196], %swap3A_199 {strides = array<i32>} : memref<128xi32, #tpu.memory_space<vmem>>, vector<16xi32>,
      "tpu.region"() ({
        %run_scoped3A = tpu.sem_alloc : memref<!tpu.dma_semaphore, #tpu.memory_space<semaphore_mem>>
        %dma_start3A = arith.constant 0 : i32
        %dma_start3A_200 = arith.constant 0 : i32
        %dma_start3A_201 = tpu.memref_slice %arg10[%dma_start3A, %dma_start3A_200] : memref<25088x16xf32, #tpu.memory_space<vmem_shared>> -> memref<25088x16xf32, #tpu.memory_space<vmem_shared>>
        tpu.enqueue_indirect_dma source(%arg8 : memref<128x16xf32, #tpu.memory_space<vmem>>) target(%dma_start3A_201 : memref<25088x16xf32, #tpu.memory_space<vmem_shared>>) offsets(%arg7 : memref<128xi32, #tpu.memory_space<vmem>>) semaphore(%run_scoped3A : memref<!tpu.dma_semaphore, #tpu.memory_space<semaphore_mem>>) {add = true}
        %dma_wait3A = arith.constant 0 : i32
        %dma_wait3A_202 = arith.constant 0 : i32
        %dma_wait3A_203 = tpu.memref_slice %arg10[%dma_wait3A, %dma_wait3A_202] : memref<25088x16xf32, #tpu.memory_space<vmem_shared>> -> memref<25088x16xf32, #tpu.memory_space<vmem_shared>>
        tpu.wait_indirect_dma semaphore(%run_scoped3A : memref<!tpu.dma_semaphore, #tpu.memory_space<semaphore_mem>>) src(%arg8 : memref<128x16xf32, #tpu.memory_space<vmem>>) dst(%dma_wait3A_203 : memref<25088x16xf32, #tpu.memory_space<vmem_shared>>)
        tpu.yield
      }) : () -> ()
    }
    %while3A_40 = arith.constant 1 : i32
    scf.for %while3A_50 = %while3A_38 to %while3A_34 step %while3A_40  : i32 {
      %add3A_51 = arith.addi %mul3A_29, %while3A_50 : i32
      %mul3A_52 = arith.constant 128 : i32
      %mul3A_53 = arith.muli %add3A_51, %mul3A_52 : i32
      "tpu.region"() ({
        %run_scoped3A = tpu.sem_alloc : memref<!tpu.dma_semaphore, #tpu.memory_space<semaphore_mem>>
        %dma_start3A = tpu.memref_slice %arg3[%mul3A_53] : memref<800000xi32, #tpu.memory_space<hbm>> -> memref<128xi32, #tpu.memory_space<hbm>>
        %dma_start3A_200 = tpu.memref_slice %arg3[%mul3A_53] : memref<800000xi32, #tpu.memory_space<hbm>> -> memref<128xi32, #tpu.memory_space<hbm>>
        tpu.enqueue_dma source(%dma_start3A_200 : memref<128xi32, #tpu.memory_space<hbm>>) target(%arg6 : memref<128xi32, #tpu.memory_space<vmem>>) target_semaphore(%run_scoped3A : memref<!tpu.dma_semaphore, #tpu.memory_space<semaphore_mem>>)
        %dma_wait3A = tpu.memref_slice %arg3[%mul3A_53] : memref<800000xi32, #tpu.memory_space<hbm>> -> memref<128xi32, #tpu.memory_space<hbm>>
        %dma_wait3A_201 = tpu.memref_slice %arg3[%mul3A_53] : memref<800000xi32, #tpu.memory_space<hbm>> -> memref<128xi32, #tpu.memory_space<hbm>>
        tpu.wait_dma2 semaphore(%run_scoped3A : memref<!tpu.dma_semaphore, #tpu.memory_space<semaphore_mem>>) src(%dma_wait3A_201 : memref<128xi32, #tpu.memory_space<hbm>>) dst(%arg6 : memref<128xi32, #tpu.memory_space<vmem>>)
        tpu.yield
      }) : () -> ()
      "tpu.region"() ({
        %run_scoped3A = tpu.sem_alloc : memref<!tpu.dma_semaphore, #tpu.memory_space<semaphore_mem>>
        %dma_start3A = arith.constant 0 : i32
        %dma_start3A_200 = tpu.memref_slice %arg2[%mul3A_53, %dma_start3A] : memref<800000x16xf32, #tpu.memory_space<hbm>> -> memref<128x16xf32, #tpu.memory_space<hbm>>
        %dma_start3A_201 = arith.constant 0 : i32
        %dma_start3A_202 = tpu.memref_slice %arg2[%mul3A_53, %dma_start3A_201] : memref<800000x16xf32, #tpu.memory_space<hbm>> -> memref<128x16xf32, #tpu.memory_space<hbm>>
        tpu.enqueue_dma source(%dma_start3A_202 : memref<128x16xf32, #tpu.memory_space<hbm>>) target(%arg8 : memref<128x16xf32, #tpu.memory_space<vmem>>) target_semaphore(%run_scoped3A : memref<!tpu.dma_semaphore, #tpu.memory_space<semaphore_mem>>)
        %dma_wait3A = arith.constant 0 : i32
        %dma_wait3A_203 = tpu.memref_slice %arg2[%mul3A_53, %dma_wait3A] : memref<800000x16xf32, #tpu.memory_space<hbm>> -> memref<128x16xf32, #tpu.memory_space<hbm>>
        %dma_wait3A_204 = arith.constant 0 : i32
        %dma_wait3A_205 = tpu.memref_slice %arg2[%mul3A_53, %dma_wait3A_204] : memref<800000x16xf32, #tpu.memory_space<hbm>> -> memref<128x16xf32, #tpu.memory_space<hbm>>
        tpu.wait_dma2 semaphore(%run_scoped3A : memref<!tpu.dma_semaphore, #tpu.memory_space<semaphore_mem>>) src(%dma_wait3A_205 : memref<128x16xf32, #tpu.memory_space<hbm>>) dst(%arg8 : memref<128x16xf32, #tpu.memory_space<vmem>>)
        tpu.yield
      }) : () -> ()
      %get3A = arith.constant 0 : index
      %get3A_54 = tpu.vector_load %arg6[%get3A] {strides = array<i32>} : memref<128xi32, #tpu.memory_space<vmem>>, vector<16xi32>,
      %get3A_55 = vector.shape_cast %get3A_54 : vector<16xi32> to vector<16xi32>
      %sub3A_56 = vector.broadcast %mul3A_0 : i32 to vector<16xi32>
      %sub3A_57 = arith.subi %get3A_55, %sub3A_56 : vector<16xi32>
      %ge3A = arith.constant 0 : i32
      %ge3A_58 = vector.broadcast %ge3A : i32 to vector<16xi32>
      %ge3A_59 = arith.cmpi sge, %sub3A_57, %ge3A_58 : vector<16xi32>
      %lt3A_60 = arith.constant 25000 : i32
      %lt3A_61 = vector.broadcast %lt3A_60 : i32 to vector<16xi32>
      %lt3A_62 = arith.cmpi slt, %sub3A_57, %lt3A_61 : vector<16xi32>
      %and3A = arith.andi %ge3A_59, %lt3A_62 : vector<16xi1>
      %jit3A_63 = arith.constant 25000 : i32
      %broadcast_in_dim3A = vector.broadcast %jit3A_63 : i32 to vector<16xi32>
      %select_n3A = arith.select %and3A, %sub3A_57, %broadcast_in_dim3A : vector<16xi1>, vector<16xi32>
      %swap3A = arith.constant 0 : index
      %swap3A_64 = tpu.vector_load %arg7[%swap3A] {strides = array<i32>} : memref<128xi32, #tpu.memory_space<vmem>>, vector<16xi32>,
      %swap3A_65 = vector.shape_cast %swap3A_64 : vector<16xi32> to vector<16xi32>
      %swap3A_66 = vector.shape_cast %select_n3A : vector<16xi32> to vector<16xi32>
      tpu.vector_store %arg7[%swap3A], %swap3A_66 {strides = array<i32>} : memref<128xi32, #tpu.memory_space<vmem>>, vector<16xi32>,
      %get3A_67 = arith.constant 16 : index
      %get3A_68 = tpu.vector_load %arg6[%get3A_67] {strides = array<i32>} : memref<128xi32, #tpu.memory_space<vmem>>, vector<16xi32>,
      %get3A_69 = vector.shape_cast %get3A_68 : vector<16xi32> to vector<16xi32>
      %sub3A_70 = vector.broadcast %mul3A_0 : i32 to vector<16xi32>
      %sub3A_71 = arith.subi %get3A_69, %sub3A_70 : vector<16xi32>
      %ge3A_72 = arith.constant 0 : i32
      %ge3A_73 = vector.broadcast %ge3A_72 : i32 to vector<16xi32>
      %ge3A_74 = arith.cmpi sge, %sub3A_71, %ge3A_73 : vector<16xi32>
      %lt3A_75 = arith.constant 25000 : i32
      %lt3A_76 = vector.broadcast %lt3A_75 : i32 to vector<16xi32>
      %lt3A_77 = arith.cmpi slt, %sub3A_71, %lt3A_76 : vector<16xi32>
      %and3A_78 = arith.andi %ge3A_74, %lt3A_77 : vector<16xi1>
      %jit3A_79 = arith.constant 25000 : i32
      %broadcast_in_dim3A_80 = vector.broadcast %jit3A_79 : i32 to vector<16xi32>
      %select_n3A_81 = arith.select %and3A_78, %sub3A_71, %broadcast_in_dim3A_80 : vector<16xi1>, vector<16xi32>
      %swap3A_82 = arith.constant 16 : index
      %swap3A_83 = tpu.vector_load %arg7[%swap3A_82] {strides = array<i32>} : memref<128xi32, #tpu.memory_space<vmem>>, vector<16xi32>,
      %swap3A_84 = vector.shape_cast %swap3A_83 : vector<16xi32> to vector<16xi32>
      %swap3A_85 = vector.shape_cast %select_n3A_81 : vector<16xi32> to vector<16xi32>
      tpu.vector_store %arg7[%swap3A_82], %swap3A_85 {strides = array<i32>} : memref<128xi32, #tpu.memory_space<vmem>>, vector<16xi32>,
      %get3A_86 = arith.constant 32 : index
      %get3A_87 = tpu.vector_load %arg6[%get3A_86] {strides = array<i32>} : memref<128xi32, #tpu.memory_space<vmem>>, vector<16xi32>,
      %get3A_88 = vector.shape_cast %get3A_87 : vector<16xi32> to vector<16xi32>
      %sub3A_89 = vector.broadcast %mul3A_0 : i32 to vector<16xi32>
      %sub3A_90 = arith.subi %get3A_88, %sub3A_89 : vector<16xi32>
      %ge3A_91 = arith.constant 0 : i32
      %ge3A_92 = vector.broadcast %ge3A_91 : i32 to vector<16xi32>
      %ge3A_93 = arith.cmpi sge, %sub3A_90, %ge3A_92 : vector<16xi32>
      %lt3A_94 = arith.constant 25000 : i32
      %lt3A_95 = vector.broadcast %lt3A_94 : i32 to vector<16xi32>
      %lt3A_96 = arith.cmpi slt, %sub3A_90, %lt3A_95 : vector<16xi32>
      %and3A_97 = arith.andi %ge3A_93, %lt3A_96 : vector<16xi1>
      %jit3A_98 = arith.constant 25000 : i32
      %broadcast_in_dim3A_99 = vector.broadcast %jit3A_98 : i32 to vector<16xi32>
      %select_n3A_100 = arith.select %and3A_97, %sub3A_90, %broadcast_in_dim3A_99 : vector<16xi1>, vector<16xi32>
      %swap3A_101 = arith.constant 32 : index
      %swap3A_102 = tpu.vector_load %arg7[%swap3A_101] {strides = array<i32>} : memref<128xi32, #tpu.memory_space<vmem>>, vector<16xi32>,
      %swap3A_103 = vector.shape_cast %swap3A_102 : vector<16xi32> to vector<16xi32>
      %swap3A_104 = vector.shape_cast %select_n3A_100 : vector<16xi32> to vector<16xi32>
      tpu.vector_store %arg7[%swap3A_101], %swap3A_104 {strides = array<i32>} : memref<128xi32, #tpu.memory_space<vmem>>, vector<16xi32>,
      %get3A_105 = arith.constant 48 : index
      %get3A_106 = tpu.vector_load %arg6[%get3A_105] {strides = array<i32>} : memref<128xi32, #tpu.memory_space<vmem>>, vector<16xi32>,
      %get3A_107 = vector.shape_cast %get3A_106 : vector<16xi32> to vector<16xi32>
      %sub3A_108 = vector.broadcast %mul3A_0 : i32 to vector<16xi32>
      %sub3A_109 = arith.subi %get3A_107, %sub3A_108 : vector<16xi32>
      %ge3A_110 = arith.constant 0 : i32
      %ge3A_111 = vector.broadcast %ge3A_110 : i32 to vector<16xi32>
      %ge3A_112 = arith.cmpi sge, %sub3A_109, %ge3A_111 : vector<16xi32>
      %lt3A_113 = arith.constant 25000 : i32
      %lt3A_114 = vector.broadcast %lt3A_113 : i32 to vector<16xi32>
      %lt3A_115 = arith.cmpi slt, %sub3A_109, %lt3A_114 : vector<16xi32>
      %and3A_116 = arith.andi %ge3A_112, %lt3A_115 : vector<16xi1>
      %jit3A_117 = arith.constant 25000 : i32
      %broadcast_in_dim3A_118 = vector.broadcast %jit3A_117 : i32 to vector<16xi32>
      %select_n3A_119 = arith.select %and3A_116, %sub3A_109, %broadcast_in_dim3A_118 : vector<16xi1>, vector<16xi32>
      %swap3A_120 = arith.constant 48 : index
      %swap3A_121 = tpu.vector_load %arg7[%swap3A_120] {strides = array<i32>} : memref<128xi32, #tpu.memory_space<vmem>>, vector<16xi32>,
      %swap3A_122 = vector.shape_cast %swap3A_121 : vector<16xi32> to vector<16xi32>
      %swap3A_123 = vector.shape_cast %select_n3A_119 : vector<16xi32> to vector<16xi32>
      tpu.vector_store %arg7[%swap3A_120], %swap3A_123 {strides = array<i32>} : memref<128xi32, #tpu.memory_space<vmem>>, vector<16xi32>,
      %get3A_124 = arith.constant 64 : index
      %get3A_125 = tpu.vector_load %arg6[%get3A_124] {strides = array<i32>} : memref<128xi32, #tpu.memory_space<vmem>>, vector<16xi32>,
      %get3A_126 = vector.shape_cast %get3A_125 : vector<16xi32> to vector<16xi32>
      %sub3A_127 = vector.broadcast %mul3A_0 : i32 to vector<16xi32>
      %sub3A_128 = arith.subi %get3A_126, %sub3A_127 : vector<16xi32>
      %ge3A_129 = arith.constant 0 : i32
      %ge3A_130 = vector.broadcast %ge3A_129 : i32 to vector<16xi32>
      %ge3A_131 = arith.cmpi sge, %sub3A_128, %ge3A_130 : vector<16xi32>
      %lt3A_132 = arith.constant 25000 : i32
      %lt3A_133 = vector.broadcast %lt3A_132 : i32 to vector<16xi32>
      %lt3A_134 = arith.cmpi slt, %sub3A_128, %lt3A_133 : vector<16xi32>
      %and3A_135 = arith.andi %ge3A_131, %lt3A_134 : vector<16xi1>
      %jit3A_136 = arith.constant 25000 : i32
      %broadcast_in_dim3A_137 = vector.broadcast %jit3A_136 : i32 to vector<16xi32>
      %select_n3A_138 = arith.select %and3A_135, %sub3A_128, %broadcast_in_dim3A_137 : vector<16xi1>, vector<16xi32>
      %swap3A_139 = arith.constant 64 : index
      %swap3A_140 = tpu.vector_load %arg7[%swap3A_139] {strides = array<i32>} : memref<128xi32, #tpu.memory_space<vmem>>, vector<16xi32>,
      %swap3A_141 = vector.shape_cast %swap3A_140 : vector<16xi32> to vector<16xi32>
      %swap3A_142 = vector.shape_cast %select_n3A_138 : vector<16xi32> to vector<16xi32>
      tpu.vector_store %arg7[%swap3A_139], %swap3A_142 {strides = array<i32>} : memref<128xi32, #tpu.memory_space<vmem>>, vector<16xi32>,
      %get3A_143 = arith.constant 80 : index
      %get3A_144 = tpu.vector_load %arg6[%get3A_143] {strides = array<i32>} : memref<128xi32, #tpu.memory_space<vmem>>, vector<16xi32>,
      %get3A_145 = vector.shape_cast %get3A_144 : vector<16xi32> to vector<16xi32>
      %sub3A_146 = vector.broadcast %mul3A_0 : i32 to vector<16xi32>
      %sub3A_147 = arith.subi %get3A_145, %sub3A_146 : vector<16xi32>
      %ge3A_148 = arith.constant 0 : i32
      %ge3A_149 = vector.broadcast %ge3A_148 : i32 to vector<16xi32>
      %ge3A_150 = arith.cmpi sge, %sub3A_147, %ge3A_149 : vector<16xi32>
      %lt3A_151 = arith.constant 25000 : i32
      %lt3A_152 = vector.broadcast %lt3A_151 : i32 to vector<16xi32>
      %lt3A_153 = arith.cmpi slt, %sub3A_147, %lt3A_152 : vector<16xi32>
      %and3A_154 = arith.andi %ge3A_150, %lt3A_153 : vector<16xi1>
      %jit3A_155 = arith.constant 25000 : i32
      %broadcast_in_dim3A_156 = vector.broadcast %jit3A_155 : i32 to vector<16xi32>
      %select_n3A_157 = arith.select %and3A_154, %sub3A_147, %broadcast_in_dim3A_156 : vector<16xi1>, vector<16xi32>
      %swap3A_158 = arith.constant 80 : index
      %swap3A_159 = tpu.vector_load %arg7[%swap3A_158] {strides = array<i32>} : memref<128xi32, #tpu.memory_space<vmem>>, vector<16xi32>,
      %swap3A_160 = vector.shape_cast %swap3A_159 : vector<16xi32> to vector<16xi32>
      %swap3A_161 = vector.shape_cast %select_n3A_157 : vector<16xi32> to vector<16xi32>
      tpu.vector_store %arg7[%swap3A_158], %swap3A_161 {strides = array<i32>} : memref<128xi32, #tpu.memory_space<vmem>>, vector<16xi32>,
      %get3A_162 = arith.constant 96 : index
      %get3A_163 = tpu.vector_load %arg6[%get3A_162] {strides = array<i32>} : memref<128xi32, #tpu.memory_space<vmem>>, vector<16xi32>,
      %get3A_164 = vector.shape_cast %get3A_163 : vector<16xi32> to vector<16xi32>
      %sub3A_165 = vector.broadcast %mul3A_0 : i32 to vector<16xi32>
      %sub3A_166 = arith.subi %get3A_164, %sub3A_165 : vector<16xi32>
      %ge3A_167 = arith.constant 0 : i32
      %ge3A_168 = vector.broadcast %ge3A_167 : i32 to vector<16xi32>
      %ge3A_169 = arith.cmpi sge, %sub3A_166, %ge3A_168 : vector<16xi32>
      %lt3A_170 = arith.constant 25000 : i32
      %lt3A_171 = vector.broadcast %lt3A_170 : i32 to vector<16xi32>
      %lt3A_172 = arith.cmpi slt, %sub3A_166, %lt3A_171 : vector<16xi32>
      %and3A_173 = arith.andi %ge3A_169, %lt3A_172 : vector<16xi1>
      %jit3A_174 = arith.constant 25000 : i32
      %broadcast_in_dim3A_175 = vector.broadcast %jit3A_174 : i32 to vector<16xi32>
      %select_n3A_176 = arith.select %and3A_173, %sub3A_166, %broadcast_in_dim3A_175 : vector<16xi1>, vector<16xi32>
      %swap3A_177 = arith.constant 96 : index
      %swap3A_178 = tpu.vector_load %arg7[%swap3A_177] {strides = array<i32>} : memref<128xi32, #tpu.memory_space<vmem>>, vector<16xi32>,
      %swap3A_179 = vector.shape_cast %swap3A_178 : vector<16xi32> to vector<16xi32>
      %swap3A_180 = vector.shape_cast %select_n3A_176 : vector<16xi32> to vector<16xi32>
      tpu.vector_store %arg7[%swap3A_177], %swap3A_180 {strides = array<i32>} : memref<128xi32, #tpu.memory_space<vmem>>, vector<16xi32>,
      %get3A_181 = arith.constant 112 : index
      %get3A_182 = tpu.vector_load %arg6[%get3A_181] {strides = array<i32>} : memref<128xi32, #tpu.memory_space<vmem>>, vector<16xi32>,
      %get3A_183 = vector.shape_cast %get3A_182 : vector<16xi32> to vector<16xi32>
      %sub3A_184 = vector.broadcast %mul3A_0 : i32 to vector<16xi32>
      %sub3A_185 = arith.subi %get3A_183, %sub3A_184 : vector<16xi32>
      %ge3A_186 = arith.constant 0 : i32
      %ge3A_187 = vector.broadcast %ge3A_186 : i32 to vector<16xi32>
      %ge3A_188 = arith.cmpi sge, %sub3A_185, %ge3A_187 : vector<16xi32>
      %lt3A_189 = arith.constant 25000 : i32
      %lt3A_190 = vector.broadcast %lt3A_189 : i32 to vector<16xi32>
      %lt3A_191 = arith.cmpi slt, %sub3A_185, %lt3A_190 : vector<16xi32>
      %and3A_192 = arith.andi %ge3A_188, %lt3A_191 : vector<16xi1>
      %jit3A_193 = arith.constant 25000 : i32
      %broadcast_in_dim3A_194 = vector.broadcast %jit3A_193 : i32 to vector<16xi32>
      %select_n3A_195 = arith.select %and3A_192, %sub3A_185, %broadcast_in_dim3A_194 : vector<16xi1>, vector<16xi32>
      %swap3A_196 = arith.constant 112 : index
      %swap3A_197 = tpu.vector_load %arg7[%swap3A_196] {strides = array<i32>} : memref<128xi32, #tpu.memory_space<vmem>>, vector<16xi32>,
      %swap3A_198 = vector.shape_cast %swap3A_197 : vector<16xi32> to vector<16xi32>
      %swap3A_199 = vector.shape_cast %select_n3A_195 : vector<16xi32> to vector<16xi32>
      tpu.vector_store %arg7[%swap3A_196], %swap3A_199 {strides = array<i32>} : memref<128xi32, #tpu.memory_space<vmem>>, vector<16xi32>,
      "tpu.region"() ({
        %run_scoped3A = tpu.sem_alloc : memref<!tpu.dma_semaphore, #tpu.memory_space<semaphore_mem>>
        %dma_start3A = arith.constant 0 : i32
        %dma_start3A_200 = arith.constant 0 : i32
        %dma_start3A_201 = tpu.memref_slice %arg10[%dma_start3A, %dma_start3A_200] : memref<25088x16xf32, #tpu.memory_space<vmem_shared>> -> memref<25088x16xf32, #tpu.memory_space<vmem_shared>>
        tpu.enqueue_indirect_dma source(%arg8 : memref<128x16xf32, #tpu.memory_space<vmem>>) target(%dma_start3A_201 : memref<25088x16xf32, #tpu.memory_space<vmem_shared>>) offsets(%arg7 : memref<128xi32, #tpu.memory_space<vmem>>) semaphore(%run_scoped3A : memref<!tpu.dma_semaphore, #tpu.memory_space<semaphore_mem>>) {add = true}
        %dma_wait3A = arith.constant 0 : i32
        %dma_wait3A_202 = arith.constant 0 : i32
        %dma_wait3A_203 = tpu.memref_slice %arg10[%dma_wait3A, %dma_wait3A_202] : memref<25088x16xf32, #tpu.memory_space<vmem_shared>> -> memref<25088x16xf32, #tpu.memory_space<vmem_shared>>
        tpu.wait_indirect_dma semaphore(%run_scoped3A : memref<!tpu.dma_semaphore, #tpu.memory_space<semaphore_mem>>) src(%arg8 : memref<128x16xf32, #tpu.memory_space<vmem>>) dst(%dma_wait3A_203 : memref<25088x16xf32, #tpu.memory_space<vmem_shared>>)
        tpu.yield
      }) : () -> ()
    }
    %barrier3A_41 = arith.constant 0 : index
    tpu.barrier barrier_id(%barrier3A_41)
    %mul3A_42 = arith.constant 1568 : i32
    %mul3A_43 = arith.muli %arg1, %mul3A_42 : i32
    %lt3A = arith.constant 15 : i32
    %lt3A_44 = arith.cmpi slt, %arg1, %lt3A : i32
    %convert_element_type3A = arith.extui %lt3A_44 : i1 to i32
    %cond3A = arith.constant 0 : i32
    %cond3A_45 = arith.cmpi ne, %convert_element_type3A, %cond3A : i32
    scf.if %cond3A_45 {
      %add3A_50 = arith.addi %mul3A_0, %mul3A_43 : i32
      "tpu.region"() ({
        %run_scoped3A = tpu.sem_alloc : memref<!tpu.dma_semaphore, #tpu.memory_space<semaphore_mem>>
        %dma_start3A = arith.constant 0 : i32
        %dma_start3A_51 = tpu.memref_slice %arg5[%add3A_50, %dma_start3A] : memref<50000x16xf32, #tpu.memory_space<hbm>> -> memref<1568x16xf32, #tpu.memory_space<hbm>>
        %dma_start3A_52 = arith.constant 0 : i32
        %dma_start3A_53 = tpu.memref_slice %arg10[%mul3A_43, %dma_start3A_52] : memref<25088x16xf32, #tpu.memory_space<vmem_shared>> -> memref<1568x16xf32, #tpu.memory_space<vmem_shared>>
        tpu.enqueue_dma source(%dma_start3A_53 : memref<1568x16xf32, #tpu.memory_space<vmem_shared>>) target(%dma_start3A_51 : memref<1568x16xf32, #tpu.memory_space<hbm>>) target_semaphore(%run_scoped3A : memref<!tpu.dma_semaphore, #tpu.memory_space<semaphore_mem>>)
        %dma_wait3A = arith.constant 0 : i32
        %dma_wait3A_54 = tpu.memref_slice %arg5[%add3A_50, %dma_wait3A] : memref<50000x16xf32, #tpu.memory_space<hbm>> -> memref<1568x16xf32, #tpu.memory_space<hbm>>
        %dma_wait3A_55 = arith.constant 0 : i32
        %dma_wait3A_56 = tpu.memref_slice %arg10[%mul3A_43, %dma_wait3A_55] : memref<25088x16xf32, #tpu.memory_space<vmem_shared>> -> memref<1568x16xf32, #tpu.memory_space<vmem_shared>>
        tpu.wait_dma2 semaphore(%run_scoped3A : memref<!tpu.dma_semaphore, #tpu.memory_space<semaphore_mem>>) src(%dma_wait3A_56 : memref<1568x16xf32, #tpu.memory_space<vmem_shared>>) dst(%dma_wait3A_54 : memref<1568x16xf32, #tpu.memory_space<hbm>>)
        tpu.yield
      }) : () -> ()
    } else {
    }
    %eq3A = arith.constant 15 : i32
    %eq3A_46 = arith.cmpi eq, %arg1, %eq3A : i32
    %convert_element_type3A_47 = arith.extui %eq3A_46 : i1 to i32
    %cond3A_48 = arith.constant 0 : i32
    %cond3A_49 = arith.cmpi ne, %convert_element_type3A_47, %cond3A_48 : i32
    scf.if %cond3A_49 {
      %add3A_50 = arith.addi %mul3A_0, %mul3A_43 : i32
      "tpu.region"() ({
        %run_scoped3A = tpu.sem_alloc : memref<!tpu.dma_semaphore, #tpu.memory_space<semaphore_mem>>
        %dma_start3A = arith.constant 0 : i32
        %dma_start3A_51 = tpu.memref_slice %arg5[%add3A_50, %dma_start3A] : memref<50000x16xf32, #tpu.memory_space<hbm>> -> memref<1480x16xf32, #tpu.memory_space<hbm>>
        %dma_start3A_52 = arith.constant 0 : i32
        %dma_start3A_53 = tpu.memref_slice %arg10[%mul3A_43, %dma_start3A_52] : memref<25088x16xf32, #tpu.memory_space<vmem_shared>> -> memref<1480x16xf32, #tpu.memory_space<vmem_shared>>
        tpu.enqueue_dma source(%dma_start3A_53 : memref<1480x16xf32, #tpu.memory_space<vmem_shared>>) target(%dma_start3A_51 : memref<1480x16xf32, #tpu.memory_space<hbm>>) target_semaphore(%run_scoped3A : memref<!tpu.dma_semaphore, #tpu.memory_space<semaphore_mem>>)
        %dma_wait3A = arith.constant 0 : i32
        %dma_wait3A_54 = tpu.memref_slice %arg5[%add3A_50, %dma_wait3A] : memref<50000x16xf32, #tpu.memory_space<hbm>> -> memref<1480x16xf32, #tpu.memory_space<hbm>>
        %dma_wait3A_55 = arith.constant 0 : i32
        %dma_wait3A_56 = tpu.memref_slice %arg10[%mul3A_43, %dma_wait3A_55] : memref<25088x16xf32, #tpu.memory_space<vmem_shared>> -> memref<1480x16xf32, #tpu.memory_space<vmem_shared>>
        tpu.wait_dma2 semaphore(%run_scoped3A : memref<!tpu.dma_semaphore, #tpu.memory_space<semaphore_mem>>) src(%dma_wait3A_56 : memref<1480x16xf32, #tpu.memory_space<vmem_shared>>) dst(%dma_wait3A_54 : memref<1480x16xf32, #tpu.memory_space<hbm>>)
        tpu.yield
      }) : () -> ()
    } else {
    }
    return
  }
}

module attributes {stable_mosaic.version = 14 : i64} {
  func.func @body(%arg0: i32, %arg1: memref<2000x1xf32, #tpu.memory_space<vmem>>, %arg2: memref<4x16xf32, #tpu.memory_space<vmem>>, %arg3: memref<16x16xf32, #tpu.memory_space<vmem>>, %arg4: memref<2000x64xf32, #tpu.memory_space<vmem>>, %arg5: memref<2000x64xf32, #tpu.memory_space<vmem>>) attributes {dimension_semantics = [#tpu.dimension_semantics<arbitrary>], iteration_bounds = array<i64: 25>, scalar_prefetch = 0 : i64, scratch_operands = 0 : i64, tpu.core_type = #tpu.core_type<tc>, window_params = [{transform_indices = @transform_0, window_bounds = array<i64: 2000, 1>}, {pipeline_mode = #tpu.pipeline_mode<synchronous>, transform_indices = @transform_1, window_bounds = array<i64: 4, 16>}, {pipeline_mode = #tpu.pipeline_mode<synchronous>, transform_indices = @transform_2, window_bounds = array<i64: 16, 16>}, {transform_indices = @transform_3, window_bounds = array<i64: 2000, 64>}, {transform_indices = @transform_4, window_bounds = array<i64: 2000, 64>}]} {
    %get3A = arith.constant 0 : index
    %get3A_0 = arith.constant 0 : index
    %get3A_1 = vector.load %arg1[%get3A, %get3A_0] : memref<2000x1xf32, #tpu.memory_space<vmem>>, vector<2000x1xf32>
    %iota3A = tpu.iota {dimensions = array<i32: 1>} : vector<2000x4xi32>
    %convert_element_type3A = arith.sitofp %iota3A : vector<2000x4xi32> to vector<2000x4xf32>
    %eq3A = vector.broadcast %get3A_1 : vector<2000x1xf32> to vector<2000x4xf32>
    %eq3A_2 = arith.cmpf oeq, %eq3A, %convert_element_type3A : vector<2000x4xf32>
    %convert_element_type3A_3 = arith.extui %eq3A_2 : vector<2000x4xi1> to vector<2000x4xi32>
    %convert_element_type3A_4 = arith.sitofp %convert_element_type3A_3 : vector<2000x4xi32> to vector<2000x4xf32>
    %get3A_5 = arith.constant 0 : index
    %get3A_6 = arith.constant 0 : index
    %get3A_7 = vector.load %arg2[%get3A_5, %get3A_6] : memref<4x16xf32, #tpu.memory_space<vmem>>, vector<4x16xf32>
    %dot_general3A = arith.constant dense<0.000000e+00> : vector<2000x16xf32>
    %dot_general3A_8 = tpu.matmul %convert_element_type3A_4, %get3A_7, %dot_general3A {dimension_numbers = #tpu.dot_dimension_numbers<[1], [0], [0], [1], [0, 0, 1, 1], [], []>, transpose_lhs_hint = false} : vector<2000x4xf32>, vector<4x16xf32>, vector<2000x16xf32> -> vector<2000x16xf32>
    %broadcast_in_dim3A = arith.constant 0.000000e+00 : f32
    %broadcast_in_dim3A_9 = vector.broadcast %broadcast_in_dim3A : f32 to vector<2000x48xf32>
    %concatenate3A = tpu.concatenate %dot_general3A_8, %broadcast_in_dim3A_9 in 1 : vector<2000x16xf32>, vector<2000x48xf32> -> vector<2000x64xf32>
    %swap3A = arith.constant 0 : index
    %swap3A_10 = arith.constant 0 : index
    %swap3A_11 = vector.load %arg4[%swap3A, %swap3A_10] : memref<2000x64xf32, #tpu.memory_space<vmem>>, vector<2000x64xf32>
    tpu.vector_store %arg4[%swap3A, %swap3A_10], %concatenate3A {strides = array<i32>} : memref<2000x64xf32, #tpu.memory_space<vmem>>, vector<2000x64xf32>,
    %get3A_12 = arith.constant 0 : index
    %get3A_13 = arith.constant 0 : index
    %get3A_14 = vector.load %arg3[%get3A_12, %get3A_13] : memref<16x16xf32, #tpu.memory_space<vmem>>, vector<16x16xf32>
    %dot_general3A_15 = arith.constant dense<0.000000e+00> : vector<2000x16xf32>
    %dot_general3A_16 = tpu.matmul %dot_general3A_8, %get3A_14, %dot_general3A_15 {dimension_numbers = #tpu.dot_dimension_numbers<[1], [0], [0], [1], [0, 0, 1, 1], [], []>, transpose_lhs_hint = false} : vector<2000x16xf32>, vector<16x16xf32>, vector<2000x16xf32> -> vector<2000x16xf32>
    %concatenate3A_17 = tpu.concatenate %dot_general3A_16, %broadcast_in_dim3A_9 in 1 : vector<2000x16xf32>, vector<2000x48xf32> -> vector<2000x64xf32>
    %swap3A_18 = arith.constant 0 : index
    %swap3A_19 = arith.constant 0 : index
    %swap3A_20 = vector.load %arg5[%swap3A_18, %swap3A_19] : memref<2000x64xf32, #tpu.memory_space<vmem>>, vector<2000x64xf32>
    tpu.vector_store %arg5[%swap3A_18, %swap3A_19], %concatenate3A_17 {strides = array<i32>} : memref<2000x64xf32, #tpu.memory_space<vmem>>, vector<2000x64xf32>,
    return
  }
  func.func @transform_0(%arg0: i32) -> (i32, i32) {
    %c0_i32 = arith.constant 0 : i32
    %c0_i32_0 = arith.constant 0 : i32
    return %arg0, %c0_i32 : i32, i32
  }
  func.func @transform_1(%arg0: i32) -> (i32, i32) {
    %c0_i32 = arith.constant 0 : i32
    %c0_i32_0 = arith.constant 0 : i32
    %c0_i32_1 = arith.constant 0 : i32
    return %c0_i32, %c0_i32_0 : i32, i32
  }
  func.func @transform_2(%arg0: i32) -> (i32, i32) {
    %c0_i32 = arith.constant 0 : i32
    %c0_i32_0 = arith.constant 0 : i32
    %c0_i32_1 = arith.constant 0 : i32
    return %c0_i32, %c0_i32_0 : i32, i32
  }
  func.func @transform_3(%arg0: i32) -> (i32, i32) {
    %c0_i32 = arith.constant 0 : i32
    %c0_i32_0 = arith.constant 0 : i32
    return %arg0, %c0_i32 : i32, i32
  }
  func.func @transform_4(%arg0: i32) -> (i32, i32) {
    %c0_i32 = arith.constant 0 : i32
    %c0_i32_0 = arith.constant 0 : i32
    return %arg0, %c0_i32 : i32, i32
  }
}

module attributes {stable_mosaic.version = 14 : i64} {
  func.func @body(%arg0: i32, %arg1: memref<256x8xf32, #tpu.memory_space<vmem>>, %arg2: memref<256x8xf32, #tpu.memory_space<vmem>>, %arg3: memref<256x16xf32, #tpu.memory_space<vmem>>) attributes {dimension_semantics = [#tpu.dimension_semantics<arbitrary>], iteration_bounds = array<i64: 3125>, scalar_prefetch = 0 : i64, scratch_operands = 0 : i64, tpu.core_type = #tpu.core_type<tc>, window_params = [{transform_indices = @transform_0, window_bounds = array<i64: 256, 8>}, {transform_indices = @transform_1, window_bounds = array<i64: 256, 8>}, {transform_indices = @transform_2, window_bounds = array<i64: 256, 16>}]} {
    %get3A = arith.constant 0 : index
    %get3A_0 = arith.constant 0 : index
    %get3A_1 = vector.load %arg1[%get3A, %get3A_0] : memref<256x8xf32, #tpu.memory_space<vmem>>, vector<256x8xf32>
    %get3A_2 = arith.constant 0 : index
    %get3A_3 = arith.constant 0 : index
    %get3A_4 = vector.load %arg2[%get3A_2, %get3A_3] : memref<256x8xf32, #tpu.memory_space<vmem>>, vector<256x8xf32>
    %slice3A = vector.extract_strided_slice %get3A_4 {offsets = [0, 0], sizes = [256, 3], strides = [1, 1]} : vector<256x8xf32> to vector<256x3xf32>
    %slice3A_5 = vector.extract_strided_slice %get3A_1 {offsets = [0, 0], sizes = [256, 3], strides = [1, 1]} : vector<256x8xf32> to vector<256x3xf32>
    %sub3A = arith.subf %slice3A, %slice3A_5 : vector<256x3xf32>
    %mul3A = arith.mulf %sub3A, %sub3A : vector<256x3xf32>
    %reduce_sum3A = arith.constant dense<0.000000e+00> : vector<256xf32>
    %reduce_sum3A_6 = vector.multi_reduction <add>, %mul3A, %reduce_sum3A [1] : vector<256x3xf32> to vector<256xf32>
    %broadcast_in_dim3A = vector.shape_cast %reduce_sum3A_6 : vector<256xf32> to vector<256x1xf32>
    %sqrt3A = math.sqrt %broadcast_in_dim3A : vector<256x1xf32>
    %add3A = arith.constant 9.99999971E-10 : f32
    %add3A_7 = vector.broadcast %add3A : f32 to vector<256x1xf32>
    %add3A_8 = arith.addf %sqrt3A, %add3A_7 : vector<256x1xf32>
    %div3A = vector.broadcast %add3A_8 : vector<256x1xf32> to vector<256x3xf32>
    %div3A_9 = arith.divf %sub3A, %div3A : vector<256x3xf32>
    %mul3A_10 = arith.constant 2.000000e-01 : f32
    %mul3A_11 = vector.broadcast %mul3A_10 : f32 to vector<256x1xf32>
    %mul3A_12 = arith.mulf %add3A_8, %mul3A_11 : vector<256x1xf32>
    %mul3A_13 = arith.mulf %mul3A_12, %mul3A_12 : vector<256x1xf32>
    %mul3A_14 = arith.mulf %mul3A_13, %mul3A_12 : vector<256x1xf32>
    %mul3A_15 = arith.mulf %mul3A_14, %mul3A_14 : vector<256x1xf32>
    %mul3A_16 = arith.constant 2.800000e+01 : f32
    %mul3A_17 = vector.broadcast %mul3A_16 : f32 to vector<256x1xf32>
    %mul3A_18 = arith.mulf %mul3A_17, %mul3A_15 : vector<256x1xf32>
    %sub3A_19 = arith.constant 1.000000e+00 : f32
    %sub3A_20 = vector.broadcast %sub3A_19 : f32 to vector<256x1xf32>
    %sub3A_21 = arith.subf %sub3A_20, %mul3A_18 : vector<256x1xf32>
    %mul3A_22 = arith.constant 4.800000e+01 : f32
    %mul3A_23 = vector.broadcast %mul3A_22 : f32 to vector<256x1xf32>
    %mul3A_24 = arith.mulf %mul3A_23, %mul3A_15 : vector<256x1xf32>
    %mul3A_25 = arith.mulf %mul3A_24, %mul3A_12 : vector<256x1xf32>
    %add3A_26 = arith.addf %sub3A_21, %mul3A_25 : vector<256x1xf32>
    %mul3A_27 = arith.constant 2.100000e+01 : f32
    %mul3A_28 = vector.broadcast %mul3A_27 : f32 to vector<256x1xf32>
    %mul3A_29 = arith.mulf %mul3A_28, %mul3A_15 : vector<256x1xf32>
    %mul3A_30 = arith.mulf %mul3A_29, %mul3A_13 : vector<256x1xf32>
    %sub3A_31 = arith.subf %add3A_26, %mul3A_30 : vector<256x1xf32>
    %lt3A = arith.constant 1.000000e+00 : f32
    %lt3A_32 = vector.broadcast %lt3A : f32 to vector<256x1xf32>
    %lt3A_33 = arith.cmpf olt, %mul3A_12, %lt3A_32 : vector<256x1xf32>
    %jit3A = arith.constant 0.000000e+00 : f32
    %broadcast_in_dim3A_34 = vector.broadcast %jit3A : f32 to vector<256x1xf32>
    %select_n3A = arith.select %lt3A_33, %sub3A_31, %broadcast_in_dim3A_34 : vector<256x1xi1>, vector<256x1xf32>
    %iota3A = tpu.iota {dimensions = array<i32: 1>} : vector<1x8xi32>
    %convert_element_type3A = arith.sitofp %iota3A : vector<1x8xi32> to vector<1x8xf32>
    %add3A_35 = arith.constant 1.000000e+00 : f32
    %add3A_36 = vector.broadcast %add3A_35 : f32 to vector<1x8xf32>
    %add3A_37 = arith.addf %convert_element_type3A, %add3A_36 : vector<1x8xf32>
    %mul3A_38 = arith.constant 0.628318548 : f32
    %mul3A_39 = vector.broadcast %mul3A_38 : f32 to vector<256x1xf32>
    %mul3A_40 = arith.mulf %mul3A_39, %add3A_8 : vector<256x1xf32>
    %mul3A_41 = vector.broadcast %add3A_37 : vector<1x8xf32> to vector<256x8xf32>
    %mul3A_42 = vector.broadcast %mul3A_40 : vector<256x1xf32> to vector<256x8xf32>
    %mul3A_43 = arith.mulf %mul3A_41, %mul3A_42 : vector<256x8xf32>
    %sqrt3A_44 = arith.constant 4.000000e-01 : f32
    %sqrt3A_45 = math.sqrt %sqrt3A_44 : f32
    %mul3A_46 = vector.broadcast %sqrt3A_45 : f32 to vector<256x1xf32>
    %mul3A_47 = arith.mulf %mul3A_46, %select_n3A : vector<256x1xf32>
    %div3A_48 = arith.divf %mul3A_47, %add3A_8 : vector<256x1xf32>
    %sin3A = math.sin %mul3A_43 : vector<256x8xf32>
    %mul3A_49 = vector.broadcast %div3A_48 : vector<256x1xf32> to vector<256x8xf32>
    %mul3A_50 = arith.mulf %mul3A_49, %sin3A : vector<256x8xf32>
    %broadcast_in_dim3A_51 = arith.constant 0.000000e+00 : f32
    %broadcast_in_dim3A_52 = vector.broadcast %broadcast_in_dim3A_51 : f32 to vector<256x5xf32>
    %concatenate3A = tpu.concatenate %mul3A_50, %div3A_9, %broadcast_in_dim3A_52 in 1 : vector<256x8xf32>, vector<256x3xf32>, vector<256x5xf32> -> vector<256x16xf32>
    %swap3A = arith.constant 0 : index
    %swap3A_53 = arith.constant 0 : index
    %swap3A_54 = vector.load %arg3[%swap3A, %swap3A_53] : memref<256x16xf32, #tpu.memory_space<vmem>>, vector<256x16xf32>
    tpu.vector_store %arg3[%swap3A, %swap3A_53], %concatenate3A {strides = array<i32>} : memref<256x16xf32, #tpu.memory_space<vmem>>, vector<256x16xf32>,
    return
  }
  func.func @transform_0(%arg0: i32) -> (i32, i32) {
    %c0_i32 = arith.constant 0 : i32
    %c0_i32_0 = arith.constant 0 : i32
    return %arg0, %c0_i32 : i32, i32
  }
  func.func @transform_1(%arg0: i32) -> (i32, i32) {
    %c0_i32 = arith.constant 0 : i32
    %c0_i32_0 = arith.constant 0 : i32
    return %arg0, %c0_i32 : i32, i32
  }
  func.func @transform_2(%arg0: i32) -> (i32, i32) {
    %c0_i32 = arith.constant 0 : i32
    %c0_i32_0 = arith.constant 0 : i32
    return %arg0, %c0_i32 : i32, i32
  }
}

module attributes {stable_mosaic.version = 14 : i64} {
  func.func @body(%arg0: i32, %arg1: memref<256x16xf32, #tpu.memory_space<vmem>>, %arg2: memref<256x64xf32, #tpu.memory_space<vmem>>, %arg3: memref<8x64xf32, #tpu.memory_space<vmem>>, %arg4: memref<64x80xf32, #tpu.memory_space<vmem>>, %arg5: memref<256x64xf32, #tpu.memory_space<vmem>>) attributes {dimension_semantics = [#tpu.dimension_semantics<arbitrary>], iteration_bounds = array<i64: 3125>, scalar_prefetch = 0 : i64, scratch_operands = 0 : i64, tpu.core_type = #tpu.core_type<tc>, window_params = [{transform_indices = @transform_0, window_bounds = array<i64: 256, 16>}, {transform_indices = @transform_1, window_bounds = array<i64: 256, 64>}, {pipeline_mode = #tpu.pipeline_mode<synchronous>, transform_indices = @transform_2, window_bounds = array<i64: 8, 64>}, {pipeline_mode = #tpu.pipeline_mode<synchronous>, transform_indices = @transform_3, window_bounds = array<i64: 64, 80>}, {transform_indices = @transform_4, window_bounds = array<i64: 256, 64>}]} {
    %get3A = arith.constant 0 : index
    %get3A_0 = arith.constant 0 : index
    %get3A_1 = vector.load %arg1[%get3A, %get3A_0] : memref<256x16xf32, #tpu.memory_space<vmem>>, vector<256x16xf32>
    %slice3A = vector.extract_strided_slice %get3A_1 {offsets = [0, 0], sizes = [256, 8], strides = [1, 1]} : vector<256x16xf32> to vector<256x8xf32>
    %slice3A_2 = vector.extract_strided_slice %get3A_1 {offsets = [0, 8], sizes = [256, 1], strides = [1, 1]} : vector<256x16xf32> to vector<256x1xf32>
    %slice3A_3 = vector.extract_strided_slice %get3A_1 {offsets = [0, 9], sizes = [256, 1], strides = [1, 1]} : vector<256x16xf32> to vector<256x1xf32>
    %slice3A_4 = vector.extract_strided_slice %get3A_1 {offsets = [0, 10], sizes = [256, 1], strides = [1, 1]} : vector<256x16xf32> to vector<256x1xf32>
    %get3A_5 = arith.constant 0 : index
    %get3A_6 = arith.constant 0 : index
    %get3A_7 = vector.load %arg3[%get3A_5, %get3A_6] : memref<8x64xf32, #tpu.memory_space<vmem>>, vector<8x64xf32>
    %dot_general3A = arith.constant dense<0.000000e+00> : vector<256x64xf32>
    %dot_general3A_8 = tpu.matmul %slice3A, %get3A_7, %dot_general3A {dimension_numbers = #tpu.dot_dimension_numbers<[1], [0], [0], [1], [0, 0, 1, 1], [], []>, transpose_lhs_hint = false} : vector<256x8xf32>, vector<8x64xf32>, vector<256x64xf32> -> vector<256x64xf32>
    %neg3A = arith.constant 0.000000e+00 : f32
    %neg3A_9 = vector.broadcast %neg3A : f32 to vector<256x64xf32>
    %neg3A_10 = arith.subf %neg3A_9, %dot_general3A_8 : vector<256x64xf32>
    %exp3A = math.exp %neg3A_10 : vector<256x64xf32>
    %add3A = arith.constant 1.000000e+00 : f32
    %add3A_11 = vector.broadcast %add3A : f32 to vector<256x64xf32>
    %add3A_12 = arith.addf %add3A_11, %exp3A : vector<256x64xf32>
    %div3A = arith.constant 1.000000e+00 : f32
    %div3A_13 = vector.broadcast %div3A : f32 to vector<256x64xf32>
    %div3A_14 = arith.divf %div3A_13, %add3A_12 : vector<256x64xf32>
    %mul3A = arith.mulf %dot_general3A_8, %div3A_14 : vector<256x64xf32>
    %get3A_15 = arith.constant 0 : index
    %get3A_16 = arith.constant 0 : index
    %get3A_17 = vector.load %arg4[%get3A_15, %get3A_16] : memref<64x80xf32, #tpu.memory_space<vmem>>, vector<64x80xf32>
    %dot_general3A_18 = arith.constant dense<0.000000e+00> : vector<256x80xf32>
    %dot_general3A_19 = tpu.matmul %mul3A, %get3A_17, %dot_general3A_18 {dimension_numbers = #tpu.dot_dimension_numbers<[1], [0], [0], [1], [0, 0, 1, 1], [], []>, transpose_lhs_hint = false} : vector<256x64xf32>, vector<64x80xf32>, vector<256x80xf32> -> vector<256x80xf32>
    %slice3A_20 = vector.extract_strided_slice %dot_general3A_19 {offsets = [0, 0], sizes = [256, 16], strides = [1, 1]} : vector<256x80xf32> to vector<256x16xf32>
    %slice3A_21 = vector.extract_strided_slice %dot_general3A_19 {offsets = [0, 16], sizes = [256, 16], strides = [1, 1]} : vector<256x80xf32> to vector<256x16xf32>
    %slice3A_22 = vector.extract_strided_slice %dot_general3A_19 {offsets = [0, 32], sizes = [256, 16], strides = [1, 1]} : vector<256x80xf32> to vector<256x16xf32>
    %slice3A_23 = vector.extract_strided_slice %dot_general3A_19 {offsets = [0, 48], sizes = [256, 16], strides = [1, 1]} : vector<256x80xf32> to vector<256x16xf32>
    %slice3A_24 = vector.extract_strided_slice %dot_general3A_19 {offsets = [0, 64], sizes = [256, 16], strides = [1, 1]} : vector<256x80xf32> to vector<256x16xf32>
    %get3A_25 = arith.constant 0 : index
    %get3A_26 = arith.constant 0 : index
    %get3A_27 = vector.load %arg2[%get3A_25, %get3A_26] : memref<256x64xf32, #tpu.memory_space<vmem>>, vector<256x16xf32>
    %get3A_28 = arith.constant 0 : index
    %get3A_29 = arith.constant 16 : index
    %get3A_30 = vector.load %arg2[%get3A_28, %get3A_29] : memref<256x64xf32, #tpu.memory_space<vmem>>, vector<256x16xf32>
    %get3A_31 = arith.constant 0 : index
    %get3A_32 = arith.constant 32 : index
    %get3A_33 = vector.load %arg2[%get3A_31, %get3A_32] : memref<256x64xf32, #tpu.memory_space<vmem>>, vector<256x16xf32>
    %get3A_34 = arith.constant 0 : index
    %get3A_35 = arith.constant 48 : index
    %get3A_36 = vector.load %arg2[%get3A_34, %get3A_35] : memref<256x64xf32, #tpu.memory_space<vmem>>, vector<256x16xf32>
    %mul3A_37 = vector.broadcast %slice3A_2 : vector<256x1xf32> to vector<256x16xf32>
    %mul3A_38 = arith.mulf %get3A_30, %mul3A_37 : vector<256x16xf32>
    %mul3A_39 = vector.broadcast %slice3A_3 : vector<256x1xf32> to vector<256x16xf32>
    %mul3A_40 = arith.mulf %get3A_33, %mul3A_39 : vector<256x16xf32>
    %add3A_41 = arith.addf %mul3A_38, %mul3A_40 : vector<256x16xf32>
    %mul3A_42 = vector.broadcast %slice3A_4 : vector<256x1xf32> to vector<256x16xf32>
    %mul3A_43 = arith.mulf %get3A_36, %mul3A_42 : vector<256x16xf32>
    %add3A_44 = arith.addf %add3A_41, %mul3A_43 : vector<256x16xf32>
    %mul3A_45 = arith.mulf %slice3A_20, %get3A_27 : vector<256x16xf32>
    %mul3A_46 = arith.mulf %slice3A_23, %add3A_44 : vector<256x16xf32>
    %add3A_47 = arith.addf %mul3A_45, %mul3A_46 : vector<256x16xf32>
    %mul3A_48 = arith.mulf %slice3A_21, %get3A_27 : vector<256x16xf32>
    %mul3A_49 = vector.broadcast %slice3A_4 : vector<256x1xf32> to vector<256x16xf32>
    %mul3A_50 = arith.mulf %get3A_33, %mul3A_49 : vector<256x16xf32>
    %mul3A_51 = vector.broadcast %slice3A_3 : vector<256x1xf32> to vector<256x16xf32>
    %mul3A_52 = arith.mulf %get3A_36, %mul3A_51 : vector<256x16xf32>
    %sub3A = arith.subf %mul3A_50, %mul3A_52 : vector<256x16xf32>
    %mul3A_53 = vector.broadcast %slice3A_2 : vector<256x1xf32> to vector<256x16xf32>
    %mul3A_54 = arith.mulf %get3A_36, %mul3A_53 : vector<256x16xf32>
    %mul3A_55 = vector.broadcast %slice3A_4 : vector<256x1xf32> to vector<256x16xf32>
    %mul3A_56 = arith.mulf %get3A_30, %mul3A_55 : vector<256x16xf32>
    %sub3A_57 = arith.subf %mul3A_54, %mul3A_56 : vector<256x16xf32>
    %mul3A_58 = vector.broadcast %slice3A_3 : vector<256x1xf32> to vector<256x16xf32>
    %mul3A_59 = arith.mulf %get3A_30, %mul3A_58 : vector<256x16xf32>
    %mul3A_60 = vector.broadcast %slice3A_2 : vector<256x1xf32> to vector<256x16xf32>
    %mul3A_61 = arith.mulf %get3A_33, %mul3A_60 : vector<256x16xf32>
    %sub3A_62 = arith.subf %mul3A_59, %mul3A_61 : vector<256x16xf32>
    %mul3A_63 = vector.broadcast %slice3A_2 : vector<256x1xf32> to vector<256x16xf32>
    %mul3A_64 = arith.mulf %mul3A_48, %mul3A_63 : vector<256x16xf32>
    %mul3A_65 = arith.mulf %slice3A_22, %get3A_30 : vector<256x16xf32>
    %add3A_66 = arith.addf %mul3A_64, %mul3A_65 : vector<256x16xf32>
    %mul3A_67 = arith.mulf %slice3A_24, %sub3A : vector<256x16xf32>
    %add3A_68 = arith.addf %add3A_66, %mul3A_67 : vector<256x16xf32>
    %mul3A_69 = vector.broadcast %slice3A_3 : vector<256x1xf32> to vector<256x16xf32>
    %mul3A_70 = arith.mulf %mul3A_48, %mul3A_69 : vector<256x16xf32>
    %mul3A_71 = arith.mulf %slice3A_22, %get3A_33 : vector<256x16xf32>
    %add3A_72 = arith.addf %mul3A_70, %mul3A_71 : vector<256x16xf32>
    %mul3A_73 = arith.mulf %slice3A_24, %sub3A_57 : vector<256x16xf32>
    %add3A_74 = arith.addf %add3A_72, %mul3A_73 : vector<256x16xf32>
    %mul3A_75 = vector.broadcast %slice3A_4 : vector<256x1xf32> to vector<256x16xf32>
    %mul3A_76 = arith.mulf %mul3A_48, %mul3A_75 : vector<256x16xf32>
    %mul3A_77 = arith.mulf %slice3A_22, %get3A_36 : vector<256x16xf32>
    %add3A_78 = arith.addf %mul3A_76, %mul3A_77 : vector<256x16xf32>
    %mul3A_79 = arith.mulf %slice3A_24, %sub3A_62 : vector<256x16xf32>
    %add3A_80 = arith.addf %add3A_78, %mul3A_79 : vector<256x16xf32>
    %concatenate3A = tpu.concatenate %add3A_47, %add3A_68, %add3A_74, %add3A_80 in 1 : vector<256x16xf32>, vector<256x16xf32>, vector<256x16xf32>, vector<256x16xf32> -> vector<256x64xf32>
    %swap3A = arith.constant 0 : index
    %swap3A_81 = arith.constant 0 : index
    %swap3A_82 = vector.load %arg5[%swap3A, %swap3A_81] : memref<256x64xf32, #tpu.memory_space<vmem>>, vector<256x64xf32>
    tpu.vector_store %arg5[%swap3A, %swap3A_81], %concatenate3A {strides = array<i32>} : memref<256x64xf32, #tpu.memory_space<vmem>>, vector<256x64xf32>,
    return
  }
  func.func @transform_0(%arg0: i32) -> (i32, i32) {
    %c0_i32 = arith.constant 0 : i32
    %c0_i32_0 = arith.constant 0 : i32
    return %arg0, %c0_i32 : i32, i32
  }
  func.func @transform_1(%arg0: i32) -> (i32, i32) {
    %c0_i32 = arith.constant 0 : i32
    %c0_i32_0 = arith.constant 0 : i32
    return %arg0, %c0_i32 : i32, i32
  }
  func.func @transform_2(%arg0: i32) -> (i32, i32) {
    %c0_i32 = arith.constant 0 : i32
    %c0_i32_0 = arith.constant 0 : i32
    %c0_i32_1 = arith.constant 0 : i32
    return %c0_i32, %c0_i32_0 : i32, i32
  }
  func.func @transform_3(%arg0: i32) -> (i32, i32) {
    %c0_i32 = arith.constant 0 : i32
    %c0_i32_0 = arith.constant 0 : i32
    %c0_i32_1 = arith.constant 0 : i32
    return %c0_i32, %c0_i32_0 : i32, i32
  }
  func.func @transform_4(%arg0: i32) -> (i32, i32) {
    %c0_i32 = arith.constant 0 : i32
    %c0_i32_0 = arith.constant 0 : i32
    return %arg0, %c0_i32 : i32, i32
  }
}

module attributes {stable_mosaic.version = 14 : i64} {
  func.func @body(%arg0: i32, %arg1: memref<2000x64xf32, #tpu.memory_space<vmem>>, %arg2: memref<2000x64xf32, #tpu.memory_space<vmem>>, %arg3: memref<2000x1xf32, #tpu.memory_space<vmem>>, %arg4: memref<16x16xf32, #tpu.memory_space<vmem>>, %arg5: memref<16x16xf32, #tpu.memory_space<vmem>>, %arg6: memref<4x16x16xf32, #tpu.memory_space<vmem>>, %arg7: memref<4x16x16xf32, #tpu.memory_space<vmem>>, %arg8: memref<16x16xf32, #tpu.memory_space<vmem>>, %arg9: memref<16x16xf32, #tpu.memory_space<vmem>>, %arg10: memref<16x16xf32, #tpu.memory_space<vmem>>, %arg11: memref<2000x64xf32, #tpu.memory_space<vmem>>, %arg12: memref<2000x64xf32, #tpu.memory_space<vmem>>) attributes {dimension_semantics = [#tpu.dimension_semantics<arbitrary>], iteration_bounds = array<i64: 25>, scalar_prefetch = 0 : i64, scratch_operands = 0 : i64, tpu.core_type = #tpu.core_type<tc>, window_params = [{transform_indices = @transform_0, window_bounds = array<i64: 2000, 64>}, {transform_indices = @transform_1, window_bounds = array<i64: 2000, 64>}, {transform_indices = @transform_2, window_bounds = array<i64: 2000, 1>}, {pipeline_mode = #tpu.pipeline_mode<synchronous>, transform_indices = @transform_3, window_bounds = array<i64: 16, 16>}, {pipeline_mode = #tpu.pipeline_mode<synchronous>, transform_indices = @transform_4, window_bounds = array<i64: 16, 16>}, {pipeline_mode = #tpu.pipeline_mode<synchronous>, transform_indices = @transform_5, window_bounds = array<i64: 4, 16, 16>}, {pipeline_mode = #tpu.pipeline_mode<synchronous>, transform_indices = @transform_6, window_bounds = array<i64: 4, 16, 16>}, {pipeline_mode = #tpu.pipeline_mode<synchronous>, transform_indices = @transform_7, window_bounds = array<i64: 16, 16>}, {pipeline_mode = #tpu.pipeline_mode<synchronous>, transform_indices = @transform_8, window_bounds = array<i64: 16, 16>}, {pipeline_mode = #tpu.pipeline_mode<synchronous>, transform_indices = @transform_9, window_bounds = array<i64: 16, 16>}, {transform_indices = @transform_10, window_bounds = array<i64: 2000, 64>}, {transform_indices = @transform_11, window_bounds = array<i64: 2000, 64>}]} {
    %get3A = arith.constant 0 : index
    %get3A_0 = arith.constant 0 : index
    %get3A_1 = vector.load %arg1[%get3A, %get3A_0] : memref<2000x64xf32, #tpu.memory_space<vmem>>, vector<2000x64xf32>
    %get3A_2 = arith.constant 0 : index
    %get3A_3 = arith.constant 0 : index
    %get3A_4 = vector.load %arg2[%get3A_2, %get3A_3] : memref<2000x64xf32, #tpu.memory_space<vmem>>, vector<2000x64xf32>
    %get3A_5 = arith.constant 0 : index
    %get3A_6 = arith.constant 0 : index
    %get3A_7 = vector.load %arg3[%get3A_5, %get3A_6] : memref<2000x1xf32, #tpu.memory_space<vmem>>, vector<2000x1xf32>
    %iota3A = tpu.iota {dimensions = array<i32: 1>} : vector<2000x4xi32>
    %convert_element_type3A = arith.sitofp %iota3A : vector<2000x4xi32> to vector<2000x4xf32>
    %eq3A = vector.broadcast %get3A_7 : vector<2000x1xf32> to vector<2000x4xf32>
    %eq3A_8 = arith.cmpf oeq, %eq3A, %convert_element_type3A : vector<2000x4xf32>
    %convert_element_type3A_9 = arith.extui %eq3A_8 : vector<2000x4xi1> to vector<2000x4xi32>
    %convert_element_type3A_10 = arith.sitofp %convert_element_type3A_9 : vector<2000x4xi32> to vector<2000x4xf32>
    %slice3A = vector.extract_strided_slice %get3A_4 {offsets = [0, 0], sizes = [2000, 16], strides = [1, 1]} : vector<2000x64xf32> to vector<2000x16xf32>
    %slice3A_11 = vector.extract_strided_slice %get3A_4 {offsets = [0, 16], sizes = [2000, 16], strides = [1, 1]} : vector<2000x64xf32> to vector<2000x16xf32>
    %slice3A_12 = vector.extract_strided_slice %get3A_4 {offsets = [0, 32], sizes = [2000, 16], strides = [1, 1]} : vector<2000x64xf32> to vector<2000x16xf32>
    %slice3A_13 = vector.extract_strided_slice %get3A_4 {offsets = [0, 48], sizes = [2000, 16], strides = [1, 1]} : vector<2000x64xf32> to vector<2000x16xf32>
    %slice3A_14 = vector.extract_strided_slice %get3A_1 {offsets = [0, 0], sizes = [2000, 16], strides = [1, 1]} : vector<2000x64xf32> to vector<2000x16xf32>
    %mul3A = arith.constant 2.500000e-01 : f32
    %mul3A_15 = vector.broadcast %mul3A : f32 to vector<2000x16xf32>
    %mul3A_16 = arith.mulf %slice3A_14, %mul3A_15 : vector<2000x16xf32>
    %get3A_17 = arith.constant 0 : index
    %get3A_18 = arith.constant 0 : index
    %get3A_19 = vector.load %arg4[%get3A_17, %get3A_18] : memref<16x16xf32, #tpu.memory_space<vmem>>, vector<16x16xf32>
    %dot_general3A = arith.constant dense<0.000000e+00> : vector<2000x16xf32>
    %dot_general3A_20 = tpu.matmul %mul3A_16, %get3A_19, %dot_general3A {dimension_numbers = #tpu.dot_dimension_numbers<[1], [0], [0], [1], [0, 0, 1, 1], [], []>, transpose_lhs_hint = false} : vector<2000x16xf32>, vector<16x16xf32>, vector<2000x16xf32> -> vector<2000x16xf32>
    %get3A_21 = arith.constant 0 : index
    %get3A_22 = arith.constant 0 : index
    %get3A_23 = vector.load %arg5[%get3A_21, %get3A_22] : memref<16x16xf32, #tpu.memory_space<vmem>>, vector<16x16xf32>
    %slice3A_24 = vector.extract_strided_slice %get3A_1 {offsets = [0, 16], sizes = [2000, 16], strides = [1, 1]} : vector<2000x64xf32> to vector<2000x16xf32>
    %mul3A_25 = arith.constant 2.500000e-01 : f32
    %mul3A_26 = vector.broadcast %mul3A_25 : f32 to vector<2000x16xf32>
    %mul3A_27 = arith.mulf %slice3A_24, %mul3A_26 : vector<2000x16xf32>
    %dot_general3A_28 = arith.constant dense<0.000000e+00> : vector<2000x16xf32>
    %dot_general3A_29 = tpu.matmul %mul3A_27, %get3A_23, %dot_general3A_28 {dimension_numbers = #tpu.dot_dimension_numbers<[1], [0], [0], [1], [0, 0, 1, 1], [], []>, transpose_lhs_hint = false} : vector<2000x16xf32>, vector<16x16xf32>, vector<2000x16xf32> -> vector<2000x16xf32>
    %slice3A_30 = vector.extract_strided_slice %get3A_1 {offsets = [0, 32], sizes = [2000, 16], strides = [1, 1]} : vector<2000x64xf32> to vector<2000x16xf32>
    %mul3A_31 = arith.constant 2.500000e-01 : f32
    %mul3A_32 = vector.broadcast %mul3A_31 : f32 to vector<2000x16xf32>
    %mul3A_33 = arith.mulf %slice3A_30, %mul3A_32 : vector<2000x16xf32>
    %dot_general3A_34 = arith.constant dense<0.000000e+00> : vector<2000x16xf32>
    %dot_general3A_35 = tpu.matmul %mul3A_33, %get3A_23, %dot_general3A_34 {dimension_numbers = #tpu.dot_dimension_numbers<[1], [0], [0], [1], [0, 0, 1, 1], [], []>, transpose_lhs_hint = false} : vector<2000x16xf32>, vector<16x16xf32>, vector<2000x16xf32> -> vector<2000x16xf32>
    %slice3A_36 = vector.extract_strided_slice %get3A_1 {offsets = [0, 48], sizes = [2000, 16], strides = [1, 1]} : vector<2000x64xf32> to vector<2000x16xf32>
    %mul3A_37 = arith.constant 2.500000e-01 : f32
    %mul3A_38 = vector.broadcast %mul3A_37 : f32 to vector<2000x16xf32>
    %mul3A_39 = arith.mulf %slice3A_36, %mul3A_38 : vector<2000x16xf32>
    %dot_general3A_40 = arith.constant dense<0.000000e+00> : vector<2000x16xf32>
    %dot_general3A_41 = tpu.matmul %mul3A_39, %get3A_23, %dot_general3A_40 {dimension_numbers = #tpu.dot_dimension_numbers<[1], [0], [0], [1], [0, 0, 1, 1], [], []>, transpose_lhs_hint = false} : vector<2000x16xf32>, vector<16x16xf32>, vector<2000x16xf32> -> vector<2000x16xf32>
    %slice3A_42 = vector.extract_strided_slice %convert_element_type3A_10 {offsets = [0, 0], sizes = [2000, 1], strides = [1, 1]} : vector<2000x4xf32> to vector<2000x1xf32>
    %get3A_43 = arith.constant 0 : index
    %get3A_44 = arith.constant 0 : index
    %get3A_45 = arith.constant 0 : index
    %get3A_46 = vector.load %arg6[%get3A_43, %get3A_44, %get3A_45] : memref<4x16x16xf32, #tpu.memory_space<vmem>>, vector<1x16x16xf32>
    %get3A_47 = vector.shape_cast %get3A_46 : vector<1x16x16xf32> to vector<16x16xf32>
    %dot_general3A_48 = arith.constant dense<0.000000e+00> : vector<2000x16xf32>
    %dot_general3A_49 = tpu.matmul %slice3A, %get3A_47, %dot_general3A_48 {dimension_numbers = #tpu.dot_dimension_numbers<[1], [0], [0], [1], [0, 0, 1, 1], [], []>, transpose_lhs_hint = false} : vector<2000x16xf32>, vector<16x16xf32>, vector<2000x16xf32> -> vector<2000x16xf32>
    %mul3A_50 = vector.broadcast %slice3A_42 : vector<2000x1xf32> to vector<2000x16xf32>
    %mul3A_51 = arith.mulf %mul3A_50, %dot_general3A_49 : vector<2000x16xf32>
    %add3A = arith.addf %dot_general3A_20, %mul3A_51 : vector<2000x16xf32>
    %get3A_52 = arith.constant 0 : index
    %get3A_53 = arith.constant 0 : index
    %get3A_54 = arith.constant 0 : index
    %get3A_55 = vector.load %arg7[%get3A_52, %get3A_53, %get3A_54] : memref<4x16x16xf32, #tpu.memory_space<vmem>>, vector<1x16x16xf32>
    %get3A_56 = vector.shape_cast %get3A_55 : vector<1x16x16xf32> to vector<16x16xf32>
    %dot_general3A_57 = arith.constant dense<0.000000e+00> : vector<2000x16xf32>
    %dot_general3A_58 = tpu.matmul %slice3A_11, %get3A_56, %dot_general3A_57 {dimension_numbers = #tpu.dot_dimension_numbers<[1], [0], [0], [1], [0, 0, 1, 1], [], []>, transpose_lhs_hint = false} : vector<2000x16xf32>, vector<16x16xf32>, vector<2000x16xf32> -> vector<2000x16xf32>
    %mul3A_59 = vector.broadcast %slice3A_42 : vector<2000x1xf32> to vector<2000x16xf32>
    %mul3A_60 = arith.mulf %mul3A_59, %dot_general3A_58 : vector<2000x16xf32>
    %add3A_61 = arith.addf %dot_general3A_29, %mul3A_60 : vector<2000x16xf32>
    %dot_general3A_62 = arith.constant dense<0.000000e+00> : vector<2000x16xf32>
    %dot_general3A_63 = tpu.matmul %slice3A_12, %get3A_56, %dot_general3A_62 {dimension_numbers = #tpu.dot_dimension_numbers<[1], [0], [0], [1], [0, 0, 1, 1], [], []>, transpose_lhs_hint = false} : vector<2000x16xf32>, vector<16x16xf32>, vector<2000x16xf32> -> vector<2000x16xf32>
    %mul3A_64 = vector.broadcast %slice3A_42 : vector<2000x1xf32> to vector<2000x16xf32>
    %mul3A_65 = arith.mulf %mul3A_64, %dot_general3A_63 : vector<2000x16xf32>
    %add3A_66 = arith.addf %dot_general3A_35, %mul3A_65 : vector<2000x16xf32>
    %dot_general3A_67 = arith.constant dense<0.000000e+00> : vector<2000x16xf32>
    %dot_general3A_68 = tpu.matmul %slice3A_13, %get3A_56, %dot_general3A_67 {dimension_numbers = #tpu.dot_dimension_numbers<[1], [0], [0], [1], [0, 0, 1, 1], [], []>, transpose_lhs_hint = false} : vector<2000x16xf32>, vector<16x16xf32>, vector<2000x16xf32> -> vector<2000x16xf32>
    %mul3A_69 = vector.broadcast %slice3A_42 : vector<2000x1xf32> to vector<2000x16xf32>
    %mul3A_70 = arith.mulf %mul3A_69, %dot_general3A_68 : vector<2000x16xf32>
    %add3A_71 = arith.addf %dot_general3A_41, %mul3A_70 : vector<2000x16xf32>
    %slice3A_72 = vector.extract_strided_slice %convert_element_type3A_10 {offsets = [0, 1], sizes = [2000, 1], strides = [1, 1]} : vector<2000x4xf32> to vector<2000x1xf32>
    %get3A_73 = arith.constant 1 : index
    %get3A_74 = arith.constant 0 : index
    %get3A_75 = arith.constant 0 : index
    %get3A_76 = vector.load %arg6[%get3A_73, %get3A_74, %get3A_75] : memref<4x16x16xf32, #tpu.memory_space<vmem>>, vector<1x16x16xf32>
    %get3A_77 = vector.shape_cast %get3A_76 : vector<1x16x16xf32> to vector<16x16xf32>
    %dot_general3A_78 = arith.constant dense<0.000000e+00> : vector<2000x16xf32>
    %dot_general3A_79 = tpu.matmul %slice3A, %get3A_77, %dot_general3A_78 {dimension_numbers = #tpu.dot_dimension_numbers<[1], [0], [0], [1], [0, 0, 1, 1], [], []>, transpose_lhs_hint = false} : vector<2000x16xf32>, vector<16x16xf32>, vector<2000x16xf32> -> vector<2000x16xf32>
    %mul3A_80 = vector.broadcast %slice3A_72 : vector<2000x1xf32> to vector<2000x16xf32>
    %mul3A_81 = arith.mulf %mul3A_80, %dot_general3A_79 : vector<2000x16xf32>
    %add3A_82 = arith.addf %add3A, %mul3A_81 : vector<2000x16xf32>
    %get3A_83 = arith.constant 1 : index
    %get3A_84 = arith.constant 0 : index
    %get3A_85 = arith.constant 0 : index
    %get3A_86 = vector.load %arg7[%get3A_83, %get3A_84, %get3A_85] : memref<4x16x16xf32, #tpu.memory_space<vmem>>, vector<1x16x16xf32>
    %get3A_87 = vector.shape_cast %get3A_86 : vector<1x16x16xf32> to vector<16x16xf32>
    %dot_general3A_88 = arith.constant dense<0.000000e+00> : vector<2000x16xf32>
    %dot_general3A_89 = tpu.matmul %slice3A_11, %get3A_87, %dot_general3A_88 {dimension_numbers = #tpu.dot_dimension_numbers<[1], [0], [0], [1], [0, 0, 1, 1], [], []>, transpose_lhs_hint = false} : vector<2000x16xf32>, vector<16x16xf32>, vector<2000x16xf32> -> vector<2000x16xf32>
    %mul3A_90 = vector.broadcast %slice3A_72 : vector<2000x1xf32> to vector<2000x16xf32>
    %mul3A_91 = arith.mulf %mul3A_90, %dot_general3A_89 : vector<2000x16xf32>
    %add3A_92 = arith.addf %add3A_61, %mul3A_91 : vector<2000x16xf32>
    %dot_general3A_93 = arith.constant dense<0.000000e+00> : vector<2000x16xf32>
    %dot_general3A_94 = tpu.matmul %slice3A_12, %get3A_87, %dot_general3A_93 {dimension_numbers = #tpu.dot_dimension_numbers<[1], [0], [0], [1], [0, 0, 1, 1], [], []>, transpose_lhs_hint = false} : vector<2000x16xf32>, vector<16x16xf32>, vector<2000x16xf32> -> vector<2000x16xf32>
    %mul3A_95 = vector.broadcast %slice3A_72 : vector<2000x1xf32> to vector<2000x16xf32>
    %mul3A_96 = arith.mulf %mul3A_95, %dot_general3A_94 : vector<2000x16xf32>
    %add3A_97 = arith.addf %add3A_66, %mul3A_96 : vector<2000x16xf32>
    %dot_general3A_98 = arith.constant dense<0.000000e+00> : vector<2000x16xf32>
    %dot_general3A_99 = tpu.matmul %slice3A_13, %get3A_87, %dot_general3A_98 {dimension_numbers = #tpu.dot_dimension_numbers<[1], [0], [0], [1], [0, 0, 1, 1], [], []>, transpose_lhs_hint = false} : vector<2000x16xf32>, vector<16x16xf32>, vector<2000x16xf32> -> vector<2000x16xf32>
    %mul3A_100 = vector.broadcast %slice3A_72 : vector<2000x1xf32> to vector<2000x16xf32>
    %mul3A_101 = arith.mulf %mul3A_100, %dot_general3A_99 : vector<2000x16xf32>
    %add3A_102 = arith.addf %add3A_71, %mul3A_101 : vector<2000x16xf32>
    %slice3A_103 = vector.extract_strided_slice %convert_element_type3A_10 {offsets = [0, 2], sizes = [2000, 1], strides = [1, 1]} : vector<2000x4xf32> to vector<2000x1xf32>
    %get3A_104 = arith.constant 2 : index
    %get3A_105 = arith.constant 0 : index
    %get3A_106 = arith.constant 0 : index
    %get3A_107 = vector.load %arg6[%get3A_104, %get3A_105, %get3A_106] : memref<4x16x16xf32, #tpu.memory_space<vmem>>, vector<1x16x16xf32>
    %get3A_108 = vector.shape_cast %get3A_107 : vector<1x16x16xf32> to vector<16x16xf32>
    %dot_general3A_109 = arith.constant dense<0.000000e+00> : vector<2000x16xf32>
    %dot_general3A_110 = tpu.matmul %slice3A, %get3A_108, %dot_general3A_109 {dimension_numbers = #tpu.dot_dimension_numbers<[1], [0], [0], [1], [0, 0, 1, 1], [], []>, transpose_lhs_hint = false} : vector<2000x16xf32>, vector<16x16xf32>, vector<2000x16xf32> -> vector<2000x16xf32>
    %mul3A_111 = vector.broadcast %slice3A_103 : vector<2000x1xf32> to vector<2000x16xf32>
    %mul3A_112 = arith.mulf %mul3A_111, %dot_general3A_110 : vector<2000x16xf32>
    %add3A_113 = arith.addf %add3A_82, %mul3A_112 : vector<2000x16xf32>
    %get3A_114 = arith.constant 2 : index
    %get3A_115 = arith.constant 0 : index
    %get3A_116 = arith.constant 0 : index
    %get3A_117 = vector.load %arg7[%get3A_114, %get3A_115, %get3A_116] : memref<4x16x16xf32, #tpu.memory_space<vmem>>, vector<1x16x16xf32>
    %get3A_118 = vector.shape_cast %get3A_117 : vector<1x16x16xf32> to vector<16x16xf32>
    %dot_general3A_119 = arith.constant dense<0.000000e+00> : vector<2000x16xf32>
    %dot_general3A_120 = tpu.matmul %slice3A_11, %get3A_118, %dot_general3A_119 {dimension_numbers = #tpu.dot_dimension_numbers<[1], [0], [0], [1], [0, 0, 1, 1], [], []>, transpose_lhs_hint = false} : vector<2000x16xf32>, vector<16x16xf32>, vector<2000x16xf32> -> vector<2000x16xf32>
    %mul3A_121 = vector.broadcast %slice3A_103 : vector<2000x1xf32> to vector<2000x16xf32>
    %mul3A_122 = arith.mulf %mul3A_121, %dot_general3A_120 : vector<2000x16xf32>
    %add3A_123 = arith.addf %add3A_92, %mul3A_122 : vector<2000x16xf32>
    %dot_general3A_124 = arith.constant dense<0.000000e+00> : vector<2000x16xf32>
    %dot_general3A_125 = tpu.matmul %slice3A_12, %get3A_118, %dot_general3A_124 {dimension_numbers = #tpu.dot_dimension_numbers<[1], [0], [0], [1], [0, 0, 1, 1], [], []>, transpose_lhs_hint = false} : vector<2000x16xf32>, vector<16x16xf32>, vector<2000x16xf32> -> vector<2000x16xf32>
    %mul3A_126 = vector.broadcast %slice3A_103 : vector<2000x1xf32> to vector<2000x16xf32>
    %mul3A_127 = arith.mulf %mul3A_126, %dot_general3A_125 : vector<2000x16xf32>
    %add3A_128 = arith.addf %add3A_97, %mul3A_127 : vector<2000x16xf32>
    %dot_general3A_129 = arith.constant dense<0.000000e+00> : vector<2000x16xf32>
    %dot_general3A_130 = tpu.matmul %slice3A_13, %get3A_118, %dot_general3A_129 {dimension_numbers = #tpu.dot_dimension_numbers<[1], [0], [0], [1], [0, 0, 1, 1], [], []>, transpose_lhs_hint = false} : vector<2000x16xf32>, vector<16x16xf32>, vector<2000x16xf32> -> vector<2000x16xf32>
    %mul3A_131 = vector.broadcast %slice3A_103 : vector<2000x1xf32> to vector<2000x16xf32>
    %mul3A_132 = arith.mulf %mul3A_131, %dot_general3A_130 : vector<2000x16xf32>
    %add3A_133 = arith.addf %add3A_102, %mul3A_132 : vector<2000x16xf32>
    %slice3A_134 = vector.extract_strided_slice %convert_element_type3A_10 {offsets = [0, 3], sizes = [2000, 1], strides = [1, 1]} : vector<2000x4xf32> to vector<2000x1xf32>
    %get3A_135 = arith.constant 3 : index
    %get3A_136 = arith.constant 0 : index
    %get3A_137 = arith.constant 0 : index
    %get3A_138 = vector.load %arg6[%get3A_135, %get3A_136, %get3A_137] : memref<4x16x16xf32, #tpu.memory_space<vmem>>, vector<1x16x16xf32>
    %get3A_139 = vector.shape_cast %get3A_138 : vector<1x16x16xf32> to vector<16x16xf32>
    %dot_general3A_140 = arith.constant dense<0.000000e+00> : vector<2000x16xf32>
    %dot_general3A_141 = tpu.matmul %slice3A, %get3A_139, %dot_general3A_140 {dimension_numbers = #tpu.dot_dimension_numbers<[1], [0], [0], [1], [0, 0, 1, 1], [], []>, transpose_lhs_hint = false} : vector<2000x16xf32>, vector<16x16xf32>, vector<2000x16xf32> -> vector<2000x16xf32>
    %mul3A_142 = vector.broadcast %slice3A_134 : vector<2000x1xf32> to vector<2000x16xf32>
    %mul3A_143 = arith.mulf %mul3A_142, %dot_general3A_141 : vector<2000x16xf32>
    %add3A_144 = arith.addf %add3A_113, %mul3A_143 : vector<2000x16xf32>
    %get3A_145 = arith.constant 3 : index
    %get3A_146 = arith.constant 0 : index
    %get3A_147 = arith.constant 0 : index
    %get3A_148 = vector.load %arg7[%get3A_145, %get3A_146, %get3A_147] : memref<4x16x16xf32, #tpu.memory_space<vmem>>, vector<1x16x16xf32>
    %get3A_149 = vector.shape_cast %get3A_148 : vector<1x16x16xf32> to vector<16x16xf32>
    %dot_general3A_150 = arith.constant dense<0.000000e+00> : vector<2000x16xf32>
    %dot_general3A_151 = tpu.matmul %slice3A_11, %get3A_149, %dot_general3A_150 {dimension_numbers = #tpu.dot_dimension_numbers<[1], [0], [0], [1], [0, 0, 1, 1], [], []>, transpose_lhs_hint = false} : vector<2000x16xf32>, vector<16x16xf32>, vector<2000x16xf32> -> vector<2000x16xf32>
    %mul3A_152 = vector.broadcast %slice3A_134 : vector<2000x1xf32> to vector<2000x16xf32>
    %mul3A_153 = arith.mulf %mul3A_152, %dot_general3A_151 : vector<2000x16xf32>
    %add3A_154 = arith.addf %add3A_123, %mul3A_153 : vector<2000x16xf32>
    %dot_general3A_155 = arith.constant dense<0.000000e+00> : vector<2000x16xf32>
    %dot_general3A_156 = tpu.matmul %slice3A_12, %get3A_149, %dot_general3A_155 {dimension_numbers = #tpu.dot_dimension_numbers<[1], [0], [0], [1], [0, 0, 1, 1], [], []>, transpose_lhs_hint = false} : vector<2000x16xf32>, vector<16x16xf32>, vector<2000x16xf32> -> vector<2000x16xf32>
    %mul3A_157 = vector.broadcast %slice3A_134 : vector<2000x1xf32> to vector<2000x16xf32>
    %mul3A_158 = arith.mulf %mul3A_157, %dot_general3A_156 : vector<2000x16xf32>
    %add3A_159 = arith.addf %add3A_128, %mul3A_158 : vector<2000x16xf32>
    %dot_general3A_160 = arith.constant dense<0.000000e+00> : vector<2000x16xf32>
    %dot_general3A_161 = tpu.matmul %slice3A_13, %get3A_149, %dot_general3A_160 {dimension_numbers = #tpu.dot_dimension_numbers<[1], [0], [0], [1], [0, 0, 1, 1], [], []>, transpose_lhs_hint = false} : vector<2000x16xf32>, vector<16x16xf32>, vector<2000x16xf32> -> vector<2000x16xf32>
    %mul3A_162 = vector.broadcast %slice3A_134 : vector<2000x1xf32> to vector<2000x16xf32>
    %mul3A_163 = arith.mulf %mul3A_162, %dot_general3A_161 : vector<2000x16xf32>
    %add3A_164 = arith.addf %add3A_133, %mul3A_163 : vector<2000x16xf32>
    %get3A_165 = arith.constant 0 : index
    %get3A_166 = arith.constant 0 : index
    %get3A_167 = vector.load %arg8[%get3A_165, %get3A_166] : memref<16x16xf32, #tpu.memory_space<vmem>>, vector<16x16xf32>
    %dot_general3A_168 = arith.constant dense<0.000000e+00> : vector<2000x16xf32>
    %dot_general3A_169 = tpu.matmul %add3A_144, %get3A_167, %dot_general3A_168 {dimension_numbers = #tpu.dot_dimension_numbers<[1], [0], [0], [1], [0, 0, 1, 1], [], []>, transpose_lhs_hint = false} : vector<2000x16xf32>, vector<16x16xf32>, vector<2000x16xf32> -> vector<2000x16xf32>
    %neg3A = arith.constant 0.000000e+00 : f32
    %neg3A_170 = vector.broadcast %neg3A : f32 to vector<2000x16xf32>
    %neg3A_171 = arith.subf %neg3A_170, %dot_general3A_169 : vector<2000x16xf32>
    %exp3A = math.exp %neg3A_171 : vector<2000x16xf32>
    %add3A_172 = arith.constant 1.000000e+00 : f32
    %add3A_173 = vector.broadcast %add3A_172 : f32 to vector<2000x16xf32>
    %add3A_174 = arith.addf %add3A_173, %exp3A : vector<2000x16xf32>
    %div3A = arith.constant 1.000000e+00 : f32
    %div3A_175 = vector.broadcast %div3A : f32 to vector<2000x16xf32>
    %div3A_176 = arith.divf %div3A_175, %add3A_174 : vector<2000x16xf32>
    %neg3A_177 = arith.constant 0.000000e+00 : f32
    %neg3A_178 = vector.broadcast %neg3A_177 : f32 to vector<2000x16xf32>
    %neg3A_179 = arith.subf %neg3A_178, %add3A_144 : vector<2000x16xf32>
    %exp3A_180 = math.exp %neg3A_179 : vector<2000x16xf32>
    %add3A_181 = arith.constant 1.000000e+00 : f32
    %add3A_182 = vector.broadcast %add3A_181 : f32 to vector<2000x16xf32>
    %add3A_183 = arith.addf %add3A_182, %exp3A_180 : vector<2000x16xf32>
    %div3A_184 = arith.constant 1.000000e+00 : f32
    %div3A_185 = vector.broadcast %div3A_184 : f32 to vector<2000x16xf32>
    %div3A_186 = arith.divf %div3A_185, %add3A_183 : vector<2000x16xf32>
    %mul3A_187 = arith.mulf %add3A_144, %div3A_186 : vector<2000x16xf32>
    %add3A_188 = arith.addf %mul3A_187, %slice3A : vector<2000x16xf32>
    %mul3A_189 = arith.mulf %add3A_154, %div3A_176 : vector<2000x16xf32>
    %add3A_190 = arith.addf %mul3A_189, %slice3A_11 : vector<2000x16xf32>
    %mul3A_191 = arith.mulf %add3A_159, %div3A_176 : vector<2000x16xf32>
    %add3A_192 = arith.addf %mul3A_191, %slice3A_12 : vector<2000x16xf32>
    %mul3A_193 = arith.mulf %add3A_164, %div3A_176 : vector<2000x16xf32>
    %add3A_194 = arith.addf %mul3A_193, %slice3A_13 : vector<2000x16xf32>
    %concatenate3A = tpu.concatenate %add3A_188, %add3A_190, %add3A_192, %add3A_194 in 1 : vector<2000x16xf32>, vector<2000x16xf32>, vector<2000x16xf32>, vector<2000x16xf32> -> vector<2000x64xf32>
    %swap3A = arith.constant 0 : index
    %swap3A_195 = arith.constant 0 : index
    %swap3A_196 = vector.load %arg11[%swap3A, %swap3A_195] : memref<2000x64xf32, #tpu.memory_space<vmem>>, vector<2000x64xf32>
    tpu.vector_store %arg11[%swap3A, %swap3A_195], %concatenate3A {strides = array<i32>} : memref<2000x64xf32, #tpu.memory_space<vmem>>, vector<2000x64xf32>,
    %get3A_197 = arith.constant 0 : index
    %get3A_198 = arith.constant 0 : index
    %get3A_199 = vector.load %arg9[%get3A_197, %get3A_198] : memref<16x16xf32, #tpu.memory_space<vmem>>, vector<16x16xf32>
    %get3A_200 = arith.constant 0 : index
    %get3A_201 = arith.constant 0 : index
    %get3A_202 = vector.load %arg10[%get3A_200, %get3A_201] : memref<16x16xf32, #tpu.memory_space<vmem>>, vector<16x16xf32>
    %dot_general3A_203 = arith.constant dense<0.000000e+00> : vector<2000x16xf32>
    %dot_general3A_204 = tpu.matmul %add3A_188, %get3A_199, %dot_general3A_203 {dimension_numbers = #tpu.dot_dimension_numbers<[1], [0], [0], [1], [0, 0, 1, 1], [], []>, transpose_lhs_hint = false} : vector<2000x16xf32>, vector<16x16xf32>, vector<2000x16xf32> -> vector<2000x16xf32>
    %dot_general3A_205 = arith.constant dense<0.000000e+00> : vector<2000x16xf32>
    %dot_general3A_206 = tpu.matmul %add3A_190, %get3A_202, %dot_general3A_205 {dimension_numbers = #tpu.dot_dimension_numbers<[1], [0], [0], [1], [0, 0, 1, 1], [], []>, transpose_lhs_hint = false} : vector<2000x16xf32>, vector<16x16xf32>, vector<2000x16xf32> -> vector<2000x16xf32>
    %dot_general3A_207 = arith.constant dense<0.000000e+00> : vector<2000x16xf32>
    %dot_general3A_208 = tpu.matmul %add3A_192, %get3A_202, %dot_general3A_207 {dimension_numbers = #tpu.dot_dimension_numbers<[1], [0], [0], [1], [0, 0, 1, 1], [], []>, transpose_lhs_hint = false} : vector<2000x16xf32>, vector<16x16xf32>, vector<2000x16xf32> -> vector<2000x16xf32>
    %dot_general3A_209 = arith.constant dense<0.000000e+00> : vector<2000x16xf32>
    %dot_general3A_210 = tpu.matmul %add3A_194, %get3A_202, %dot_general3A_209 {dimension_numbers = #tpu.dot_dimension_numbers<[1], [0], [0], [1], [0, 0, 1, 1], [], []>, transpose_lhs_hint = false} : vector<2000x16xf32>, vector<16x16xf32>, vector<2000x16xf32> -> vector<2000x16xf32>
    %concatenate3A_211 = tpu.concatenate %dot_general3A_204, %dot_general3A_206, %dot_general3A_208, %dot_general3A_210 in 1 : vector<2000x16xf32>, vector<2000x16xf32>, vector<2000x16xf32>, vector<2000x16xf32> -> vector<2000x64xf32>
    %swap3A_212 = arith.constant 0 : index
    %swap3A_213 = arith.constant 0 : index
    %swap3A_214 = vector.load %arg12[%swap3A_212, %swap3A_213] : memref<2000x64xf32, #tpu.memory_space<vmem>>, vector<2000x64xf32>
    tpu.vector_store %arg12[%swap3A_212, %swap3A_213], %concatenate3A_211 {strides = array<i32>} : memref<2000x64xf32, #tpu.memory_space<vmem>>, vector<2000x64xf32>,
    return
  }
  func.func @transform_0(%arg0: i32) -> (i32, i32) {
    %c0_i32 = arith.constant 0 : i32
    %c0_i32_0 = arith.constant 0 : i32
    return %arg0, %c0_i32 : i32, i32
  }
  func.func @transform_1(%arg0: i32) -> (i32, i32) {
    %c0_i32 = arith.constant 0 : i32
    %c0_i32_0 = arith.constant 0 : i32
    return %arg0, %c0_i32 : i32, i32
  }
  func.func @transform_2(%arg0: i32) -> (i32, i32) {
    %c0_i32 = arith.constant 0 : i32
    %c0_i32_0 = arith.constant 0 : i32
    return %arg0, %c0_i32 : i32, i32
  }
  func.func @transform_3(%arg0: i32) -> (i32, i32) {
    %c0_i32 = arith.constant 0 : i32
    %c0_i32_0 = arith.constant 0 : i32
    %c0_i32_1 = arith.constant 0 : i32
    return %c0_i32, %c0_i32_0 : i32, i32
  }
  func.func @transform_4(%arg0: i32) -> (i32, i32) {
    %c0_i32 = arith.constant 0 : i32
    %c0_i32_0 = arith.constant 0 : i32
    %c0_i32_1 = arith.constant 0 : i32
    return %c0_i32, %c0_i32_0 : i32, i32
  }
  func.func @transform_5(%arg0: i32) -> (i32, i32, i32) {
    %c0_i32 = arith.constant 0 : i32
    %c0_i32_0 = arith.constant 0 : i32
    %c0_i32_1 = arith.constant 0 : i32
    %c0_i32_2 = arith.constant 0 : i32
    return %c0_i32, %c0_i32_0, %c0_i32_1 : i32, i32, i32
  }
  func.func @transform_6(%arg0: i32) -> (i32, i32, i32) {
    %c0_i32 = arith.constant 0 : i32
    %c0_i32_0 = arith.constant 0 : i32
    %c0_i32_1 = arith.constant 0 : i32
    %c0_i32_2 = arith.constant 0 : i32
    return %c0_i32, %c0_i32_0, %c0_i32_1 : i32, i32, i32
  }
  func.func @transform_7(%arg0: i32) -> (i32, i32) {
    %c0_i32 = arith.constant 0 : i32
    %c0_i32_0 = arith.constant 0 : i32
    %c0_i32_1 = arith.constant 0 : i32
    return %c0_i32, %c0_i32_0 : i32, i32
  }
  func.func @transform_8(%arg0: i32) -> (i32, i32) {
    %c0_i32 = arith.constant 0 : i32
    %c0_i32_0 = arith.constant 0 : i32
    %c0_i32_1 = arith.constant 0 : i32
    return %c0_i32, %c0_i32_0 : i32, i32
  }
  func.func @transform_9(%arg0: i32) -> (i32, i32) {
    %c0_i32 = arith.constant 0 : i32
    %c0_i32_0 = arith.constant 0 : i32
    %c0_i32_1 = arith.constant 0 : i32
    return %c0_i32, %c0_i32_0 : i32, i32
  }
  func.func @transform_10(%arg0: i32) -> (i32, i32) {
    %c0_i32 = arith.constant 0 : i32
    %c0_i32_0 = arith.constant 0 : i32
    return %arg0, %c0_i32 : i32, i32
  }
  func.func @transform_11(%arg0: i32) -> (i32, i32) {
    %c0_i32 = arith.constant 0 : i32
    %c0_i32_0 = arith.constant 0 : i32
    return %arg0, %c0_i32 : i32, i32
  }
}

module attributes {stable_mosaic.version = 14 : i64} {
  func.func @body(%arg0: i32, %arg1: memref<256x16xf32, #tpu.memory_space<vmem>>, %arg2: memref<256x64xf32, #tpu.memory_space<vmem>>, %arg3: memref<8x64xf32, #tpu.memory_space<vmem>>, %arg4: memref<64x32xf32, #tpu.memory_space<vmem>>, %arg5: memref<256x16xf32, #tpu.memory_space<vmem>>) attributes {dimension_semantics = [#tpu.dimension_semantics<arbitrary>], iteration_bounds = array<i64: 3125>, scalar_prefetch = 0 : i64, scratch_operands = 0 : i64, tpu.core_type = #tpu.core_type<tc>, window_params = [{transform_indices = @transform_0, window_bounds = array<i64: 256, 16>}, {transform_indices = @transform_1, window_bounds = array<i64: 256, 64>}, {pipeline_mode = #tpu.pipeline_mode<synchronous>, transform_indices = @transform_2, window_bounds = array<i64: 8, 64>}, {pipeline_mode = #tpu.pipeline_mode<synchronous>, transform_indices = @transform_3, window_bounds = array<i64: 64, 32>}, {transform_indices = @transform_4, window_bounds = array<i64: 256, 16>}]} {
    %get3A = arith.constant 0 : index
    %get3A_0 = arith.constant 0 : index
    %get3A_1 = vector.load %arg1[%get3A, %get3A_0] : memref<256x16xf32, #tpu.memory_space<vmem>>, vector<256x16xf32>
    %slice3A = vector.extract_strided_slice %get3A_1 {offsets = [0, 0], sizes = [256, 8], strides = [1, 1]} : vector<256x16xf32> to vector<256x8xf32>
    %slice3A_2 = vector.extract_strided_slice %get3A_1 {offsets = [0, 8], sizes = [256, 1], strides = [1, 1]} : vector<256x16xf32> to vector<256x1xf32>
    %slice3A_3 = vector.extract_strided_slice %get3A_1 {offsets = [0, 9], sizes = [256, 1], strides = [1, 1]} : vector<256x16xf32> to vector<256x1xf32>
    %slice3A_4 = vector.extract_strided_slice %get3A_1 {offsets = [0, 10], sizes = [256, 1], strides = [1, 1]} : vector<256x16xf32> to vector<256x1xf32>
    %get3A_5 = arith.constant 0 : index
    %get3A_6 = arith.constant 0 : index
    %get3A_7 = vector.load %arg3[%get3A_5, %get3A_6] : memref<8x64xf32, #tpu.memory_space<vmem>>, vector<8x64xf32>
    %dot_general3A = arith.constant dense<0.000000e+00> : vector<256x64xf32>
    %dot_general3A_8 = tpu.matmul %slice3A, %get3A_7, %dot_general3A {dimension_numbers = #tpu.dot_dimension_numbers<[1], [0], [0], [1], [0, 0, 1, 1], [], []>, transpose_lhs_hint = false} : vector<256x8xf32>, vector<8x64xf32>, vector<256x64xf32> -> vector<256x64xf32>
    %neg3A = arith.constant 0.000000e+00 : f32
    %neg3A_9 = vector.broadcast %neg3A : f32 to vector<256x64xf32>
    %neg3A_10 = arith.subf %neg3A_9, %dot_general3A_8 : vector<256x64xf32>
    %exp3A = math.exp %neg3A_10 : vector<256x64xf32>
    %add3A = arith.constant 1.000000e+00 : f32
    %add3A_11 = vector.broadcast %add3A : f32 to vector<256x64xf32>
    %add3A_12 = arith.addf %add3A_11, %exp3A : vector<256x64xf32>
    %div3A = arith.constant 1.000000e+00 : f32
    %div3A_13 = vector.broadcast %div3A : f32 to vector<256x64xf32>
    %div3A_14 = arith.divf %div3A_13, %add3A_12 : vector<256x64xf32>
    %mul3A = arith.mulf %dot_general3A_8, %div3A_14 : vector<256x64xf32>
    %get3A_15 = arith.constant 0 : index
    %get3A_16 = arith.constant 0 : index
    %get3A_17 = vector.load %arg4[%get3A_15, %get3A_16] : memref<64x32xf32, #tpu.memory_space<vmem>>, vector<64x32xf32>
    %dot_general3A_18 = arith.constant dense<0.000000e+00> : vector<256x32xf32>
    %dot_general3A_19 = tpu.matmul %mul3A, %get3A_17, %dot_general3A_18 {dimension_numbers = #tpu.dot_dimension_numbers<[1], [0], [0], [1], [0, 0, 1, 1], [], []>, transpose_lhs_hint = false} : vector<256x64xf32>, vector<64x32xf32>, vector<256x32xf32> -> vector<256x32xf32>
    %get3A_20 = arith.constant 0 : index
    %get3A_21 = arith.constant 0 : index
    %get3A_22 = vector.load %arg2[%get3A_20, %get3A_21] : memref<256x64xf32, #tpu.memory_space<vmem>>, vector<256x16xf32>
    %get3A_23 = arith.constant 0 : index
    %get3A_24 = arith.constant 16 : index
    %get3A_25 = vector.load %arg2[%get3A_23, %get3A_24] : memref<256x64xf32, #tpu.memory_space<vmem>>, vector<256x16xf32>
    %get3A_26 = arith.constant 0 : index
    %get3A_27 = arith.constant 32 : index
    %get3A_28 = vector.load %arg2[%get3A_26, %get3A_27] : memref<256x64xf32, #tpu.memory_space<vmem>>, vector<256x16xf32>
    %get3A_29 = arith.constant 0 : index
    %get3A_30 = arith.constant 48 : index
    %get3A_31 = vector.load %arg2[%get3A_29, %get3A_30] : memref<256x64xf32, #tpu.memory_space<vmem>>, vector<256x16xf32>
    %mul3A_32 = vector.broadcast %slice3A_2 : vector<256x1xf32> to vector<256x16xf32>
    %mul3A_33 = arith.mulf %get3A_25, %mul3A_32 : vector<256x16xf32>
    %mul3A_34 = vector.broadcast %slice3A_3 : vector<256x1xf32> to vector<256x16xf32>
    %mul3A_35 = arith.mulf %get3A_28, %mul3A_34 : vector<256x16xf32>
    %add3A_36 = arith.addf %mul3A_33, %mul3A_35 : vector<256x16xf32>
    %mul3A_37 = vector.broadcast %slice3A_4 : vector<256x1xf32> to vector<256x16xf32>
    %mul3A_38 = arith.mulf %get3A_31, %mul3A_37 : vector<256x16xf32>
    %add3A_39 = arith.addf %add3A_36, %mul3A_38 : vector<256x16xf32>
    %slice3A_40 = vector.extract_strided_slice %dot_general3A_19 {offsets = [0, 0], sizes = [256, 16], strides = [1, 1]} : vector<256x32xf32> to vector<256x16xf32>
    %mul3A_41 = arith.mulf %slice3A_40, %get3A_22 : vector<256x16xf32>
    %slice3A_42 = vector.extract_strided_slice %dot_general3A_19 {offsets = [0, 16], sizes = [256, 16], strides = [1, 1]} : vector<256x32xf32> to vector<256x16xf32>
    %mul3A_43 = arith.mulf %slice3A_42, %add3A_39 : vector<256x16xf32>
    %add3A_44 = arith.addf %mul3A_41, %mul3A_43 : vector<256x16xf32>
    %swap3A = arith.constant 0 : index
    %swap3A_45 = arith.constant 0 : index
    %swap3A_46 = vector.load %arg5[%swap3A, %swap3A_45] : memref<256x16xf32, #tpu.memory_space<vmem>>, vector<256x16xf32>
    tpu.vector_store %arg5[%swap3A, %swap3A_45], %add3A_44 {strides = array<i32>} : memref<256x16xf32, #tpu.memory_space<vmem>>, vector<256x16xf32>,
    return
  }
  func.func @transform_0(%arg0: i32) -> (i32, i32) {
    %c0_i32 = arith.constant 0 : i32
    %c0_i32_0 = arith.constant 0 : i32
    return %arg0, %c0_i32 : i32, i32
  }
  func.func @transform_1(%arg0: i32) -> (i32, i32) {
    %c0_i32 = arith.constant 0 : i32
    %c0_i32_0 = arith.constant 0 : i32
    return %arg0, %c0_i32 : i32, i32
  }
  func.func @transform_2(%arg0: i32) -> (i32, i32) {
    %c0_i32 = arith.constant 0 : i32
    %c0_i32_0 = arith.constant 0 : i32
    %c0_i32_1 = arith.constant 0 : i32
    return %c0_i32, %c0_i32_0 : i32, i32
  }
  func.func @transform_3(%arg0: i32) -> (i32, i32) {
    %c0_i32 = arith.constant 0 : i32
    %c0_i32_0 = arith.constant 0 : i32
    %c0_i32_1 = arith.constant 0 : i32
    return %c0_i32, %c0_i32_0 : i32, i32
  }
  func.func @transform_4(%arg0: i32) -> (i32, i32) {
    %c0_i32 = arith.constant 0 : i32
    %c0_i32_0 = arith.constant 0 : i32
    return %arg0, %c0_i32 : i32, i32
  }
}

module attributes {stable_mosaic.version = 14 : i64} {
  func.func @body(%arg0: i32, %arg1: memref<2000x16xf32, #tpu.memory_space<vmem>>, %arg2: memref<2000x64xf32, #tpu.memory_space<vmem>>, %arg3: memref<2000x1xf32, #tpu.memory_space<vmem>>, %arg4: memref<2000x1xf32, #tpu.memory_space<vmem>>, %arg5: memref<16x16xf32, #tpu.memory_space<vmem>>, %arg6: memref<4x16x16xf32, #tpu.memory_space<vmem>>, %arg7: memref<16x16xf32, #tpu.memory_space<vmem>>, %arg8: memref<16x1xf32, #tpu.memory_space<vmem>>, %arg9: memref<1x64xf32, #tpu.memory_space<vmem>>) attributes {dimension_semantics = [#tpu.dimension_semantics<arbitrary>], iteration_bounds = array<i64: 25>, scalar_prefetch = 0 : i64, scratch_operands = 0 : i64, tpu.core_type = #tpu.core_type<tc>, window_params = [{transform_indices = @transform_0, window_bounds = array<i64: 2000, 16>}, {transform_indices = @transform_1, window_bounds = array<i64: 2000, 64>}, {transform_indices = @transform_2, window_bounds = array<i64: 2000, 1>}, {transform_indices = @transform_3, window_bounds = array<i64: 2000, 1>}, {pipeline_mode = #tpu.pipeline_mode<synchronous>, transform_indices = @transform_4, window_bounds = array<i64: 16, 16>}, {pipeline_mode = #tpu.pipeline_mode<synchronous>, transform_indices = @transform_5, window_bounds = array<i64: 4, 16, 16>}, {pipeline_mode = #tpu.pipeline_mode<synchronous>, transform_indices = @transform_6, window_bounds = array<i64: 16, 16>}, {pipeline_mode = #tpu.pipeline_mode<synchronous>, transform_indices = @transform_7, window_bounds = array<i64: 16, 1>}, {pipeline_mode = #tpu.pipeline_mode<synchronous>, transform_indices = @transform_8, window_bounds = array<i64: 1, 64>}]} {
    %get3A = arith.constant 0 : index
    %get3A_0 = arith.constant 0 : index
    %get3A_1 = vector.load %arg2[%get3A, %get3A_0] : memref<2000x64xf32, #tpu.memory_space<vmem>>, vector<2000x16xf32>
    %get3A_2 = arith.constant 0 : index
    %get3A_3 = arith.constant 0 : index
    %get3A_4 = vector.load %arg3[%get3A_2, %get3A_3] : memref<2000x1xf32, #tpu.memory_space<vmem>>, vector<2000x1xf32>
    %iota3A = tpu.iota {dimensions = array<i32: 1>} : vector<2000x4xi32>
    %convert_element_type3A = arith.sitofp %iota3A : vector<2000x4xi32> to vector<2000x4xf32>
    %eq3A = vector.broadcast %get3A_4 : vector<2000x1xf32> to vector<2000x4xf32>
    %eq3A_5 = arith.cmpf oeq, %eq3A, %convert_element_type3A : vector<2000x4xf32>
    %convert_element_type3A_6 = arith.extui %eq3A_5 : vector<2000x4xi1> to vector<2000x4xi32>
    %convert_element_type3A_7 = arith.sitofp %convert_element_type3A_6 : vector<2000x4xi32> to vector<2000x4xf32>
    %get3A_8 = arith.constant 0 : index
    %get3A_9 = arith.constant 0 : index
    %get3A_10 = vector.load %arg1[%get3A_8, %get3A_9] : memref<2000x16xf32, #tpu.memory_space<vmem>>, vector<2000x16xf32>
    %mul3A = arith.constant 2.500000e-01 : f32
    %mul3A_11 = vector.broadcast %mul3A : f32 to vector<2000x16xf32>
    %mul3A_12 = arith.mulf %get3A_10, %mul3A_11 : vector<2000x16xf32>
    %get3A_13 = arith.constant 0 : index
    %get3A_14 = arith.constant 0 : index
    %get3A_15 = vector.load %arg5[%get3A_13, %get3A_14] : memref<16x16xf32, #tpu.memory_space<vmem>>, vector<16x16xf32>
    %dot_general3A = arith.constant dense<0.000000e+00> : vector<2000x16xf32>
    %dot_general3A_16 = tpu.matmul %mul3A_12, %get3A_15, %dot_general3A {dimension_numbers = #tpu.dot_dimension_numbers<[1], [0], [0], [1], [0, 0, 1, 1], [], []>, transpose_lhs_hint = false} : vector<2000x16xf32>, vector<16x16xf32>, vector<2000x16xf32> -> vector<2000x16xf32>
    %slice3A = vector.extract_strided_slice %convert_element_type3A_7 {offsets = [0, 0], sizes = [2000, 1], strides = [1, 1]} : vector<2000x4xf32> to vector<2000x1xf32>
    %get3A_17 = arith.constant 0 : index
    %get3A_18 = arith.constant 0 : index
    %get3A_19 = arith.constant 0 : index
    %get3A_20 = vector.load %arg6[%get3A_17, %get3A_18, %get3A_19] : memref<4x16x16xf32, #tpu.memory_space<vmem>>, vector<1x16x16xf32>
    %get3A_21 = vector.shape_cast %get3A_20 : vector<1x16x16xf32> to vector<16x16xf32>
    %dot_general3A_22 = arith.constant dense<0.000000e+00> : vector<2000x16xf32>
    %dot_general3A_23 = tpu.matmul %get3A_1, %get3A_21, %dot_general3A_22 {dimension_numbers = #tpu.dot_dimension_numbers<[1], [0], [0], [1], [0, 0, 1, 1], [], []>, transpose_lhs_hint = false} : vector<2000x16xf32>, vector<16x16xf32>, vector<2000x16xf32> -> vector<2000x16xf32>
    %mul3A_24 = vector.broadcast %slice3A : vector<2000x1xf32> to vector<2000x16xf32>
    %mul3A_25 = arith.mulf %mul3A_24, %dot_general3A_23 : vector<2000x16xf32>
    %add3A = arith.addf %dot_general3A_16, %mul3A_25 : vector<2000x16xf32>
    %slice3A_26 = vector.extract_strided_slice %convert_element_type3A_7 {offsets = [0, 1], sizes = [2000, 1], strides = [1, 1]} : vector<2000x4xf32> to vector<2000x1xf32>
    %get3A_27 = arith.constant 1 : index
    %get3A_28 = arith.constant 0 : index
    %get3A_29 = arith.constant 0 : index
    %get3A_30 = vector.load %arg6[%get3A_27, %get3A_28, %get3A_29] : memref<4x16x16xf32, #tpu.memory_space<vmem>>, vector<1x16x16xf32>
    %get3A_31 = vector.shape_cast %get3A_30 : vector<1x16x16xf32> to vector<16x16xf32>
    %dot_general3A_32 = arith.constant dense<0.000000e+00> : vector<2000x16xf32>
    %dot_general3A_33 = tpu.matmul %get3A_1, %get3A_31, %dot_general3A_32 {dimension_numbers = #tpu.dot_dimension_numbers<[1], [0], [0], [1], [0, 0, 1, 1], [], []>, transpose_lhs_hint = false} : vector<2000x16xf32>, vector<16x16xf32>, vector<2000x16xf32> -> vector<2000x16xf32>
    %mul3A_34 = vector.broadcast %slice3A_26 : vector<2000x1xf32> to vector<2000x16xf32>
    %mul3A_35 = arith.mulf %mul3A_34, %dot_general3A_33 : vector<2000x16xf32>
    %add3A_36 = arith.addf %add3A, %mul3A_35 : vector<2000x16xf32>
    %slice3A_37 = vector.extract_strided_slice %convert_element_type3A_7 {offsets = [0, 2], sizes = [2000, 1], strides = [1, 1]} : vector<2000x4xf32> to vector<2000x1xf32>
    %get3A_38 = arith.constant 2 : index
    %get3A_39 = arith.constant 0 : index
    %get3A_40 = arith.constant 0 : index
    %get3A_41 = vector.load %arg6[%get3A_38, %get3A_39, %get3A_40] : memref<4x16x16xf32, #tpu.memory_space<vmem>>, vector<1x16x16xf32>
    %get3A_42 = vector.shape_cast %get3A_41 : vector<1x16x16xf32> to vector<16x16xf32>
    %dot_general3A_43 = arith.constant dense<0.000000e+00> : vector<2000x16xf32>
    %dot_general3A_44 = tpu.matmul %get3A_1, %get3A_42, %dot_general3A_43 {dimension_numbers = #tpu.dot_dimension_numbers<[1], [0], [0], [1], [0, 0, 1, 1], [], []>, transpose_lhs_hint = false} : vector<2000x16xf32>, vector<16x16xf32>, vector<2000x16xf32> -> vector<2000x16xf32>
    %mul3A_45 = vector.broadcast %slice3A_37 : vector<2000x1xf32> to vector<2000x16xf32>
    %mul3A_46 = arith.mulf %mul3A_45, %dot_general3A_44 : vector<2000x16xf32>
    %add3A_47 = arith.addf %add3A_36, %mul3A_46 : vector<2000x16xf32>
    %slice3A_48 = vector.extract_strided_slice %convert_element_type3A_7 {offsets = [0, 3], sizes = [2000, 1], strides = [1, 1]} : vector<2000x4xf32> to vector<2000x1xf32>
    %get3A_49 = arith.constant 3 : index
    %get3A_50 = arith.constant 0 : index
    %get3A_51 = arith.constant 0 : index
    %get3A_52 = vector.load %arg6[%get3A_49, %get3A_50, %get3A_51] : memref<4x16x16xf32, #tpu.memory_space<vmem>>, vector<1x16x16xf32>
    %get3A_53 = vector.shape_cast %get3A_52 : vector<1x16x16xf32> to vector<16x16xf32>
    %dot_general3A_54 = arith.constant dense<0.000000e+00> : vector<2000x16xf32>
    %dot_general3A_55 = tpu.matmul %get3A_1, %get3A_53, %dot_general3A_54 {dimension_numbers = #tpu.dot_dimension_numbers<[1], [0], [0], [1], [0, 0, 1, 1], [], []>, transpose_lhs_hint = false} : vector<2000x16xf32>, vector<16x16xf32>, vector<2000x16xf32> -> vector<2000x16xf32>
    %mul3A_56 = vector.broadcast %slice3A_48 : vector<2000x1xf32> to vector<2000x16xf32>
    %mul3A_57 = arith.mulf %mul3A_56, %dot_general3A_55 : vector<2000x16xf32>
    %add3A_58 = arith.addf %add3A_47, %mul3A_57 : vector<2000x16xf32>
    %neg3A = arith.constant 0.000000e+00 : f32
    %neg3A_59 = vector.broadcast %neg3A : f32 to vector<2000x16xf32>
    %neg3A_60 = arith.subf %neg3A_59, %add3A_58 : vector<2000x16xf32>
    %exp3A = math.exp %neg3A_60 : vector<2000x16xf32>
    %add3A_61 = arith.constant 1.000000e+00 : f32
    %add3A_62 = vector.broadcast %add3A_61 : f32 to vector<2000x16xf32>
    %add3A_63 = arith.addf %add3A_62, %exp3A : vector<2000x16xf32>
    %div3A = arith.constant 1.000000e+00 : f32
    %div3A_64 = vector.broadcast %div3A : f32 to vector<2000x16xf32>
    %div3A_65 = arith.divf %div3A_64, %add3A_63 : vector<2000x16xf32>
    %mul3A_66 = arith.mulf %add3A_58, %div3A_65 : vector<2000x16xf32>
    %add3A_67 = arith.addf %mul3A_66, %get3A_1 : vector<2000x16xf32>
    %get3A_68 = arith.constant 0 : index
    %get3A_69 = arith.constant 0 : index
    %get3A_70 = vector.load %arg7[%get3A_68, %get3A_69] : memref<16x16xf32, #tpu.memory_space<vmem>>, vector<16x16xf32>
    %dot_general3A_71 = arith.constant dense<0.000000e+00> : vector<2000x16xf32>
    %dot_general3A_72 = tpu.matmul %add3A_67, %get3A_70, %dot_general3A_71 {dimension_numbers = #tpu.dot_dimension_numbers<[1], [0], [0], [1], [0, 0, 1, 1], [], []>, transpose_lhs_hint = false} : vector<2000x16xf32>, vector<16x16xf32>, vector<2000x16xf32> -> vector<2000x16xf32>
    %get3A_73 = arith.constant 0 : index
    %get3A_74 = arith.constant 0 : index
    %get3A_75 = vector.load %arg8[%get3A_73, %get3A_74] : memref<16x1xf32, #tpu.memory_space<vmem>>, vector<16x1xf32>
    %dot_general3A_76 = arith.constant dense<0.000000e+00> : vector<2000x1xf32>
    %dot_general3A_77 = tpu.matmul %dot_general3A_72, %get3A_75, %dot_general3A_76 {dimension_numbers = #tpu.dot_dimension_numbers<[1], [0], [0], [1], [0, 0, 1, 1], [], []>, transpose_lhs_hint = false} : vector<2000x16xf32>, vector<16x1xf32>, vector<2000x1xf32> -> vector<2000x1xf32>
    %get3A_78 = arith.constant 0 : index
    %get3A_79 = arith.constant 0 : index
    %get3A_80 = vector.load %arg4[%get3A_78, %get3A_79] : memref<2000x1xf32, #tpu.memory_space<vmem>>, vector<2000x1xf32>
    %iota3A_81 = tpu.iota {dimensions = array<i32: 1>} : vector<2000x64xi32>
    %convert_element_type3A_82 = arith.sitofp %iota3A_81 : vector<2000x64xi32> to vector<2000x64xf32>
    %eq3A_83 = vector.broadcast %get3A_80 : vector<2000x1xf32> to vector<2000x64xf32>
    %eq3A_84 = arith.cmpf oeq, %eq3A_83, %convert_element_type3A_82 : vector<2000x64xf32>
    %convert_element_type3A_85 = arith.extui %eq3A_84 : vector<2000x64xi1> to vector<2000x64xi32>
    %convert_element_type3A_86 = arith.sitofp %convert_element_type3A_85 : vector<2000x64xi32> to vector<2000x64xf32>
    %mul3A_87 = vector.broadcast %dot_general3A_77 : vector<2000x1xf32> to vector<2000x64xf32>
    %mul3A_88 = arith.mulf %convert_element_type3A_86, %mul3A_87 : vector<2000x64xf32>
    %reduce_sum3A = arith.constant dense<0.000000e+00> : vector<64xf32>
    %reduce_sum3A_89 = vector.multi_reduction <add>, %mul3A_88, %reduce_sum3A [0] : vector<2000x64xf32> to vector<64xf32>
    %broadcast_in_dim3A = vector.shape_cast %reduce_sum3A_89 : vector<64xf32> to vector<1x64xf32>
    %eq3A_90 = arith.constant 0 : i32
    %eq3A_91 = arith.cmpi eq, %arg0, %eq3A_90 : i32
    %convert_element_type3A_92 = arith.extui %eq3A_91 : i1 to i32
    %cond3A = arith.constant 0 : i32
    %cond3A_93 = arith.cmpi ne, %convert_element_type3A_92, %cond3A : i32
    scf.if %cond3A_93 {
      %broadcast_in_dim3A_100 = arith.constant 0.000000e+00 : f32
      %broadcast_in_dim3A_101 = vector.broadcast %broadcast_in_dim3A_100 : f32 to vector<1x64xf32>
      %swap3A_102 = arith.constant 0 : index
      %swap3A_103 = arith.constant 0 : index
      %swap3A_104 = vector.load %arg9[%swap3A_102, %swap3A_103] : memref<1x64xf32, #tpu.memory_space<vmem>>, vector<1x64xf32>
      tpu.vector_store %arg9[%swap3A_102, %swap3A_103], %broadcast_in_dim3A_101 {strides = array<i32>} : memref<1x64xf32, #tpu.memory_space<vmem>>, vector<1x64xf32>,
    } else {
    }
    %get3A_94 = arith.constant 0 : index
    %get3A_95 = arith.constant 0 : index
    %get3A_96 = vector.load %arg9[%get3A_94, %get3A_95] : memref<1x64xf32, #tpu.memory_space<vmem>>, vector<1x64xf32>
    %add3A_97 = arith.addf %get3A_96, %broadcast_in_dim3A : vector<1x64xf32>
    %swap3A = arith.constant 0 : index
    %swap3A_98 = arith.constant 0 : index
    %swap3A_99 = vector.load %arg9[%swap3A, %swap3A_98] : memref<1x64xf32, #tpu.memory_space<vmem>>, vector<1x64xf32>
    tpu.vector_store %arg9[%swap3A, %swap3A_98], %add3A_97 {strides = array<i32>} : memref<1x64xf32, #tpu.memory_space<vmem>>, vector<1x64xf32>,
    return
  }
  func.func @transform_0(%arg0: i32) -> (i32, i32) {
    %c0_i32 = arith.constant 0 : i32
    %c0_i32_0 = arith.constant 0 : i32
    return %arg0, %c0_i32 : i32, i32
  }
  func.func @transform_1(%arg0: i32) -> (i32, i32) {
    %c0_i32 = arith.constant 0 : i32
    %c0_i32_0 = arith.constant 0 : i32
    return %arg0, %c0_i32 : i32, i32
  }
  func.func @transform_2(%arg0: i32) -> (i32, i32) {
    %c0_i32 = arith.constant 0 : i32
    %c0_i32_0 = arith.constant 0 : i32
    return %arg0, %c0_i32 : i32, i32
  }
  func.func @transform_3(%arg0: i32) -> (i32, i32) {
    %c0_i32 = arith.constant 0 : i32
    %c0_i32_0 = arith.constant 0 : i32
    return %arg0, %c0_i32 : i32, i32
  }
  func.func @transform_4(%arg0: i32) -> (i32, i32) {
    %c0_i32 = arith.constant 0 : i32
    %c0_i32_0 = arith.constant 0 : i32
    %c0_i32_1 = arith.constant 0 : i32
    return %c0_i32, %c0_i32_0 : i32, i32
  }
  func.func @transform_5(%arg0: i32) -> (i32, i32, i32) {
    %c0_i32 = arith.constant 0 : i32
    %c0_i32_0 = arith.constant 0 : i32
    %c0_i32_1 = arith.constant 0 : i32
    %c0_i32_2 = arith.constant 0 : i32
    return %c0_i32, %c0_i32_0, %c0_i32_1 : i32, i32, i32
  }
  func.func @transform_6(%arg0: i32) -> (i32, i32) {
    %c0_i32 = arith.constant 0 : i32
    %c0_i32_0 = arith.constant 0 : i32
    %c0_i32_1 = arith.constant 0 : i32
    return %c0_i32, %c0_i32_0 : i32, i32
  }
  func.func @transform_7(%arg0: i32) -> (i32, i32) {
    %c0_i32 = arith.constant 0 : i32
    %c0_i32_0 = arith.constant 0 : i32
    %c0_i32_1 = arith.constant 0 : i32
    return %c0_i32, %c0_i32_0 : i32, i32
  }
  func.func @transform_8(%arg0: i32) -> (i32, i32) {
    %c0_i32 = arith.constant 0 : i32
    %c0_i32_0 = arith.constant 0 : i32
    %c0_i32_1 = arith.constant 0 : i32
    return %c0_i32, %c0_i32_0 : i32, i32
  }
}

</mosaic_0001>

<sc_bundles>
// kernel: kernel.18.cloned.1.call-start
scs
__scs_entry_jumppad:
0x0: {  	(pc) =	sbr.rel $0x88, $3  }
0x1: {  	(tag) =	ssettag $0x0;
	lr =	simm.s32 $0x1  }
0x2: {  	[smem:$0x3F91] =	sst lr;
	_ =	strace $0xD0000000  }
0x3: {  	_ = 	snop  }
0x4: {  	_ = 	snop  }
0x5: {  	_ = 	snop  }
0x6: {  	_ = 	snop  }
0x7: {  	_ = 	snop  }
__scs_overlays_trampoline_lowered:
0x8: {  	[smem:$0x3FA0] =	sst s0  }
0x9: {  	[smem:$0x3FA1] =	sst s1  }
0xa: {  	[smem:$0x3FA2] =	sst s2  }
0xb: {  	[smem:$0x3FA3] =	sst s3  }
0xc: {  	[smem:$0x3FA4] =	sst s4  }
0xd: {  	[smem:$0x3FA5] =	sst s5  }
0xe: {  	[smem:$0x3FA6] =	sst s6  }
0xf: {  	[smem:$0x3FA7] =	sst s7  }
0x10: {  	[smem:$0x3FA8] =	sst s8  }
0x11: {  	[smem:$0x3FA9] =	sst s9;
	s0 =	simm.s32 @!p0 $0x0  }
0x12: {  	s1 =	sld [smem:$0x3F8F];
	s0 =	simm.s32 @p0 $0x1  }
0x13: {  	[smem:$0x3FAA] =	sst s0;
	s0 =	simm.s32 @!p1 $0x0  }
0x14: {  	s2 =	sld [smem:$0x3F8E];
	s0 =	simm.s32 @p1 $0x1  }
0x15: {  	[smem:$0x3FAB] =	sst s0;
	s0 =	simm.s32 @!p2 $0x0  }
0x16: {  	s3 =	sld [smem:$0x3FDB];
	s0 =	simm.s32 @p2 $0x1  }
0x17: {  	s4 =	simm.s32 $0x1BF5;
	[smem:$0x3FAD] =	sst s0  }
0x18: {  	s0 =	sld [smem:$0x3F90];
	_ =	swait.ge [sflag:s4], $0x0  }
0x19: {  	s7 =	sld [smem:$0x3F91]  }
0x1a: {  	s8 =	sadd.s32 $0xFFFFE003, lr  }
0x1b: {  	s9 =	sadd.s32 $0xFFFFFEF7, lr;
	s5 =	simm.s32 $0xFFFFFFFF;
	p2 =	slt.u32 s8, $0xFFFFF086  }
0x1c: {  	p1 =	slt.u32 s9, $0xF7A;
	s5 =	simm.s32 @!p2 $0x0  }
0x1d: {  	s5 =	simm.s32 @p1 $0x1;
	p0 =	seq.s32 s7, s2  }
0x1e: {  	s7 =	smul.u32 @!p0 $0xF7A, s2;
	p2 =	seq.s32 @!p0 s5, $0x0  }
0x1f: {  	s9 =	smul.u32 $0xF7A, s1;
	s8 =	simm.s32 @!p0 $0x1BF5;
	p2 =	por !p2, p0  }
0x20: {  	[sflag:s8] =	ssyncset.s32 @!p0 $0xFFFFF086;
	s6 =	sadd.s32 @!p0 s3, s7;
	s7 =	simm.s32 @!p0 $0x108  }
0x21: {  	s3 =	sadd.s32 s3, s9;
	s6 =	sadd.s32 @!p0 $0x88, s6;
	s7 =	simm.s32 @p2 $0x1082  }
0x22: {  	[simem:s7], [sflag:s8] =	dma.local @!p0 [hbm:s6], $0xF7A  }
0x23: {  	s9 =	sor.u32 $0xD0000000, s2;
	s6 =	simm.s32 $0x108;
	_ =	swait.ge @!p0 [sflag:s8], $0x0  }
0x24: {  	s3 =	sadd.s32 $0x88, s3;
	s6 =	simm.s32 @!p1 $0x1082;
	[sflag:s4] =	ssyncset.s32 $0xFFFFF086  }
0x25: {  	[simem:s6], [sflag:s4] =	dma.local [hbm:s3], $0xF7A  }
0x26: {  	[smem:$0x3F91] =	sst s1;
	(tag) =	ssettag s2;
	_ =	strace s9  }
0x27: {  	s1 =	sld [smem:$0x3FA1]  }
0x28: {  	s2 =	sld [smem:$0x3FA2]  }
0x29: {  	s4 =	sld [smem:$0x3FA4]  }
0x2a: {  	p0 =	seq.s32 s5, $0x0;
	s5 =	sld [smem:$0x3FA5]  }
0x2b: {  	s6 =	sld [smem:$0x3FA6]  }
0x2c: {  	s7 =	sld [smem:$0x3FA7]  }
0x2d: {  	s3 =	simm.s32 $0x108;
	s8 =	sld [smem:$0x3FA8]  }
0x2e: {  	s3 =	simm.s32 @!p0 $0x1082;
	s9 =	sld [smem:$0x3FA9]  }
0x2f: {  	lr =	sadd.s32 s0, s3;
	s0 =	sld [smem:$0x3FA0]  }
0x30: {  	s3 =	sld [smem:$0x3FA3]  }
0x31: {  	[smem:$0x3FAC] =	sst s10  }
0x32: {  	s10 =	sld [smem:$0x3FAA];
	_ =	sdelay $0x3  }
0x33: {  	p0 =	seq.s32 s10, $0x1;
	s10 =	sld [smem:$0x3FAC];
	_ =	sdelay $0x3  }
0x34: {  	[smem:$0x3FAC] =	sst s10  }
0x35: {  	s10 =	sld [smem:$0x3FAB];
	_ =	sdelay $0x3  }
0x36: {  	p1 =	seq.s32 s10, $0x1;
	s10 =	sld [smem:$0x3FAC];
	_ =	sdelay $0x3  }
0x37: {  	[smem:$0x3FAC] =	sst s10  }
0x38: {  	s10 =	sld [smem:$0x3FAD]  }
0x39: {  	_ = 	snop;
	(pc) =	sbr.ind lr, $3  }
0x3a: {  	_ = 	snop  }
0x3b: {  	_ = 	snop  }
0x3c: {  	p2 =	seq.s32 s10, $0x1;
	s10 =	sld [smem:$0x3FAC]  }
0x3d: {  	_ =	shalt  }
0x3e: {  	_ =	shalt  }
0x3f: {  	_ =	shalt  }
0x40: {  	_ =	shalt  }
0x41: {  	_ =	shalt  }
0x42: {  	_ =	shalt  }
0x43: {  	_ =	shalt  }
0x44: {  	_ =	shalt  }
0x45: {  	_ =	shalt  }
0x46: {  	_ =	shalt  }
0x47: {  	_ =	shalt  }
0x48: {  	_ =	shalt  }
0x49: {  	_ =	shalt  }
0x4a: {  	_ =	shalt  }
0x4b: {  	_ =	shalt  }
0x4c: {  	_ =	shalt  }
0x4d: {  	_ =	shalt  }
0x4e: {  	_ =	shalt  }
0x4f: {  	_ =	shalt  }
0x50: {  	_ =	shalt  }
0x51: {  	_ =	shalt  }
0x52: {  	_ =	shalt  }
0x53: {  	_ =	shalt  }
0x54: {  	_ =	shalt  }
0x55: {  	_ =	shalt  }
0x56: {  	_ =	shalt  }
0x57: {  	_ =	shalt  }
0x58: {  	_ =	shalt  }
0x59: {  	_ =	shalt  }
0x5a: {  	_ =	shalt  }
0x5b: {  	_ =	shalt  }
0x5c: {  	_ =	shalt  }
0x5d: {  	_ =	shalt  }
0x5e: {  	_ =	shalt  }
0x5f: {  	_ =	shalt  }
0x60: {  	_ =	shalt  }
0x61: {  	_ =	shalt  }
0x62: {  	_ =	shalt  }
0x63: {  	_ =	shalt  }
0x64: {  	_ =	shalt  }
0x65: {  	_ =	shalt  }
0x66: {  	_ =	shalt  }
0x67: {  	_ =	shalt  }
0x68: {  	_ =	shalt  }
0x69: {  	_ =	shalt  }
0x6a: {  	_ =	shalt  }
0x6b: {  	_ =	shalt  }
0x6c: {  	_ =	shalt  }
0x6d: {  	_ =	shalt  }
0x6e: {  	_ =	shalt  }
0x6f: {  	_ =	shalt  }
0x70: {  	_ =	shalt  }
0x71: {  	_ =	shalt  }
0x72: {  	_ =	shalt  }
0x73: {  	_ =	shalt  }
0x74: {  	_ =	shalt  }
0x75: {  	_ =	shalt  }
0x76: {  	_ =	shalt  }
0x77: {  	_ =	shalt  }
0x78: {  	_ =	shalt  }
0x79: {  	_ =	shalt  }
0x7a: {  	_ =	shalt  }
0x7b: {  	_ =	shalt  }
0x7c: {  	_ =	shalt  }
0x7d: {  	_ =	shalt  }
0x7e: {  	_ =	shalt  }
0x7f: {  	_ =	shalt  }
0x80: {  	_ =	shalt  }
0x81: {  	_ =	shalt  }
0x82: {  	_ =	shalt  }
0x83: {  	_ =	shalt  }
0x84: {  	_ =	shalt  }
0x85: {  	_ =	shalt  }
0x86: {  	_ =	shalt  }
0x87: {  	_ =	shalt  }
.Lfunc_end0:
.L_simem_size_0:
called_computation_lowered:
.L_overlay_start_0:
0x88: {  	s2 =	sld [smem:$0x3FD9]  }
0x89: {  	s3 =	sld [smem:$0x3FFE];
	_ =	sdelay $0x1  }
0x8a: {  	s1 =	srdreg.scid  }
0x8b: {  	s0 =	sand.u32 $0x1, s1  }
0x8c: {  	s17 =	sshll.u32 s0, $0xA;
	s2 =	sadd.s32 s3, s2  }
0x8d: {  	s2 =	sadd.s32 s2, s17  }
0x8e: {  	[smem:$0x3FB8] =	sst s2  }
0x8f: {  	_ = 	snop  }
0x90: {  	(tm) =	ssettm $0x1  }
0x91: {  	s18 =	sld [smem:$0x3FFB];
	_ =	sdelay $0x3  }
0x92: {  	_ =	strace s18  }
0x93: {  	s2 =	sld [smem:$0x3FFC];
	_ =	sdelay $0x3  }
0x94: {  	_ =	strace s2  }
0x95: {  	s2 =	sld [smem:$0x3FFD];
	_ =	sdelay $0x3  }
0x96: {  	_ =	strace s2  }
0x97: {  	_ =	strace $0x8FFFFFFF  }
0x98: {  	s19 =	sld [smem:$0x3FDB];
	_ =	sdelay $0x1  }
0x99: {  	s20 =	simm.s32 $_scs_section_size  }
0x9a: {  	s4 =	simm.s32 $_size__tile_overlayer_lowered;
	s5 =	simm.s32 $_tile_overlayer_lowered  }
0x9b: {  	s6 =	simm.s32 $0x1BFF;
	s21 =	sshll.u32 s5, $0x1;
	s3 =	sadd.s32 s20, s19  }
0x9c: {  	s22 =	simm.s32 $0x0;
	s4 =	sshll.u32 s4, $0x1;
	s5 =	sadd.s32 s21, s3  }
0x9d: {  	[timem:s22], [sflag:s6] =	dma.local [hbm:s5], s4  }
0x9e: {  	_ =	swait.ge [sflag:s6], s4  }
0x9f: {  	s4 =	ssub.s32 $0x0, s4;
	[sflag:s6] =	ssyncset.done $0x0  }
0xa0: {  	[sflag:s6] =	ssyncadd.s32 s4;
	_ =	sdelay $0x1  }
0xa1: {  	s23 =	simm.s32 $0x1B8B  }
0xa2: {  	_ =	swait.ge [sflag:s23], $0x1  }
0xa3: {  	[sflag:s23] =	ssyncset.done $0x0  }
0xa4: {  	[sflag:s23] =	ssyncadd.s32 $0xFFFFFFFF  }
0xa5: {  	s4 =	sld [smem:$0x0]  }
0xa6: {  	s5 =	sand.u32 $0xFFFFFFFE, s1  }
0xa7: {  	p0 =	sne.s32 s1, s5  }
0xa8: {  	s5 =	sshll.u32 @p0 s5, $0xE  }
0xa9: {  	s5 =	sadd.s32 @p0 $0x11B8D, s5;
	s6 =	sshll.u32 @p0 s4, $0x11  }
0xaa: {  	s5 =	sor.u32 @p0 s6, s5  }
0xab: {  	[sflag:s5] =	ssyncadd.remote.s32 @p0 $0x1;
	_ =	sdelay $0x1  }
0xac: {  	s5 =	simm.s32 @p0 $0x1B8D  }
0xad: {  	_ =	swait.eq @p0 [sflag:s5], $0x1  }
0xae: {  	[sflag:s5] =	ssyncadd.s32 @p0 $0xFFFFFFFF  }
0xaf: {  	s6 =	sshll.u32 @!p0 s1, $0xE  }
0xb0: {  	s6 =	sor.u32 @!p0 $0x4000, s6;
	s5 =	simm.s32 @!p0 $0x1B8D  }
0xb1: {  	s4 =	sshll.u32 @!p0 s4, $0x11;
	s6 =	sadd.s32 @!p0 $0x11B8D, s6;
	_ =	swait.eq @!p0 [sflag:s5], $0x1  }
0xb2: {  	s4 =	sor.u32 @!p0 s4, s6;
	[sflag:s5] =	ssyncadd.s32 @!p0 $0xFFFFFFFF  }
0xb3: {  	s25 =	simm.s32 $0x1B8E;
	s24 =	sld [smem:$0x3FFE];
	[sflag:s4] =	ssyncadd.remote.s32 @!p0 $0x1  }
0xb4: {  	s26 =	simm.s32 $execute0_lowered;
	[smem:$0x3FD2] =	sst s25  }
0xb5: {  	s5 =	sshll.u32 s26, $0x1;
	_ =	strace $0x80000049;
	[dreg:$0x1] =	wrdreg $0xFFFFFFFF  }
0xb6: {  	s28 =	simm.s32 $_size_execute0_lowered;
	s3 =	sadd.s32 s3, s5;
	[dreg:$0x0] =	wrdreg $0x0  }
0xb7: {  	s5 =	sshll.u32 s28, $0x1;
	[dreg:$0x2] =	wrdreg s3  }
0xb8: {  	[dreg:$0x3] =	wrdreg s5  }
0xb9: {  	[dreg:$0x4] =	wrdreg $0xC0  }
0xba: {  	_ =	task [dreg:s22], $0x5FFFF  }
0xbb: {  	[dreg:$0x1] =	wrdreg $0xFFFFFFFF  }
0xbc: {  	[dreg:$0x0] =	wrdreg $0x60  }
0xbd: {  	[dreg:$0x2] =	wrdreg s24  }
0xbe: {  	[dreg:$0x3] =	wrdreg $0x9  }
0xbf: {  	_ =	task.clear_ibuf [dreg:s22], $0x4FFFF;
	_ =	strace $0x90000049  }
0xc0: {  	s29 =	simm.s32 $0x9;
	_ =	strace $0x8000004B  }
0xc1: {  	_ =	swait.ge [sflag:s29], $0x1  }
0xc2: {  	[sflag:s29] =	ssyncadd.s32 $0xFFFFFFFF  }
0xc3: {  	_ =	strace $0x9000004B  }
0xc4: {  	_ =	sfence  }
0xc5: {  	s30 =	sld [smem:$0x0];
	_ =	sdelay $0x2  }
0xc6: {  	s31 =	sshll.u32 s1, $0xD;
	s1 =	sshrl.u32 s1, $0x2  }
0xc7: {  	s4 =	sand.u32 $0x4000, s31;
	s1 =	sadd.s32 s1, s30  }
0xc8: {  	s0 =	sor.u32 s4, s0;
	s1 =	sshll.u32 s1, $0x11  }
0xc9: {  	s0 =	sor.u32 s1, s0  }
0xca: {  	s0 =	sadd.s32 $0x8F2B, s0  }
0xcb: {  	[sflag:s0] =	ssyncadd.remote.s32 $0x1  }
0xcc: {  	_ =	sfence.sel $0xFFFF  }
0xcd: {  	[dreg:$0x0] =	wrdreg $0xFFFFFFFF;
	(pc) =	sbr.abs _section_cstart, $3  }
0xce: {  	[dreg:$0x1] =	wrdreg $0xFFFFFFFF  }
0xcf: {  	_ =	task.clear_ibuf [dreg:s22], $0x2FFFF;
	_ =	strace $0x9FFFFFFF  }
0xd0: {  	(tm) =	ssettm $0x7FFFFFFF  }
0xd1: {  	_ =	shalt  }
tec
execute0_lowered:
.L_overlay_start_1:
0x0: {  	(tag) =	ssettag $0x1  }
0x1: {  	s4 =	rddreg [dreg:$0x0];
	s1 =	stileid.u32  }
0x2: {  	s0 =	rddreg [dreg:$0x1];
	s5 =	smul.u32 $0x1880, s1  }
0x3: {  	s3 =	srdreg.scid;
	s8 =	smul.u32 $0xFFFFFE78, s1  }
0x4: {  	s2 =	simm.s32 $0x0;
	s6 =	sand.u32 $0x1, s3;
	s26 =	smul.u32 $0xC400, s1  }
0x5: {  	[smem:$0x7FF] =	sst s2;
	s7 =	smul.u32 $0xFFFFFF3C, s6  }
0x6: {  	s3 =	sadd.s32 $0xFB200, s4;
	_ =	strace $0x8000004A;
	s28 =	smul.u32 $0x6200, s6  }
0x7: {  	s10 =	ssub.s32 $0x2, s6;
	s6 =	smul.u32 $0xC40, s6;
	s9 =	sadd.s32 s5, s4  }
0x8: {  	s11 =	sshrl.u32 s10, $0x1;
	s12 =	sadd.s32 s26, s4;
	s7 =	sadd.s32 s8, s7  }
0x9: {  	s29 =	ssub.s32 s10, s11;
	s30 =	sadd.s32 s28, s12;
	s31 =	sadd.s32 s6, s9  }
0xa: {  	s8 =	simm.s32 $0x2;
	s9 =	simm.s32 $0x80;
	s10 =	simm.s32 $0x1  }
0xb: {  	s11 =	simm.s32 $0x0;
	s7 =	sadd.s32 $0x186A, s7;
	s5 =	smax.u32 s29, $0x1  }
0xc: {  	s6 =	sadd.s32 $0x107600, s30;
	s4 =	smin.u32 s7, $0xC4;
	s7 =	sadd.s32 $0x6C00, s31  }
.LBB2_1:
0xd: {  	[tilespmem:s2], [sflag:$0x2] =	stream.linear.gather [hbm4b:s7+s2], $0x80, $0x38;
	[tilespmem:$0x480] =	vst v63  }
0xe: {  	_ =	swait.ge [sflag:s8], $0x80  }
0xf: {  	[sflag:s8] =	ssyncset.done $0x0  }
0x10: {  	[sflag:s8] =	ssyncadd.s32 $0xFFFFFF80  }
0x11: {  	[tilespmem:s9], [sflag:$0x1] =	stream.indirect.gather [hbm4b:s3+s9], $0x8, s2, s9, $0xb8;
	[tilespmem:$0x480] =	vst v63  }
0x12: {  	p0 =	sne.s32 s4, $0x1;
	_ =	swait.ge [sflag:s10], $0x400  }
.Ltmp0:
0x13: {  	[sflag:s10] =	ssyncset.done $0x0;
	(pc) =	sbr.rel @!p0 .LBB2_3-.Ltmp0, $4  }
0x14: {  	[sflag:s10] =	ssyncadd.s32 $0xFFFFFC00  }
0x15: {  	[hbm4b:s6+s2] =	stream.linear.scatter [tilespmem:s9], [sflag:$0x2], $0x400, $0x38;
	[tilespmem:$0x480] =	vst v63  }
0x16: {  	s12 =	sadd.s32 $0xFFFFFFFF, s4;
	_ =	swait.ge [sflag:s8], $0x400  }
0x17: {  	s13 =	smov.u32 s6;
	s14 =	smov.u32 s7;
	[sflag:s8] =	ssyncset.done $0x0  }
.LBB2_2:
0x18: {  	[sflag:s8] =	ssyncadd.s32 $0xFFFFFC00;
	s13 =	sadd.s32 $0x80, s13;
	s14 =	sadd.s32 $0x10, s14  }
0x19: {  	[tilespmem:s2], [sflag:$0x2] =	stream.linear.gather [hbm4b:s14+s2], $0x80, $0x38;
	[tilespmem:$0x480] =	vst v63  }
0x1a: {  	p0 =	sne.s32 s12, $0x1;
	s12 =	sadd.s32 $0xFFFFFFFF, s12;
	_ =	swait.ge [sflag:s8], $0x80  }
0x1b: {  	[sflag:s8] =	ssyncset.done $0x0  }
0x1c: {  	[sflag:s8] =	ssyncadd.s32 $0xFFFFFF80  }
0x1d: {  	[tilespmem:s9], [sflag:$0x1] =	stream.indirect.gather [hbm4b:s3+s9], $0x8, s2, s9, $0xb8;
	[tilespmem:$0x480] =	vst v63  }
0x1e: {  	_ =	swait.ge [sflag:s10], $0x400  }
.Ltmp1:
0x1f: {  	[sflag:s10] =	ssyncset.done $0x0;
	(pc) =	sbr.rel @p0 .LBB2_2-.Ltmp1, $4  }
0x20: {  	[sflag:s10] =	ssyncadd.s32 $0xFFFFFC00  }
0x21: {  	[hbm4b:s13+s2] =	stream.linear.scatter [tilespmem:s9], [sflag:$0x2], $0x400, $0x38;
	[tilespmem:$0x480] =	vst v63  }
0x22: {  	_ =	swait.ge [sflag:s8], $0x400  }
0x23: {  	[sflag:s8] =	ssyncset.done $0x0  }
.LBB2_3:
0x24: {  	s11 =	sadd.s32 $0x1, s11  }
0x25: {  	p0 =	sne.s32 s11, s5  }
.Ltmp2:
0x26: {  	_ = 	snop;
	(pc) =	sbr.rel @p0 .LBB2_1-.Ltmp2, $2  }
0x27: {  	_ =	sdelay $0x2  }
0x28: {  	[sflag:s8] =	ssyncadd.s32 $0xFFFFFC00  }
0x29: {  	_ =	sfence.sel $0x180000  }
0x2a: {  	[bflag:$0x0] =	sbarrier.arrive $0xFFFF  }
0x2b: {  	p0 =	sne.s32 s1, $0x0;
	_ =	strace $0x9000004A  }
0x2c: {  	s0 =	sadd.s32 @!p0 $0x100000, s0;
	[bflag:$0x2] =	sbarrier.arrive $0xFFFF  }
0x2d: {  	[sflag:s0] =	ssyncadd.tile.s32 @!p0 $0x1;
	_ =	shalt  }
.Lfunc_end2:
_tile_overlayer_lowered:
.L_overlay_start_2:
0x2e: {  	(tag) =	ssettag $0x2  }
0x2f: {  	s0 =	rddreg [dreg:$0x0];
	s2 =	stileid.u32  }
0x30: {  	s1 =	rddreg [dreg:$0x1];
	p0 =	sne.s32 s2, $0x0  }
0x31: {  	s3 =	rddreg [dreg:$0x2];
	[bflag:$0x3] =	sbarrier.arrive $0xFFFF;
	s2 =	simm.s32 @!p0 $0x1C02  }
0x32: {  	[timem:s3], [sflag:s2] =	dma.local @!p0 [hbm:s0], s1  }
0x33: {  	s0 =	simm.s32 @!p0 $0x2  }
0x34: {  	_ =	swait.ge @!p0 [sflag:s0], s1  }
0x35: {  	s1 =	ssub.s32 @!p0 $0x0, s1;
	[sflag:s0] =	ssyncset.done @!p0 $0x0  }
0x36: {  	[sflag:s0] =	ssyncadd.s32 @!p0 s1  }
0x37: {  	[bflag:$0x3] =	sbarrier.arrive $0xFFFF  }
0x38: {  	_ =	shalt  }

// kernel: kernel.21.cloned.1.call-start
scs
__scs_entry_jumppad:
0x0: {  	(pc) =	sbr.rel $0x88, $3  }
0x1: {  	(tag) =	ssettag $0x0;
	lr =	simm.s32 $0x1  }
0x2: {  	[smem:$0x3F91] =	sst lr;
	_ =	strace $0xD0000000  }
0x3: {  	_ = 	snop  }
0x4: {  	_ = 	snop  }
0x5: {  	_ = 	snop  }
0x6: {  	_ = 	snop  }
0x7: {  	_ = 	snop  }
__scs_overlays_trampoline_lowered:
0x8: {  	[smem:$0x3FA0] =	sst s0  }
0x9: {  	[smem:$0x3FA1] =	sst s1  }
0xa: {  	[smem:$0x3FA2] =	sst s2  }
0xb: {  	[smem:$0x3FA3] =	sst s3  }
0xc: {  	[smem:$0x3FA4] =	sst s4  }
0xd: {  	[smem:$0x3FA5] =	sst s5  }
0xe: {  	[smem:$0x3FA6] =	sst s6  }
0xf: {  	[smem:$0x3FA7] =	sst s7  }
0x10: {  	[smem:$0x3FA8] =	sst s8  }
0x11: {  	[smem:$0x3FA9] =	sst s9;
	s0 =	simm.s32 @!p0 $0x0  }
0x12: {  	s1 =	sld [smem:$0x3F8F];
	s0 =	simm.s32 @p0 $0x1  }
0x13: {  	[smem:$0x3FAA] =	sst s0;
	s0 =	simm.s32 @!p1 $0x0  }
0x14: {  	s2 =	sld [smem:$0x3F8E];
	s0 =	simm.s32 @p1 $0x1  }
0x15: {  	[smem:$0x3FAB] =	sst s0;
	s0 =	simm.s32 @!p2 $0x0  }
0x16: {  	s3 =	sld [smem:$0x3FDB];
	s0 =	simm.s32 @p2 $0x1  }
0x17: {  	s4 =	simm.s32 $0x1BF5;
	[smem:$0x3FAD] =	sst s0  }
0x18: {  	s0 =	sld [smem:$0x3F90];
	_ =	swait.ge [sflag:s4], $0x0  }
0x19: {  	s7 =	sld [smem:$0x3F91]  }
0x1a: {  	s8 =	sadd.s32 $0xFFFFE003, lr  }
0x1b: {  	s9 =	sadd.s32 $0xFFFFFEF7, lr;
	s5 =	simm.s32 $0xFFFFFFFF;
	p2 =	slt.u32 s8, $0xFFFFF086  }
0x1c: {  	p1 =	slt.u32 s9, $0xF7A;
	s5 =	simm.s32 @!p2 $0x0  }
0x1d: {  	s5 =	simm.s32 @p1 $0x1;
	p0 =	seq.s32 s7, s2  }
0x1e: {  	s7 =	smul.u32 @!p0 $0xF7A, s2;
	p2 =	seq.s32 @!p0 s5, $0x0  }
0x1f: {  	s9 =	smul.u32 $0xF7A, s1;
	s8 =	simm.s32 @!p0 $0x1BF5;
	p2 =	por !p2, p0  }
0x20: {  	[sflag:s8] =	ssyncset.s32 @!p0 $0xFFFFF086;
	s6 =	sadd.s32 @!p0 s3, s7;
	s7 =	simm.s32 @!p0 $0x108  }
0x21: {  	s3 =	sadd.s32 s3, s9;
	s6 =	sadd.s32 @!p0 $0x88, s6;
	s7 =	simm.s32 @p2 $0x1082  }
0x22: {  	[simem:s7], [sflag:s8] =	dma.local @!p0 [hbm:s6], $0xF7A  }
0x23: {  	s9 =	sor.u32 $0xD0000000, s2;
	s6 =	simm.s32 $0x108;
	_ =	swait.ge @!p0 [sflag:s8], $0x0  }
0x24: {  	s3 =	sadd.s32 $0x88, s3;
	s6 =	simm.s32 @!p1 $0x1082;
	[sflag:s4] =	ssyncset.s32 $0xFFFFF086  }
0x25: {  	[simem:s6], [sflag:s4] =	dma.local [hbm:s3], $0xF7A  }
0x26: {  	[smem:$0x3F91] =	sst s1;
	(tag) =	ssettag s2;
	_ =	strace s9  }
0x27: {  	s1 =	sld [smem:$0x3FA1]  }
0x28: {  	s2 =	sld [smem:$0x3FA2]  }
0x29: {  	s4 =	sld [smem:$0x3FA4]  }
0x2a: {  	p0 =	seq.s32 s5, $0x0;
	s5 =	sld [smem:$0x3FA5]  }
0x2b: {  	s6 =	sld [smem:$0x3FA6]  }
0x2c: {  	s7 =	sld [smem:$0x3FA7]  }
0x2d: {  	s3 =	simm.s32 $0x108;
	s8 =	sld [smem:$0x3FA8]  }
0x2e: {  	s3 =	simm.s32 @!p0 $0x1082;
	s9 =	sld [smem:$0x3FA9]  }
0x2f: {  	lr =	sadd.s32 s0, s3;
	s0 =	sld [smem:$0x3FA0]  }
0x30: {  	s3 =	sld [smem:$0x3FA3]  }
0x31: {  	[smem:$0x3FAC] =	sst s10  }
0x32: {  	s10 =	sld [smem:$0x3FAA];
	_ =	sdelay $0x3  }
0x33: {  	p0 =	seq.s32 s10, $0x1;
	s10 =	sld [smem:$0x3FAC];
	_ =	sdelay $0x3  }
0x34: {  	[smem:$0x3FAC] =	sst s10  }
0x35: {  	s10 =	sld [smem:$0x3FAB];
	_ =	sdelay $0x3  }
0x36: {  	p1 =	seq.s32 s10, $0x1;
	s10 =	sld [smem:$0x3FAC];
	_ =	sdelay $0x3  }
0x37: {  	[smem:$0x3FAC] =	sst s10  }
0x38: {  	s10 =	sld [smem:$0x3FAD]  }
0x39: {  	_ = 	snop;
	(pc) =	sbr.ind lr, $3  }
0x3a: {  	_ = 	snop  }
0x3b: {  	_ = 	snop  }
0x3c: {  	p2 =	seq.s32 s10, $0x1;
	s10 =	sld [smem:$0x3FAC]  }
0x3d: {  	_ =	shalt  }
0x3e: {  	_ =	shalt  }
0x3f: {  	_ =	shalt  }
0x40: {  	_ =	shalt  }
0x41: {  	_ =	shalt  }
0x42: {  	_ =	shalt  }
0x43: {  	_ =	shalt  }
0x44: {  	_ =	shalt  }
0x45: {  	_ =	shalt  }
0x46: {  	_ =	shalt  }
0x47: {  	_ =	shalt  }
0x48: {  	_ =	shalt  }
0x49: {  	_ =	shalt  }
0x4a: {  	_ =	shalt  }
0x4b: {  	_ =	shalt  }
0x4c: {  	_ =	shalt  }
0x4d: {  	_ =	shalt  }
0x4e: {  	_ =	shalt  }
0x4f: {  	_ =	shalt  }
0x50: {  	_ =	shalt  }
0x51: {  	_ =	shalt  }
0x52: {  	_ =	shalt  }
0x53: {  	_ =	shalt  }
0x54: {  	_ =	shalt  }
0x55: {  	_ =	shalt  }
0x56: {  	_ =	shalt  }
0x57: {  	_ =	shalt  }
0x58: {  	_ =	shalt  }
0x59: {  	_ =	shalt  }
0x5a: {  	_ =	shalt  }
0x5b: {  	_ =	shalt  }
0x5c: {  	_ =	shalt  }
0x5d: {  	_ =	shalt  }
0x5e: {  	_ =	shalt  }
0x5f: {  	_ =	shalt  }
0x60: {  	_ =	shalt  }
0x61: {  	_ =	shalt  }
0x62: {  	_ =	shalt  }
0x63: {  	_ =	shalt  }
0x64: {  	_ =	shalt  }
0x65: {  	_ =	shalt  }
0x66: {  	_ =	shalt  }
0x67: {  	_ =	shalt  }
0x68: {  	_ =	shalt  }
0x69: {  	_ =	shalt  }
0x6a: {  	_ =	shalt  }
0x6b: {  	_ =	shalt  }
0x6c: {  	_ =	shalt  }
0x6d: {  	_ =	shalt  }
0x6e: {  	_ =	shalt  }
0x6f: {  	_ =	shalt  }
0x70: {  	_ =	shalt  }
0x71: {  	_ =	shalt  }
0x72: {  	_ =	shalt  }
0x73: {  	_ =	shalt  }
0x74: {  	_ =	shalt  }
0x75: {  	_ =	shalt  }
0x76: {  	_ =	shalt  }
0x77: {  	_ =	shalt  }
0x78: {  	_ =	shalt  }
0x79: {  	_ =	shalt  }
0x7a: {  	_ =	shalt  }
0x7b: {  	_ =	shalt  }
0x7c: {  	_ =	shalt  }
0x7d: {  	_ =	shalt  }
0x7e: {  	_ =	shalt  }
0x7f: {  	_ =	shalt  }
0x80: {  	_ =	shalt  }
0x81: {  	_ =	shalt  }
0x82: {  	_ =	shalt  }
0x83: {  	_ =	shalt  }
0x84: {  	_ =	shalt  }
0x85: {  	_ =	shalt  }
0x86: {  	_ =	shalt  }
0x87: {  	_ =	shalt  }
.Lfunc_end0:
.L_simem_size_0:
called_computation.1_lowered:
.L_overlay_start_0:
0x88: {  	s2 =	sld [smem:$0x3FD9]  }
0x89: {  	s3 =	sld [smem:$0x3FFE];
	_ =	sdelay $0x1  }
0x8a: {  	s1 =	srdreg.scid  }
0x8b: {  	s0 =	sand.u32 $0x1, s1  }
0x8c: {  	s16 =	sshll.u32 s0, $0xA;
	s2 =	sadd.s32 s3, s2  }
0x8d: {  	s2 =	sadd.s32 s2, s16  }
0x8e: {  	[smem:$0x3FB8] =	sst s2  }
0x8f: {  	_ = 	snop  }
0x90: {  	(tm) =	ssettm $0x1  }
0x91: {  	s17 =	sld [smem:$0x3FFB];
	_ =	sdelay $0x3  }
0x92: {  	_ =	strace s17  }
0x93: {  	s2 =	sld [smem:$0x3FFC];
	_ =	sdelay $0x3  }
0x94: {  	_ =	strace s2  }
0x95: {  	s2 =	sld [smem:$0x3FFD];
	_ =	sdelay $0x3  }
0x96: {  	_ =	strace s2  }
0x97: {  	_ =	strace $0x8FFFFFFF  }
0x98: {  	s18 =	sld [smem:$0x3FDB];
	_ =	sdelay $0x1  }
0x99: {  	s19 =	simm.s32 $_scs_section_size  }
0x9a: {  	s4 =	simm.s32 $_size__tile_overlayer_lowered;
	s5 =	simm.s32 $_tile_overlayer_lowered  }
0x9b: {  	s22 =	simm.s32 $0x1BFF;
	s21 =	sshll.u32 s5, $0x1;
	s2 =	sadd.s32 s19, s18  }
0x9c: {  	s6 =	simm.s32 $0x0;
	s20 =	sshll.u32 s4, $0x1;
	s4 =	sadd.s32 s21, s2  }
0x9d: {  	[timem:s6], [sflag:s22] =	dma.local [hbm:s4], s20  }
0x9e: {  	_ =	swait.ge [sflag:s22], s20  }
0x9f: {  	s3 =	ssub.s32 $0x0, s20;
	[sflag:s22] =	ssyncset.done $0x0  }
0xa0: {  	[sflag:s22] =	ssyncadd.s32 s3;
	_ =	sdelay $0x1  }
0xa1: {  	s23 =	simm.s32 $0x1B8B  }
0xa2: {  	_ =	swait.ge [sflag:s23], $0x1  }
0xa3: {  	[sflag:s23] =	ssyncset.done $0x0  }
0xa4: {  	s25 =	simm.s32 $0x1B8E;
	s24 =	sld [smem:$0x3FFE];
	[sflag:s23] =	ssyncadd.s32 $0xFFFFFFFF  }
0xa5: {  	s26 =	simm.s32 $execute0_lowered;
	[smem:$0x3FD2] =	sst s25  }
0xa6: {  	s4 =	sshll.u32 s26, $0x1;
	_ =	strace $0x80000046;
	[dreg:$0x1] =	wrdreg $0xFFFFFFFF  }
0xa7: {  	s28 =	simm.s32 $_size_execute0_lowered;
	s2 =	sadd.s32 s2, s4;
	[dreg:$0x0] =	wrdreg $0x0  }
0xa8: {  	s4 =	sshll.u32 s28, $0x1;
	[dreg:$0x2] =	wrdreg s2  }
0xa9: {  	[dreg:$0x3] =	wrdreg s4  }
0xaa: {  	[dreg:$0x4] =	wrdreg $0xC0  }
0xab: {  	_ =	task [dreg:s6], $0x5FFFF  }
0xac: {  	[dreg:$0x1] =	wrdreg $0xFFFFFFFF  }
0xad: {  	[dreg:$0x0] =	wrdreg $0x60  }
0xae: {  	[dreg:$0x2] =	wrdreg s24  }
0xaf: {  	[dreg:$0x3] =	wrdreg $0xA  }
0xb0: {  	_ =	task.clear_ibuf [dreg:s6], $0x4FFFF;
	_ =	strace $0x90000046  }
0xb1: {  	s29 =	simm.s32 $0xA;
	_ =	strace $0x80000048  }
0xb2: {  	_ =	swait.ge [sflag:s29], $0x1  }
0xb3: {  	[sflag:s29] =	ssyncadd.s32 $0xFFFFFFFF  }
0xb4: {  	_ =	strace $0x90000048  }
0xb5: {  	_ =	sfence  }
0xb6: {  	s30 =	sld [smem:$0x0];
	_ =	sdelay $0x2  }
0xb7: {  	s31 =	sshll.u32 s1, $0xD;
	s1 =	sshrl.u32 s1, $0x2  }
0xb8: {  	s3 =	sand.u32 $0x4000, s31;
	s1 =	sadd.s32 s1, s30  }
0xb9: {  	s0 =	sor.u32 s3, s0;
	s1 =	sshll.u32 s1, $0x11  }
0xba: {  	s0 =	sor.u32 s1, s0  }
0xbb: {  	s0 =	sadd.s32 $0x8F2B, s0  }
0xbc: {  	[sflag:s0] =	ssyncadd.remote.s32 $0x1  }
0xbd: {  	_ =	sfence.sel $0xFFFF  }
0xbe: {  	[dreg:$0x0] =	wrdreg $0xFFFFFFFF;
	(pc) =	sbr.abs _section_cstart, $3  }
0xbf: {  	[dreg:$0x1] =	wrdreg $0xFFFFFFFF  }
0xc0: {  	_ =	task.clear_ibuf [dreg:s6], $0x2FFFF;
	_ =	strace $0x9FFFFFFF  }
0xc1: {  	(tm) =	ssettm $0x7FFFFFFF  }
tec
execute0_lowered:
.L_overlay_start_1:
0x0: {  	(tag) =	ssettag $0x1  }
0x1: {  	s4 =	rddreg [dreg:$0x0];
	s1 =	stileid.u32  }
0x2: {  	s0 =	rddreg [dreg:$0x1];
	s5 =	smul.u32 $0x1880, s1  }
0x3: {  	s3 =	srdreg.scid;
	s8 =	smul.u32 $0xFFFFFE78, s1  }
0x4: {  	s2 =	simm.s32 $0x0;
	s6 =	sand.u32 $0x1, s3;
	s26 =	smul.u32 $0xC400, s1  }
0x5: {  	[smem:$0x7FF] =	sst s2;
	s7 =	smul.u32 $0xFFFFFF3C, s6  }
0x6: {  	s3 =	sadd.s32 $0xFB200, s4;
	_ =	strace $0x80000047;
	s28 =	smul.u32 $0x6200, s6  }
0x7: {  	s10 =	ssub.s32 $0x2, s6;
	s6 =	smul.u32 $0xC40, s6;
	s9 =	sadd.s32 s5, s4  }
0x8: {  	s11 =	sshrl.u32 s10, $0x1;
	s12 =	sadd.s32 s26, s4;
	s7 =	sadd.s32 s8, s7  }
0x9: {  	s29 =	ssub.s32 s10, s11;
	s30 =	sadd.s32 s28, s12;
	s31 =	sadd.s32 s6, s9  }
0xa: {  	s8 =	simm.s32 $0x2;
	s9 =	simm.s32 $0x80;
	s10 =	simm.s32 $0x1  }
0xb: {  	s11 =	simm.s32 $0x0;
	s7 =	sadd.s32 $0x186A, s7;
	s5 =	smax.u32 s29, $0x1  }
0xc: {  	s6 =	sadd.s32 $0x37C00, s30;
	s4 =	smin.u32 s7, $0xC4;
	s7 =	sadd.s32 $0x1F400, s31  }
.LBB2_1:
0xd: {  	[tilespmem:s2], [sflag:$0x2] =	stream.linear.gather [hbm4b:s7+s2], $0x80, $0x38;
	[tilespmem:$0x480] =	vst v63  }
0xe: {  	_ =	swait.ge [sflag:s8], $0x80  }
0xf: {  	[sflag:s8] =	ssyncset.done $0x0  }
0x10: {  	[sflag:s8] =	ssyncadd.s32 $0xFFFFFF80  }
0x11: {  	[tilespmem:s9], [sflag:$0x1] =	stream.indirect.gather [hbm4b:s3+s9], $0x8, s2, s9, $0xb8;
	[tilespmem:$0x480] =	vst v63  }
0x12: {  	p0 =	sne.s32 s4, $0x1;
	_ =	swait.ge [sflag:s10], $0x400  }
.Ltmp0:
0x13: {  	[sflag:s10] =	ssyncset.done $0x0;
	(pc) =	sbr.rel @!p0 .LBB2_3-.Ltmp0, $4  }
0x14: {  	[sflag:s10] =	ssyncadd.s32 $0xFFFFFC00  }
0x15: {  	[hbm4b:s6+s2] =	stream.linear.scatter [tilespmem:s9], [sflag:$0x2], $0x400, $0x38;
	[tilespmem:$0x480] =	vst v63  }
0x16: {  	s12 =	sadd.s32 $0xFFFFFFFF, s4;
	_ =	swait.ge [sflag:s8], $0x400  }
0x17: {  	s13 =	smov.u32 s6;
	s14 =	smov.u32 s7;
	[sflag:s8] =	ssyncset.done $0x0  }
.LBB2_2:
0x18: {  	[sflag:s8] =	ssyncadd.s32 $0xFFFFFC00;
	s13 =	sadd.s32 $0x80, s13;
	s14 =	sadd.s32 $0x10, s14  }
0x19: {  	[tilespmem:s2], [sflag:$0x2] =	stream.linear.gather [hbm4b:s14+s2], $0x80, $0x38;
	[tilespmem:$0x480] =	vst v63  }
0x1a: {  	p0 =	sne.s32 s12, $0x1;
	s12 =	sadd.s32 $0xFFFFFFFF, s12;
	_ =	swait.ge [sflag:s8], $0x80  }
0x1b: {  	[sflag:s8] =	ssyncset.done $0x0  }
0x1c: {  	[sflag:s8] =	ssyncadd.s32 $0xFFFFFF80  }
0x1d: {  	[tilespmem:s9], [sflag:$0x1] =	stream.indirect.gather [hbm4b:s3+s9], $0x8, s2, s9, $0xb8;
	[tilespmem:$0x480] =	vst v63  }
0x1e: {  	_ =	swait.ge [sflag:s10], $0x400  }
.Ltmp1:
0x1f: {  	[sflag:s10] =	ssyncset.done $0x0;
	(pc) =	sbr.rel @p0 .LBB2_2-.Ltmp1, $4  }
0x20: {  	[sflag:s10] =	ssyncadd.s32 $0xFFFFFC00  }
0x21: {  	[hbm4b:s13+s2] =	stream.linear.scatter [tilespmem:s9], [sflag:$0x2], $0x400, $0x38;
	[tilespmem:$0x480] =	vst v63  }
0x22: {  	_ =	swait.ge [sflag:s8], $0x400  }
0x23: {  	[sflag:s8] =	ssyncset.done $0x0  }
.LBB2_3:
0x24: {  	s11 =	sadd.s32 $0x1, s11  }
0x25: {  	p0 =	sne.s32 s11, s5  }
.Ltmp2:
0x26: {  	_ = 	snop;
	(pc) =	sbr.rel @p0 .LBB2_1-.Ltmp2, $2  }
0x27: {  	_ =	sdelay $0x2  }
0x28: {  	[sflag:s8] =	ssyncadd.s32 $0xFFFFFC00  }
0x29: {  	_ =	sfence.sel $0x180000  }
0x2a: {  	[bflag:$0x0] =	sbarrier.arrive $0xFFFF  }
0x2b: {  	p0 =	sne.s32 s1, $0x0;
	_ =	strace $0x90000047  }
0x2c: {  	s0 =	sadd.s32 @!p0 $0x100000, s0;
	[bflag:$0x2] =	sbarrier.arrive $0xFFFF  }
0x2d: {  	[sflag:s0] =	ssyncadd.tile.s32 @!p0 $0x1;
	_ =	shalt  }
.Lfunc_end2:
_tile_overlayer_lowered:
.L_overlay_start_2:
0x2e: {  	(tag) =	ssettag $0x2  }
0x2f: {  	s0 =	rddreg [dreg:$0x0];
	s2 =	stileid.u32  }
0x30: {  	s1 =	rddreg [dreg:$0x1];
	p0 =	sne.s32 s2, $0x0  }
0x31: {  	s3 =	rddreg [dreg:$0x2];
	[bflag:$0x3] =	sbarrier.arrive $0xFFFF;
	s2 =	simm.s32 @!p0 $0x1C02  }
0x32: {  	[timem:s3], [sflag:s2] =	dma.local @!p0 [hbm:s0], s1  }
0x33: {  	s0 =	simm.s32 @!p0 $0x2  }
0x34: {  	_ =	swait.ge @!p0 [sflag:s0], s1  }
0x35: {  	s1 =	ssub.s32 @!p0 $0x0, s1;
	[sflag:s0] =	ssyncset.done @!p0 $0x0  }
0x36: {  	[sflag:s0] =	ssyncadd.s32 @!p0 s1  }
0x37: {  	[bflag:$0x3] =	sbarrier.arrive $0xFFFF  }
0x38: {  	_ =	shalt  }

// kernel: kernel.24.cloned.1.call-start
scs
__scs_entry_jumppad:
0x0: {  	(pc) =	sbr.rel $0x88, $3  }
0x1: {  	(tag) =	ssettag $0x0;
	lr =	simm.s32 $0x1  }
0x2: {  	[smem:$0x3F91] =	sst lr;
	_ =	strace $0xD0000000  }
0x3: {  	_ = 	snop  }
0x4: {  	_ = 	snop  }
0x5: {  	_ = 	snop  }
0x6: {  	_ = 	snop  }
0x7: {  	_ = 	snop  }
__scs_overlays_trampoline_lowered:
0x8: {  	[smem:$0x3FA0] =	sst s0  }
0x9: {  	[smem:$0x3FA1] =	sst s1  }
0xa: {  	[smem:$0x3FA2] =	sst s2  }
0xb: {  	[smem:$0x3FA3] =	sst s3  }
0xc: {  	[smem:$0x3FA4] =	sst s4  }
0xd: {  	[smem:$0x3FA5] =	sst s5  }
0xe: {  	[smem:$0x3FA6] =	sst s6  }
0xf: {  	[smem:$0x3FA7] =	sst s7  }
0x10: {  	[smem:$0x3FA8] =	sst s8  }
0x11: {  	[smem:$0x3FA9] =	sst s9;
	s0 =	simm.s32 @!p0 $0x0  }
0x12: {  	s1 =	sld [smem:$0x3F8F];
	s0 =	simm.s32 @p0 $0x1  }
0x13: {  	[smem:$0x3FAA] =	sst s0;
	s0 =	simm.s32 @!p1 $0x0  }
0x14: {  	s2 =	sld [smem:$0x3F8E];
	s0 =	simm.s32 @p1 $0x1  }
0x15: {  	[smem:$0x3FAB] =	sst s0;
	s0 =	simm.s32 @!p2 $0x0  }
0x16: {  	s3 =	sld [smem:$0x3FDB];
	s0 =	simm.s32 @p2 $0x1  }
0x17: {  	s4 =	simm.s32 $0x1BF5;
	[smem:$0x3FAD] =	sst s0  }
0x18: {  	s0 =	sld [smem:$0x3F90];
	_ =	swait.ge [sflag:s4], $0x0  }
0x19: {  	s7 =	sld [smem:$0x3F91]  }
0x1a: {  	s8 =	sadd.s32 $0xFFFFE003, lr  }
0x1b: {  	s9 =	sadd.s32 $0xFFFFFEF7, lr;
	s5 =	simm.s32 $0xFFFFFFFF;
	p2 =	slt.u32 s8, $0xFFFFF086  }
0x1c: {  	p1 =	slt.u32 s9, $0xF7A;
	s5 =	simm.s32 @!p2 $0x0  }
0x1d: {  	s5 =	simm.s32 @p1 $0x1;
	p0 =	seq.s32 s7, s2  }
0x1e: {  	s7 =	smul.u32 @!p0 $0xF7A, s2;
	p2 =	seq.s32 @!p0 s5, $0x0  }
0x1f: {  	s9 =	smul.u32 $0xF7A, s1;
	s8 =	simm.s32 @!p0 $0x1BF5;
	p2 =	por !p2, p0  }
0x20: {  	[sflag:s8] =	ssyncset.s32 @!p0 $0xFFFFF086;
	s6 =	sadd.s32 @!p0 s3, s7;
	s7 =	simm.s32 @!p0 $0x108  }
0x21: {  	s3 =	sadd.s32 s3, s9;
	s6 =	sadd.s32 @!p0 $0x88, s6;
	s7 =	simm.s32 @p2 $0x1082  }
0x22: {  	[simem:s7], [sflag:s8] =	dma.local @!p0 [hbm:s6], $0xF7A  }
0x23: {  	s9 =	sor.u32 $0xD0000000, s2;
	s6 =	simm.s32 $0x108;
	_ =	swait.ge @!p0 [sflag:s8], $0x0  }
0x24: {  	s3 =	sadd.s32 $0x88, s3;
	s6 =	simm.s32 @!p1 $0x1082;
	[sflag:s4] =	ssyncset.s32 $0xFFFFF086  }
0x25: {  	[simem:s6], [sflag:s4] =	dma.local [hbm:s3], $0xF7A  }
0x26: {  	[smem:$0x3F91] =	sst s1;
	(tag) =	ssettag s2;
	_ =	strace s9  }
0x27: {  	s1 =	sld [smem:$0x3FA1]  }
0x28: {  	s2 =	sld [smem:$0x3FA2]  }
0x29: {  	s4 =	sld [smem:$0x3FA4]  }
0x2a: {  	p0 =	seq.s32 s5, $0x0;
	s5 =	sld [smem:$0x3FA5]  }
0x2b: {  	s6 =	sld [smem:$0x3FA6]  }
0x2c: {  	s7 =	sld [smem:$0x3FA7]  }
0x2d: {  	s3 =	simm.s32 $0x108;
	s8 =	sld [smem:$0x3FA8]  }
0x2e: {  	s3 =	simm.s32 @!p0 $0x1082;
	s9 =	sld [smem:$0x3FA9]  }
0x2f: {  	lr =	sadd.s32 s0, s3;
	s0 =	sld [smem:$0x3FA0]  }
0x30: {  	s3 =	sld [smem:$0x3FA3]  }
0x31: {  	[smem:$0x3FAC] =	sst s10  }
0x32: {  	s10 =	sld [smem:$0x3FAA];
	_ =	sdelay $0x3  }
0x33: {  	p0 =	seq.s32 s10, $0x1;
	s10 =	sld [smem:$0x3FAC];
	_ =	sdelay $0x3  }
0x34: {  	[smem:$0x3FAC] =	sst s10  }
0x35: {  	s10 =	sld [smem:$0x3FAB];
	_ =	sdelay $0x3  }
0x36: {  	p1 =	seq.s32 s10, $0x1;
	s10 =	sld [smem:$0x3FAC];
	_ =	sdelay $0x3  }
0x37: {  	[smem:$0x3FAC] =	sst s10  }
0x38: {  	s10 =	sld [smem:$0x3FAD]  }
0x39: {  	_ = 	snop;
	(pc) =	sbr.ind lr, $3  }
0x3a: {  	_ = 	snop  }
0x3b: {  	_ = 	snop  }
0x3c: {  	p2 =	seq.s32 s10, $0x1;
	s10 =	sld [smem:$0x3FAC]  }
0x3d: {  	_ =	shalt  }
0x3e: {  	_ =	shalt  }
0x3f: {  	_ =	shalt  }
0x40: {  	_ =	shalt  }
0x41: {  	_ =	shalt  }
0x42: {  	_ =	shalt  }
0x43: {  	_ =	shalt  }
0x44: {  	_ =	shalt  }
0x45: {  	_ =	shalt  }
0x46: {  	_ =	shalt  }
0x47: {  	_ =	shalt  }
0x48: {  	_ =	shalt  }
0x49: {  	_ =	shalt  }
0x4a: {  	_ =	shalt  }
0x4b: {  	_ =	shalt  }
0x4c: {  	_ =	shalt  }
0x4d: {  	_ =	shalt  }
0x4e: {  	_ =	shalt  }
0x4f: {  	_ =	shalt  }
0x50: {  	_ =	shalt  }
0x51: {  	_ =	shalt  }
0x52: {  	_ =	shalt  }
0x53: {  	_ =	shalt  }
0x54: {  	_ =	shalt  }
0x55: {  	_ =	shalt  }
0x56: {  	_ =	shalt  }
0x57: {  	_ =	shalt  }
0x58: {  	_ =	shalt  }
0x59: {  	_ =	shalt  }
0x5a: {  	_ =	shalt  }
0x5b: {  	_ =	shalt  }
0x5c: {  	_ =	shalt  }
0x5d: {  	_ =	shalt  }
0x5e: {  	_ =	shalt  }
0x5f: {  	_ =	shalt  }
0x60: {  	_ =	shalt  }
0x61: {  	_ =	shalt  }
0x62: {  	_ =	shalt  }
0x63: {  	_ =	shalt  }
0x64: {  	_ =	shalt  }
0x65: {  	_ =	shalt  }
0x66: {  	_ =	shalt  }
0x67: {  	_ =	shalt  }
0x68: {  	_ =	shalt  }
0x69: {  	_ =	shalt  }
0x6a: {  	_ =	shalt  }
0x6b: {  	_ =	shalt  }
0x6c: {  	_ =	shalt  }
0x6d: {  	_ =	shalt  }
0x6e: {  	_ =	shalt  }
0x6f: {  	_ =	shalt  }
0x70: {  	_ =	shalt  }
0x71: {  	_ =	shalt  }
0x72: {  	_ =	shalt  }
0x73: {  	_ =	shalt  }
0x74: {  	_ =	shalt  }
0x75: {  	_ =	shalt  }
0x76: {  	_ =	shalt  }
0x77: {  	_ =	shalt  }
0x78: {  	_ =	shalt  }
0x79: {  	_ =	shalt  }
0x7a: {  	_ =	shalt  }
0x7b: {  	_ =	shalt  }
0x7c: {  	_ =	shalt  }
0x7d: {  	_ =	shalt  }
0x7e: {  	_ =	shalt  }
0x7f: {  	_ =	shalt  }
0x80: {  	_ =	shalt  }
0x81: {  	_ =	shalt  }
0x82: {  	_ =	shalt  }
0x83: {  	_ =	shalt  }
0x84: {  	_ =	shalt  }
0x85: {  	_ =	shalt  }
0x86: {  	_ =	shalt  }
0x87: {  	_ =	shalt  }
.Lfunc_end0:
.L_simem_size_0:
called_computation.2_lowered:
.L_overlay_start_0:
0x88: {  	s2 =	sld [smem:$0x3FD9]  }
0x89: {  	s3 =	sld [smem:$0x3FFE];
	_ =	sdelay $0x1  }
0x8a: {  	s1 =	srdreg.scid  }
0x8b: {  	s0 =	sand.u32 $0x1, s1  }
0x8c: {  	s17 =	sshll.u32 s0, $0xA;
	s2 =	sadd.s32 s3, s2  }
0x8d: {  	s2 =	sadd.s32 s2, s17  }
0x8e: {  	[smem:$0x3FB8] =	sst s2  }
0x8f: {  	_ = 	snop  }
0x90: {  	(tm) =	ssettm $0x1  }
0x91: {  	s18 =	sld [smem:$0x3FFB];
	_ =	sdelay $0x3  }
0x92: {  	_ =	strace s18  }
0x93: {  	s2 =	sld [smem:$0x3FFC];
	_ =	sdelay $0x3  }
0x94: {  	_ =	strace s2  }
0x95: {  	s2 =	sld [smem:$0x3FFD];
	_ =	sdelay $0x3  }
0x96: {  	_ =	strace s2  }
0x97: {  	_ =	strace $0x8FFFFFFF  }
0x98: {  	s19 =	sld [smem:$0x3FDB];
	_ =	sdelay $0x1  }
0x99: {  	s20 =	simm.s32 $_scs_section_size  }
0x9a: {  	s4 =	simm.s32 $_size__tile_overlayer_lowered;
	s5 =	simm.s32 $_tile_overlayer_lowered  }
0x9b: {  	s6 =	simm.s32 $0x1BFF;
	s21 =	sshll.u32 s5, $0x1;
	s3 =	sadd.s32 s20, s19  }
0x9c: {  	s22 =	simm.s32 $0x0;
	s4 =	sshll.u32 s4, $0x1;
	s5 =	sadd.s32 s21, s3  }
0x9d: {  	[timem:s22], [sflag:s6] =	dma.local [hbm:s5], s4  }
0x9e: {  	_ =	swait.ge [sflag:s6], s4  }
0x9f: {  	s4 =	ssub.s32 $0x0, s4;
	[sflag:s6] =	ssyncset.done $0x0  }
0xa0: {  	[sflag:s6] =	ssyncadd.s32 s4;
	_ =	sdelay $0x1  }
0xa1: {  	s23 =	simm.s32 $0x1B8B  }
0xa2: {  	_ =	swait.ge [sflag:s23], $0x1  }
0xa3: {  	[sflag:s23] =	ssyncset.done $0x0  }
0xa4: {  	[sflag:s23] =	ssyncadd.s32 $0xFFFFFFFF  }
0xa5: {  	s4 =	sld [smem:$0x0]  }
0xa6: {  	s5 =	sand.u32 $0xFFFFFFFE, s1  }
0xa7: {  	p0 =	sne.s32 s1, s5  }
0xa8: {  	s5 =	sshll.u32 @p0 s5, $0xE  }
0xa9: {  	s5 =	sadd.s32 @p0 $0x11B8D, s5;
	s6 =	sshll.u32 @p0 s4, $0x11  }
0xaa: {  	s5 =	sor.u32 @p0 s6, s5  }
0xab: {  	[sflag:s5] =	ssyncadd.remote.s32 @p0 $0x1;
	_ =	sdelay $0x1  }
0xac: {  	s5 =	simm.s32 @p0 $0x1B8D  }
0xad: {  	_ =	swait.eq @p0 [sflag:s5], $0x1  }
0xae: {  	[sflag:s5] =	ssyncadd.s32 @p0 $0xFFFFFFFF  }
0xaf: {  	s6 =	sshll.u32 @!p0 s1, $0xE  }
0xb0: {  	s6 =	sor.u32 @!p0 $0x4000, s6;
	s5 =	simm.s32 @!p0 $0x1B8D  }
0xb1: {  	s4 =	sshll.u32 @!p0 s4, $0x11;
	s6 =	sadd.s32 @!p0 $0x11B8D, s6;
	_ =	swait.eq @!p0 [sflag:s5], $0x1  }
0xb2: {  	s4 =	sor.u32 @!p0 s4, s6;
	[sflag:s5] =	ssyncadd.s32 @!p0 $0xFFFFFFFF  }
0xb3: {  	s25 =	simm.s32 $0x1B8E;
	s24 =	sld [smem:$0x3FFE];
	[sflag:s4] =	ssyncadd.remote.s32 @!p0 $0x1  }
0xb4: {  	s26 =	simm.s32 $execute0_lowered;
	[smem:$0x3FD2] =	sst s25  }
0xb5: {  	s5 =	sshll.u32 s26, $0x1;
	_ =	strace $0x8000004C;
	[dreg:$0x1] =	wrdreg $0xFFFFFFFF  }
0xb6: {  	s28 =	simm.s32 $_size_execute0_lowered;
	s3 =	sadd.s32 s3, s5;
	[dreg:$0x0] =	wrdreg $0x0  }
0xb7: {  	s5 =	sshll.u32 s28, $0x1;
	[dreg:$0x2] =	wrdreg s3  }
0xb8: {  	[dreg:$0x3] =	wrdreg s5  }
0xb9: {  	[dreg:$0x4] =	wrdreg $0xC0  }
0xba: {  	_ =	task [dreg:s22], $0x5FFFF  }
0xbb: {  	[dreg:$0x1] =	wrdreg $0xFFFFFFFF  }
0xbc: {  	[dreg:$0x0] =	wrdreg $0x60  }
0xbd: {  	[dreg:$0x2] =	wrdreg s24  }
0xbe: {  	[dreg:$0x3] =	wrdreg $0xB  }
0xbf: {  	_ =	task.clear_ibuf [dreg:s22], $0x4FFFF;
	_ =	strace $0x9000004C  }
0xc0: {  	s29 =	simm.s32 $0xB;
	_ =	strace $0x8000004E  }
0xc1: {  	_ =	swait.ge [sflag:s29], $0x1  }
0xc2: {  	[sflag:s29] =	ssyncadd.s32 $0xFFFFFFFF  }
0xc3: {  	_ =	strace $0x9000004E  }
0xc4: {  	_ =	sfence  }
0xc5: {  	s30 =	sld [smem:$0x0];
	_ =	sdelay $0x2  }
0xc6: {  	s31 =	sshll.u32 s1, $0xD;
	s1 =	sshrl.u32 s1, $0x2  }
0xc7: {  	s4 =	sand.u32 $0x4000, s31;
	s1 =	sadd.s32 s1, s30  }
0xc8: {  	s0 =	sor.u32 s4, s0;
	s1 =	sshll.u32 s1, $0x11  }
0xc9: {  	s0 =	sor.u32 s1, s0  }
0xca: {  	s0 =	sadd.s32 $0x8F2B, s0  }
0xcb: {  	[sflag:s0] =	ssyncadd.remote.s32 $0x1  }
0xcc: {  	_ =	sfence.sel $0xFFFF  }
0xcd: {  	[dreg:$0x0] =	wrdreg $0xFFFFFFFF;
	(pc) =	sbr.abs _section_cstart, $3  }
0xce: {  	[dreg:$0x1] =	wrdreg $0xFFFFFFFF  }
0xcf: {  	_ =	task.clear_ibuf [dreg:s22], $0x2FFFF;
	_ =	strace $0x9FFFFFFF  }
0xd0: {  	(tm) =	ssettm $0x7FFFFFFF  }
0xd1: {  	_ =	shalt  }
tec
execute0_lowered:
.L_overlay_start_1:
0x0: {  	(tag) =	ssettag $0x1  }
0x1: {  	s1 =	stileid.u32  }
0x2: {  	s4 =	rddreg [dreg:$0x0];
	s5 =	smul.u32 $0x1880, s1  }
0x3: {  	s3 =	srdreg.scid;
	s8 =	smul.u32 $0xFFFFFE78, s1  }
0x4: {  	s2 =	simm.s32 $0x0;
	s6 =	sand.u32 $0x1, s3;
	s26 =	smul.u32 $0x62000, s1  }
0x5: {  	[smem:$0x7FF] =	sst s2;
	s3 =	sadd.s32 $0x415600, s4;
	s7 =	smul.u32 $0xFFFFFF3C, s6  }
0x6: {  	s0 =	rddreg [dreg:$0x1];
	_ =	strace $0x8000004D;
	s28 =	smul.u32 $0x31000, s6  }
0x7: {  	s10 =	ssub.s32 $0x2, s6;
	s6 =	smul.u32 $0xC40, s6;
	s9 =	sadd.s32 s5, s4  }
0x8: {  	s11 =	sshrl.u32 s10, $0x1;
	s12 =	sadd.s32 s26, s4;
	s7 =	sadd.s32 s8, s7  }
0x9: {  	s29 =	ssub.s32 s10, s11;
	s30 =	sadd.s32 s28, s12;
	s31 =	sadd.s32 s6, s9  }
0xa: {  	s8 =	simm.s32 $0x2;
	s9 =	simm.s32 $0x80;
	s10 =	simm.s32 $0x1  }
0xb: {  	s11 =	simm.s32 $0x0;
	s7 =	sadd.s32 $0x186A, s7;
	s5 =	smax.u32 s29, $0x1  }
0xc: {  	s6 =	sadd.s32 $0x477200, s30;
	s4 =	smin.u32 s7, $0xC4;
	s7 =	sadd.s32 $0x6C00, s31  }
.LBB2_1:
0xd: {  	[tilespmem:s2], [sflag:$0x2] =	stream.linear.gather [hbm4b:s7+s2], $0x80, $0x38;
	[tilespmem:$0x2080] =	vst v63  }
0xe: {  	_ =	swait.ge [sflag:s8], $0x80  }
0xf: {  	[sflag:s8] =	ssyncset.done $0x0  }
0x10: {  	[sflag:s8] =	ssyncadd.s32 $0xFFFFFF80  }
0x11: {  	[tilespmem:s9], [sflag:$0x1] =	stream.indirect.gather [hbm4b:s3+s9], $0x40, s2, s9, $0xb8;
	[tilespmem:$0x2080] =	vst v63  }
0x12: {  	p0 =	sne.s32 s4, $0x1;
	_ =	swait.ge [sflag:s10], $0x2000  }
.Ltmp0:
0x13: {  	[sflag:s10] =	ssyncset.done $0x0;
	(pc) =	sbr.rel @!p0 .LBB2_3-.Ltmp0, $4  }
0x14: {  	[sflag:s10] =	ssyncadd.s32 $0xFFFFE000  }
0x15: {  	[hbm4b:s6+s2] =	stream.linear.scatter [tilespmem:s9], [sflag:$0x2], $0x2000, $0x38;
	[tilespmem:$0x2080] =	vst v63  }
0x16: {  	s12 =	sadd.s32 $0xFFFFFFFF, s4;
	_ =	swait.ge [sflag:s8], $0x2000  }
0x17: {  	s13 =	smov.u32 s6;
	s14 =	smov.u32 s7;
	[sflag:s8] =	ssyncset.done $0x0  }
.LBB2_2:
0x18: {  	[sflag:s8] =	ssyncadd.s32 $0xFFFFE000;
	s13 =	sadd.s32 $0x400, s13;
	s14 =	sadd.s32 $0x10, s14  }
0x19: {  	[tilespmem:s2], [sflag:$0x2] =	stream.linear.gather [hbm4b:s14+s2], $0x80, $0x38;
	[tilespmem:$0x2080] =	vst v63  }
0x1a: {  	p0 =	sne.s32 s12, $0x1;
	s12 =	sadd.s32 $0xFFFFFFFF, s12;
	_ =	swait.ge [sflag:s8], $0x80  }
0x1b: {  	[sflag:s8] =	ssyncset.done $0x0  }
0x1c: {  	[sflag:s8] =	ssyncadd.s32 $0xFFFFFF80  }
0x1d: {  	[tilespmem:s9], [sflag:$0x1] =	stream.indirect.gather [hbm4b:s3+s9], $0x40, s2, s9, $0xb8;
	[tilespmem:$0x2080] =	vst v63  }
0x1e: {  	_ =	swait.ge [sflag:s10], $0x2000  }
.Ltmp1:
0x1f: {  	[sflag:s10] =	ssyncset.done $0x0;
	(pc) =	sbr.rel @p0 .LBB2_2-.Ltmp1, $4  }
0x20: {  	[sflag:s10] =	ssyncadd.s32 $0xFFFFE000  }
0x21: {  	[hbm4b:s13+s2] =	stream.linear.scatter [tilespmem:s9], [sflag:$0x2], $0x2000, $0x38;
	[tilespmem:$0x2080] =	vst v63  }
0x22: {  	_ =	swait.ge [sflag:s8], $0x2000  }
0x23: {  	[sflag:s8] =	ssyncset.done $0x0  }
.LBB2_3:
0x24: {  	s11 =	sadd.s32 $0x1, s11  }
0x25: {  	p0 =	sne.s32 s11, s5  }
.Ltmp2:
0x26: {  	_ = 	snop;
	(pc) =	sbr.rel @p0 .LBB2_1-.Ltmp2, $2  }
0x27: {  	_ =	sdelay $0x2  }
0x28: {  	[sflag:s8] =	ssyncadd.s32 $0xFFFFE000  }
0x29: {  	_ =	sfence.sel $0x180000  }
0x2a: {  	[bflag:$0x0] =	sbarrier.arrive $0xFFFF  }
0x2b: {  	p0 =	sne.s32 s1, $0x0;
	_ =	strace $0x9000004D  }
0x2c: {  	s0 =	sadd.s32 @!p0 $0x100000, s0;
	[bflag:$0x2] =	sbarrier.arrive $0xFFFF  }
0x2d: {  	[sflag:s0] =	ssyncadd.tile.s32 @!p0 $0x1;
	_ =	shalt  }
.Lfunc_end2:
_tile_overlayer_lowered:
.L_overlay_start_2:
0x2e: {  	(tag) =	ssettag $0x2  }
0x2f: {  	s0 =	rddreg [dreg:$0x0];
	s2 =	stileid.u32  }
0x30: {  	s1 =	rddreg [dreg:$0x1];
	p0 =	sne.s32 s2, $0x0  }
0x31: {  	s3 =	rddreg [dreg:$0x2];
	[bflag:$0x3] =	sbarrier.arrive $0xFFFF;
	s2 =	simm.s32 @!p0 $0x1C02  }
0x32: {  	[timem:s3], [sflag:s2] =	dma.local @!p0 [hbm:s0], s1  }
0x33: {  	s0 =	simm.s32 @!p0 $0x2  }
0x34: {  	_ =	swait.ge @!p0 [sflag:s0], s1  }
0x35: {  	s1 =	ssub.s32 @!p0 $0x0, s1;
	[sflag:s0] =	ssyncset.done @!p0 $0x0  }
0x36: {  	[sflag:s0] =	ssyncadd.s32 @!p0 s1  }
0x37: {  	[bflag:$0x3] =	sbarrier.arrive $0xFFFF  }
0x38: {  	_ =	shalt  }

// kernel: kernel.27.cloned.1.call-start
scs
__scs_entry_jumppad:
0x0: {  	(pc) =	sbr.rel $0x88, $3  }
0x1: {  	(tag) =	ssettag $0x0;
	lr =	simm.s32 $0x1  }
0x2: {  	[smem:$0x3F91] =	sst lr;
	_ =	strace $0xD0000000  }
0x3: {  	_ = 	snop  }
0x4: {  	_ = 	snop  }
0x5: {  	_ = 	snop  }
0x6: {  	_ = 	snop  }
0x7: {  	_ = 	snop  }
__scs_overlays_trampoline_lowered:
0x8: {  	[smem:$0x3FA0] =	sst s0  }
0x9: {  	[smem:$0x3FA1] =	sst s1  }
0xa: {  	[smem:$0x3FA2] =	sst s2  }
0xb: {  	[smem:$0x3FA3] =	sst s3  }
0xc: {  	[smem:$0x3FA4] =	sst s4  }
0xd: {  	[smem:$0x3FA5] =	sst s5  }
0xe: {  	[smem:$0x3FA6] =	sst s6  }
0xf: {  	[smem:$0x3FA7] =	sst s7  }
0x10: {  	[smem:$0x3FA8] =	sst s8  }
0x11: {  	[smem:$0x3FA9] =	sst s9;
	s0 =	simm.s32 @!p0 $0x0  }
0x12: {  	s1 =	sld [smem:$0x3F8F];
	s0 =	simm.s32 @p0 $0x1  }
0x13: {  	[smem:$0x3FAA] =	sst s0;
	s0 =	simm.s32 @!p1 $0x0  }
0x14: {  	s2 =	sld [smem:$0x3F8E];
	s0 =	simm.s32 @p1 $0x1  }
0x15: {  	[smem:$0x3FAB] =	sst s0;
	s0 =	simm.s32 @!p2 $0x0  }
0x16: {  	s3 =	sld [smem:$0x3FDB];
	s0 =	simm.s32 @p2 $0x1  }
0x17: {  	s4 =	simm.s32 $0x1BF5;
	[smem:$0x3FAD] =	sst s0  }
0x18: {  	s0 =	sld [smem:$0x3F90];
	_ =	swait.ge [sflag:s4], $0x0  }
0x19: {  	s7 =	sld [smem:$0x3F91]  }
0x1a: {  	s8 =	sadd.s32 $0xFFFFE003, lr  }
0x1b: {  	s9 =	sadd.s32 $0xFFFFFEF7, lr;
	s5 =	simm.s32 $0xFFFFFFFF;
	p2 =	slt.u32 s8, $0xFFFFF086  }
0x1c: {  	p1 =	slt.u32 s9, $0xF7A;
	s5 =	simm.s32 @!p2 $0x0  }
0x1d: {  	s5 =	simm.s32 @p1 $0x1;
	p0 =	seq.s32 s7, s2  }
0x1e: {  	s7 =	smul.u32 @!p0 $0xF7A, s2;
	p2 =	seq.s32 @!p0 s5, $0x0  }
0x1f: {  	s9 =	smul.u32 $0xF7A, s1;
	s8 =	simm.s32 @!p0 $0x1BF5;
	p2 =	por !p2, p0  }
0x20: {  	[sflag:s8] =	ssyncset.s32 @!p0 $0xFFFFF086;
	s6 =	sadd.s32 @!p0 s3, s7;
	s7 =	simm.s32 @!p0 $0x108  }
0x21: {  	s3 =	sadd.s32 s3, s9;
	s6 =	sadd.s32 @!p0 $0x88, s6;
	s7 =	simm.s32 @p2 $0x1082  }
0x22: {  	[simem:s7], [sflag:s8] =	dma.local @!p0 [hbm:s6], $0xF7A  }
0x23: {  	s9 =	sor.u32 $0xD0000000, s2;
	s6 =	simm.s32 $0x108;
	_ =	swait.ge @!p0 [sflag:s8], $0x0  }
0x24: {  	s3 =	sadd.s32 $0x88, s3;
	s6 =	simm.s32 @!p1 $0x1082;
	[sflag:s4] =	ssyncset.s32 $0xFFFFF086  }
0x25: {  	[simem:s6], [sflag:s4] =	dma.local [hbm:s3], $0xF7A  }
0x26: {  	[smem:$0x3F91] =	sst s1;
	(tag) =	ssettag s2;
	_ =	strace s9  }
0x27: {  	s1 =	sld [smem:$0x3FA1]  }
0x28: {  	s2 =	sld [smem:$0x3FA2]  }
0x29: {  	s4 =	sld [smem:$0x3FA4]  }
0x2a: {  	p0 =	seq.s32 s5, $0x0;
	s5 =	sld [smem:$0x3FA5]  }
0x2b: {  	s6 =	sld [smem:$0x3FA6]  }
0x2c: {  	s7 =	sld [smem:$0x3FA7]  }
0x2d: {  	s3 =	simm.s32 $0x108;
	s8 =	sld [smem:$0x3FA8]  }
0x2e: {  	s3 =	simm.s32 @!p0 $0x1082;
	s9 =	sld [smem:$0x3FA9]  }
0x2f: {  	lr =	sadd.s32 s0, s3;
	s0 =	sld [smem:$0x3FA0]  }
0x30: {  	s3 =	sld [smem:$0x3FA3]  }
0x31: {  	[smem:$0x3FAC] =	sst s10  }
0x32: {  	s10 =	sld [smem:$0x3FAA];
	_ =	sdelay $0x3  }
0x33: {  	p0 =	seq.s32 s10, $0x1;
	s10 =	sld [smem:$0x3FAC];
	_ =	sdelay $0x3  }
0x34: {  	[smem:$0x3FAC] =	sst s10  }
0x35: {  	s10 =	sld [smem:$0x3FAB];
	_ =	sdelay $0x3  }
0x36: {  	p1 =	seq.s32 s10, $0x1;
	s10 =	sld [smem:$0x3FAC];
	_ =	sdelay $0x3  }
0x37: {  	[smem:$0x3FAC] =	sst s10  }
0x38: {  	s10 =	sld [smem:$0x3FAD]  }
0x39: {  	_ = 	snop;
	(pc) =	sbr.ind lr, $3  }
0x3a: {  	_ = 	snop  }
0x3b: {  	_ = 	snop  }
0x3c: {  	p2 =	seq.s32 s10, $0x1;
	s10 =	sld [smem:$0x3FAC]  }
0x3d: {  	_ =	shalt  }
0x3e: {  	_ =	shalt  }
0x3f: {  	_ =	shalt  }
0x40: {  	_ =	shalt  }
0x41: {  	_ =	shalt  }
0x42: {  	_ =	shalt  }
0x43: {  	_ =	shalt  }
0x44: {  	_ =	shalt  }
0x45: {  	_ =	shalt  }
0x46: {  	_ =	shalt  }
0x47: {  	_ =	shalt  }
0x48: {  	_ =	shalt  }
0x49: {  	_ =	shalt  }
0x4a: {  	_ =	shalt  }
0x4b: {  	_ =	shalt  }
0x4c: {  	_ =	shalt  }
0x4d: {  	_ =	shalt  }
0x4e: {  	_ =	shalt  }
0x4f: {  	_ =	shalt  }
0x50: {  	_ =	shalt  }
0x51: {  	_ =	shalt  }
0x52: {  	_ =	shalt  }
0x53: {  	_ =	shalt  }
0x54: {  	_ =	shalt  }
0x55: {  	_ =	shalt  }
0x56: {  	_ =	shalt  }
0x57: {  	_ =	shalt  }
0x58: {  	_ =	shalt  }
0x59: {  	_ =	shalt  }
0x5a: {  	_ =	shalt  }
0x5b: {  	_ =	shalt  }
0x5c: {  	_ =	shalt  }
0x5d: {  	_ =	shalt  }
0x5e: {  	_ =	shalt  }
0x5f: {  	_ =	shalt  }
0x60: {  	_ =	shalt  }
0x61: {  	_ =	shalt  }
0x62: {  	_ =	shalt  }
0x63: {  	_ =	shalt  }
0x64: {  	_ =	shalt  }
0x65: {  	_ =	shalt  }
0x66: {  	_ =	shalt  }
0x67: {  	_ =	shalt  }
0x68: {  	_ =	shalt  }
0x69: {  	_ =	shalt  }
0x6a: {  	_ =	shalt  }
0x6b: {  	_ =	shalt  }
0x6c: {  	_ =	shalt  }
0x6d: {  	_ =	shalt  }
0x6e: {  	_ =	shalt  }
0x6f: {  	_ =	shalt  }
0x70: {  	_ =	shalt  }
0x71: {  	_ =	shalt  }
0x72: {  	_ =	shalt  }
0x73: {  	_ =	shalt  }
0x74: {  	_ =	shalt  }
0x75: {  	_ =	shalt  }
0x76: {  	_ =	shalt  }
0x77: {  	_ =	shalt  }
0x78: {  	_ =	shalt  }
0x79: {  	_ =	shalt  }
0x7a: {  	_ =	shalt  }
0x7b: {  	_ =	shalt  }
0x7c: {  	_ =	shalt  }
0x7d: {  	_ =	shalt  }
0x7e: {  	_ =	shalt  }
0x7f: {  	_ =	shalt  }
0x80: {  	_ =	shalt  }
0x81: {  	_ =	shalt  }
0x82: {  	_ =	shalt  }
0x83: {  	_ =	shalt  }
0x84: {  	_ =	shalt  }
0x85: {  	_ =	shalt  }
0x86: {  	_ =	shalt  }
0x87: {  	_ =	shalt  }
.Lfunc_end0:
.L_simem_size_0:
called_computation.3_lowered:
.L_overlay_start_0:
0x88: {  	s2 =	sld [smem:$0x3FD9]  }
0x89: {  	s3 =	sld [smem:$0x3FFE];
	_ =	sdelay $0x1  }
0x8a: {  	s1 =	srdreg.scid  }
0x8b: {  	s0 =	sand.u32 $0x1, s1  }
0x8c: {  	s16 =	sshll.u32 s0, $0xA;
	s2 =	sadd.s32 s3, s2  }
0x8d: {  	s2 =	sadd.s32 s2, s16  }
0x8e: {  	[smem:$0x3FB8] =	sst s2  }
0x8f: {  	_ = 	snop  }
0x90: {  	(tm) =	ssettm $0x1  }
0x91: {  	s17 =	sld [smem:$0x3FFB];
	_ =	sdelay $0x3  }
0x92: {  	_ =	strace s17  }
0x93: {  	s2 =	sld [smem:$0x3FFC];
	_ =	sdelay $0x3  }
0x94: {  	_ =	strace s2  }
0x95: {  	s2 =	sld [smem:$0x3FFD];
	_ =	sdelay $0x3  }
0x96: {  	_ =	strace s2  }
0x97: {  	_ =	strace $0x8FFFFFFF  }
0x98: {  	s18 =	sld [smem:$0x3FDB];
	_ =	sdelay $0x1  }
0x99: {  	s19 =	simm.s32 $_scs_section_size  }
0x9a: {  	s4 =	simm.s32 $_size__tile_overlayer_lowered;
	s5 =	simm.s32 $_tile_overlayer_lowered  }
0x9b: {  	s22 =	simm.s32 $0x1BFF;
	s21 =	sshll.u32 s5, $0x1;
	s2 =	sadd.s32 s19, s18  }
0x9c: {  	s6 =	simm.s32 $0x0;
	s20 =	sshll.u32 s4, $0x1;
	s4 =	sadd.s32 s21, s2  }
0x9d: {  	[timem:s6], [sflag:s22] =	dma.local [hbm:s4], s20  }
0x9e: {  	_ =	swait.ge [sflag:s22], s20  }
0x9f: {  	s3 =	ssub.s32 $0x0, s20;
	[sflag:s22] =	ssyncset.done $0x0  }
0xa0: {  	[sflag:s22] =	ssyncadd.s32 s3;
	_ =	sdelay $0x1  }
0xa1: {  	s23 =	simm.s32 $0x1B8B  }
0xa2: {  	_ =	swait.ge [sflag:s23], $0x1  }
0xa3: {  	[sflag:s23] =	ssyncset.done $0x0  }
0xa4: {  	s25 =	simm.s32 $0x1B8E;
	s24 =	sld [smem:$0x3FFE];
	[sflag:s23] =	ssyncadd.s32 $0xFFFFFFFF  }
0xa5: {  	s26 =	simm.s32 $execute0_lowered;
	[smem:$0x3FD2] =	sst s25  }
0xa6: {  	s4 =	sshll.u32 s26, $0x1;
	_ =	strace $0x8000004F;
	[dreg:$0x1] =	wrdreg $0xFFFFFFFF  }
0xa7: {  	s28 =	simm.s32 $_size_execute0_lowered;
	s2 =	sadd.s32 s2, s4;
	[dreg:$0x0] =	wrdreg $0x0  }
0xa8: {  	s4 =	sshll.u32 s28, $0x1;
	[dreg:$0x2] =	wrdreg s2  }
0xa9: {  	[dreg:$0x3] =	wrdreg s4  }
0xaa: {  	[dreg:$0x4] =	wrdreg $0xC0  }
0xab: {  	_ =	task [dreg:s6], $0x5FFFF  }
0xac: {  	[dreg:$0x1] =	wrdreg $0xFFFFFFFF  }
0xad: {  	[dreg:$0x0] =	wrdreg $0x60  }
0xae: {  	[dreg:$0x2] =	wrdreg s24  }
0xaf: {  	[dreg:$0x3] =	wrdreg $0x59000  }
0xb0: {  	[dreg:$0x4] =	wrdreg $0x9  }
0xb1: {  	_ =	task.clear_ibuf [dreg:s6], $0x5FFFF;
	_ =	strace $0x9000004F  }
0xb2: {  	s29 =	simm.s32 $0x9;
	_ =	strace $0x80000051  }
0xb3: {  	_ =	swait.ge [sflag:s29], $0x1  }
0xb4: {  	[sflag:s29] =	ssyncadd.s32 $0xFFFFFFFF  }
0xb5: {  	_ =	strace $0x90000051  }
0xb6: {  	_ =	sfence  }
0xb7: {  	s30 =	sld [smem:$0x0];
	_ =	sdelay $0x2  }
0xb8: {  	s31 =	sshll.u32 s1, $0xD;
	s1 =	sshrl.u32 s1, $0x2  }
0xb9: {  	s3 =	sand.u32 $0x4000, s31;
	s1 =	sadd.s32 s1, s30  }
0xba: {  	s0 =	sor.u32 s3, s0;
	s1 =	sshll.u32 s1, $0x11  }
0xbb: {  	s0 =	sor.u32 s1, s0  }
0xbc: {  	s0 =	sadd.s32 $0x8F2B, s0  }
0xbd: {  	[sflag:s0] =	ssyncadd.remote.s32 $0x1  }
0xbe: {  	_ =	sfence.sel $0xFFFF  }
0xbf: {  	[dreg:$0x0] =	wrdreg $0xFFFFFFFF;
	(pc) =	sbr.abs _section_cstart, $3  }
0xc0: {  	[dreg:$0x1] =	wrdreg $0xFFFFFFFF  }
0xc1: {  	_ =	task.clear_ibuf [dreg:s6], $0x2FFFF;
	_ =	strace $0x9FFFFFFF  }
0xc2: {  	(tm) =	ssettm $0x7FFFFFFF  }
0xc3: {  	_ =	shalt  }
tec
execute0_lowered:
.L_overlay_start_1:
0x0: {  	(tag) =	ssettag $0x1  }
0x1: {  	s5 =	rddreg [dreg:$0x0];
	s1 =	stileid.u32  }
0x2: {  	s2 =	rddreg [dreg:$0x1];
	s4 =	smul.u32 $0x61C00, s1  }
0x3: {  	s0 =	rddreg [dreg:$0x2];
	s3 =	simm.s32 $0x0;
	s6 =	smul.u32 $0x1870, s1  }
0x4: {  	s28 =	srdreg.scid;
	s20 =	simm.s32 $0x100;
	s7 =	smul.u32 $0x62000, s1  }
0x5: {  	s21 =	simm.s32 $0x80;
	s25 =	simm.s32 $0x0;
	s12 =	smul.u32 $0x620, s1  }
0x6: {  	[smem:$0x7FF] =	sst s3;
	s9 =	sand.u32 $0x1, s28;
	s14 =	smul.u32 $0x187, s1  }
0x7: {  	s13 =	sadd.s32 $0x290400, s5;
	p0 =	seq.s32 s1, $0xF;
	s23 =	smul.u32 $0x61A8, s9  }
0x8: {  	_ =	strace $0x80000050;
	s18 =	smul.u32 $0x186A00, s9;
	s24 =	sshll.u32 @!p0 s1, $0x6  }
0x9: {  	s16 =	sadd.s32 s4, s5;
	s17 =	sadd.s32 s6, s5;
	s4 =	sadd.s32 $0x28FC00, s5  }
0xa: {  	s6 =	ssub.s32 $0x2, s9;
	s29 =	sshrl.u32 s7, $0x2;
	s14 =	ssub.s32 $0x186A, s14  }
0xb: {  	s30 =	sshrl.u32 s6, $0x1;
	s5 =	sadd.s32 s29, s2;
	s19 =	sadd.s32 s12, s23  }
0xc: {  	s18 =	sshrl.u32 s18, $0x3;
	s12 =	smin.u32 s14, $0x187;
	s16 =	sadd.s32 $0x104A600, s16  }
0xd: {  	s17 =	sadd.s32 $0x1F400, s17;
	v0 =	vmov s23;
	s23 =	sor.u32 @!p0 $0x1C01, s24;
	s15 =	ssub.s32 s6, s30  }
0xe: {  	s6 =	sadd.s32 $0x3800, s5;
	s7 =	sadd.s32 $0x7000, s5;
	s8 =	sadd.s32 $0xA800, s5  }
0xf: {  	s9 =	sadd.s32 $0xE000, s5;
	s10 =	sadd.s32 $0x11800, s5;
	s11 =	sadd.s32 $0x15000, s5  }
0x10: {  	s31 =	sshll.u32 s19, $0x3;
	s18 =	sadd.s32 s13, s18;
	s19 =	simm.s32 $0x1  }
0x11: {  	s22 =	sshrl.u32 @p0 s5, $0x3;
	s24 =	sshrl.u32 @!p0 s5, $0x3;
	s13 =	sadd.s32 s13, s31  }
0x12: {  	s14 =	sadd.s32 $0x2DF00, s18;
	s15 =	smax.u32 s15, $0x1;
	s18 =	simm.s32 $0x2100  }
.LBB2_1:
0x13: {  	[tilespmem:s18], [sflag:$0x1] =	stream.linear.gather [hbm4b:s4+s3], $0x3800, $0x38;
	[tilespmem:$0x1E100] =	vst v63  }
0x14: {  	_ =	swait.ge [sflag:s19], $0x3800  }
0x15: {  	[sflag:s19] =	ssyncset.done $0x0  }
0x16: {  	[sflag:s19] =	ssyncadd.s32 $0xFFFFC800  }
0x17: {  	[spmem:s5] =	stream.linear.scatter [tilespmem:s18], [sflag:$0x1], $0x3800, $0x38;
	[tilespmem:$0x1E100] =	vst v63  }
0x18: {  	_ =	swait.ge [sflag:s19], $0x3800  }
0x19: {  	[sflag:s19] =	ssyncset.done $0x0  }
0x1a: {  	[sflag:s19] =	ssyncadd.s32 $0xFFFFC800  }
0x1b: {  	[spmem:s6] =	stream.linear.scatter [tilespmem:s18], [sflag:$0x1], $0x3800, $0x38;
	[tilespmem:$0x1E100] =	vst v63  }
0x1c: {  	_ =	swait.ge [sflag:s19], $0x3800  }
0x1d: {  	[sflag:s19] =	ssyncset.done $0x0  }
0x1e: {  	[sflag:s19] =	ssyncadd.s32 $0xFFFFC800  }
0x1f: {  	[spmem:s7] =	stream.linear.scatter [tilespmem:s18], [sflag:$0x1], $0x3800, $0x38;
	[tilespmem:$0x1E100] =	vst v63  }
0x20: {  	_ =	swait.ge [sflag:s19], $0x3800  }
0x21: {  	[sflag:s19] =	ssyncset.done $0x0  }
0x22: {  	[sflag:s19] =	ssyncadd.s32 $0xFFFFC800  }
0x23: {  	[spmem:s8] =	stream.linear.scatter [tilespmem:s18], [sflag:$0x1], $0x3800, $0x38;
	[tilespmem:$0x1E100] =	vst v63  }
0x24: {  	_ =	swait.ge [sflag:s19], $0x3800  }
0x25: {  	[sflag:s19] =	ssyncset.done $0x0  }
0x26: {  	[sflag:s19] =	ssyncadd.s32 $0xFFFFC800  }
0x27: {  	[spmem:s9] =	stream.linear.scatter [tilespmem:s18], [sflag:$0x1], $0x3800, $0x38;
	[tilespmem:$0x1E100] =	vst v63  }
0x28: {  	_ =	swait.ge [sflag:s19], $0x3800  }
0x29: {  	[sflag:s19] =	ssyncset.done $0x0  }
0x2a: {  	[sflag:s19] =	ssyncadd.s32 $0xFFFFC800  }
0x2b: {  	[spmem:s10] =	stream.linear.scatter [tilespmem:s18], [sflag:$0x1], $0x3800, $0x38;
	[tilespmem:$0x1E100] =	vst v63  }
0x2c: {  	_ =	swait.ge [sflag:s19], $0x3800  }
0x2d: {  	[sflag:s19] =	ssyncset.done $0x0  }
0x2e: {  	p2 =	sne.s32 s12, $0x1;
	[sflag:s19] =	ssyncadd.s32 $0xFFFFC800  }
0x2f: {  	[spmem:s11] =	stream.linear.scatter [tilespmem:s18], [sflag:$0x1], $0x3800, $0x38;
	[tilespmem:$0x1E100] =	vst v63  }
.Ltmp0:
0x30: {  	_ =	swait.ge [sflag:s19], $0x3800;
	(pc) =	sbr.rel @!p2 .LBB2_4-.Ltmp0, $4  }
0x31: {  	[sflag:s19] =	ssyncset.done $0x0  }
0x32: {  	[sflag:s19] =	ssyncadd.s32 $0xFFFFC800  }
0x33: {  	s29 =	sadd.s32 $0xFFFFFFFF, s12;
	[bflag:$0x0] =	sbarrier.arrive $0xFFFF  }
0x34: {  	p1 =	por $0x0, $0x0;
	s28 =	smov.u32 s17;
	s26 =	smov.u32 s16  }
0x35: {  	[tilespmem:s3], [sflag:$0x1] =	stream.linear.gather [hbm4b:s17+s3], $0x80, $0x38;
	[tilespmem:$0x1E100] =	vst v63  }
0x36: {  	_ =	swait.ge [sflag:s19], $0x80  }
0x37: {  	[sflag:s19] =	ssyncset.done $0x0  }
0x38: {  	[sflag:s19] =	ssyncadd.s32 $0xFFFFFF80  }
0x39: {  	[tilespmem:s20], [sflag:$0x1] =	stream.linear.gather [hbm4b:s16+s3], $0x2000, $0x38;
	[tilespmem:$0x1E100] =	vst v63  }
0x3a: {  	_ =	swait.ge [sflag:s19], $0x2000  }
0x3b: {  	[sflag:s19] =	ssyncset.done $0x0  }
0x3c: {  	[sflag:s19] =	ssyncadd.s32 $0xFFFFE000  }
0x3d: {  	v1 =	vld [tilespmem:$0x20]  }
0x3e: {  	v2 =	vld [tilespmem:$0x30]  }
0x3f: {  	v3 =	vld [tilespmem:$0x50]  }
0x40: {  	v4 =	vld [tilespmem:$0x10]  }
0x41: {  	v5 =	vld [tilespmem:$0x40]  }
0x42: {  	v6 =	vld [tilespmem:$0x0];
	v1 =	vsub.s32 v1, v0  }
0x43: {  	v7 =	vld [tilespmem:$0x60];
	v2 =	vsub.s32 v2, v0;
	v1 =	vmin.u32 v1, $0x61A8  }
0x44: {  	p2 =	sne.s32 s29, $0x1;
	[tilespmem:$0xA0] =	vst v1;
	v1 =	vmin.u32 v2, $0x61A8;
	v2 =	vsub.s32 v3, v0;
	v3 =	vld [tilespmem:$0x70]  }
.Ltmp1:
0x45: {  	v4 =	vsub.s32 v4, v0;
	[tilespmem:$0xB0] =	vst v1;
	v1 =	vmin.u32 v2, $0x61A8;
	(pc) =	sbr.rel @!p2 .LBB2_4-.Ltmp1, $4  }
0x46: {  	v63 =	vsub.s32 v5, v0;
	v2 =	vmin.u32 v4, $0x61A8;
	[tilespmem:$0xD0] =	vst v1  }
0x47: {  	v1 =	vsub.s32 v6, v0;
	[tilespmem:$0x90] =	vst v2;
	v2 =	vmin.u32 v63, $0x61A8  }
0x48: {  	s26 =	sadd.s32 $0x400, s16;
	s28 =	sadd.s32 $0x10, s17;
	s29 =	sadd.s32 $0xFFFFFFFF, s29;
	v1 =	vmin.u32 v1, $0x61A8;
	[tilespmem:$0xC0] =	vst v2;
	v2 =	vsub.s32 v7, v0  }
0x49: {  	p1 =	por $0x1, $0x1;
	s30 =	smov.u32 s26;
	s31 =	smov.u32 s28;
	[tilespmem:$0x80] =	vst v1;
	v1 =	vmin.u32 v2, $0x61A8;
	v2 =	vsub.s32 v3, v0  }
.LBB2_3:
0x4a: {  	p2 =	sne.s32 s29, $0x1;
	s30 =	sadd.s32 $0x400, s30;
	s31 =	sadd.s32 $0x10, s31;
	[tilespmem:$0xE0] =	vst v1;
	v1 =	vmin.u32 v2, $0x61A8  }
0x4b: {  	s29 =	sadd.s32 $0xFFFFFFFF, s29;
	[tilespmem:$0xF0] =	vst v1  }
0x4c: {  	[spmem:s2] =	stream.indirect.scatter.add.f32 [tilespmem:s20], [sflag:$0x1], $0x40, s21, s21, $0xb8;
	[tilespmem:$0x1E100] =	vst v63  }
0x4d: {  	_ =	swait.ge [sflag:s19], $0x2000  }
0x4e: {  	[sflag:s19] =	ssyncset.done $0x0  }
0x4f: {  	[sflag:s19] =	ssyncadd.s32 $0xFFFFE000  }
0x50: {  	[tilespmem:s3], [sflag:$0x1] =	stream.linear.gather [hbm4b:s28+s3], $0x80, $0x38;
	[tilespmem:$0x1E100] =	vst v63  }
0x51: {  	s28 =	smov.u32 s31;
	_ =	swait.ge [sflag:s19], $0x80  }
0x52: {  	[sflag:s19] =	ssyncset.done $0x0  }
0x53: {  	[sflag:s19] =	ssyncadd.s32 $0xFFFFFF80  }
0x54: {  	[tilespmem:s20], [sflag:$0x1] =	stream.linear.gather [hbm4b:s26+s3], $0x2000, $0x38;
	[tilespmem:$0x1E100] =	vst v63  }
0x55: {  	s26 =	smov.u32 s30;
	_ =	swait.ge [sflag:s19], $0x2000  }
0x56: {  	[sflag:s19] =	ssyncset.done $0x0  }
0x57: {  	[sflag:s19] =	ssyncadd.s32 $0xFFFFE000  }
0x58: {  	v1 =	vld [tilespmem:$0x20]  }
0x59: {  	v2 =	vld [tilespmem:$0x30]  }
0x5a: {  	v3 =	vld [tilespmem:$0x50]  }
0x5b: {  	v4 =	vld [tilespmem:$0x10]  }
0x5c: {  	v5 =	vld [tilespmem:$0x40]  }
0x5d: {  	v6 =	vld [tilespmem:$0x0];
	v1 =	vsub.s32 v1, v0  }
0x5e: {  	v1 =	vmin.u32 v1, $0x61A8;
	v2 =	vsub.s32 v2, v0;
	v7 =	vld [tilespmem:$0x60]  }
0x5f: {  	[tilespmem:$0xA0] =	vst v1;
	v1 =	vmin.u32 v2, $0x61A8;
	v2 =	vsub.s32 v3, v0;
	v3 =	vld [tilespmem:$0x70]  }
.Ltmp2:
0x60: {  	v4 =	vsub.s32 v4, v0;
	[tilespmem:$0xB0] =	vst v1;
	v1 =	vmin.u32 v2, $0x61A8;
	(pc) =	sbr.rel @p2 .LBB2_3-.Ltmp2, $4  }
0x61: {  	v2 =	vmin.u32 v4, $0x61A8;
	v4 =	vsub.s32 v5, v0;
	[tilespmem:$0xD0] =	vst v1  }
0x62: {  	v1 =	vsub.s32 v6, v0;
	[tilespmem:$0x90] =	vst v2;
	v2 =	vmin.u32 v4, $0x61A8  }
0x63: {  	v1 =	vmin.u32 v1, $0x61A8;
	[tilespmem:$0xC0] =	vst v2;
	v2 =	vsub.s32 v7, v0  }
0x64: {  	[tilespmem:$0x80] =	vst v1;
	v1 =	vmin.u32 v2, $0x61A8;
	v2 =	vsub.s32 v3, v0  }
.LBB2_4:
0x65: {  	[tilespmem:$0xE0] =	vst @p1 v1;
	v1 =	vmin.u32 @p1 v2, $0x61A8  }
0x66: {  	[tilespmem:$0xF0] =	vst @p1 v1  }
0x67: {  	[spmem:s2] =	stream.indirect.scatter.add.f32 @p1 [tilespmem:s20], [sflag:$0x1], $0x40, s21, s21, $0xb8;
	[tilespmem:$0x1E100] =	vst v63  }
0x68: {  	_ =	swait.ge @p1 [sflag:s19], $0x2000  }
0x69: {  	[sflag:s19] =	ssyncset.done @p1 $0x0  }
0x6a: {  	[sflag:s19] =	ssyncadd.s32 @p1 $0xFFFFE000  }
0x6b: {  	[tilespmem:s3], [sflag:$0x1] =	stream.linear.gather [hbm4b:s28+s3], $0x80, $0x38;
	[tilespmem:$0x1E100] =	vst v63  }
0x6c: {  	_ =	swait.ge [sflag:s19], $0x80  }
0x6d: {  	[sflag:s19] =	ssyncset.done $0x0  }
0x6e: {  	[sflag:s19] =	ssyncadd.s32 $0xFFFFFF80  }
0x6f: {  	[tilespmem:s20], [sflag:$0x1] =	stream.linear.gather [hbm4b:s26+s3], $0x2000, $0x38;
	[tilespmem:$0x1E100] =	vst v63  }
0x70: {  	_ =	swait.ge [sflag:s19], $0x2000  }
0x71: {  	[sflag:s19] =	ssyncset.done $0x0  }
0x72: {  	[sflag:s19] =	ssyncadd.s32 $0xFFFFE000  }
0x73: {  	v1 =	vld [tilespmem:$0x20]  }
0x74: {  	v2 =	vld [tilespmem:$0x30]  }
0x75: {  	v3 =	vld [tilespmem:$0x50]  }
0x76: {  	v4 =	vld [tilespmem:$0x10]  }
0x77: {  	v5 =	vld [tilespmem:$0x40]  }
0x78: {  	v6 =	vld [tilespmem:$0x0];
	v1 =	vsub.s32 v1, v0  }
0x79: {  	v7 =	vld [tilespmem:$0x60];
	v2 =	vsub.s32 v2, v0;
	v1 =	vmin.u32 v1, $0x61A8  }
0x7a: {  	[tilespmem:$0xA0] =	vst v1;
	v1 =	vmin.u32 v2, $0x61A8;
	v2 =	vsub.s32 v3, v0;
	v3 =	vld [tilespmem:$0x70]  }
0x7b: {  	v4 =	vsub.s32 v4, v0;
	[tilespmem:$0xB0] =	vst v1;
	v1 =	vmin.u32 v2, $0x61A8  }
0x7c: {  	v63 =	vsub.s32 v5, v0;
	v2 =	vmin.u32 v4, $0x61A8;
	[tilespmem:$0xD0] =	vst v1  }
0x7d: {  	v1 =	vsub.s32 v6, v0;
	[tilespmem:$0x90] =	vst v2;
	v2 =	vmin.u32 v63, $0x61A8  }
0x7e: {  	v1 =	vmin.u32 v1, $0x61A8;
	[tilespmem:$0xC0] =	vst v2;
	v2 =	vsub.s32 v7, v0  }
0x7f: {  	[tilespmem:$0x80] =	vst v1;
	v1 =	vmin.u32 v2, $0x61A8;
	v2 =	vsub.s32 v3, v0  }
0x80: {  	[tilespmem:$0xE0] =	vst v1;
	v1 =	vmin.u32 v2, $0x61A8  }
0x81: {  	[tilespmem:$0xF0] =	vst v1  }
0x82: {  	[spmem:s2] =	stream.indirect.scatter.add.f32 [tilespmem:s20], [sflag:$0x1], $0x40, s21, s21, $0xb8;
	[tilespmem:$0x1E100] =	vst v63  }
0x83: {  	_ =	swait.ge [sflag:s19], $0x2000  }
0x84: {  	[sflag:s19] =	ssyncset.done $0x0  }
0x85: {  	[sflag:s19] =	ssyncadd.s32 $0xFFFFE000  }
0x86: {  	s26 =	simm.s32 @p0 $0x1FC1;
	[bflag:$0x0] =	sbarrier.arrive $0xFFFF  }
0x87: {  	[hbm:s14], [sflag:s26] =	dma.local @p0 [spmem:s22], $0x2E40  }
0x88: {  	s26 =	simm.s32 @p0 $0x1  }
0x89: {  	s25 =	sadd.s32 $0x1, s25;
	_ =	swait.ge @p0 [sflag:s26], $0x2E40  }
0x8a: {  	p1 =	sne.s32 s25, s15;
	[sflag:s26] =	ssyncset.done @p0 $0x0  }
.Ltmp3:
0x8b: {  	[sflag:s26] =	ssyncadd.s32 @p0 $0xFFFFD1C0;
	s26 =	simm.s32 @!p0 $0x1;
	(pc) =	sbr.rel @p1 .LBB2_1-.Ltmp3, $4  }
0x8c: {  	[hbm:s13], [sflag:s23] =	dma.local @!p0 [spmem:s24], $0x3100  }
0x8d: {  	_ =	swait.ge @!p0 [sflag:s26], $0x3100  }
0x8e: {  	[sflag:s26] =	ssyncset.done @!p0 $0x0  }
0x8f: {  	[sflag:s26] =	ssyncadd.s32 @!p0 $0xFFFFCF00  }
0x90: {  	_ =	sfence.sel $0x180000  }
0x91: {  	[bflag:$0x0] =	sbarrier.arrive $0xFFFF  }
0x92: {  	p0 =	sne.s32 s1, $0x0;
	_ =	strace $0x90000050  }
0x93: {  	s0 =	sadd.s32 @!p0 $0x100000, s0;
	[bflag:$0x2] =	sbarrier.arrive $0xFFFF  }
0x94: {  	[sflag:s0] =	ssyncadd.tile.s32 @!p0 $0x1;
	_ =	shalt  }
.Lfunc_end2:
_tile_overlayer_lowered:
.L_overlay_start_2:
0x95: {  	(tag) =	ssettag $0x2  }
0x96: {  	s0 =	rddreg [dreg:$0x0];
	s2 =	stileid.u32  }
0x97: {  	s1 =	rddreg [dreg:$0x1];
	p0 =	sne.s32 s2, $0x0  }
0x98: {  	s3 =	rddreg [dreg:$0x2];
	[bflag:$0x3] =	sbarrier.arrive $0xFFFF;
	s2 =	simm.s32 @!p0 $0x1C01  }
0x99: {  	[timem:s3], [sflag:s2] =	dma.local @!p0 [hbm:s0], s1  }
0x9a: {  	s0 =	simm.s32 @!p0 $0x1  }
0x9b: {  	_ =	swait.ge @!p0 [sflag:s0], s1  }
0x9c: {  	s1 =	ssub.s32 @!p0 $0x0, s1;
	[sflag:s0] =	ssyncset.done @!p0 $0x0  }
0x9d: {  	[sflag:s0] =	ssyncadd.s32 @!p0 s1  }
0x9e: {  	[bflag:$0x3] =	sbarrier.arrive $0xFFFF  }
0x9f: {  	_ =	shalt  }

// kernel: kernel.30.cloned.1.call-start
scs
__scs_entry_jumppad:
0x0: {  	(pc) =	sbr.rel $0x88, $3  }
0x1: {  	(tag) =	ssettag $0x0;
	lr =	simm.s32 $0x1  }
0x2: {  	[smem:$0x3F91] =	sst lr;
	_ =	strace $0xD0000000  }
0x3: {  	_ = 	snop  }
0x4: {  	_ = 	snop  }
0x5: {  	_ = 	snop  }
0x6: {  	_ = 	snop  }
0x7: {  	_ = 	snop  }
__scs_overlays_trampoline_lowered:
0x8: {  	[smem:$0x3FA0] =	sst s0  }
0x9: {  	[smem:$0x3FA1] =	sst s1  }
0xa: {  	[smem:$0x3FA2] =	sst s2  }
0xb: {  	[smem:$0x3FA3] =	sst s3  }
0xc: {  	[smem:$0x3FA4] =	sst s4  }
0xd: {  	[smem:$0x3FA5] =	sst s5  }
0xe: {  	[smem:$0x3FA6] =	sst s6  }
0xf: {  	[smem:$0x3FA7] =	sst s7  }
0x10: {  	[smem:$0x3FA8] =	sst s8  }
0x11: {  	[smem:$0x3FA9] =	sst s9;
	s0 =	simm.s32 @!p0 $0x0  }
0x12: {  	s1 =	sld [smem:$0x3F8F];
	s0 =	simm.s32 @p0 $0x1  }
0x13: {  	[smem:$0x3FAA] =	sst s0;
	s0 =	simm.s32 @!p1 $0x0  }
0x14: {  	s2 =	sld [smem:$0x3F8E];
	s0 =	simm.s32 @p1 $0x1  }
0x15: {  	[smem:$0x3FAB] =	sst s0;
	s0 =	simm.s32 @!p2 $0x0  }
0x16: {  	s3 =	sld [smem:$0x3FDB];
	s0 =	simm.s32 @p2 $0x1  }
0x17: {  	s4 =	simm.s32 $0x1BF5;
	[smem:$0x3FAD] =	sst s0  }
0x18: {  	s0 =	sld [smem:$0x3F90];
	_ =	swait.ge [sflag:s4], $0x0  }
0x19: {  	s7 =	sld [smem:$0x3F91]  }
0x1a: {  	s8 =	sadd.s32 $0xFFFFE003, lr  }
0x1b: {  	s9 =	sadd.s32 $0xFFFFFEF7, lr;
	s5 =	simm.s32 $0xFFFFFFFF;
	p2 =	slt.u32 s8, $0xFFFFF086  }
0x1c: {  	p1 =	slt.u32 s9, $0xF7A;
	s5 =	simm.s32 @!p2 $0x0  }
0x1d: {  	s5 =	simm.s32 @p1 $0x1;
	p0 =	seq.s32 s7, s2  }
0x1e: {  	s7 =	smul.u32 @!p0 $0xF7A, s2;
	p2 =	seq.s32 @!p0 s5, $0x0  }
0x1f: {  	s9 =	smul.u32 $0xF7A, s1;
	s8 =	simm.s32 @!p0 $0x1BF5;
	p2 =	por !p2, p0  }
0x20: {  	[sflag:s8] =	ssyncset.s32 @!p0 $0xFFFFF086;
	s6 =	sadd.s32 @!p0 s3, s7;
	s7 =	simm.s32 @!p0 $0x108  }
0x21: {  	s3 =	sadd.s32 s3, s9;
	s6 =	sadd.s32 @!p0 $0x88, s6;
	s7 =	simm.s32 @p2 $0x1082  }
0x22: {  	[simem:s7], [sflag:s8] =	dma.local @!p0 [hbm:s6], $0xF7A  }
0x23: {  	s9 =	sor.u32 $0xD0000000, s2;
	s6 =	simm.s32 $0x108;
	_ =	swait.ge @!p0 [sflag:s8], $0x0  }
0x24: {  	s3 =	sadd.s32 $0x88, s3;
	s6 =	simm.s32 @!p1 $0x1082;
	[sflag:s4] =	ssyncset.s32 $0xFFFFF086  }
0x25: {  	[simem:s6], [sflag:s4] =	dma.local [hbm:s3], $0xF7A  }
0x26: {  	[smem:$0x3F91] =	sst s1;
	(tag) =	ssettag s2;
	_ =	strace s9  }
0x27: {  	s1 =	sld [smem:$0x3FA1]  }
0x28: {  	s2 =	sld [smem:$0x3FA2]  }
0x29: {  	s4 =	sld [smem:$0x3FA4]  }
0x2a: {  	p0 =	seq.s32 s5, $0x0;
	s5 =	sld [smem:$0x3FA5]  }
0x2b: {  	s6 =	sld [smem:$0x3FA6]  }
0x2c: {  	s7 =	sld [smem:$0x3FA7]  }
0x2d: {  	s3 =	simm.s32 $0x108;
	s8 =	sld [smem:$0x3FA8]  }
0x2e: {  	s3 =	simm.s32 @!p0 $0x1082;
	s9 =	sld [smem:$0x3FA9]  }
0x2f: {  	lr =	sadd.s32 s0, s3;
	s0 =	sld [smem:$0x3FA0]  }
0x30: {  	s3 =	sld [smem:$0x3FA3]  }
0x31: {  	[smem:$0x3FAC] =	sst s10  }
0x32: {  	s10 =	sld [smem:$0x3FAA];
	_ =	sdelay $0x3  }
0x33: {  	p0 =	seq.s32 s10, $0x1;
	s10 =	sld [smem:$0x3FAC];
	_ =	sdelay $0x3  }
0x34: {  	[smem:$0x3FAC] =	sst s10  }
0x35: {  	s10 =	sld [smem:$0x3FAB];
	_ =	sdelay $0x3  }
0x36: {  	p1 =	seq.s32 s10, $0x1;
	s10 =	sld [smem:$0x3FAC];
	_ =	sdelay $0x3  }
0x37: {  	[smem:$0x3FAC] =	sst s10  }
0x38: {  	s10 =	sld [smem:$0x3FAD]  }
0x39: {  	_ = 	snop;
	(pc) =	sbr.ind lr, $3  }
0x3a: {  	_ = 	snop  }
0x3b: {  	_ = 	snop  }
0x3c: {  	p2 =	seq.s32 s10, $0x1;
	s10 =	sld [smem:$0x3FAC]  }
0x3d: {  	_ =	shalt  }
0x3e: {  	_ =	shalt  }
0x3f: {  	_ =	shalt  }
0x40: {  	_ =	shalt  }
0x41: {  	_ =	shalt  }
0x42: {  	_ =	shalt  }
0x43: {  	_ =	shalt  }
0x44: {  	_ =	shalt  }
0x45: {  	_ =	shalt  }
0x46: {  	_ =	shalt  }
0x47: {  	_ =	shalt  }
0x48: {  	_ =	shalt  }
0x49: {  	_ =	shalt  }
0x4a: {  	_ =	shalt  }
0x4b: {  	_ =	shalt  }
0x4c: {  	_ =	shalt  }
0x4d: {  	_ =	shalt  }
0x4e: {  	_ =	shalt  }
0x4f: {  	_ =	shalt  }
0x50: {  	_ =	shalt  }
0x51: {  	_ =	shalt  }
0x52: {  	_ =	shalt  }
0x53: {  	_ =	shalt  }
0x54: {  	_ =	shalt  }
0x55: {  	_ =	shalt  }
0x56: {  	_ =	shalt  }
0x57: {  	_ =	shalt  }
0x58: {  	_ =	shalt  }
0x59: {  	_ =	shalt  }
0x5a: {  	_ =	shalt  }
0x5b: {  	_ =	shalt  }
0x5c: {  	_ =	shalt  }
0x5d: {  	_ =	shalt  }
0x5e: {  	_ =	shalt  }
0x5f: {  	_ =	shalt  }
0x60: {  	_ =	shalt  }
0x61: {  	_ =	shalt  }
0x62: {  	_ =	shalt  }
0x63: {  	_ =	shalt  }
0x64: {  	_ =	shalt  }
0x65: {  	_ =	shalt  }
0x66: {  	_ =	shalt  }
0x67: {  	_ =	shalt  }
0x68: {  	_ =	shalt  }
0x69: {  	_ =	shalt  }
0x6a: {  	_ =	shalt  }
0x6b: {  	_ =	shalt  }
0x6c: {  	_ =	shalt  }
0x6d: {  	_ =	shalt  }
0x6e: {  	_ =	shalt  }
0x6f: {  	_ =	shalt  }
0x70: {  	_ =	shalt  }
0x71: {  	_ =	shalt  }
0x72: {  	_ =	shalt  }
0x73: {  	_ =	shalt  }
0x74: {  	_ =	shalt  }
0x75: {  	_ =	shalt  }
0x76: {  	_ =	shalt  }
0x77: {  	_ =	shalt  }
0x78: {  	_ =	shalt  }
0x79: {  	_ =	shalt  }
0x7a: {  	_ =	shalt  }
0x7b: {  	_ =	shalt  }
0x7c: {  	_ =	shalt  }
0x7d: {  	_ =	shalt  }
0x7e: {  	_ =	shalt  }
0x7f: {  	_ =	shalt  }
0x80: {  	_ =	shalt  }
0x81: {  	_ =	shalt  }
0x82: {  	_ =	shalt  }
0x83: {  	_ =	shalt  }
0x84: {  	_ =	shalt  }
0x85: {  	_ =	shalt  }
0x86: {  	_ =	shalt  }
0x87: {  	_ =	shalt  }
.Lfunc_end0:
.L_simem_size_0:
called_computation.4_lowered:
.L_overlay_start_0:
0x88: {  	s2 =	sld [smem:$0x3FD9]  }
0x89: {  	s3 =	sld [smem:$0x3FFE];
	_ =	sdelay $0x1  }
0x8a: {  	s1 =	srdreg.scid  }
0x8b: {  	s0 =	sand.u32 $0x1, s1  }
0x8c: {  	s16 =	sshll.u32 s0, $0xA;
	s2 =	sadd.s32 s3, s2  }
0x8d: {  	s2 =	sadd.s32 s2, s16  }
0x8e: {  	[smem:$0x3FB8] =	sst s2  }
0x8f: {  	_ = 	snop  }
0x90: {  	(tm) =	ssettm $0x1  }
0x91: {  	s17 =	sld [smem:$0x3FFB];
	_ =	sdelay $0x3  }
0x92: {  	_ =	strace s17  }
0x93: {  	s2 =	sld [smem:$0x3FFC];
	_ =	sdelay $0x3  }
0x94: {  	_ =	strace s2  }
0x95: {  	s2 =	sld [smem:$0x3FFD];
	_ =	sdelay $0x3  }
0x96: {  	_ =	strace s2  }
0x97: {  	_ =	strace $0x8FFFFFFF  }
0x98: {  	s18 =	sld [smem:$0x3FDB];
	_ =	sdelay $0x1  }
0x99: {  	s19 =	simm.s32 $_scs_section_size  }
0x9a: {  	s4 =	simm.s32 $_size__tile_overlayer_lowered;
	s5 =	simm.s32 $_tile_overlayer_lowered  }
0x9b: {  	s22 =	simm.s32 $0x1BFF;
	s21 =	sshll.u32 s5, $0x1;
	s2 =	sadd.s32 s19, s18  }
0x9c: {  	s6 =	simm.s32 $0x0;
	s20 =	sshll.u32 s4, $0x1;
	s4 =	sadd.s32 s21, s2  }
0x9d: {  	[timem:s6], [sflag:s22] =	dma.local [hbm:s4], s20  }
0x9e: {  	_ =	swait.ge [sflag:s22], s20  }
0x9f: {  	s3 =	ssub.s32 $0x0, s20;
	[sflag:s22] =	ssyncset.done $0x0  }
0xa0: {  	[sflag:s22] =	ssyncadd.s32 s3;
	_ =	sdelay $0x1  }
0xa1: {  	s23 =	simm.s32 $0x1B8B  }
0xa2: {  	_ =	swait.ge [sflag:s23], $0x1  }
0xa3: {  	[sflag:s23] =	ssyncset.done $0x0  }
0xa4: {  	s25 =	simm.s32 $0x1B8E;
	s24 =	sld [smem:$0x3FFE];
	[sflag:s23] =	ssyncadd.s32 $0xFFFFFFFF  }
0xa5: {  	s26 =	simm.s32 $execute0_lowered;
	[smem:$0x3FD2] =	sst s25  }
0xa6: {  	s4 =	sshll.u32 s26, $0x1;
	_ =	strace $0x80000052;
	[dreg:$0x1] =	wrdreg $0xFFFFFFFF  }
0xa7: {  	s28 =	simm.s32 $_size_execute0_lowered;
	s2 =	sadd.s32 s2, s4;
	[dreg:$0x0] =	wrdreg $0x0  }
0xa8: {  	s4 =	sshll.u32 s28, $0x1;
	[dreg:$0x2] =	wrdreg s2  }
0xa9: {  	[dreg:$0x3] =	wrdreg s4  }
0xaa: {  	[dreg:$0x4] =	wrdreg $0xC0  }
0xab: {  	_ =	task [dreg:s6], $0x5FFFF  }
0xac: {  	[dreg:$0x1] =	wrdreg $0xFFFFFFFF  }
0xad: {  	[dreg:$0x0] =	wrdreg $0x60  }
0xae: {  	[dreg:$0x2] =	wrdreg s24  }
0xaf: {  	[dreg:$0x3] =	wrdreg $0x9  }
0xb0: {  	_ =	task.clear_ibuf [dreg:s6], $0x4FFFF;
	_ =	strace $0x90000052  }
0xb1: {  	s29 =	simm.s32 $0x9;
	_ =	strace $0x80000054  }
0xb2: {  	_ =	swait.ge [sflag:s29], $0x1  }
0xb3: {  	[sflag:s29] =	ssyncadd.s32 $0xFFFFFFFF  }
0xb4: {  	_ =	strace $0x90000054  }
0xb5: {  	_ =	sfence  }
0xb6: {  	s30 =	sld [smem:$0x0];
	_ =	sdelay $0x2  }
0xb7: {  	s31 =	sshll.u32 s1, $0xD;
	s1 =	sshrl.u32 s1, $0x2  }
0xb8: {  	s3 =	sand.u32 $0x4000, s31;
	s1 =	sadd.s32 s1, s30  }
0xb9: {  	s0 =	sor.u32 s3, s0;
	s1 =	sshll.u32 s1, $0x11  }
0xba: {  	s0 =	sor.u32 s1, s0  }
0xbb: {  	s0 =	sadd.s32 $0x8F2B, s0  }
0xbc: {  	[sflag:s0] =	ssyncadd.remote.s32 $0x1  }
0xbd: {  	_ =	sfence.sel $0xFFFF  }
0xbe: {  	[dreg:$0x0] =	wrdreg $0xFFFFFFFF;
	(pc) =	sbr.abs _section_cstart, $3  }
0xbf: {  	[dreg:$0x1] =	wrdreg $0xFFFFFFFF  }
0xc0: {  	_ =	task.clear_ibuf [dreg:s6], $0x2FFFF;
	_ =	strace $0x9FFFFFFF  }
0xc1: {  	(tm) =	ssettm $0x7FFFFFFF  }
tec
execute0_lowered:
.L_overlay_start_1:
0x0: {  	(tag) =	ssettag $0x1  }
0x1: {  	s1 =	stileid.u32  }
0x2: {  	s4 =	rddreg [dreg:$0x0];
	s5 =	smul.u32 $0x1880, s1  }
0x3: {  	s3 =	srdreg.scid;
	s8 =	smul.u32 $0xFFFFFE78, s1  }
0x4: {  	s2 =	simm.s32 $0x0;
	s6 =	sand.u32 $0x1, s3;
	s26 =	smul.u32 $0x62000, s1  }
0x5: {  	[smem:$0x7FF] =	sst s2;
	s3 =	sadd.s32 $0x290400, s4;
	s7 =	smul.u32 $0xFFFFFF3C, s6  }
0x6: {  	s0 =	rddreg [dreg:$0x1];
	_ =	strace $0x80000053;
	s28 =	smul.u32 $0x31000, s6  }
0x7: {  	s10 =	ssub.s32 $0x2, s6;
	s6 =	smul.u32 $0xC40, s6;
	s9 =	sadd.s32 s5, s4  }
0x8: {  	s11 =	sshrl.u32 s10, $0x1;
	s12 =	sadd.s32 s26, s4;
	s7 =	sadd.s32 s8, s7  }
0x9: {  	s29 =	ssub.s32 s10, s11;
	s30 =	sadd.s32 s28, s12;
	s31 =	sadd.s32 s6, s9  }
0xa: {  	s8 =	simm.s32 $0x2;
	s9 =	simm.s32 $0x80;
	s10 =	simm.s32 $0x1  }
0xb: {  	s11 =	simm.s32 $0x0;
	s7 =	sadd.s32 $0x186A, s7;
	s5 =	smax.u32 s29, $0x1  }
0xc: {  	s6 =	sadd.s32 $0x4D8C00, s30;
	s4 =	smin.u32 s7, $0xC4;
	s7 =	sadd.s32 $0x6C00, s31  }
.LBB2_1:
0xd: {  	[tilespmem:s2], [sflag:$0x2] =	stream.linear.gather [hbm4b:s7+s2], $0x80, $0x38;
	[tilespmem:$0x2080] =	vst v63  }
0xe: {  	_ =	swait.ge [sflag:s8], $0x80  }
0xf: {  	[sflag:s8] =	ssyncset.done $0x0  }
0x10: {  	[sflag:s8] =	ssyncadd.s32 $0xFFFFFF80  }
0x11: {  	[tilespmem:s9], [sflag:$0x1] =	stream.indirect.gather [hbm4b:s3+s9], $0x40, s2, s9, $0xb8;
	[tilespmem:$0x2080] =	vst v63  }
0x12: {  	p0 =	sne.s32 s4, $0x1;
	_ =	swait.ge [sflag:s10], $0x2000  }
.Ltmp0:
0x13: {  	[sflag:s10] =	ssyncset.done $0x0;
	(pc) =	sbr.rel @!p0 .LBB2_3-.Ltmp0, $4  }
0x14: {  	[sflag:s10] =	ssyncadd.s32 $0xFFFFE000  }
0x15: {  	[hbm4b:s6+s2] =	stream.linear.scatter [tilespmem:s9], [sflag:$0x2], $0x2000, $0x38;
	[tilespmem:$0x2080] =	vst v63  }
0x16: {  	s12 =	sadd.s32 $0xFFFFFFFF, s4;
	_ =	swait.ge [sflag:s8], $0x2000  }
0x17: {  	s13 =	smov.u32 s6;
	s14 =	smov.u32 s7;
	[sflag:s8] =	ssyncset.done $0x0  }
.LBB2_2:
0x18: {  	[sflag:s8] =	ssyncadd.s32 $0xFFFFE000;
	s13 =	sadd.s32 $0x400, s13;
	s14 =	sadd.s32 $0x10, s14  }
0x19: {  	[tilespmem:s2], [sflag:$0x2] =	stream.linear.gather [hbm4b:s14+s2], $0x80, $0x38;
	[tilespmem:$0x2080] =	vst v63  }
0x1a: {  	p0 =	sne.s32 s12, $0x1;
	s12 =	sadd.s32 $0xFFFFFFFF, s12;
	_ =	swait.ge [sflag:s8], $0x80  }
0x1b: {  	[sflag:s8] =	ssyncset.done $0x0  }
0x1c: {  	[sflag:s8] =	ssyncadd.s32 $0xFFFFFF80  }
0x1d: {  	[tilespmem:s9], [sflag:$0x1] =	stream.indirect.gather [hbm4b:s3+s9], $0x40, s2, s9, $0xb8;
	[tilespmem:$0x2080] =	vst v63  }
0x1e: {  	_ =	swait.ge [sflag:s10], $0x2000  }
.Ltmp1:
0x1f: {  	[sflag:s10] =	ssyncset.done $0x0;
	(pc) =	sbr.rel @p0 .LBB2_2-.Ltmp1, $4  }
0x20: {  	[sflag:s10] =	ssyncadd.s32 $0xFFFFE000  }
0x21: {  	[hbm4b:s13+s2] =	stream.linear.scatter [tilespmem:s9], [sflag:$0x2], $0x2000, $0x38;
	[tilespmem:$0x2080] =	vst v63  }
0x22: {  	_ =	swait.ge [sflag:s8], $0x2000  }
0x23: {  	[sflag:s8] =	ssyncset.done $0x0  }
.LBB2_3:
0x24: {  	s11 =	sadd.s32 $0x1, s11  }
0x25: {  	p0 =	sne.s32 s11, s5  }
.Ltmp2:
0x26: {  	_ = 	snop;
	(pc) =	sbr.rel @p0 .LBB2_1-.Ltmp2, $2  }
0x27: {  	_ =	sdelay $0x2  }
0x28: {  	[sflag:s8] =	ssyncadd.s32 $0xFFFFE000  }
0x29: {  	_ =	sfence.sel $0x180000  }
0x2a: {  	[bflag:$0x0] =	sbarrier.arrive $0xFFFF  }
0x2b: {  	p0 =	sne.s32 s1, $0x0;
	_ =	strace $0x90000053  }
0x2c: {  	s0 =	sadd.s32 @!p0 $0x100000, s0;
	[bflag:$0x2] =	sbarrier.arrive $0xFFFF  }
0x2d: {  	[sflag:s0] =	ssyncadd.tile.s32 @!p0 $0x1;
	_ =	shalt  }
.Lfunc_end2:
_tile_overlayer_lowered:
.L_overlay_start_2:
0x2e: {  	(tag) =	ssettag $0x2  }
0x2f: {  	s0 =	rddreg [dreg:$0x0];
	s2 =	stileid.u32  }
0x30: {  	s1 =	rddreg [dreg:$0x1];
	p0 =	sne.s32 s2, $0x0  }
0x31: {  	s3 =	rddreg [dreg:$0x2];
	[bflag:$0x3] =	sbarrier.arrive $0xFFFF;
	s2 =	simm.s32 @!p0 $0x1C02  }
0x32: {  	[timem:s3], [sflag:s2] =	dma.local @!p0 [hbm:s0], s1  }
0x33: {  	s0 =	simm.s32 @!p0 $0x2  }
0x34: {  	_ =	swait.ge @!p0 [sflag:s0], s1  }
0x35: {  	s1 =	ssub.s32 @!p0 $0x0, s1;
	[sflag:s0] =	ssyncset.done @!p0 $0x0  }
0x36: {  	[sflag:s0] =	ssyncadd.s32 @!p0 s1  }
0x37: {  	[bflag:$0x3] =	sbarrier.arrive $0xFFFF  }
0x38: {  	_ =	shalt  }

// kernel: kernel.33.cloned.1.call-start
scs
__scs_entry_jumppad:
0x0: {  	(pc) =	sbr.rel $0x88, $3  }
0x1: {  	(tag) =	ssettag $0x0;
	lr =	simm.s32 $0x1  }
0x2: {  	[smem:$0x3F91] =	sst lr;
	_ =	strace $0xD0000000  }
0x3: {  	_ = 	snop  }
0x4: {  	_ = 	snop  }
0x5: {  	_ = 	snop  }
0x6: {  	_ = 	snop  }
0x7: {  	_ = 	snop  }
__scs_overlays_trampoline_lowered:
0x8: {  	[smem:$0x3FA0] =	sst s0  }
0x9: {  	[smem:$0x3FA1] =	sst s1  }
0xa: {  	[smem:$0x3FA2] =	sst s2  }
0xb: {  	[smem:$0x3FA3] =	sst s3  }
0xc: {  	[smem:$0x3FA4] =	sst s4  }
0xd: {  	[smem:$0x3FA5] =	sst s5  }
0xe: {  	[smem:$0x3FA6] =	sst s6  }
0xf: {  	[smem:$0x3FA7] =	sst s7  }
0x10: {  	[smem:$0x3FA8] =	sst s8  }
0x11: {  	[smem:$0x3FA9] =	sst s9;
	s0 =	simm.s32 @!p0 $0x0  }
0x12: {  	s1 =	sld [smem:$0x3F8F];
	s0 =	simm.s32 @p0 $0x1  }
0x13: {  	[smem:$0x3FAA] =	sst s0;
	s0 =	simm.s32 @!p1 $0x0  }
0x14: {  	s2 =	sld [smem:$0x3F8E];
	s0 =	simm.s32 @p1 $0x1  }
0x15: {  	[smem:$0x3FAB] =	sst s0;
	s0 =	simm.s32 @!p2 $0x0  }
0x16: {  	s3 =	sld [smem:$0x3FDB];
	s0 =	simm.s32 @p2 $0x1  }
0x17: {  	s4 =	simm.s32 $0x1BF5;
	[smem:$0x3FAD] =	sst s0  }
0x18: {  	s0 =	sld [smem:$0x3F90];
	_ =	swait.ge [sflag:s4], $0x0  }
0x19: {  	s7 =	sld [smem:$0x3F91]  }
0x1a: {  	s8 =	sadd.s32 $0xFFFFE003, lr  }
0x1b: {  	s9 =	sadd.s32 $0xFFFFFEF7, lr;
	s5 =	simm.s32 $0xFFFFFFFF;
	p2 =	slt.u32 s8, $0xFFFFF086  }
0x1c: {  	p1 =	slt.u32 s9, $0xF7A;
	s5 =	simm.s32 @!p2 $0x0  }
0x1d: {  	s5 =	simm.s32 @p1 $0x1;
	p0 =	seq.s32 s7, s2  }
0x1e: {  	s7 =	smul.u32 @!p0 $0xF7A, s2;
	p2 =	seq.s32 @!p0 s5, $0x0  }
0x1f: {  	s9 =	smul.u32 $0xF7A, s1;
	s8 =	simm.s32 @!p0 $0x1BF5;
	p2 =	por !p2, p0  }
0x20: {  	[sflag:s8] =	ssyncset.s32 @!p0 $0xFFFFF086;
	s6 =	sadd.s32 @!p0 s3, s7;
	s7 =	simm.s32 @!p0 $0x108  }
0x21: {  	s3 =	sadd.s32 s3, s9;
	s6 =	sadd.s32 @!p0 $0x88, s6;
	s7 =	simm.s32 @p2 $0x1082  }
0x22: {  	[simem:s7], [sflag:s8] =	dma.local @!p0 [hbm:s6], $0xF7A  }
0x23: {  	s9 =	sor.u32 $0xD0000000, s2;
	s6 =	simm.s32 $0x108;
	_ =	swait.ge @!p0 [sflag:s8], $0x0  }
0x24: {  	s3 =	sadd.s32 $0x88, s3;
	s6 =	simm.s32 @!p1 $0x1082;
	[sflag:s4] =	ssyncset.s32 $0xFFFFF086  }
0x25: {  	[simem:s6], [sflag:s4] =	dma.local [hbm:s3], $0xF7A  }
0x26: {  	[smem:$0x3F91] =	sst s1;
	(tag) =	ssettag s2;
	_ =	strace s9  }
0x27: {  	s1 =	sld [smem:$0x3FA1]  }
0x28: {  	s2 =	sld [smem:$0x3FA2]  }
0x29: {  	s4 =	sld [smem:$0x3FA4]  }
0x2a: {  	p0 =	seq.s32 s5, $0x0;
	s5 =	sld [smem:$0x3FA5]  }
0x2b: {  	s6 =	sld [smem:$0x3FA6]  }
0x2c: {  	s7 =	sld [smem:$0x3FA7]  }
0x2d: {  	s3 =	simm.s32 $0x108;
	s8 =	sld [smem:$0x3FA8]  }
0x2e: {  	s3 =	simm.s32 @!p0 $0x1082;
	s9 =	sld [smem:$0x3FA9]  }
0x2f: {  	lr =	sadd.s32 s0, s3;
	s0 =	sld [smem:$0x3FA0]  }
0x30: {  	s3 =	sld [smem:$0x3FA3]  }
0x31: {  	[smem:$0x3FAC] =	sst s10  }
0x32: {  	s10 =	sld [smem:$0x3FAA];
	_ =	sdelay $0x3  }
0x33: {  	p0 =	seq.s32 s10, $0x1;
	s10 =	sld [smem:$0x3FAC];
	_ =	sdelay $0x3  }
0x34: {  	[smem:$0x3FAC] =	sst s10  }
0x35: {  	s10 =	sld [smem:$0x3FAB];
	_ =	sdelay $0x3  }
0x36: {  	p1 =	seq.s32 s10, $0x1;
	s10 =	sld [smem:$0x3FAC];
	_ =	sdelay $0x3  }
0x37: {  	[smem:$0x3FAC] =	sst s10  }
0x38: {  	s10 =	sld [smem:$0x3FAD]  }
0x39: {  	_ = 	snop;
	(pc) =	sbr.ind lr, $3  }
0x3a: {  	_ = 	snop  }
0x3b: {  	_ = 	snop  }
0x3c: {  	p2 =	seq.s32 s10, $0x1;
	s10 =	sld [smem:$0x3FAC]  }
0x3d: {  	_ =	shalt  }
0x3e: {  	_ =	shalt  }
0x3f: {  	_ =	shalt  }
0x40: {  	_ =	shalt  }
0x41: {  	_ =	shalt  }
0x42: {  	_ =	shalt  }
0x43: {  	_ =	shalt  }
0x44: {  	_ =	shalt  }
0x45: {  	_ =	shalt  }
0x46: {  	_ =	shalt  }
0x47: {  	_ =	shalt  }
0x48: {  	_ =	shalt  }
0x49: {  	_ =	shalt  }
0x4a: {  	_ =	shalt  }
0x4b: {  	_ =	shalt  }
0x4c: {  	_ =	shalt  }
0x4d: {  	_ =	shalt  }
0x4e: {  	_ =	shalt  }
0x4f: {  	_ =	shalt  }
0x50: {  	_ =	shalt  }
0x51: {  	_ =	shalt  }
0x52: {  	_ =	shalt  }
0x53: {  	_ =	shalt  }
0x54: {  	_ =	shalt  }
0x55: {  	_ =	shalt  }
0x56: {  	_ =	shalt  }
0x57: {  	_ =	shalt  }
0x58: {  	_ =	shalt  }
0x59: {  	_ =	shalt  }
0x5a: {  	_ =	shalt  }
0x5b: {  	_ =	shalt  }
0x5c: {  	_ =	shalt  }
0x5d: {  	_ =	shalt  }
0x5e: {  	_ =	shalt  }
0x5f: {  	_ =	shalt  }
0x60: {  	_ =	shalt  }
0x61: {  	_ =	shalt  }
0x62: {  	_ =	shalt  }
0x63: {  	_ =	shalt  }
0x64: {  	_ =	shalt  }
0x65: {  	_ =	shalt  }
0x66: {  	_ =	shalt  }
0x67: {  	_ =	shalt  }
0x68: {  	_ =	shalt  }
0x69: {  	_ =	shalt  }
0x6a: {  	_ =	shalt  }
0x6b: {  	_ =	shalt  }
0x6c: {  	_ =	shalt  }
0x6d: {  	_ =	shalt  }
0x6e: {  	_ =	shalt  }
0x6f: {  	_ =	shalt  }
0x70: {  	_ =	shalt  }
0x71: {  	_ =	shalt  }
0x72: {  	_ =	shalt  }
0x73: {  	_ =	shalt  }
0x74: {  	_ =	shalt  }
0x75: {  	_ =	shalt  }
0x76: {  	_ =	shalt  }
0x77: {  	_ =	shalt  }
0x78: {  	_ =	shalt  }
0x79: {  	_ =	shalt  }
0x7a: {  	_ =	shalt  }
0x7b: {  	_ =	shalt  }
0x7c: {  	_ =	shalt  }
0x7d: {  	_ =	shalt  }
0x7e: {  	_ =	shalt  }
0x7f: {  	_ =	shalt  }
0x80: {  	_ =	shalt  }
0x81: {  	_ =	shalt  }
0x82: {  	_ =	shalt  }
0x83: {  	_ =	shalt  }
0x84: {  	_ =	shalt  }
0x85: {  	_ =	shalt  }
0x86: {  	_ =	shalt  }
0x87: {  	_ =	shalt  }
.Lfunc_end0:
.L_simem_size_0:
called_computation.5_lowered:
.L_overlay_start_0:
0x88: {  	s2 =	sld [smem:$0x3FD9]  }
0x89: {  	s3 =	sld [smem:$0x3FFE];
	_ =	sdelay $0x1  }
0x8a: {  	s1 =	srdreg.scid  }
0x8b: {  	s0 =	sand.u32 $0x1, s1  }
0x8c: {  	s16 =	sshll.u32 s0, $0xA;
	s2 =	sadd.s32 s3, s2  }
0x8d: {  	s2 =	sadd.s32 s2, s16  }
0x8e: {  	[smem:$0x3FB8] =	sst s2  }
0x8f: {  	_ = 	snop  }
0x90: {  	(tm) =	ssettm $0x1  }
0x91: {  	s17 =	sld [smem:$0x3FFB];
	_ =	sdelay $0x3  }
0x92: {  	_ =	strace s17  }
0x93: {  	s2 =	sld [smem:$0x3FFC];
	_ =	sdelay $0x3  }
0x94: {  	_ =	strace s2  }
0x95: {  	s2 =	sld [smem:$0x3FFD];
	_ =	sdelay $0x3  }
0x96: {  	_ =	strace s2  }
0x97: {  	_ =	strace $0x8FFFFFFF  }
0x98: {  	s18 =	sld [smem:$0x3FDB];
	_ =	sdelay $0x1  }
0x99: {  	s19 =	simm.s32 $_scs_section_size  }
0x9a: {  	s4 =	simm.s32 $_size__tile_overlayer_lowered;
	s5 =	simm.s32 $_tile_overlayer_lowered  }
0x9b: {  	s22 =	simm.s32 $0x1BFF;
	s21 =	sshll.u32 s5, $0x1;
	s2 =	sadd.s32 s19, s18  }
0x9c: {  	s6 =	simm.s32 $0x0;
	s20 =	sshll.u32 s4, $0x1;
	s4 =	sadd.s32 s21, s2  }
0x9d: {  	[timem:s6], [sflag:s22] =	dma.local [hbm:s4], s20  }
0x9e: {  	_ =	swait.ge [sflag:s22], s20  }
0x9f: {  	s3 =	ssub.s32 $0x0, s20;
	[sflag:s22] =	ssyncset.done $0x0  }
0xa0: {  	[sflag:s22] =	ssyncadd.s32 s3;
	_ =	sdelay $0x1  }
0xa1: {  	s23 =	simm.s32 $0x1B8B  }
0xa2: {  	_ =	swait.ge [sflag:s23], $0x1  }
0xa3: {  	[sflag:s23] =	ssyncset.done $0x0  }
0xa4: {  	s25 =	simm.s32 $0x1B8E;
	s24 =	sld [smem:$0x3FFE];
	[sflag:s23] =	ssyncadd.s32 $0xFFFFFFFF  }
0xa5: {  	s26 =	simm.s32 $execute0_lowered;
	[smem:$0x3FD2] =	sst s25  }
0xa6: {  	s4 =	sshll.u32 s26, $0x1;
	_ =	strace $0x80000055;
	[dreg:$0x1] =	wrdreg $0xFFFFFFFF  }
0xa7: {  	s28 =	simm.s32 $_size_execute0_lowered;
	s2 =	sadd.s32 s2, s4;
	[dreg:$0x0] =	wrdreg $0x0  }
0xa8: {  	s4 =	sshll.u32 s28, $0x1;
	[dreg:$0x2] =	wrdreg s2  }
0xa9: {  	[dreg:$0x3] =	wrdreg s4  }
0xaa: {  	[dreg:$0x4] =	wrdreg $0xC0  }
0xab: {  	_ =	task [dreg:s6], $0x5FFFF  }
0xac: {  	[dreg:$0x1] =	wrdreg $0xFFFFFFFF  }
0xad: {  	[dreg:$0x0] =	wrdreg $0x60  }
0xae: {  	[dreg:$0x2] =	wrdreg s24  }
0xaf: {  	[dreg:$0x3] =	wrdreg $0x59000  }
0xb0: {  	[dreg:$0x4] =	wrdreg $0x9  }
0xb1: {  	_ =	task.clear_ibuf [dreg:s6], $0x5FFFF;
	_ =	strace $0x90000055  }
0xb2: {  	s29 =	simm.s32 $0x9;
	_ =	strace $0x80000057  }
0xb3: {  	_ =	swait.ge [sflag:s29], $0x1  }
0xb4: {  	[sflag:s29] =	ssyncadd.s32 $0xFFFFFFFF  }
0xb5: {  	_ =	strace $0x90000057  }
0xb6: {  	_ =	sfence  }
0xb7: {  	s30 =	sld [smem:$0x0];
	_ =	sdelay $0x2  }
0xb8: {  	s31 =	sshll.u32 s1, $0xD;
	s1 =	sshrl.u32 s1, $0x2  }
0xb9: {  	s3 =	sand.u32 $0x4000, s31;
	s1 =	sadd.s32 s1, s30  }
0xba: {  	s0 =	sor.u32 s3, s0;
	s1 =	sshll.u32 s1, $0x11  }
0xbb: {  	s0 =	sor.u32 s1, s0  }
0xbc: {  	s0 =	sadd.s32 $0x8F2B, s0  }
0xbd: {  	[sflag:s0] =	ssyncadd.remote.s32 $0x1  }
0xbe: {  	_ =	sfence.sel $0xFFFF  }
0xbf: {  	[dreg:$0x0] =	wrdreg $0xFFFFFFFF;
	(pc) =	sbr.abs _section_cstart, $3  }
0xc0: {  	[dreg:$0x1] =	wrdreg $0xFFFFFFFF  }
0xc1: {  	_ =	task.clear_ibuf [dreg:s6], $0x2FFFF;
	_ =	strace $0x9FFFFFFF  }
0xc2: {  	(tm) =	ssettm $0x7FFFFFFF  }
0xc3: {  	_ =	shalt  }
tec
execute0_lowered:
.L_overlay_start_1:
0x0: {  	(tag) =	ssettag $0x1  }
0x1: {  	s5 =	rddreg [dreg:$0x0];
	s1 =	stileid.u32  }
0x2: {  	s2 =	rddreg [dreg:$0x1];
	s4 =	smul.u32 $0x61C00, s1  }
0x3: {  	s0 =	rddreg [dreg:$0x2];
	s3 =	simm.s32 $0x0;
	s6 =	smul.u32 $0x1870, s1  }
0x4: {  	s28 =	srdreg.scid;
	s20 =	simm.s32 $0x100;
	s7 =	smul.u32 $0x62000, s1  }
0x5: {  	s21 =	simm.s32 $0x80;
	s25 =	simm.s32 $0x0;
	s12 =	smul.u32 $0x620, s1  }
0x6: {  	[smem:$0x7FF] =	sst s3;
	s9 =	sand.u32 $0x1, s28;
	s14 =	smul.u32 $0x187, s1  }
0x7: {  	s13 =	sadd.s32 $0x290400, s5;
	p0 =	seq.s32 s1, $0xF;
	s23 =	smul.u32 $0x61A8, s9  }
0x8: {  	_ =	strace $0x80000056;
	s18 =	smul.u32 $0x186A00, s9;
	s24 =	sshll.u32 @!p0 s1, $0x6  }
0x9: {  	s16 =	sadd.s32 s4, s5;
	s17 =	sadd.s32 s6, s5;
	s4 =	sadd.s32 $0x28FC00, s5  }
0xa: {  	s6 =	ssub.s32 $0x2, s9;
	s29 =	sshrl.u32 s7, $0x2;
	s14 =	ssub.s32 $0x186A, s14  }
0xb: {  	s30 =	sshrl.u32 s6, $0x1;
	s5 =	sadd.s32 s29, s2;
	s19 =	sadd.s32 s12, s23  }
0xc: {  	s18 =	sshrl.u32 s18, $0x3;
	s12 =	smin.u32 s14, $0x187;
	s16 =	sadd.s32 $0x235D400, s16  }
0xd: {  	s17 =	sadd.s32 $0x1F400, s17;
	v0 =	vmov s23;
	s23 =	sor.u32 @!p0 $0x1C01, s24;
	s15 =	ssub.s32 s6, s30  }
0xe: {  	s6 =	sadd.s32 $0x3800, s5;
	s7 =	sadd.s32 $0x7000, s5;
	s8 =	sadd.s32 $0xA800, s5  }
0xf: {  	s9 =	sadd.s32 $0xE000, s5;
	s10 =	sadd.s32 $0x11800, s5;
	s11 =	sadd.s32 $0x15000, s5  }
0x10: {  	s31 =	sshll.u32 s19, $0x3;
	s18 =	sadd.s32 s13, s18;
	s19 =	simm.s32 $0x1  }
0x11: {  	s22 =	sshrl.u32 @p0 s5, $0x3;
	s24 =	sshrl.u32 @!p0 s5, $0x3;
	s13 =	sadd.s32 s13, s31  }
0x12: {  	s14 =	sadd.s32 $0x2DF00, s18;
	s15 =	smax.u32 s15, $0x1;
	s18 =	simm.s32 $0x2100  }
.LBB2_1:
0x13: {  	[tilespmem:s18], [sflag:$0x1] =	stream.linear.gather [hbm4b:s4+s3], $0x3800, $0x38;
	[tilespmem:$0x1E100] =	vst v63  }
0x14: {  	_ =	swait.ge [sflag:s19], $0x3800  }
0x15: {  	[sflag:s19] =	ssyncset.done $0x0  }
0x16: {  	[sflag:s19] =	ssyncadd.s32 $0xFFFFC800  }
0x17: {  	[spmem:s5] =	stream.linear.scatter [tilespmem:s18], [sflag:$0x1], $0x3800, $0x38;
	[tilespmem:$0x1E100] =	vst v63  }
0x18: {  	_ =	swait.ge [sflag:s19], $0x3800  }
0x19: {  	[sflag:s19] =	ssyncset.done $0x0  }
0x1a: {  	[sflag:s19] =	ssyncadd.s32 $0xFFFFC800  }
0x1b: {  	[spmem:s6] =	stream.linear.scatter [tilespmem:s18], [sflag:$0x1], $0x3800, $0x38;
	[tilespmem:$0x1E100] =	vst v63  }
0x1c: {  	_ =	swait.ge [sflag:s19], $0x3800  }
0x1d: {  	[sflag:s19] =	ssyncset.done $0x0  }
0x1e: {  	[sflag:s19] =	ssyncadd.s32 $0xFFFFC800  }
0x1f: {  	[spmem:s7] =	stream.linear.scatter [tilespmem:s18], [sflag:$0x1], $0x3800, $0x38;
	[tilespmem:$0x1E100] =	vst v63  }
0x20: {  	_ =	swait.ge [sflag:s19], $0x3800  }
0x21: {  	[sflag:s19] =	ssyncset.done $0x0  }
0x22: {  	[sflag:s19] =	ssyncadd.s32 $0xFFFFC800  }
0x23: {  	[spmem:s8] =	stream.linear.scatter [tilespmem:s18], [sflag:$0x1], $0x3800, $0x38;
	[tilespmem:$0x1E100] =	vst v63  }
0x24: {  	_ =	swait.ge [sflag:s19], $0x3800  }
0x25: {  	[sflag:s19] =	ssyncset.done $0x0  }
0x26: {  	[sflag:s19] =	ssyncadd.s32 $0xFFFFC800  }
0x27: {  	[spmem:s9] =	stream.linear.scatter [tilespmem:s18], [sflag:$0x1], $0x3800, $0x38;
	[tilespmem:$0x1E100] =	vst v63  }
0x28: {  	_ =	swait.ge [sflag:s19], $0x3800  }
0x29: {  	[sflag:s19] =	ssyncset.done $0x0  }
0x2a: {  	[sflag:s19] =	ssyncadd.s32 $0xFFFFC800  }
0x2b: {  	[spmem:s10] =	stream.linear.scatter [tilespmem:s18], [sflag:$0x1], $0x3800, $0x38;
	[tilespmem:$0x1E100] =	vst v63  }
0x2c: {  	_ =	swait.ge [sflag:s19], $0x3800  }
0x2d: {  	[sflag:s19] =	ssyncset.done $0x0  }
0x2e: {  	p2 =	sne.s32 s12, $0x1;
	[sflag:s19] =	ssyncadd.s32 $0xFFFFC800  }
0x2f: {  	[spmem:s11] =	stream.linear.scatter [tilespmem:s18], [sflag:$0x1], $0x3800, $0x38;
	[tilespmem:$0x1E100] =	vst v63  }
.Ltmp0:
0x30: {  	_ =	swait.ge [sflag:s19], $0x3800;
	(pc) =	sbr.rel @!p2 .LBB2_4-.Ltmp0, $4  }
0x31: {  	[sflag:s19] =	ssyncset.done $0x0  }
0x32: {  	[sflag:s19] =	ssyncadd.s32 $0xFFFFC800  }
0x33: {  	s29 =	sadd.s32 $0xFFFFFFFF, s12;
	[bflag:$0x0] =	sbarrier.arrive $0xFFFF  }
0x34: {  	p1 =	por $0x0, $0x0;
	s28 =	smov.u32 s17;
	s26 =	smov.u32 s16  }
0x35: {  	[tilespmem:s3], [sflag:$0x1] =	stream.linear.gather [hbm4b:s17+s3], $0x80, $0x38;
	[tilespmem:$0x1E100] =	vst v63  }
0x36: {  	_ =	swait.ge [sflag:s19], $0x80  }
0x37: {  	[sflag:s19] =	ssyncset.done $0x0  }
0x38: {  	[sflag:s19] =	ssyncadd.s32 $0xFFFFFF80  }
0x39: {  	[tilespmem:s20], [sflag:$0x1] =	stream.linear.gather [hbm4b:s16+s3], $0x2000, $0x38;
	[tilespmem:$0x1E100] =	vst v63  }
0x3a: {  	_ =	swait.ge [sflag:s19], $0x2000  }
0x3b: {  	[sflag:s19] =	ssyncset.done $0x0  }
0x3c: {  	[sflag:s19] =	ssyncadd.s32 $0xFFFFE000  }
0x3d: {  	v1 =	vld [tilespmem:$0x20]  }
0x3e: {  	v2 =	vld [tilespmem:$0x30]  }
0x3f: {  	v3 =	vld [tilespmem:$0x50]  }
0x40: {  	v4 =	vld [tilespmem:$0x10]  }
0x41: {  	v5 =	vld [tilespmem:$0x40]  }
0x42: {  	v6 =	vld [tilespmem:$0x0];
	v1 =	vsub.s32 v1, v0  }
0x43: {  	v7 =	vld [tilespmem:$0x60];
	v2 =	vsub.s32 v2, v0;
	v1 =	vmin.u32 v1, $0x61A8  }
0x44: {  	p2 =	sne.s32 s29, $0x1;
	[tilespmem:$0xA0] =	vst v1;
	v1 =	vmin.u32 v2, $0x61A8;
	v2 =	vsub.s32 v3, v0;
	v3 =	vld [tilespmem:$0x70]  }
.Ltmp1:
0x45: {  	v4 =	vsub.s32 v4, v0;
	[tilespmem:$0xB0] =	vst v1;
	v1 =	vmin.u32 v2, $0x61A8;
	(pc) =	sbr.rel @!p2 .LBB2_4-.Ltmp1, $4  }
0x46: {  	v63 =	vsub.s32 v5, v0;
	v2 =	vmin.u32 v4, $0x61A8;
	[tilespmem:$0xD0] =	vst v1  }
0x47: {  	v1 =	vsub.s32 v6, v0;
	[tilespmem:$0x90] =	vst v2;
	v2 =	vmin.u32 v63, $0x61A8  }
0x48: {  	s26 =	sadd.s32 $0x400, s16;
	s28 =	sadd.s32 $0x10, s17;
	s29 =	sadd.s32 $0xFFFFFFFF, s29;
	v1 =	vmin.u32 v1, $0x61A8;
	[tilespmem:$0xC0] =	vst v2;
	v2 =	vsub.s32 v7, v0  }
0x49: {  	p1 =	por $0x1, $0x1;
	s30 =	smov.u32 s26;
	s31 =	smov.u32 s28;
	[tilespmem:$0x80] =	vst v1;
	v1 =	vmin.u32 v2, $0x61A8;
	v2 =	vsub.s32 v3, v0  }
.LBB2_3:
0x4a: {  	p2 =	sne.s32 s29, $0x1;
	s30 =	sadd.s32 $0x400, s30;
	s31 =	sadd.s32 $0x10, s31;
	[tilespmem:$0xE0] =	vst v1;
	v1 =	vmin.u32 v2, $0x61A8  }
0x4b: {  	s29 =	sadd.s32 $0xFFFFFFFF, s29;
	[tilespmem:$0xF0] =	vst v1  }
0x4c: {  	[spmem:s2] =	stream.indirect.scatter.add.f32 [tilespmem:s20], [sflag:$0x1], $0x40, s21, s21, $0xb8;
	[tilespmem:$0x1E100] =	vst v63  }
0x4d: {  	_ =	swait.ge [sflag:s19], $0x2000  }
0x4e: {  	[sflag:s19] =	ssyncset.done $0x0  }
0x4f: {  	[sflag:s19] =	ssyncadd.s32 $0xFFFFE000  }
0x50: {  	[tilespmem:s3], [sflag:$0x1] =	stream.linear.gather [hbm4b:s28+s3], $0x80, $0x38;
	[tilespmem:$0x1E100] =	vst v63  }
0x51: {  	s28 =	smov.u32 s31;
	_ =	swait.ge [sflag:s19], $0x80  }
0x52: {  	[sflag:s19] =	ssyncset.done $0x0  }
0x53: {  	[sflag:s19] =	ssyncadd.s32 $0xFFFFFF80  }
0x54: {  	[tilespmem:s20], [sflag:$0x1] =	stream.linear.gather [hbm4b:s26+s3], $0x2000, $0x38;
	[tilespmem:$0x1E100] =	vst v63  }
0x55: {  	s26 =	smov.u32 s30;
	_ =	swait.ge [sflag:s19], $0x2000  }
0x56: {  	[sflag:s19] =	ssyncset.done $0x0  }
0x57: {  	[sflag:s19] =	ssyncadd.s32 $0xFFFFE000  }
0x58: {  	v1 =	vld [tilespmem:$0x20]  }
0x59: {  	v2 =	vld [tilespmem:$0x30]  }
0x5a: {  	v3 =	vld [tilespmem:$0x50]  }
0x5b: {  	v4 =	vld [tilespmem:$0x10]  }
0x5c: {  	v5 =	vld [tilespmem:$0x40]  }
0x5d: {  	v6 =	vld [tilespmem:$0x0];
	v1 =	vsub.s32 v1, v0  }
0x5e: {  	v1 =	vmin.u32 v1, $0x61A8;
	v2 =	vsub.s32 v2, v0;
	v7 =	vld [tilespmem:$0x60]  }
0x5f: {  	[tilespmem:$0xA0] =	vst v1;
	v1 =	vmin.u32 v2, $0x61A8;
	v2 =	vsub.s32 v3, v0;
	v3 =	vld [tilespmem:$0x70]  }
.Ltmp2:
0x60: {  	v4 =	vsub.s32 v4, v0;
	[tilespmem:$0xB0] =	vst v1;
	v1 =	vmin.u32 v2, $0x61A8;
	(pc) =	sbr.rel @p2 .LBB2_3-.Ltmp2, $4  }
0x61: {  	v2 =	vmin.u32 v4, $0x61A8;
	v4 =	vsub.s32 v5, v0;
	[tilespmem:$0xD0] =	vst v1  }
0x62: {  	v1 =	vsub.s32 v6, v0;
	[tilespmem:$0x90] =	vst v2;
	v2 =	vmin.u32 v4, $0x61A8  }
0x63: {  	v1 =	vmin.u32 v1, $0x61A8;
	[tilespmem:$0xC0] =	vst v2;
	v2 =	vsub.s32 v7, v0  }
0x64: {  	[tilespmem:$0x80] =	vst v1;
	v1 =	vmin.u32 v2, $0x61A8;
	v2 =	vsub.s32 v3, v0  }
.LBB2_4:
0x65: {  	[tilespmem:$0xE0] =	vst @p1 v1;
	v1 =	vmin.u32 @p1 v2, $0x61A8  }
0x66: {  	[tilespmem:$0xF0] =	vst @p1 v1  }
0x67: {  	[spmem:s2] =	stream.indirect.scatter.add.f32 @p1 [tilespmem:s20], [sflag:$0x1], $0x40, s21, s21, $0xb8;
	[tilespmem:$0x1E100] =	vst v63  }
0x68: {  	_ =	swait.ge @p1 [sflag:s19], $0x2000  }
0x69: {  	[sflag:s19] =	ssyncset.done @p1 $0x0  }
0x6a: {  	[sflag:s19] =	ssyncadd.s32 @p1 $0xFFFFE000  }
0x6b: {  	[tilespmem:s3], [sflag:$0x1] =	stream.linear.gather [hbm4b:s28+s3], $0x80, $0x38;
	[tilespmem:$0x1E100] =	vst v63  }
0x6c: {  	_ =	swait.ge [sflag:s19], $0x80  }
0x6d: {  	[sflag:s19] =	ssyncset.done $0x0  }
0x6e: {  	[sflag:s19] =	ssyncadd.s32 $0xFFFFFF80  }
0x6f: {  	[tilespmem:s20], [sflag:$0x1] =	stream.linear.gather [hbm4b:s26+s3], $0x2000, $0x38;
	[tilespmem:$0x1E100] =	vst v63  }
0x70: {  	_ =	swait.ge [sflag:s19], $0x2000  }
0x71: {  	[sflag:s19] =	ssyncset.done $0x0  }
0x72: {  	[sflag:s19] =	ssyncadd.s32 $0xFFFFE000  }
0x73: {  	v1 =	vld [tilespmem:$0x20]  }
0x74: {  	v2 =	vld [tilespmem:$0x30]  }
0x75: {  	v3 =	vld [tilespmem:$0x50]  }
0x76: {  	v4 =	vld [tilespmem:$0x10]  }
0x77: {  	v5 =	vld [tilespmem:$0x40]  }
0x78: {  	v6 =	vld [tilespmem:$0x0];
	v1 =	vsub.s32 v1, v0  }
0x79: {  	v7 =	vld [tilespmem:$0x60];
	v2 =	vsub.s32 v2, v0;
	v1 =	vmin.u32 v1, $0x61A8  }
0x7a: {  	[tilespmem:$0xA0] =	vst v1;
	v1 =	vmin.u32 v2, $0x61A8;
	v2 =	vsub.s32 v3, v0;
	v3 =	vld [tilespmem:$0x70]  }
0x7b: {  	v4 =	vsub.s32 v4, v0;
	[tilespmem:$0xB0] =	vst v1;
	v1 =	vmin.u32 v2, $0x61A8  }
0x7c: {  	v63 =	vsub.s32 v5, v0;
	v2 =	vmin.u32 v4, $0x61A8;
	[tilespmem:$0xD0] =	vst v1  }
0x7d: {  	v1 =	vsub.s32 v6, v0;
	[tilespmem:$0x90] =	vst v2;
	v2 =	vmin.u32 v63, $0x61A8  }
0x7e: {  	v1 =	vmin.u32 v1, $0x61A8;
	[tilespmem:$0xC0] =	vst v2;
	v2 =	vsub.s32 v7, v0  }
0x7f: {  	[tilespmem:$0x80] =	vst v1;
	v1 =	vmin.u32 v2, $0x61A8;
	v2 =	vsub.s32 v3, v0  }
0x80: {  	[tilespmem:$0xE0] =	vst v1;
	v1 =	vmin.u32 v2, $0x61A8  }
0x81: {  	[tilespmem:$0xF0] =	vst v1  }
0x82: {  	[spmem:s2] =	stream.indirect.scatter.add.f32 [tilespmem:s20], [sflag:$0x1], $0x40, s21, s21, $0xb8;
	[tilespmem:$0x1E100] =	vst v63  }
0x83: {  	_ =	swait.ge [sflag:s19], $0x2000  }
0x84: {  	[sflag:s19] =	ssyncset.done $0x0  }
0x85: {  	[sflag:s19] =	ssyncadd.s32 $0xFFFFE000  }
0x86: {  	s26 =	simm.s32 @p0 $0x1FC1;
	[bflag:$0x0] =	sbarrier.arrive $0xFFFF  }
0x87: {  	[hbm:s14], [sflag:s26] =	dma.local @p0 [spmem:s22], $0x2E40  }
0x88: {  	s26 =	simm.s32 @p0 $0x1  }
0x89: {  	s25 =	sadd.s32 $0x1, s25;
	_ =	swait.ge @p0 [sflag:s26], $0x2E40  }
0x8a: {  	p1 =	sne.s32 s25, s15;
	[sflag:s26] =	ssyncset.done @p0 $0x0  }
.Ltmp3:
0x8b: {  	[sflag:s26] =	ssyncadd.s32 @p0 $0xFFFFD1C0;
	s26 =	simm.s32 @!p0 $0x1;
	(pc) =	sbr.rel @p1 .LBB2_1-.Ltmp3, $4  }
0x8c: {  	[hbm:s13], [sflag:s23] =	dma.local @!p0 [spmem:s24], $0x3100  }
0x8d: {  	_ =	swait.ge @!p0 [sflag:s26], $0x3100  }
0x8e: {  	[sflag:s26] =	ssyncset.done @!p0 $0x0  }
0x8f: {  	[sflag:s26] =	ssyncadd.s32 @!p0 $0xFFFFCF00  }
0x90: {  	_ =	sfence.sel $0x180000  }
0x91: {  	[bflag:$0x0] =	sbarrier.arrive $0xFFFF  }
0x92: {  	p0 =	sne.s32 s1, $0x0;
	_ =	strace $0x90000056  }
0x93: {  	s0 =	sadd.s32 @!p0 $0x100000, s0;
	[bflag:$0x2] =	sbarrier.arrive $0xFFFF  }
0x94: {  	[sflag:s0] =	ssyncadd.tile.s32 @!p0 $0x1;
	_ =	shalt  }
.Lfunc_end2:
_tile_overlayer_lowered:
.L_overlay_start_2:
0x95: {  	(tag) =	ssettag $0x2  }
0x96: {  	s0 =	rddreg [dreg:$0x0];
	s2 =	stileid.u32  }
0x97: {  	s1 =	rddreg [dreg:$0x1];
	p0 =	sne.s32 s2, $0x0  }
0x98: {  	s3 =	rddreg [dreg:$0x2];
	[bflag:$0x3] =	sbarrier.arrive $0xFFFF;
	s2 =	simm.s32 @!p0 $0x1C01  }
0x99: {  	[timem:s3], [sflag:s2] =	dma.local @!p0 [hbm:s0], s1  }
0x9a: {  	s0 =	simm.s32 @!p0 $0x1  }
0x9b: {  	_ =	swait.ge @!p0 [sflag:s0], s1  }
0x9c: {  	s1 =	ssub.s32 @!p0 $0x0, s1;
	[sflag:s0] =	ssyncset.done @!p0 $0x0  }
0x9d: {  	[sflag:s0] =	ssyncadd.s32 @!p0 s1  }
0x9e: {  	[bflag:$0x3] =	sbarrier.arrive $0xFFFF  }
0x9f: {  	_ =	shalt  }

// kernel: kernel.36.cloned.1.call-start
scs
__scs_entry_jumppad:
0x0: {  	(pc) =	sbr.rel $0x88, $3  }
0x1: {  	(tag) =	ssettag $0x0;
	lr =	simm.s32 $0x1  }
0x2: {  	[smem:$0x3F91] =	sst lr;
	_ =	strace $0xD0000000  }
0x3: {  	_ = 	snop  }
0x4: {  	_ = 	snop  }
0x5: {  	_ = 	snop  }
0x6: {  	_ = 	snop  }
0x7: {  	_ = 	snop  }
__scs_overlays_trampoline_lowered:
0x8: {  	[smem:$0x3FA0] =	sst s0  }
0x9: {  	[smem:$0x3FA1] =	sst s1  }
0xa: {  	[smem:$0x3FA2] =	sst s2  }
0xb: {  	[smem:$0x3FA3] =	sst s3  }
0xc: {  	[smem:$0x3FA4] =	sst s4  }
0xd: {  	[smem:$0x3FA5] =	sst s5  }
0xe: {  	[smem:$0x3FA6] =	sst s6  }
0xf: {  	[smem:$0x3FA7] =	sst s7  }
0x10: {  	[smem:$0x3FA8] =	sst s8  }
0x11: {  	[smem:$0x3FA9] =	sst s9;
	s0 =	simm.s32 @!p0 $0x0  }
0x12: {  	s1 =	sld [smem:$0x3F8F];
	s0 =	simm.s32 @p0 $0x1  }
0x13: {  	[smem:$0x3FAA] =	sst s0;
	s0 =	simm.s32 @!p1 $0x0  }
0x14: {  	s2 =	sld [smem:$0x3F8E];
	s0 =	simm.s32 @p1 $0x1  }
0x15: {  	[smem:$0x3FAB] =	sst s0;
	s0 =	simm.s32 @!p2 $0x0  }
0x16: {  	s3 =	sld [smem:$0x3FDB];
	s0 =	simm.s32 @p2 $0x1  }
0x17: {  	s4 =	simm.s32 $0x1BF5;
	[smem:$0x3FAD] =	sst s0  }
0x18: {  	s0 =	sld [smem:$0x3F90];
	_ =	swait.ge [sflag:s4], $0x0  }
0x19: {  	s7 =	sld [smem:$0x3F91]  }
0x1a: {  	s8 =	sadd.s32 $0xFFFFE003, lr  }
0x1b: {  	s9 =	sadd.s32 $0xFFFFFEF7, lr;
	s5 =	simm.s32 $0xFFFFFFFF;
	p2 =	slt.u32 s8, $0xFFFFF086  }
0x1c: {  	p1 =	slt.u32 s9, $0xF7A;
	s5 =	simm.s32 @!p2 $0x0  }
0x1d: {  	s5 =	simm.s32 @p1 $0x1;
	p0 =	seq.s32 s7, s2  }
0x1e: {  	s7 =	smul.u32 @!p0 $0xF7A, s2;
	p2 =	seq.s32 @!p0 s5, $0x0  }
0x1f: {  	s9 =	smul.u32 $0xF7A, s1;
	s8 =	simm.s32 @!p0 $0x1BF5;
	p2 =	por !p2, p0  }
0x20: {  	[sflag:s8] =	ssyncset.s32 @!p0 $0xFFFFF086;
	s6 =	sadd.s32 @!p0 s3, s7;
	s7 =	simm.s32 @!p0 $0x108  }
0x21: {  	s3 =	sadd.s32 s3, s9;
	s6 =	sadd.s32 @!p0 $0x88, s6;
	s7 =	simm.s32 @p2 $0x1082  }
0x22: {  	[simem:s7], [sflag:s8] =	dma.local @!p0 [hbm:s6], $0xF7A  }
0x23: {  	s9 =	sor.u32 $0xD0000000, s2;
	s6 =	simm.s32 $0x108;
	_ =	swait.ge @!p0 [sflag:s8], $0x0  }
0x24: {  	s3 =	sadd.s32 $0x88, s3;
	s6 =	simm.s32 @!p1 $0x1082;
	[sflag:s4] =	ssyncset.s32 $0xFFFFF086  }
0x25: {  	[simem:s6], [sflag:s4] =	dma.local [hbm:s3], $0xF7A  }
0x26: {  	[smem:$0x3F91] =	sst s1;
	(tag) =	ssettag s2;
	_ =	strace s9  }
0x27: {  	s1 =	sld [smem:$0x3FA1]  }
0x28: {  	s2 =	sld [smem:$0x3FA2]  }
0x29: {  	s4 =	sld [smem:$0x3FA4]  }
0x2a: {  	p0 =	seq.s32 s5, $0x0;
	s5 =	sld [smem:$0x3FA5]  }
0x2b: {  	s6 =	sld [smem:$0x3FA6]  }
0x2c: {  	s7 =	sld [smem:$0x3FA7]  }
0x2d: {  	s3 =	simm.s32 $0x108;
	s8 =	sld [smem:$0x3FA8]  }
0x2e: {  	s3 =	simm.s32 @!p0 $0x1082;
	s9 =	sld [smem:$0x3FA9]  }
0x2f: {  	lr =	sadd.s32 s0, s3;
	s0 =	sld [smem:$0x3FA0]  }
0x30: {  	s3 =	sld [smem:$0x3FA3]  }
0x31: {  	[smem:$0x3FAC] =	sst s10  }
0x32: {  	s10 =	sld [smem:$0x3FAA];
	_ =	sdelay $0x3  }
0x33: {  	p0 =	seq.s32 s10, $0x1;
	s10 =	sld [smem:$0x3FAC];
	_ =	sdelay $0x3  }
0x34: {  	[smem:$0x3FAC] =	sst s10  }
0x35: {  	s10 =	sld [smem:$0x3FAB];
	_ =	sdelay $0x3  }
0x36: {  	p1 =	seq.s32 s10, $0x1;
	s10 =	sld [smem:$0x3FAC];
	_ =	sdelay $0x3  }
0x37: {  	[smem:$0x3FAC] =	sst s10  }
0x38: {  	s10 =	sld [smem:$0x3FAD]  }
0x39: {  	_ = 	snop;
	(pc) =	sbr.ind lr, $3  }
0x3a: {  	_ = 	snop  }
0x3b: {  	_ = 	snop  }
0x3c: {  	p2 =	seq.s32 s10, $0x1;
	s10 =	sld [smem:$0x3FAC]  }
0x3d: {  	_ =	shalt  }
0x3e: {  	_ =	shalt  }
0x3f: {  	_ =	shalt  }
0x40: {  	_ =	shalt  }
0x41: {  	_ =	shalt  }
0x42: {  	_ =	shalt  }
0x43: {  	_ =	shalt  }
0x44: {  	_ =	shalt  }
0x45: {  	_ =	shalt  }
0x46: {  	_ =	shalt  }
0x47: {  	_ =	shalt  }
0x48: {  	_ =	shalt  }
0x49: {  	_ =	shalt  }
0x4a: {  	_ =	shalt  }
0x4b: {  	_ =	shalt  }
0x4c: {  	_ =	shalt  }
0x4d: {  	_ =	shalt  }
0x4e: {  	_ =	shalt  }
0x4f: {  	_ =	shalt  }
0x50: {  	_ =	shalt  }
0x51: {  	_ =	shalt  }
0x52: {  	_ =	shalt  }
0x53: {  	_ =	shalt  }
0x54: {  	_ =	shalt  }
0x55: {  	_ =	shalt  }
0x56: {  	_ =	shalt  }
0x57: {  	_ =	shalt  }
0x58: {  	_ =	shalt  }
0x59: {  	_ =	shalt  }
0x5a: {  	_ =	shalt  }
0x5b: {  	_ =	shalt  }
0x5c: {  	_ =	shalt  }
0x5d: {  	_ =	shalt  }
0x5e: {  	_ =	shalt  }
0x5f: {  	_ =	shalt  }
0x60: {  	_ =	shalt  }
0x61: {  	_ =	shalt  }
0x62: {  	_ =	shalt  }
0x63: {  	_ =	shalt  }
0x64: {  	_ =	shalt  }
0x65: {  	_ =	shalt  }
0x66: {  	_ =	shalt  }
0x67: {  	_ =	shalt  }
0x68: {  	_ =	shalt  }
0x69: {  	_ =	shalt  }
0x6a: {  	_ =	shalt  }
0x6b: {  	_ =	shalt  }
0x6c: {  	_ =	shalt  }
0x6d: {  	_ =	shalt  }
0x6e: {  	_ =	shalt  }
0x6f: {  	_ =	shalt  }
0x70: {  	_ =	shalt  }
0x71: {  	_ =	shalt  }
0x72: {  	_ =	shalt  }
0x73: {  	_ =	shalt  }
0x74: {  	_ =	shalt  }
0x75: {  	_ =	shalt  }
0x76: {  	_ =	shalt  }
0x77: {  	_ =	shalt  }
0x78: {  	_ =	shalt  }
0x79: {  	_ =	shalt  }
0x7a: {  	_ =	shalt  }
0x7b: {  	_ =	shalt  }
0x7c: {  	_ =	shalt  }
0x7d: {  	_ =	shalt  }
0x7e: {  	_ =	shalt  }
0x7f: {  	_ =	shalt  }
0x80: {  	_ =	shalt  }
0x81: {  	_ =	shalt  }
0x82: {  	_ =	shalt  }
0x83: {  	_ =	shalt  }
0x84: {  	_ =	shalt  }
0x85: {  	_ =	shalt  }
0x86: {  	_ =	shalt  }
0x87: {  	_ =	shalt  }
.Lfunc_end0:
.L_simem_size_0:
called_computation.6_lowered:
.L_overlay_start_0:
0x88: {  	s2 =	sld [smem:$0x3FD9]  }
0x89: {  	s3 =	sld [smem:$0x3FFE];
	_ =	sdelay $0x1  }
0x8a: {  	s1 =	srdreg.scid  }
0x8b: {  	s0 =	sand.u32 $0x1, s1  }
0x8c: {  	s16 =	sshll.u32 s0, $0xA;
	s2 =	sadd.s32 s3, s2  }
0x8d: {  	s2 =	sadd.s32 s2, s16  }
0x8e: {  	[smem:$0x3FB8] =	sst s2  }
0x8f: {  	_ = 	snop  }
0x90: {  	(tm) =	ssettm $0x1  }
0x91: {  	s17 =	sld [smem:$0x3FFB];
	_ =	sdelay $0x3  }
0x92: {  	_ =	strace s17  }
0x93: {  	s2 =	sld [smem:$0x3FFC];
	_ =	sdelay $0x3  }
0x94: {  	_ =	strace s2  }
0x95: {  	s2 =	sld [smem:$0x3FFD];
	_ =	sdelay $0x3  }
0x96: {  	_ =	strace s2  }
0x97: {  	_ =	strace $0x8FFFFFFF  }
0x98: {  	s18 =	sld [smem:$0x3FDB];
	_ =	sdelay $0x1  }
0x99: {  	s19 =	simm.s32 $_scs_section_size  }
0x9a: {  	s4 =	simm.s32 $_size__tile_overlayer_lowered;
	s5 =	simm.s32 $_tile_overlayer_lowered  }
0x9b: {  	s22 =	simm.s32 $0x1BFF;
	s21 =	sshll.u32 s5, $0x1;
	s2 =	sadd.s32 s19, s18  }
0x9c: {  	s6 =	simm.s32 $0x0;
	s20 =	sshll.u32 s4, $0x1;
	s4 =	sadd.s32 s21, s2  }
0x9d: {  	[timem:s6], [sflag:s22] =	dma.local [hbm:s4], s20  }
0x9e: {  	_ =	swait.ge [sflag:s22], s20  }
0x9f: {  	s3 =	ssub.s32 $0x0, s20;
	[sflag:s22] =	ssyncset.done $0x0  }
0xa0: {  	[sflag:s22] =	ssyncadd.s32 s3;
	_ =	sdelay $0x1  }
0xa1: {  	s23 =	simm.s32 $0x1B8B  }
0xa2: {  	_ =	swait.ge [sflag:s23], $0x1  }
0xa3: {  	[sflag:s23] =	ssyncset.done $0x0  }
0xa4: {  	s25 =	simm.s32 $0x1B8E;
	s24 =	sld [smem:$0x3FFE];
	[sflag:s23] =	ssyncadd.s32 $0xFFFFFFFF  }
0xa5: {  	s26 =	simm.s32 $execute0_lowered;
	[smem:$0x3FD2] =	sst s25  }
0xa6: {  	s4 =	sshll.u32 s26, $0x1;
	_ =	strace $0x80000058;
	[dreg:$0x1] =	wrdreg $0xFFFFFFFF  }
0xa7: {  	s28 =	simm.s32 $_size_execute0_lowered;
	s2 =	sadd.s32 s2, s4;
	[dreg:$0x0] =	wrdreg $0x0  }
0xa8: {  	s4 =	sshll.u32 s28, $0x1;
	[dreg:$0x2] =	wrdreg s2  }
0xa9: {  	[dreg:$0x3] =	wrdreg s4  }
0xaa: {  	[dreg:$0x4] =	wrdreg $0xC0  }
0xab: {  	_ =	task [dreg:s6], $0x5FFFF  }
0xac: {  	[dreg:$0x1] =	wrdreg $0xFFFFFFFF  }
0xad: {  	[dreg:$0x0] =	wrdreg $0x60  }
0xae: {  	[dreg:$0x2] =	wrdreg s24  }
0xaf: {  	[dreg:$0x3] =	wrdreg $0x9  }
0xb0: {  	_ =	task.clear_ibuf [dreg:s6], $0x4FFFF;
	_ =	strace $0x90000058  }
0xb1: {  	s29 =	simm.s32 $0x9;
	_ =	strace $0x8000005A  }
0xb2: {  	_ =	swait.ge [sflag:s29], $0x1  }
0xb3: {  	[sflag:s29] =	ssyncadd.s32 $0xFFFFFFFF  }
0xb4: {  	_ =	strace $0x9000005A  }
0xb5: {  	_ =	sfence  }
0xb6: {  	s30 =	sld [smem:$0x0];
	_ =	sdelay $0x2  }
0xb7: {  	s31 =	sshll.u32 s1, $0xD;
	s1 =	sshrl.u32 s1, $0x2  }
0xb8: {  	s3 =	sand.u32 $0x4000, s31;
	s1 =	sadd.s32 s1, s30  }
0xb9: {  	s0 =	sor.u32 s3, s0;
	s1 =	sshll.u32 s1, $0x11  }
0xba: {  	s0 =	sor.u32 s1, s0  }
0xbb: {  	s0 =	sadd.s32 $0x8F2B, s0  }
0xbc: {  	[sflag:s0] =	ssyncadd.remote.s32 $0x1  }
0xbd: {  	_ =	sfence.sel $0xFFFF  }
0xbe: {  	[dreg:$0x0] =	wrdreg $0xFFFFFFFF;
	(pc) =	sbr.abs _section_cstart, $3  }
0xbf: {  	[dreg:$0x1] =	wrdreg $0xFFFFFFFF  }
0xc0: {  	_ =	task.clear_ibuf [dreg:s6], $0x2FFFF;
	_ =	strace $0x9FFFFFFF  }
0xc1: {  	(tm) =	ssettm $0x7FFFFFFF  }
tec
execute0_lowered:
.L_overlay_start_1:
0x0: {  	(tag) =	ssettag $0x1  }
0x1: {  	s1 =	stileid.u32  }
0x2: {  	s4 =	rddreg [dreg:$0x0];
	s5 =	smul.u32 $0x1880, s1  }
0x3: {  	s3 =	srdreg.scid;
	s8 =	smul.u32 $0xFFFFFE78, s1  }
0x4: {  	s2 =	simm.s32 $0x0;
	s6 =	sand.u32 $0x1, s3;
	s26 =	smul.u32 $0x62000, s1  }
0x5: {  	[smem:$0x7FF] =	sst s2;
	s3 =	sadd.s32 $0x28FC00, s4;
	s7 =	smul.u32 $0xFFFFFF3C, s6  }
0x6: {  	s0 =	rddreg [dreg:$0x1];
	_ =	strace $0x80000059;
	s28 =	smul.u32 $0x31000, s6  }
0x7: {  	s10 =	ssub.s32 $0x2, s6;
	s6 =	smul.u32 $0xC40, s6;
	s9 =	sadd.s32 s5, s4  }
0x8: {  	s11 =	sshrl.u32 s10, $0x1;
	s12 =	sadd.s32 s26, s4;
	s7 =	sadd.s32 s8, s7  }
0x9: {  	s29 =	ssub.s32 s10, s11;
	s30 =	sadd.s32 s28, s12;
	s31 =	sadd.s32 s6, s9  }
0xa: {  	s8 =	simm.s32 $0x2;
	s9 =	simm.s32 $0x80;
	s10 =	simm.s32 $0x1  }
0xb: {  	s11 =	simm.s32 $0x0;
	s7 =	sadd.s32 $0x186A, s7;
	s5 =	smax.u32 s29, $0x1  }
0xc: {  	s6 =	sadd.s32 $0x2F3000, s30;
	s4 =	smin.u32 s7, $0xC4;
	s7 =	sadd.s32 $0x6C00, s31  }
.LBB2_1:
0xd: {  	[tilespmem:s2], [sflag:$0x2] =	stream.linear.gather [hbm4b:s7+s2], $0x80, $0x38;
	[tilespmem:$0x2080] =	vst v63  }
0xe: {  	_ =	swait.ge [sflag:s8], $0x80  }
0xf: {  	[sflag:s8] =	ssyncset.done $0x0  }
0x10: {  	[sflag:s8] =	ssyncadd.s32 $0xFFFFFF80  }
0x11: {  	[tilespmem:s9], [sflag:$0x1] =	stream.indirect.gather [hbm4b:s3+s9], $0x40, s2, s9, $0xb8;
	[tilespmem:$0x2080] =	vst v63  }
0x12: {  	p0 =	sne.s32 s4, $0x1;
	_ =	swait.ge [sflag:s10], $0x2000  }
.Ltmp0:
0x13: {  	[sflag:s10] =	ssyncset.done $0x0;
	(pc) =	sbr.rel @!p0 .LBB2_3-.Ltmp0, $4  }
0x14: {  	[sflag:s10] =	ssyncadd.s32 $0xFFFFE000  }
0x15: {  	[hbm4b:s6+s2] =	stream.linear.scatter [tilespmem:s9], [sflag:$0x2], $0x2000, $0x38;
	[tilespmem:$0x2080] =	vst v63  }
0x16: {  	s12 =	sadd.s32 $0xFFFFFFFF, s4;
	_ =	swait.ge [sflag:s8], $0x2000  }
0x17: {  	s13 =	smov.u32 s6;
	s14 =	smov.u32 s7;
	[sflag:s8] =	ssyncset.done $0x0  }
.LBB2_2:
0x18: {  	[sflag:s8] =	ssyncadd.s32 $0xFFFFE000;
	s13 =	sadd.s32 $0x400, s13;
	s14 =	sadd.s32 $0x10, s14  }
0x19: {  	[tilespmem:s2], [sflag:$0x2] =	stream.linear.gather [hbm4b:s14+s2], $0x80, $0x38;
	[tilespmem:$0x2080] =	vst v63  }
0x1a: {  	p0 =	sne.s32 s12, $0x1;
	s12 =	sadd.s32 $0xFFFFFFFF, s12;
	_ =	swait.ge [sflag:s8], $0x80  }
0x1b: {  	[sflag:s8] =	ssyncset.done $0x0  }
0x1c: {  	[sflag:s8] =	ssyncadd.s32 $0xFFFFFF80  }
0x1d: {  	[tilespmem:s9], [sflag:$0x1] =	stream.indirect.gather [hbm4b:s3+s9], $0x40, s2, s9, $0xb8;
	[tilespmem:$0x2080] =	vst v63  }
0x1e: {  	_ =	swait.ge [sflag:s10], $0x2000  }
.Ltmp1:
0x1f: {  	[sflag:s10] =	ssyncset.done $0x0;
	(pc) =	sbr.rel @p0 .LBB2_2-.Ltmp1, $4  }
0x20: {  	[sflag:s10] =	ssyncadd.s32 $0xFFFFE000  }
0x21: {  	[hbm4b:s13+s2] =	stream.linear.scatter [tilespmem:s9], [sflag:$0x2], $0x2000, $0x38;
	[tilespmem:$0x2080] =	vst v63  }
0x22: {  	_ =	swait.ge [sflag:s8], $0x2000  }
0x23: {  	[sflag:s8] =	ssyncset.done $0x0  }
.LBB2_3:
0x24: {  	s11 =	sadd.s32 $0x1, s11  }
0x25: {  	p0 =	sne.s32 s11, s5  }
.Ltmp2:
0x26: {  	_ = 	snop;
	(pc) =	sbr.rel @p0 .LBB2_1-.Ltmp2, $2  }
0x27: {  	_ =	sdelay $0x2  }
0x28: {  	[sflag:s8] =	ssyncadd.s32 $0xFFFFE000  }
0x29: {  	_ =	sfence.sel $0x180000  }
0x2a: {  	[bflag:$0x0] =	sbarrier.arrive $0xFFFF  }
0x2b: {  	p0 =	sne.s32 s1, $0x0;
	_ =	strace $0x90000059  }
0x2c: {  	s0 =	sadd.s32 @!p0 $0x100000, s0;
	[bflag:$0x2] =	sbarrier.arrive $0xFFFF  }
0x2d: {  	[sflag:s0] =	ssyncadd.tile.s32 @!p0 $0x1;
	_ =	shalt  }
.Lfunc_end2:
_tile_overlayer_lowered:
.L_overlay_start_2:
0x2e: {  	(tag) =	ssettag $0x2  }
0x2f: {  	s0 =	rddreg [dreg:$0x0];
	s2 =	stileid.u32  }
0x30: {  	s1 =	rddreg [dreg:$0x1];
	p0 =	sne.s32 s2, $0x0  }
0x31: {  	s3 =	rddreg [dreg:$0x2];
	[bflag:$0x3] =	sbarrier.arrive $0xFFFF;
	s2 =	simm.s32 @!p0 $0x1C02  }
0x32: {  	[timem:s3], [sflag:s2] =	dma.local @!p0 [hbm:s0], s1  }
0x33: {  	s0 =	simm.s32 @!p0 $0x2  }
0x34: {  	_ =	swait.ge @!p0 [sflag:s0], s1  }
0x35: {  	s1 =	ssub.s32 @!p0 $0x0, s1;
	[sflag:s0] =	ssyncset.done @!p0 $0x0  }
0x36: {  	[sflag:s0] =	ssyncadd.s32 @!p0 s1  }
0x37: {  	[bflag:$0x3] =	sbarrier.arrive $0xFFFF  }
0x38: {  	_ =	shalt  }

// kernel: kernel.39.cloned.1.call-start
scs
__scs_entry_jumppad:
0x0: {  	(pc) =	sbr.rel $0x88, $3  }
0x1: {  	(tag) =	ssettag $0x0;
	lr =	simm.s32 $0x1  }
0x2: {  	[smem:$0x3F91] =	sst lr;
	_ =	strace $0xD0000000  }
0x3: {  	_ = 	snop  }
0x4: {  	_ = 	snop  }
0x5: {  	_ = 	snop  }
0x6: {  	_ = 	snop  }
0x7: {  	_ = 	snop  }
__scs_overlays_trampoline_lowered:
0x8: {  	[smem:$0x3FA0] =	sst s0  }
0x9: {  	[smem:$0x3FA1] =	sst s1  }
0xa: {  	[smem:$0x3FA2] =	sst s2  }
0xb: {  	[smem:$0x3FA3] =	sst s3  }
0xc: {  	[smem:$0x3FA4] =	sst s4  }
0xd: {  	[smem:$0x3FA5] =	sst s5  }
0xe: {  	[smem:$0x3FA6] =	sst s6  }
0xf: {  	[smem:$0x3FA7] =	sst s7  }
0x10: {  	[smem:$0x3FA8] =	sst s8  }
0x11: {  	[smem:$0x3FA9] =	sst s9;
	s0 =	simm.s32 @!p0 $0x0  }
0x12: {  	s1 =	sld [smem:$0x3F8F];
	s0 =	simm.s32 @p0 $0x1  }
0x13: {  	[smem:$0x3FAA] =	sst s0;
	s0 =	simm.s32 @!p1 $0x0  }
0x14: {  	s2 =	sld [smem:$0x3F8E];
	s0 =	simm.s32 @p1 $0x1  }
0x15: {  	[smem:$0x3FAB] =	sst s0;
	s0 =	simm.s32 @!p2 $0x0  }
0x16: {  	s3 =	sld [smem:$0x3FDB];
	s0 =	simm.s32 @p2 $0x1  }
0x17: {  	s4 =	simm.s32 $0x1BF5;
	[smem:$0x3FAD] =	sst s0  }
0x18: {  	s0 =	sld [smem:$0x3F90];
	_ =	swait.ge [sflag:s4], $0x0  }
0x19: {  	s7 =	sld [smem:$0x3F91]  }
0x1a: {  	s8 =	sadd.s32 $0xFFFFE003, lr  }
0x1b: {  	s9 =	sadd.s32 $0xFFFFFEF7, lr;
	s5 =	simm.s32 $0xFFFFFFFF;
	p2 =	slt.u32 s8, $0xFFFFF086  }
0x1c: {  	p1 =	slt.u32 s9, $0xF7A;
	s5 =	simm.s32 @!p2 $0x0  }
0x1d: {  	s5 =	simm.s32 @p1 $0x1;
	p0 =	seq.s32 s7, s2  }
0x1e: {  	s7 =	smul.u32 @!p0 $0xF7A, s2;
	p2 =	seq.s32 @!p0 s5, $0x0  }
0x1f: {  	s9 =	smul.u32 $0xF7A, s1;
	s8 =	simm.s32 @!p0 $0x1BF5;
	p2 =	por !p2, p0  }
0x20: {  	[sflag:s8] =	ssyncset.s32 @!p0 $0xFFFFF086;
	s6 =	sadd.s32 @!p0 s3, s7;
	s7 =	simm.s32 @!p0 $0x108  }
0x21: {  	s3 =	sadd.s32 s3, s9;
	s6 =	sadd.s32 @!p0 $0x88, s6;
	s7 =	simm.s32 @p2 $0x1082  }
0x22: {  	[simem:s7], [sflag:s8] =	dma.local @!p0 [hbm:s6], $0xF7A  }
0x23: {  	s9 =	sor.u32 $0xD0000000, s2;
	s6 =	simm.s32 $0x108;
	_ =	swait.ge @!p0 [sflag:s8], $0x0  }
0x24: {  	s3 =	sadd.s32 $0x88, s3;
	s6 =	simm.s32 @!p1 $0x1082;
	[sflag:s4] =	ssyncset.s32 $0xFFFFF086  }
0x25: {  	[simem:s6], [sflag:s4] =	dma.local [hbm:s3], $0xF7A  }
0x26: {  	[smem:$0x3F91] =	sst s1;
	(tag) =	ssettag s2;
	_ =	strace s9  }
0x27: {  	s1 =	sld [smem:$0x3FA1]  }
0x28: {  	s2 =	sld [smem:$0x3FA2]  }
0x29: {  	s4 =	sld [smem:$0x3FA4]  }
0x2a: {  	p0 =	seq.s32 s5, $0x0;
	s5 =	sld [smem:$0x3FA5]  }
0x2b: {  	s6 =	sld [smem:$0x3FA6]  }
0x2c: {  	s7 =	sld [smem:$0x3FA7]  }
0x2d: {  	s3 =	simm.s32 $0x108;
	s8 =	sld [smem:$0x3FA8]  }
0x2e: {  	s3 =	simm.s32 @!p0 $0x1082;
	s9 =	sld [smem:$0x3FA9]  }
0x2f: {  	lr =	sadd.s32 s0, s3;
	s0 =	sld [smem:$0x3FA0]  }
0x30: {  	s3 =	sld [smem:$0x3FA3]  }
0x31: {  	[smem:$0x3FAC] =	sst s10  }
0x32: {  	s10 =	sld [smem:$0x3FAA];
	_ =	sdelay $0x3  }
0x33: {  	p0 =	seq.s32 s10, $0x1;
	s10 =	sld [smem:$0x3FAC];
	_ =	sdelay $0x3  }
0x34: {  	[smem:$0x3FAC] =	sst s10  }
0x35: {  	s10 =	sld [smem:$0x3FAB];
	_ =	sdelay $0x3  }
0x36: {  	p1 =	seq.s32 s10, $0x1;
	s10 =	sld [smem:$0x3FAC];
	_ =	sdelay $0x3  }
0x37: {  	[smem:$0x3FAC] =	sst s10  }
0x38: {  	s10 =	sld [smem:$0x3FAD]  }
0x39: {  	_ = 	snop;
	(pc) =	sbr.ind lr, $3  }
0x3a: {  	_ = 	snop  }
0x3b: {  	_ = 	snop  }
0x3c: {  	p2 =	seq.s32 s10, $0x1;
	s10 =	sld [smem:$0x3FAC]  }
0x3d: {  	_ =	shalt  }
0x3e: {  	_ =	shalt  }
0x3f: {  	_ =	shalt  }
0x40: {  	_ =	shalt  }
0x41: {  	_ =	shalt  }
0x42: {  	_ =	shalt  }
0x43: {  	_ =	shalt  }
0x44: {  	_ =	shalt  }
0x45: {  	_ =	shalt  }
0x46: {  	_ =	shalt  }
0x47: {  	_ =	shalt  }
0x48: {  	_ =	shalt  }
0x49: {  	_ =	shalt  }
0x4a: {  	_ =	shalt  }
0x4b: {  	_ =	shalt  }
0x4c: {  	_ =	shalt  }
0x4d: {  	_ =	shalt  }
0x4e: {  	_ =	shalt  }
0x4f: {  	_ =	shalt  }
0x50: {  	_ =	shalt  }
0x51: {  	_ =	shalt  }
0x52: {  	_ =	shalt  }
0x53: {  	_ =	shalt  }
0x54: {  	_ =	shalt  }
0x55: {  	_ =	shalt  }
0x56: {  	_ =	shalt  }
0x57: {  	_ =	shalt  }
0x58: {  	_ =	shalt  }
0x59: {  	_ =	shalt  }
0x5a: {  	_ =	shalt  }
0x5b: {  	_ =	shalt  }
0x5c: {  	_ =	shalt  }
0x5d: {  	_ =	shalt  }
0x5e: {  	_ =	shalt  }
0x5f: {  	_ =	shalt  }
0x60: {  	_ =	shalt  }
0x61: {  	_ =	shalt  }
0x62: {  	_ =	shalt  }
0x63: {  	_ =	shalt  }
0x64: {  	_ =	shalt  }
0x65: {  	_ =	shalt  }
0x66: {  	_ =	shalt  }
0x67: {  	_ =	shalt  }
0x68: {  	_ =	shalt  }
0x69: {  	_ =	shalt  }
0x6a: {  	_ =	shalt  }
0x6b: {  	_ =	shalt  }
0x6c: {  	_ =	shalt  }
0x6d: {  	_ =	shalt  }
0x6e: {  	_ =	shalt  }
0x6f: {  	_ =	shalt  }
0x70: {  	_ =	shalt  }
0x71: {  	_ =	shalt  }
0x72: {  	_ =	shalt  }
0x73: {  	_ =	shalt  }
0x74: {  	_ =	shalt  }
0x75: {  	_ =	shalt  }
0x76: {  	_ =	shalt  }
0x77: {  	_ =	shalt  }
0x78: {  	_ =	shalt  }
0x79: {  	_ =	shalt  }
0x7a: {  	_ =	shalt  }
0x7b: {  	_ =	shalt  }
0x7c: {  	_ =	shalt  }
0x7d: {  	_ =	shalt  }
0x7e: {  	_ =	shalt  }
0x7f: {  	_ =	shalt  }
0x80: {  	_ =	shalt  }
0x81: {  	_ =	shalt  }
0x82: {  	_ =	shalt  }
0x83: {  	_ =	shalt  }
0x84: {  	_ =	shalt  }
0x85: {  	_ =	shalt  }
0x86: {  	_ =	shalt  }
0x87: {  	_ =	shalt  }
.Lfunc_end0:
.L_simem_size_0:
called_computation.7_lowered:
.L_overlay_start_0:
0x88: {  	s2 =	sld [smem:$0x3FD9]  }
0x89: {  	s3 =	sld [smem:$0x3FFE];
	_ =	sdelay $0x1  }
0x8a: {  	s1 =	srdreg.scid  }
0x8b: {  	s0 =	sand.u32 $0x1, s1  }
0x8c: {  	s16 =	sshll.u32 s0, $0xA;
	s2 =	sadd.s32 s3, s2  }
0x8d: {  	s2 =	sadd.s32 s2, s16  }
0x8e: {  	[smem:$0x3FB8] =	sst s2  }
0x8f: {  	_ = 	snop  }
0x90: {  	(tm) =	ssettm $0x1  }
0x91: {  	s17 =	sld [smem:$0x3FFB];
	_ =	sdelay $0x3  }
0x92: {  	_ =	strace s17  }
0x93: {  	s2 =	sld [smem:$0x3FFC];
	_ =	sdelay $0x3  }
0x94: {  	_ =	strace s2  }
0x95: {  	s2 =	sld [smem:$0x3FFD];
	_ =	sdelay $0x3  }
0x96: {  	_ =	strace s2  }
0x97: {  	_ =	strace $0x8FFFFFFF  }
0x98: {  	s18 =	sld [smem:$0x3FDB];
	_ =	sdelay $0x1  }
0x99: {  	s19 =	simm.s32 $_scs_section_size  }
0x9a: {  	s4 =	simm.s32 $_size__tile_overlayer_lowered;
	s5 =	simm.s32 $_tile_overlayer_lowered  }
0x9b: {  	s22 =	simm.s32 $0x1BFF;
	s21 =	sshll.u32 s5, $0x1;
	s2 =	sadd.s32 s19, s18  }
0x9c: {  	s6 =	simm.s32 $0x0;
	s20 =	sshll.u32 s4, $0x1;
	s4 =	sadd.s32 s21, s2  }
0x9d: {  	[timem:s6], [sflag:s22] =	dma.local [hbm:s4], s20  }
0x9e: {  	_ =	swait.ge [sflag:s22], s20  }
0x9f: {  	s3 =	ssub.s32 $0x0, s20;
	[sflag:s22] =	ssyncset.done $0x0  }
0xa0: {  	[sflag:s22] =	ssyncadd.s32 s3;
	_ =	sdelay $0x1  }
0xa1: {  	s23 =	simm.s32 $0x1B8B  }
0xa2: {  	_ =	swait.ge [sflag:s23], $0x1  }
0xa3: {  	[sflag:s23] =	ssyncset.done $0x0  }
0xa4: {  	s25 =	simm.s32 $0x1B8E;
	s24 =	sld [smem:$0x3FFE];
	[sflag:s23] =	ssyncadd.s32 $0xFFFFFFFF  }
0xa5: {  	s26 =	simm.s32 $execute0_lowered;
	[smem:$0x3FD2] =	sst s25  }
0xa6: {  	s4 =	sshll.u32 s26, $0x1;
	_ =	strace $0x8000005B;
	[dreg:$0x1] =	wrdreg $0xFFFFFFFF  }
0xa7: {  	s28 =	simm.s32 $_size_execute0_lowered;
	s2 =	sadd.s32 s2, s4;
	[dreg:$0x0] =	wrdreg $0x0  }
0xa8: {  	s4 =	sshll.u32 s28, $0x1;
	[dreg:$0x2] =	wrdreg s2  }
0xa9: {  	[dreg:$0x3] =	wrdreg s4  }
0xaa: {  	[dreg:$0x4] =	wrdreg $0xC0  }
0xab: {  	_ =	task [dreg:s6], $0x5FFFF  }
0xac: {  	[dreg:$0x1] =	wrdreg $0xFFFFFFFF  }
0xad: {  	[dreg:$0x0] =	wrdreg $0x60  }
0xae: {  	[dreg:$0x2] =	wrdreg s24  }
0xaf: {  	[dreg:$0x3] =	wrdreg $0x17000  }
0xb0: {  	[dreg:$0x4] =	wrdreg $0x9  }
0xb1: {  	_ =	task.clear_ibuf [dreg:s6], $0x5FFFF;
	_ =	strace $0x9000005B  }
0xb2: {  	s29 =	simm.s32 $0x9;
	_ =	strace $0x8000005D  }
0xb3: {  	_ =	swait.ge [sflag:s29], $0x1  }
0xb4: {  	[sflag:s29] =	ssyncadd.s32 $0xFFFFFFFF  }
0xb5: {  	_ =	strace $0x9000005D  }
0xb6: {  	_ =	sfence  }
0xb7: {  	s30 =	sld [smem:$0x0];
	_ =	sdelay $0x2  }
0xb8: {  	s31 =	sshll.u32 s1, $0xD;
	s1 =	sshrl.u32 s1, $0x2  }
0xb9: {  	s3 =	sand.u32 $0x4000, s31;
	s1 =	sadd.s32 s1, s30  }
0xba: {  	s0 =	sor.u32 s3, s0;
	s1 =	sshll.u32 s1, $0x11  }
0xbb: {  	s0 =	sor.u32 s1, s0  }
0xbc: {  	s0 =	sadd.s32 $0x8F2B, s0  }
0xbd: {  	[sflag:s0] =	ssyncadd.remote.s32 $0x1  }
0xbe: {  	_ =	sfence.sel $0xFFFF  }
0xbf: {  	[dreg:$0x0] =	wrdreg $0xFFFFFFFF;
	(pc) =	sbr.abs _section_cstart, $3  }
0xc0: {  	[dreg:$0x1] =	wrdreg $0xFFFFFFFF  }
0xc1: {  	_ =	task.clear_ibuf [dreg:s6], $0x2FFFF;
	_ =	strace $0x9FFFFFFF  }
0xc2: {  	(tm) =	ssettm $0x7FFFFFFF  }
0xc3: {  	_ =	shalt  }
tec
execute0_lowered:
.L_overlay_start_1:
0x0: {  	(tag) =	ssettag $0x1  }
0x1: {  	s5 =	rddreg [dreg:$0x0];
	s1 =	stileid.u32  }
0x2: {  	s2 =	rddreg [dreg:$0x1];
	s4 =	smul.u32 $0x18700, s1  }
0x3: {  	s0 =	rddreg [dreg:$0x2];
	s3 =	simm.s32 $0x0;
	s6 =	smul.u32 $0x1870, s1  }
0x4: {  	s28 =	srdreg.scid;
	s20 =	simm.s32 $0x100;
	s7 =	smul.u32 $0x18800, s1  }
0x5: {  	s21 =	simm.s32 $0x80;
	s25 =	simm.s32 $0x0;
	s12 =	smul.u32 $0x620, s1  }
0x6: {  	[smem:$0x7FF] =	sst s3;
	s9 =	sand.u32 $0x1, s28;
	s14 =	smul.u32 $0x187, s1  }
0x7: {  	s13 =	sadd.s32 $0x6C00, s5;
	p0 =	seq.s32 s1, $0xF;
	s23 =	smul.u32 $0x61A8, s9  }
0x8: {  	_ =	strace $0x8000005C;
	s18 =	smul.u32 $0x61A80, s9;
	s24 =	sshll.u32 @!p0 s1, $0x6  }
0x9: {  	s16 =	sadd.s32 s4, s5;
	s17 =	sadd.s32 s6, s5;
	s4 =	sadd.s32 $0x2F2400, s5  }
0xa: {  	s6 =	ssub.s32 $0x2, s9;
	s29 =	sshrl.u32 s7, $0x2;
	s14 =	ssub.s32 $0x186A, s14  }
0xb: {  	s30 =	sshrl.u32 s6, $0x1;
	s5 =	sadd.s32 s29, s2;
	s19 =	sadd.s32 s12, s23  }
0xc: {  	s18 =	sshrl.u32 s18, $0x3;
	s12 =	smin.u32 s14, $0x187;
	s16 =	sadd.s32 $0x2F3000, s16  }
0xd: {  	s17 =	sadd.s32 $0x1F400, s17;
	v0 =	vmov s23;
	s23 =	sor.u32 @!p0 $0x1C01, s24;
	s15 =	ssub.s32 s6, s30  }
0xe: {  	s6 =	sadd.s32 $0xE00, s5;
	s7 =	sadd.s32 $0x1C00, s5;
	s8 =	sadd.s32 $0x2A00, s5  }
0xf: {  	s9 =	sadd.s32 $0x3800, s5;
	s10 =	sadd.s32 $0x4600, s5;
	s11 =	sadd.s32 $0x5400, s5  }
0x10: {  	s31 =	sshll.u32 s19, $0x1;
	s18 =	sadd.s32 s13, s18;
	s19 =	simm.s32 $0x1  }
0x11: {  	s22 =	sshrl.u32 @p0 s5, $0x3;
	s24 =	sshrl.u32 @!p0 s5, $0x3;
	s13 =	sadd.s32 s13, s31  }
0x12: {  	s14 =	sadd.s32 $0xB7C0, s18;
	s15 =	smax.u32 s15, $0x1;
	s18 =	simm.s32 $0x900  }
.LBB2_1:
0x13: {  	[tilespmem:s18], [sflag:$0x1] =	stream.linear.gather [hbm4b:s4+s3], $0xE00, $0x38;
	[tilespmem:$0x7900] =	vst v63  }
0x14: {  	_ =	swait.ge [sflag:s19], $0xE00  }
0x15: {  	[sflag:s19] =	ssyncset.done $0x0  }
0x16: {  	[sflag:s19] =	ssyncadd.s32 $0xFFFFF200  }
0x17: {  	[spmem:s5] =	stream.linear.scatter [tilespmem:s18], [sflag:$0x1], $0xE00, $0x38;
	[tilespmem:$0x7900] =	vst v63  }
0x18: {  	_ =	swait.ge [sflag:s19], $0xE00  }
0x19: {  	[sflag:s19] =	ssyncset.done $0x0  }
0x1a: {  	[sflag:s19] =	ssyncadd.s32 $0xFFFFF200  }
0x1b: {  	[spmem:s6] =	stream.linear.scatter [tilespmem:s18], [sflag:$0x1], $0xE00, $0x38;
	[tilespmem:$0x7900] =	vst v63  }
0x1c: {  	_ =	swait.ge [sflag:s19], $0xE00  }
0x1d: {  	[sflag:s19] =	ssyncset.done $0x0  }
0x1e: {  	[sflag:s19] =	ssyncadd.s32 $0xFFFFF200  }
0x1f: {  	[spmem:s7] =	stream.linear.scatter [tilespmem:s18], [sflag:$0x1], $0xE00, $0x38;
	[tilespmem:$0x7900] =	vst v63  }
0x20: {  	_ =	swait.ge [sflag:s19], $0xE00  }
0x21: {  	[sflag:s19] =	ssyncset.done $0x0  }
0x22: {  	[sflag:s19] =	ssyncadd.s32 $0xFFFFF200  }
0x23: {  	[spmem:s8] =	stream.linear.scatter [tilespmem:s18], [sflag:$0x1], $0xE00, $0x38;
	[tilespmem:$0x7900] =	vst v63  }
0x24: {  	_ =	swait.ge [sflag:s19], $0xE00  }
0x25: {  	[sflag:s19] =	ssyncset.done $0x0  }
0x26: {  	[sflag:s19] =	ssyncadd.s32 $0xFFFFF200  }
0x27: {  	[spmem:s9] =	stream.linear.scatter [tilespmem:s18], [sflag:$0x1], $0xE00, $0x38;
	[tilespmem:$0x7900] =	vst v63  }
0x28: {  	_ =	swait.ge [sflag:s19], $0xE00  }
0x29: {  	[sflag:s19] =	ssyncset.done $0x0  }
0x2a: {  	[sflag:s19] =	ssyncadd.s32 $0xFFFFF200  }
0x2b: {  	[spmem:s10] =	stream.linear.scatter [tilespmem:s18], [sflag:$0x1], $0xE00, $0x38;
	[tilespmem:$0x7900] =	vst v63  }
0x2c: {  	_ =	swait.ge [sflag:s19], $0xE00  }
0x2d: {  	[sflag:s19] =	ssyncset.done $0x0  }
0x2e: {  	p2 =	sne.s32 s12, $0x1;
	[sflag:s19] =	ssyncadd.s32 $0xFFFFF200  }
0x2f: {  	[spmem:s11] =	stream.linear.scatter [tilespmem:s18], [sflag:$0x1], $0xE00, $0x38;
	[tilespmem:$0x7900] =	vst v63  }
.Ltmp0:
0x30: {  	_ =	swait.ge [sflag:s19], $0xE00;
	(pc) =	sbr.rel @!p2 .LBB2_4-.Ltmp0, $4  }
0x31: {  	[sflag:s19] =	ssyncset.done $0x0  }
0x32: {  	[sflag:s19] =	ssyncadd.s32 $0xFFFFF200  }
0x33: {  	s29 =	sadd.s32 $0xFFFFFFFF, s12;
	[bflag:$0x0] =	sbarrier.arrive $0xFFFF  }
0x34: {  	p1 =	por $0x0, $0x0;
	s28 =	smov.u32 s17;
	s26 =	smov.u32 s16  }
0x35: {  	[tilespmem:s3], [sflag:$0x1] =	stream.linear.gather [hbm4b:s17+s3], $0x80, $0x38;
	[tilespmem:$0x7900] =	vst v63  }
0x36: {  	_ =	swait.ge [sflag:s19], $0x80  }
0x37: {  	[sflag:s19] =	ssyncset.done $0x0  }
0x38: {  	[sflag:s19] =	ssyncadd.s32 $0xFFFFFF80  }
0x39: {  	[tilespmem:s20], [sflag:$0x1] =	stream.linear.gather [hbm4b:s16+s3], $0x800, $0x38;
	[tilespmem:$0x7900] =	vst v63  }
0x3a: {  	_ =	swait.ge [sflag:s19], $0x800  }
0x3b: {  	[sflag:s19] =	ssyncset.done $0x0  }
0x3c: {  	[sflag:s19] =	ssyncadd.s32 $0xFFFFF800  }
0x3d: {  	v1 =	vld [tilespmem:$0x20]  }
0x3e: {  	v2 =	vld [tilespmem:$0x30]  }
0x3f: {  	v3 =	vld [tilespmem:$0x50]  }
0x40: {  	v4 =	vld [tilespmem:$0x10]  }
0x41: {  	v5 =	vld [tilespmem:$0x40]  }
0x42: {  	v6 =	vld [tilespmem:$0x0];
	v1 =	vsub.s32 v1, v0  }
0x43: {  	v7 =	vld [tilespmem:$0x60];
	v2 =	vsub.s32 v2, v0;
	v1 =	vmin.u32 v1, $0x61A8  }
0x44: {  	p2 =	sne.s32 s29, $0x1;
	[tilespmem:$0xA0] =	vst v1;
	v1 =	vmin.u32 v2, $0x61A8;
	v2 =	vsub.s32 v3, v0;
	v3 =	vld [tilespmem:$0x70]  }
.Ltmp1:
0x45: {  	v4 =	vsub.s32 v4, v0;
	[tilespmem:$0xB0] =	vst v1;
	v1 =	vmin.u32 v2, $0x61A8;
	(pc) =	sbr.rel @!p2 .LBB2_4-.Ltmp1, $4  }
0x46: {  	v63 =	vsub.s32 v5, v0;
	v2 =	vmin.u32 v4, $0x61A8;
	[tilespmem:$0xD0] =	vst v1  }
0x47: {  	v1 =	vsub.s32 v6, v0;
	[tilespmem:$0x90] =	vst v2;
	v2 =	vmin.u32 v63, $0x61A8  }
0x48: {  	s26 =	sadd.s32 $0x100, s16;
	s28 =	sadd.s32 $0x10, s17;
	s29 =	sadd.s32 $0xFFFFFFFF, s29;
	v1 =	vmin.u32 v1, $0x61A8;
	[tilespmem:$0xC0] =	vst v2;
	v2 =	vsub.s32 v7, v0  }
0x49: {  	p1 =	por $0x1, $0x1;
	s30 =	smov.u32 s26;
	s31 =	smov.u32 s28;
	[tilespmem:$0x80] =	vst v1;
	v1 =	vmin.u32 v2, $0x61A8;
	v2 =	vsub.s32 v3, v0  }
.LBB2_3:
0x4a: {  	p2 =	sne.s32 s29, $0x1;
	s30 =	sadd.s32 $0x100, s30;
	s31 =	sadd.s32 $0x10, s31;
	[tilespmem:$0xE0] =	vst v1;
	v1 =	vmin.u32 v2, $0x61A8  }
0x4b: {  	s29 =	sadd.s32 $0xFFFFFFFF, s29;
	[tilespmem:$0xF0] =	vst v1  }
0x4c: {  	[spmem:s2] =	stream.indirect.scatter.add.f32 [tilespmem:s20], [sflag:$0x1], $0x10, s21, s21, $0xb8;
	[tilespmem:$0x7900] =	vst v63  }
0x4d: {  	_ =	swait.ge [sflag:s19], $0x800  }
0x4e: {  	[sflag:s19] =	ssyncset.done $0x0  }
0x4f: {  	[sflag:s19] =	ssyncadd.s32 $0xFFFFF800  }
0x50: {  	[tilespmem:s3], [sflag:$0x1] =	stream.linear.gather [hbm4b:s28+s3], $0x80, $0x38;
	[tilespmem:$0x7900] =	vst v63  }
0x51: {  	s28 =	smov.u32 s31;
	_ =	swait.ge [sflag:s19], $0x80  }
0x52: {  	[sflag:s19] =	ssyncset.done $0x0  }
0x53: {  	[sflag:s19] =	ssyncadd.s32 $0xFFFFFF80  }
0x54: {  	[tilespmem:s20], [sflag:$0x1] =	stream.linear.gather [hbm4b:s26+s3], $0x800, $0x38;
	[tilespmem:$0x7900] =	vst v63  }
0x55: {  	s26 =	smov.u32 s30;
	_ =	swait.ge [sflag:s19], $0x800  }
0x56: {  	[sflag:s19] =	ssyncset.done $0x0  }
0x57: {  	[sflag:s19] =	ssyncadd.s32 $0xFFFFF800  }
0x58: {  	v1 =	vld [tilespmem:$0x20]  }
0x59: {  	v2 =	vld [tilespmem:$0x30]  }
0x5a: {  	v3 =	vld [tilespmem:$0x50]  }
0x5b: {  	v4 =	vld [tilespmem:$0x10]  }
0x5c: {  	v5 =	vld [tilespmem:$0x40]  }
0x5d: {  	v6 =	vld [tilespmem:$0x0];
	v1 =	vsub.s32 v1, v0  }
0x5e: {  	v1 =	vmin.u32 v1, $0x61A8;
	v2 =	vsub.s32 v2, v0;
	v7 =	vld [tilespmem:$0x60]  }
0x5f: {  	[tilespmem:$0xA0] =	vst v1;
	v1 =	vmin.u32 v2, $0x61A8;
	v2 =	vsub.s32 v3, v0;
	v3 =	vld [tilespmem:$0x70]  }
.Ltmp2:
0x60: {  	v4 =	vsub.s32 v4, v0;
	[tilespmem:$0xB0] =	vst v1;
	v1 =	vmin.u32 v2, $0x61A8;
	(pc) =	sbr.rel @p2 .LBB2_3-.Ltmp2, $4  }
0x61: {  	v2 =	vmin.u32 v4, $0x61A8;
	v4 =	vsub.s32 v5, v0;
	[tilespmem:$0xD0] =	vst v1  }
0x62: {  	v1 =	vsub.s32 v6, v0;
	[tilespmem:$0x90] =	vst v2;
	v2 =	vmin.u32 v4, $0x61A8  }
0x63: {  	v1 =	vmin.u32 v1, $0x61A8;
	[tilespmem:$0xC0] =	vst v2;
	v2 =	vsub.s32 v7, v0  }
0x64: {  	[tilespmem:$0x80] =	vst v1;
	v1 =	vmin.u32 v2, $0x61A8;
	v2 =	vsub.s32 v3, v0  }
.LBB2_4:
0x65: {  	[tilespmem:$0xE0] =	vst @p1 v1;
	v1 =	vmin.u32 @p1 v2, $0x61A8  }
0x66: {  	[tilespmem:$0xF0] =	vst @p1 v1  }
0x67: {  	[spmem:s2] =	stream.indirect.scatter.add.f32 @p1 [tilespmem:s20], [sflag:$0x1], $0x10, s21, s21, $0xb8;
	[tilespmem:$0x7900] =	vst v63  }
0x68: {  	_ =	swait.ge @p1 [sflag:s19], $0x800  }
0x69: {  	[sflag:s19] =	ssyncset.done @p1 $0x0  }
0x6a: {  	[sflag:s19] =	ssyncadd.s32 @p1 $0xFFFFF800  }
0x6b: {  	[tilespmem:s3], [sflag:$0x1] =	stream.linear.gather [hbm4b:s28+s3], $0x80, $0x38;
	[tilespmem:$0x7900] =	vst v63  }
0x6c: {  	_ =	swait.ge [sflag:s19], $0x80  }
0x6d: {  	[sflag:s19] =	ssyncset.done $0x0  }
0x6e: {  	[sflag:s19] =	ssyncadd.s32 $0xFFFFFF80  }
0x6f: {  	[tilespmem:s20], [sflag:$0x1] =	stream.linear.gather [hbm4b:s26+s3], $0x800, $0x38;
	[tilespmem:$0x7900] =	vst v63  }
0x70: {  	_ =	swait.ge [sflag:s19], $0x800  }
0x71: {  	[sflag:s19] =	ssyncset.done $0x0  }
0x72: {  	[sflag:s19] =	ssyncadd.s32 $0xFFFFF800  }
0x73: {  	v1 =	vld [tilespmem:$0x20]  }
0x74: {  	v2 =	vld [tilespmem:$0x30]  }
0x75: {  	v3 =	vld [tilespmem:$0x50]  }
0x76: {  	v4 =	vld [tilespmem:$0x10]  }
0x77: {  	v5 =	vld [tilespmem:$0x40]  }
0x78: {  	v6 =	vld [tilespmem:$0x0];
	v1 =	vsub.s32 v1, v0  }
0x79: {  	v7 =	vld [tilespmem:$0x60];
	v2 =	vsub.s32 v2, v0;
	v1 =	vmin.u32 v1, $0x61A8  }
0x7a: {  	[tilespmem:$0xA0] =	vst v1;
	v1 =	vmin.u32 v2, $0x61A8;
	v2 =	vsub.s32 v3, v0;
	v3 =	vld [tilespmem:$0x70]  }
0x7b: {  	v4 =	vsub.s32 v4, v0;
	[tilespmem:$0xB0] =	vst v1;
	v1 =	vmin.u32 v2, $0x61A8  }
0x7c: {  	v63 =	vsub.s32 v5, v0;
	v2 =	vmin.u32 v4, $0x61A8;
	[tilespmem:$0xD0] =	vst v1  }
0x7d: {  	v1 =	vsub.s32 v6, v0;
	[tilespmem:$0x90] =	vst v2;
	v2 =	vmin.u32 v63, $0x61A8  }
0x7e: {  	v1 =	vmin.u32 v1, $0x61A8;
	[tilespmem:$0xC0] =	vst v2;
	v2 =	vsub.s32 v7, v0  }
0x7f: {  	[tilespmem:$0x80] =	vst v1;
	v1 =	vmin.u32 v2, $0x61A8;
	v2 =	vsub.s32 v3, v0  }
0x80: {  	[tilespmem:$0xE0] =	vst v1;
	v1 =	vmin.u32 v2, $0x61A8  }
0x81: {  	[tilespmem:$0xF0] =	vst v1  }
0x82: {  	[spmem:s2] =	stream.indirect.scatter.add.f32 [tilespmem:s20], [sflag:$0x1], $0x10, s21, s21, $0xb8;
	[tilespmem:$0x7900] =	vst v63  }
0x83: {  	_ =	swait.ge [sflag:s19], $0x800  }
0x84: {  	[sflag:s19] =	ssyncset.done $0x0  }
0x85: {  	[sflag:s19] =	ssyncadd.s32 $0xFFFFF800  }
0x86: {  	s26 =	simm.s32 @p0 $0x1FC1;
	[bflag:$0x0] =	sbarrier.arrive $0xFFFF  }
0x87: {  	[hbm:s14], [sflag:s26] =	dma.local @p0 [spmem:s22], $0xB90  }
0x88: {  	s26 =	simm.s32 @p0 $0x1  }
0x89: {  	s25 =	sadd.s32 $0x1, s25;
	_ =	swait.ge @p0 [sflag:s26], $0xB90  }
0x8a: {  	p1 =	sne.s32 s25, s15;
	[sflag:s26] =	ssyncset.done @p0 $0x0  }
.Ltmp3:
0x8b: {  	[sflag:s26] =	ssyncadd.s32 @p0 $0xFFFFF470;
	s26 =	simm.s32 @!p0 $0x1;
	(pc) =	sbr.rel @p1 .LBB2_1-.Ltmp3, $4  }
0x8c: {  	[hbm:s13], [sflag:s23] =	dma.local @!p0 [spmem:s24], $0xC40  }
0x8d: {  	_ =	swait.ge @!p0 [sflag:s26], $0xC40  }
0x8e: {  	[sflag:s26] =	ssyncset.done @!p0 $0x0  }
0x8f: {  	[sflag:s26] =	ssyncadd.s32 @!p0 $0xFFFFF3C0  }
0x90: {  	_ =	sfence.sel $0x180000  }
0x91: {  	[bflag:$0x0] =	sbarrier.arrive $0xFFFF  }
0x92: {  	p0 =	sne.s32 s1, $0x0;
	_ =	strace $0x9000005C  }
0x93: {  	s0 =	sadd.s32 @!p0 $0x100000, s0;
	[bflag:$0x2] =	sbarrier.arrive $0xFFFF  }
0x94: {  	[sflag:s0] =	ssyncadd.tile.s32 @!p0 $0x1;
	_ =	shalt  }
.Lfunc_end2:
_tile_overlayer_lowered:
.L_overlay_start_2:
0x95: {  	(tag) =	ssettag $0x2  }
0x96: {  	s0 =	rddreg [dreg:$0x0];
	s2 =	stileid.u32  }
0x97: {  	s1 =	rddreg [dreg:$0x1];
	p0 =	sne.s32 s2, $0x0  }
0x98: {  	s3 =	rddreg [dreg:$0x2];
	[bflag:$0x3] =	sbarrier.arrive $0xFFFF;
	s2 =	simm.s32 @!p0 $0x1C01  }
0x99: {  	[timem:s3], [sflag:s2] =	dma.local @!p0 [hbm:s0], s1  }
0x9a: {  	s0 =	simm.s32 @!p0 $0x1  }
0x9b: {  	_ =	swait.ge @!p0 [sflag:s0], s1  }
0x9c: {  	s1 =	ssub.s32 @!p0 $0x0, s1;
	[sflag:s0] =	ssyncset.done @!p0 $0x0  }
0x9d: {  	[sflag:s0] =	ssyncadd.s32 @!p0 s1  }
0x9e: {  	[bflag:$0x3] =	sbarrier.arrive $0xFFFF  }
0x9f: {  	_ =	shalt  }

</sc_bundles>
